<compile_context>
chip_gen: v7x
topology: tpu7x:2x2x1
jax: 0.10.2.dev20260603
libtpu: 0.0.44.dev20260713+nightly
codegen_flags: <defaults>
</compile_context>

<pallas_src>
import functools

import numpy as np
import jax
import jax.numpy as jnp
from jax import lax
from jax.experimental import pallas as pl
from jax.experimental.pallas import tpu as pltpu
from jax.experimental.pallas import tpu_sc as plsc

_B = 8
_N = 4096
_S = 1024
_K = 32
_DPAD = 144
_EPS = 1e-5
_R2 = np.float32(0.4 ** 2)
_M = _B * _S * _K
_INV_M = np.float32(1.0 / _M)

_BLK = 4096
_RQ = _BLK // _K
_NW = 32
_RPW = _B * _S // _NW
_CPB = _N // 16



def _tree(x, op2, fin):
    n = x.shape[1]
    while n > 128:
        h = n // 2
        x = op2(x[:, :h], x[:, h:])
        n = h
    return fin(x, axis=1, keepdims=True)


def _fps_body(x_ref, y_ref, z_ref, ox_ref, oy_ref, oz_ref):
    X = x_ref[...]
    Y = y_ref[...]
    Z = z_ref[...]
    iota = lax.broadcasted_iota(jnp.int32, (_B, _N), 1)

    def argmax_coords(dist):
        v, ix, cx, cy, cz = dist, iota, X, Y, Z
        n = _N
        while n > 128:
            h = n // 2
            va, vb = v[:, :h], v[:, h:]
            ia, ib = ix[:, :h], ix[:, h:]
            ta = (va > vb) | ((va == vb) & (ia < ib))
            v = jnp.where(ta, va, vb)
            ix = jnp.where(ta, ia, ib)
            cx = jnp.where(ta, cx[:, :h], cx[:, h:])
            cy = jnp.where(ta, cy[:, :h], cy[:, h:])
            cz = jnp.where(ta, cz[:, :h], cz[:, h:])
            n = h
        m = jnp.max(v, axis=1, keepdims=True)
        far = jnp.min(jnp.where(v == m, ix, _N), axis=1, keepdims=True)
        win = (v == m) & (ix == far)
        zero = jnp.zeros((_B, 128), jnp.float32)
        wx = jnp.sum(jnp.where(win, cx, zero), axis=1, keepdims=True)
        wy = jnp.sum(jnp.where(win, cy, zero), axis=1, keepdims=True)
        wz = jnp.sum(jnp.where(win, cz, zero), axis=1, keepdims=True)
        return wx, wy, wz

    def body(i, carry):
        dist, cx, cy, cz = carry
        ox_ref[pl.ds(i, 1)] = cx[None]
        oy_ref[pl.ds(i, 1)] = cy[None]
        oz_ref[pl.ds(i, 1)] = cz[None]
        dx = X - cx
        dy = Y - cy
        dz = Z - cz
        d = (dx * dx + dy * dy) + dz * dz
        dist = jnp.minimum(dist, d)
        cxn, cyn, czn = argmax_coords(dist)
        return dist, cxn, cyn, czn

    dist0 = jnp.full((_B, _N), 1e10, jnp.float32)
    lax.fori_loop(0, _S, body, (dist0, X[:, 0:1], Y[:, 0:1], Z[:, 0:1]))



def _table_body(pts_ref, o_ref):
    o_ref[...] = jnp.transpose(pts_ref[0], (1, 0))



def _bf16r(v):
    u = plsc.bitcast(v, jnp.uint32)
    lsb = jnp.bitwise_and(lax.shift_right_logical(u, jnp.uint32(16)),
                          jnp.uint32(1))
    u = u + (jnp.uint32(0x7FFF) + lsb)
    u = jnp.bitwise_and(u, jnp.uint32(0xFFFF0000))
    return plsc.bitcast(u, jnp.float32)


def _sc_body(xf, yf, zf, qxf, qyf, qzf, tab, out, oxyz,
             px, py, pz, pxr, pyr, pzr, sp, qx, qy, qz, slots, gidx, gxb,
             rb0, rb1, sem0, sem1, wsem0, wsem1):
    cid = lax.axis_index("c")
    sid = lax.axis_index("s")
    w = sid * 2 + cid
    b = w // 4
    s0 = (w % 4) * _RPW
    boff = b * _N

    pltpu.sync_copy(xf.at[pl.ds(b * _N, _N)], px)
    pltpu.sync_copy(yf.at[pl.ds(b * _N, _N)], py)
    pltpu.sync_copy(zf.at[pl.ds(b * _N, _N)], pz)
    pltpu.sync_copy(qxf.at[pl.ds(b * _S + s0, _RPW)], qx)
    pltpu.sync_copy(qyf.at[pl.ds(b * _S + s0, _RPW)], qy)
    pltpu.sync_copy(qzf.at[pl.ds(b * _S + s0, _RPW)], qz)

    def spbody(i, _):
        pxv = px[pl.ds(i * 16, 16)]
        pyv = py[pl.ds(i * 16, 16)]
        pzv = pz[pl.ds(i * 16, 16)]
        sp[pl.ds(i * 16, 16)] = (pxv * pxv + pyv * pyv) + pzv * pzv
        pxr[pl.ds(i * 16, 16)] = _bf16r(pxv)
        pyr[pl.ds(i * 16, 16)] = _bf16r(pyv)
        pzr[pl.ds(i * 16, 16)] = _bf16r(pzv)
        return 0

    lax.fori_loop(0, _CPB, spbody, 0)

    iota16 = lax.iota(jnp.int32, 16)

    def _splat(vec, lane):
        zero = jnp.zeros_like(vec)
        s = jnp.sum(jnp.where(iota16 == lane, vec, zero))
        return jnp.full((16,), s, vec.dtype)

    def rowbody(r, _):
        g16 = (r // 16) * 16
        lane = r % 16
        qxs = _splat(qx[pl.ds(g16, 16)], lane)
        qys = _splat(qy[pl.ds(g16, 16)], lane)
        qzs = _splat(qz[pl.ds(g16, 16)], lane)
        sq = (qxs * qxs + qys * qys) + qzs * qzs
        qxr = _bf16r(qxs)
        qyr = _bf16r(qys)
        qzr = _bf16r(qzs)

        def cond(st):
            cnt, c = st
            return (cnt < _K) & (c < _CPB)

        def step(st):
            cnt, c = st
            base = c * 16
            pxv = pxr[pl.ds(base, 16)]
            pyv = pyr[pl.ds(base, 16)]
            pzv = pzr[pl.ds(base, 16)]
            spv = sp[pl.ds(base, 16)]
            m3 = (qxr * pxv + qyr * pyv) + qzr * pzv
            d = (-2.0 * m3 + sq) + spv
            msk = d <= _R2
            mi = msk.astype(jnp.int32)
            slot = (cnt + jnp.cumsum(mi)) - 1
            nvec = base + iota16
            plsc.store_scatter(slots, [slot], nvec, mask=msk)
            return cnt + jnp.sum(mi), c + 1

        cnt, _c = lax.while_loop(cond, step, (jnp.int32(0), jnp.int32(0)))
        first = _splat(slots[pl.ds(0, 16)], 0)
        v0 = jnp.where(iota16 < cnt, slots[pl.ds(0, 16)], first)
        v1 = jnp.where(iota16 + 16 < cnt, slots[pl.ds(16, 16)], first)
        gidx[pl.ds(r * _K, 16)] = v0 + boff
        gidx[pl.ds(r * _K + 16, 16)] = v1 + boff
        r8 = (r % 8) * _K
        for kk, vv in ((0, v0), (1, v1)):
            rows = r8 + 16 * kk + iota16
            for cc, plane in ((0, px), (1, py), (2, pz)):
                coords = plsc.load_gather(plane, [vv])
                plsc.store_scatter(gxb, [rows, jnp.full((16,), cc, jnp.int32)],
                                   coords)
        @pl.when(r % 8 == 7)
        def _():
            pltpu.sync_copy(
                gxb, oxyz.at[pl.ds((w * _RPW + r - 7) * _K, 8 * _K)])
        return 0

    lax.fori_loop(0, _RPW, rowbody, 0)

    ob = w * (_RPW * _K)
    nch = _RPW * _K // 128
    bufs = (rb0, rb1)
    gsems = (sem0, sem1)
    wsems = (wsem0, wsem1)
    gh = [None, None]
    wh = [None, None]
    for j in range(nch):
        p = j % 2
        if j >= 2:
            wh[p].wait()
        gh[p] = pltpu.async_copy(
            tab.at[gidx.at[pl.ds(j * 128, 128)]], bufs[p], gsems[p])
        if j >= 1:
            q = (j - 1) % 2
            gh[q].wait()
            wh[q] = pltpu.async_copy(
                bufs[q], out.at[pl.ds(ob + (j - 1) * 128, 128)], wsems[q])
    gh[(nch - 1) % 2].wait()
    wh[(nch - 1) % 2] = pltpu.async_copy(
        bufs[(nch - 1) % 2], out.at[pl.ds(ob + (nch - 1) * 128, 128)],
        wsems[(nch - 1) % 2])
    wh[0].wait()
    wh[1].wait()



def _mmb(x, wh):
    dn = (((1,), (0,)), ((), ()))
    return lax.dot_general(x.astype(jnp.bfloat16), wh, dn,
                           preferred_element_type=jnp.float32)


def _stats_update(st_ref, y, t):
    @pl.when(t == 0)
    def _():
        st_ref[...] = jnp.zeros_like(st_ref)

    s1 = jnp.sum(y, axis=0).reshape(1, -1)
    s2 = jnp.sum(y * y, axis=0).reshape(1, -1)
    pad = jnp.zeros((6, y.shape[1]), jnp.float32)
    st_ref[...] = st_ref[...] + jnp.concatenate([s1, s2, pad], axis=0)


def _mlp0_body(gf_ref, gx_ref, qx_ref, qy_ref, qz_ref, wh_ref,
               bb_ref, y_ref, st_ref):
    t = pl.program_id(0)
    b = t // (_S * _K // _BLK)
    col = lax.broadcasted_iota(jnp.int32, (_RQ, 8), 1)
    zq = jnp.zeros((_RQ, 8), jnp.float32)

    def pick(ref):
        return jnp.sum(jnp.where(col == b, ref[...], zq), axis=1,
                       keepdims=True)

    x = jnp.concatenate(
        [gx_ref[...][:, 0:3], gf_ref[...],
         jnp.zeros((_RQ * _K, _DPAD - 131), jnp.float32)], axis=1)
    q144 = jnp.concatenate(
        [pick(qx_ref), pick(qy_ref), pick(qz_ref),
         jnp.zeros((_RQ, _DPAD - 3), jnp.float32)], axis=1)
    x3 = x.reshape(_RQ, _K, _DPAD) - q144[:, None, :]
    x2 = x3.reshape(_RQ * _K, _DPAD)
    y = _mmb(x2, wh_ref[...]) + bb_ref[...][0:1, :]
    y_ref[...] = y
    _stats_update(st_ref, y, t)


def _affine_relu(y, st_ref, g_ref, be_ref):
    st = st_ref[...]
    mean = st[0:1, :] * _INV_M
    var = st[1:2, :] * _INV_M - mean * mean
    den = jnp.sqrt(var + _EPS)
    h = (y - mean) / den * g_ref[...][0:1, :] + be_ref[...][0:1, :]
    return jnp.maximum(h, 0.0)


def _mlp_body(y_ref, st_ref, g_ref, be_ref, wh_ref, bb_ref,
              o_ref, sto_ref):
    t = pl.program_id(0)
    h = _affine_relu(y_ref[...], st_ref, g_ref, be_ref)
    o = _mmb(h, wh_ref[...]) + bb_ref[...][0:1, :]
    o_ref[...] = o
    _stats_update(sto_ref, o, t)


def _final_body(y_ref, st_ref, g_ref, be_ref, o_ref):
    h = _affine_relu(y_ref[...], st_ref, g_ref, be_ref)
    mx = jnp.max(h.reshape(128, _K, 256), axis=1)
    o_ref[...] = jnp.transpose(mx, (1, 0))[None]



def _bc(v):
    return jnp.broadcast_to(v.reshape(1, -1), (8, v.shape[0]))


def kernel(xyz, points, W0, b0, g0, beta0, W1, b1, g1, beta1,
           W2, b2, g2, beta2):
    f32 = jnp.float32
    xpl = xyz[:, 0, :]
    ypl = xyz[:, 1, :]
    zpl = xyz[:, 2, :]

    ox3, oy3, oz3 = pl.pallas_call(
        _fps_body,
        out_shape=[jax.ShapeDtypeStruct((_S, _B, 1), f32)] * 3,
    )(xpl, ypl, zpl)
    qxt = ox3.reshape(_S, _B)
    qyt = oy3.reshape(_S, _B)
    qzt = oz3.reshape(_S, _B)
    ox = qxt.T
    oy = qyt.T
    oz = qzt.T

    table = pl.pallas_call(
        _table_body,
        grid=(_B, _N // 256),
        in_specs=[
            pl.BlockSpec((1, 128, 256), lambda b, j: (b, 0, j)),
        ],
        out_specs=pl.BlockSpec((256, 128), lambda b, j: (b * (_N // 256) + j, 0)),
        out_shape=jax.ShapeDtypeStruct((_B * _N, 128), f32),
        compiler_params=pltpu.CompilerParams(
            dimension_semantics=("arbitrary", "arbitrary")),
    )(points)

    mesh = plsc.VectorSubcoreMesh(core_axis_name="c", subcore_axis_name="s")
    sc = functools.partial(
        pl.kernel,
        out_type=[
            jax.ShapeDtypeStruct((_M, 128), f32),
            jax.ShapeDtypeStruct((_M, 16), f32),
        ],
        mesh=mesh,
        compiler_params=pltpu.CompilerParams(needs_layout_passes=False),
        scratch_types=[
            pltpu.VMEM((_N,), f32), pltpu.VMEM((_N,), f32),
            pltpu.VMEM((_N,), f32), pltpu.VMEM((_N,), f32),
            pltpu.VMEM((_N,), f32), pltpu.VMEM((_N,), f32),
            pltpu.VMEM((_N,), f32),
            pltpu.VMEM((_RPW,), f32), pltpu.VMEM((_RPW,), f32),
            pltpu.VMEM((_RPW,), f32),
            pltpu.VMEM((48,), jnp.int32),
            pltpu.VMEM((_RPW * _K,), jnp.int32),
            pltpu.VMEM((8 * _K, 16), f32),
            pltpu.VMEM((128, 128), f32), pltpu.VMEM((128, 128), f32),
            pltpu.SemaphoreType.DMA, pltpu.SemaphoreType.DMA,
            pltpu.SemaphoreType.DMA, pltpu.SemaphoreType.DMA,
        ],
    )(_sc_body)
    gfeat, gxyz = sc(xpl.reshape(-1), ypl.reshape(-1), zpl.reshape(-1),
                     ox.reshape(-1), oy.reshape(-1), oz.reshape(-1), table)

    w0h = jnp.pad(W0.T, ((0, _DPAD - 131), (0, 0))).astype(jnp.bfloat16)
    w1h = W1.T.astype(jnp.bfloat16)
    w2h = W2.T.astype(jnp.bfloat16)

    n_blk = _M // _BLK
    cp = pltpu.CompilerParams(dimension_semantics=("arbitrary",))
    y0, st0 = pl.pallas_call(
        _mlp0_body,
        grid=(n_blk,),
        in_specs=[
            pl.BlockSpec((_BLK, 128), lambda t: (t, 0)),
            pl.BlockSpec((_BLK, 16), lambda t: (t, 0)),
            pl.BlockSpec((_RQ, 8), lambda t: (t % (_S // _RQ), 0)),
            pl.BlockSpec((_RQ, 8), lambda t: (t % (_S // _RQ), 0)),
            pl.BlockSpec((_RQ, 8), lambda t: (t % (_S // _RQ), 0)),
            pl.BlockSpec((_DPAD, 128), lambda t: (0, 0)),
            pl.BlockSpec((8, 128), lambda t: (0, 0)),
        ],
        out_specs=[
            pl.BlockSpec((_BLK, 128), lambda t: (t, 0)),
            pl.BlockSpec((8, 128), lambda t: (0, 0)),
        ],
        out_shape=[
            jax.ShapeDtypeStruct((_M, 128), f32),
            jax.ShapeDtypeStruct((8, 128), f32),
        ],
        compiler_params=cp,
    )(gfeat, gxyz, qxt, qyt, qzt, w0h, _bc(b0))

    def mid_layer(y, st, g, be, wh, bb, cout):
        return pl.pallas_call(
            _mlp_body,
            grid=(n_blk,),
            in_specs=[
                pl.BlockSpec((_BLK, 128), lambda t: (t, 0)),
                pl.BlockSpec((8, 128), lambda t: (0, 0)),
                pl.BlockSpec((8, 128), lambda t: (0, 0)),
                pl.BlockSpec((8, 128), lambda t: (0, 0)),
                pl.BlockSpec((128, cout), lambda t: (0, 0)),
                pl.BlockSpec((8, cout), lambda t: (0, 0)),
            ],
            out_specs=[
                pl.BlockSpec((_BLK, cout), lambda t: (t, 0)),
                pl.BlockSpec((8, cout), lambda t: (0, 0)),
            ],
            out_shape=[
                jax.ShapeDtypeStruct((_M, cout), f32),
                jax.ShapeDtypeStruct((8, cout), f32),
            ],
            compiler_params=cp,
        )(y, st, _bc(g), _bc(be), wh, _bc(bb))

    y1, st1 = mid_layer(y0, st0, g0, beta0, w1h, b1, 128)
    y2, st2 = mid_layer(y1, st1, g1, beta1, w2h, b2, 256)

    new_points = pl.pallas_call(
        _final_body,
        grid=(_M // 4096,),
        in_specs=[
            pl.BlockSpec((4096, 256), lambda t: (t, 0)),
            pl.BlockSpec((8, 256), lambda t: (0, 0)),
            pl.BlockSpec((8, 256), lambda t: (0, 0)),
            pl.BlockSpec((8, 256), lambda t: (0, 0)),
        ],
        out_specs=pl.BlockSpec((1, 256, 128), lambda t: (t // 8, 0, t % 8)),
        out_shape=jax.ShapeDtypeStruct((_B, 256, _S), f32),
        compiler_params=cp,
    )(y2, st2, _bc(g2), _bc(beta2))

    new_xyz = jnp.stack([ox, oy, oz], axis=1)
    return new_xyz, new_points

# --- scband reference (transcript-rebuilt; emitter-appended) ---
"""Pipeline reference for scband-set-abstraction-58110907514886 (READ-ONLY COPY).

The authoritative reference and input builder live on the scoring server;
editing this copy changes nothing except your own understanding.
"""

import jax, jax.numpy as jnp
import numpy as np

B = 8
N = 4096
D_FEAT = 128
NPOINT = 1024
RADIUS = 0.4
NSAMPLE = 32
MLP_CHANNELS = [128, 128, 256]
IN_CHANNEL = 131
EPS = 1e-5


def square_distance(src, dst):
    dist = -2.0 * jnp.matmul(src, dst.transpose(0, 2, 1))
    dist = dist + jnp.sum(src ** 2, axis=-1)[:, :, None]
    dist = dist + jnp.sum(dst ** 2, axis=-1)[:, None, :]
    return dist


def index_points(points, idx):
    b = points.shape[0]
    batch_idx = jnp.arange(b).reshape((b,) + (1,) * (idx.ndim - 1))
    return points[batch_idx, idx]


def farthest_point_sample(xyz, npoint):
    xyz = jax.lax.stop_gradient(xyz)
    b, n, _ = xyz.shape

    def body(i, state):
        centroids, distance, farthest = state
        centroids = centroids.at[:, i].set(farthest)
        centroid = jnp.take_along_axis(xyz, farthest[:, None, None], axis=1)
        dist = jnp.sum((xyz - centroid) ** 2, axis=-1)
        distance = jnp.minimum(distance, dist)
        farthest = jnp.argmax(distance, axis=-1).astype(jnp.int32)
        return centroids, distance, farthest

    init = (jnp.zeros((b, npoint), jnp.int32),
            jnp.full((b, n), 1e10, jnp.float32),
            jnp.zeros((b,), jnp.int32))
    centroids, _, _ = jax.lax.fori_loop(0, npoint, body, init)
    return centroids


def query_ball_point(radius, nsample, xyz, new_xyz):
    b, n, _ = xyz.shape
    s = new_xyz.shape[1]
    sqrdists = jax.lax.stop_gradient(square_distance(new_xyz, xyz))
    group_idx = jnp.broadcast_to(jnp.arange(n, dtype=jnp.int32), (b, s, n))
    group_idx = jnp.where(sqrdists > radius ** 2, n, group_idx)
    group_idx = jnp.sort(group_idx, axis=-1)[:, :, :nsample]
    group_first = jnp.broadcast_to(group_idx[:, :, :1], group_idx.shape)
    group_idx = jnp.where(group_idx == n, group_first, group_idx)
    return group_idx


def setup_inputs(seed: int = 0):
    key = jax.random.key(seed)
    ks = jax.random.split(key, 16)
    inp = {}
    inp["xyz"] = jax.random.uniform(ks[0], (B, 3, N), dtype=jnp.float32)
    inp["points"] = jax.random.normal(ks[1], (B, D_FEAT, N), dtype=jnp.float32)
    c_in = IN_CHANNEL
    for i, c_out in enumerate(MLP_CHANNELS):
        inp["W%d" % i] = jax.random.normal(ks[2 + i], (c_out, c_in), dtype=jnp.float32) * (1.0 / np.sqrt(c_in))
        inp["b%d" % i] = jnp.zeros((c_out,), jnp.float32)
        inp["g%d" % i] = jnp.ones((c_out,), jnp.float32)
        inp["beta%d" % i] = jnp.zeros((c_out,), jnp.float32)
        c_in = c_out
    return inp


def reference(xyz, points, W0, b0, g0, beta0, W1, b1, g1, beta1, W2, b2, g2, beta2):
    xyz_t = xyz.transpose(0, 2, 1)
    pts_t = points.transpose(0, 2, 1)
    fps_idx = farthest_point_sample(xyz_t, NPOINT)
    new_xyz = index_points(xyz_t, fps_idx)
    idx = query_ball_point(RADIUS, NSAMPLE, xyz_t, new_xyz)
    grouped_xyz = index_points(xyz_t, idx)
    grouped_xyz_norm = grouped_xyz - new_xyz[:, :, None, :]
    grouped_points = index_points(pts_t, idx)
    new_points = jnp.concatenate([grouped_xyz_norm, grouped_points], axis=-1)
    params = ((W0, b0, g0, beta0), (W1, b1, g1, beta1), (W2, b2, g2, beta2))
    for (W, b, g, beta) in params:
        new_points = jnp.einsum('bskc,dc->bskd', new_points, W) + b
        mean = jnp.mean(new_points, axis=(0, 1, 2), keepdims=True)
        var = jnp.var(new_points, axis=(0, 1, 2), keepdims=True)
        new_points = (new_points - mean) / jnp.sqrt(var + EPS) * g + beta
        new_points = jax.nn.relu(new_points)
    new_points = jnp.max(new_points, axis=2)
    return new_xyz.transpose(0, 2, 1), new_points.transpose(0, 2, 1)

if __name__ == "__main__":
    import jax
    _d = setup_inputs()
    print(jax.jit(kernel)(*tuple(_d.values())))

</pallas_src>

<mosaic_0001>
#map = affine_map<(d0, d1) -> (0)>
#map1 = affine_map<(d0, d1) -> (0, 0)>
module attributes {stable_mosaic.version = 14 : i64} {
  func.func @_sc_body(%arg0: i32, %arg1: i32, %arg2: memref<32768xf32, #tpu.memory_space<hbm>>, %arg3: memref<32768xf32, #tpu.memory_space<hbm>>, %arg4: memref<32768xf32, #tpu.memory_space<hbm>>, %arg5: memref<8192xf32, #tpu.memory_space<hbm>>, %arg6: memref<8192xf32, #tpu.memory_space<hbm>>, %arg7: memref<8192xf32, #tpu.memory_space<hbm>>, %arg8: memref<32768x128xf32, #tpu.memory_space<hbm>>, %arg9: memref<262144x128xf32, #tpu.memory_space<hbm>>, %arg10: memref<262144x16xf32, #tpu.memory_space<hbm>>, %arg11: memref<4096xf32, #tpu.memory_space<vmem>>, %arg12: memref<4096xf32, #tpu.memory_space<vmem>>, %arg13: memref<4096xf32, #tpu.memory_space<vmem>>, %arg14: memref<4096xf32, #tpu.memory_space<vmem>>, %arg15: memref<4096xf32, #tpu.memory_space<vmem>>, %arg16: memref<4096xf32, #tpu.memory_space<vmem>>, %arg17: memref<4096xf32, #tpu.memory_space<vmem>>, %arg18: memref<256xf32, #tpu.memory_space<vmem>>, %arg19: memref<256xf32, #tpu.memory_space<vmem>>, %arg20: memref<256xf32, #tpu.memory_space<vmem>>, %arg21: memref<48xi32, #tpu.memory_space<vmem>>, %arg22: memref<8192xi32, #tpu.memory_space<vmem>>, %arg23: memref<256x16xf32, #tpu.memory_space<vmem>>, %arg24: memref<128x128xf32, #tpu.memory_space<vmem>>, %arg25: memref<128x128xf32, #tpu.memory_space<vmem>>, %arg26: memref<!tpu.dma_semaphore, #tpu.memory_space<semaphore_mem>>, %arg27: memref<!tpu.dma_semaphore, #tpu.memory_space<semaphore_mem>>, %arg28: memref<!tpu.dma_semaphore, #tpu.memory_space<semaphore_mem>>, %arg29: memref<!tpu.dma_semaphore, #tpu.memory_space<semaphore_mem>>) attributes {dimension_semantics = [#tpu.dimension_semantics<core_parallel>, #tpu.dimension_semantics<subcore_parallel>], iteration_bounds = array<i64: 2, 16>, scalar_prefetch = 0 : i64, scratch_operands = 19 : i64, tpu.core_type = #tpu.core_type<sc_vector_subcore>, window_params = [{transform_indices = #map}, {transform_indices = #map}, {transform_indices = #map}, {transform_indices = #map}, {transform_indices = #map}, {transform_indices = #map}, {transform_indices = #map1}, {transform_indices = #map1}, {transform_indices = #map1}]} {
    %mul3A = arith.constant 2 : i32
    %mul3A_0 = arith.muli %arg1, %mul3A : i32
    %add3A = arith.addi %mul3A_0, %arg0 : i32
    %jit3A = arith.constant 4 : i32
    %div3A = arith.divsi %add3A, %jit3A : i32
    %sign3A = arith.constant 0 : i32
    %sign3A_1 = arith.cmpi sgt, %add3A, %sign3A : i32
    %sign3A_2 = arith.extui %sign3A_1 : i1 to i32
    %sign3A_3 = arith.constant 0 : i32
    %sign3A_4 = arith.cmpi slt, %add3A, %sign3A_3 : i32
    %sign3A_5 = arith.extui %sign3A_4 : i1 to i32
    %sign3A_6 = arith.subi %sign3A_2, %sign3A_5 : i32
    %sign3A_7 = arith.constant 0 : i32
    %sign3A_8 = arith.cmpi sgt, %jit3A, %sign3A_7 : i32
    %sign3A_9 = arith.extui %sign3A_8 : i1 to i32
    %sign3A_10 = arith.constant 0 : i32
    %sign3A_11 = arith.cmpi slt, %jit3A, %sign3A_10 : i32
    %sign3A_12 = arith.extui %sign3A_11 : i1 to i32
    %sign3A_13 = arith.subi %sign3A_9, %sign3A_12 : i32
    %ne3A = arith.cmpi ne, %sign3A_6, %sign3A_13 : i32
    %rem3A = arith.remsi %add3A, %jit3A : i32
    %ne3A_14 = arith.constant 0 : i32
    %ne3A_15 = arith.cmpi ne, %rem3A, %ne3A_14 : i32
    %and3A = arith.andi %ne3A, %ne3A_15 : i1
    %sub3A = arith.constant 1 : i32
    %sub3A_16 = arith.subi %div3A, %sub3A : i32
    %select_n3A = arith.select %and3A, %sub3A_16, %div3A : i32
    %jit3A_17 = arith.constant 4 : i32
    %eq3A = arith.constant 0 : i32
    %eq3A_18 = arith.cmpi eq, %jit3A_17, %eq3A : i32
    %jit3A_19 = arith.constant 1 : i32
    %select_n3A_20 = arith.select %eq3A_18, %jit3A_19, %jit3A_17 : i32
    %rem3A_21 = arith.remsi %add3A, %select_n3A_20 : i32
    %ne3A_22 = arith.constant 0 : i32
    %ne3A_23 = arith.cmpi ne, %rem3A_21, %ne3A_22 : i32
    %lt3A = arith.constant 0 : i32
    %lt3A_24 = arith.cmpi slt, %rem3A_21, %lt3A : i32
    %lt3A_25 = arith.constant 0 : i32
    %lt3A_26 = arith.cmpi slt, %select_n3A_20, %lt3A_25 : i32
    %ne3A_27 = arith.xori %lt3A_24, %lt3A_26 : i1
    %and3A_28 = arith.andi %ne3A_27, %ne3A_23 : i1
    %add3A_29 = arith.addi %rem3A_21, %select_n3A_20 : i32
    %select_n3A_30 = arith.select %and3A_28, %add3A_29, %rem3A_21 : i32
    %mul3A_31 = arith.constant 256 : i32
    %mul3A_32 = arith.muli %select_n3A_30, %mul3A_31 : i32
    %mul3A_33 = arith.constant 4096 : i32
    %mul3A_34 = arith.muli %select_n3A, %mul3A_33 : i32
    %mul3A_35 = arith.constant 4096 : i32
    %mul3A_36 = arith.muli %select_n3A, %mul3A_35 : i32
    "tpu.region"() ({
      %run_scoped3A = tpu.sem_alloc : memref<!tpu.dma_semaphore, #tpu.memory_space<semaphore_mem>>
      %dma_start3A_1343 = tpu.memref_slice %arg2[%mul3A_36] : memref<32768xf32, #tpu.memory_space<hbm>> -> memref<4096xf32, #tpu.memory_space<hbm>>
      %dma_start3A_1344 = tpu.memref_slice %arg2[%mul3A_36] : memref<32768xf32, #tpu.memory_space<hbm>> -> memref<4096xf32, #tpu.memory_space<hbm>>
      tpu.enqueue_dma source(%dma_start3A_1344 : memref<4096xf32, #tpu.memory_space<hbm>>) target(%arg11 : memref<4096xf32, #tpu.memory_space<vmem>>) target_semaphore(%run_scoped3A : memref<!tpu.dma_semaphore, #tpu.memory_space<semaphore_mem>>)
      %dma_wait3A_1345 = tpu.memref_slice %arg2[%mul3A_36] : memref<32768xf32, #tpu.memory_space<hbm>> -> memref<4096xf32, #tpu.memory_space<hbm>>
      %dma_wait3A_1346 = tpu.memref_slice %arg2[%mul3A_36] : memref<32768xf32, #tpu.memory_space<hbm>> -> memref<4096xf32, #tpu.memory_space<hbm>>
      tpu.wait_dma2 semaphore(%run_scoped3A : memref<!tpu.dma_semaphore, #tpu.memory_space<semaphore_mem>>) src(%dma_wait3A_1346 : memref<4096xf32, #tpu.memory_space<hbm>>) dst(%arg11 : memref<4096xf32, #tpu.memory_space<vmem>>)
      tpu.yield
    }) : () -> ()
    %mul3A_37 = arith.constant 4096 : i32
    %mul3A_38 = arith.muli %select_n3A, %mul3A_37 : i32
    "tpu.region"() ({
      %run_scoped3A = tpu.sem_alloc : memref<!tpu.dma_semaphore, #tpu.memory_space<semaphore_mem>>
      %dma_start3A_1343 = tpu.memref_slice %arg3[%mul3A_38] : memref<32768xf32, #tpu.memory_space<hbm>> -> memref<4096xf32, #tpu.memory_space<hbm>>
      %dma_start3A_1344 = tpu.memref_slice %arg3[%mul3A_38] : memref<32768xf32, #tpu.memory_space<hbm>> -> memref<4096xf32, #tpu.memory_space<hbm>>
      tpu.enqueue_dma source(%dma_start3A_1344 : memref<4096xf32, #tpu.memory_space<hbm>>) target(%arg12 : memref<4096xf32, #tpu.memory_space<vmem>>) target_semaphore(%run_scoped3A : memref<!tpu.dma_semaphore, #tpu.memory_space<semaphore_mem>>)
      %dma_wait3A_1345 = tpu.memref_slice %arg3[%mul3A_38] : memref<32768xf32, #tpu.memory_space<hbm>> -> memref<4096xf32, #tpu.memory_space<hbm>>
      %dma_wait3A_1346 = tpu.memref_slice %arg3[%mul3A_38] : memref<32768xf32, #tpu.memory_space<hbm>> -> memref<4096xf32, #tpu.memory_space<hbm>>
      tpu.wait_dma2 semaphore(%run_scoped3A : memref<!tpu.dma_semaphore, #tpu.memory_space<semaphore_mem>>) src(%dma_wait3A_1346 : memref<4096xf32, #tpu.memory_space<hbm>>) dst(%arg12 : memref<4096xf32, #tpu.memory_space<vmem>>)
      tpu.yield
    }) : () -> ()
    %mul3A_39 = arith.constant 4096 : i32
    %mul3A_40 = arith.muli %select_n3A, %mul3A_39 : i32
    "tpu.region"() ({
      %run_scoped3A = tpu.sem_alloc : memref<!tpu.dma_semaphore, #tpu.memory_space<semaphore_mem>>
      %dma_start3A_1343 = tpu.memref_slice %arg4[%mul3A_40] : memref<32768xf32, #tpu.memory_space<hbm>> -> memref<4096xf32, #tpu.memory_space<hbm>>
      %dma_start3A_1344 = tpu.memref_slice %arg4[%mul3A_40] : memref<32768xf32, #tpu.memory_space<hbm>> -> memref<4096xf32, #tpu.memory_space<hbm>>
      tpu.enqueue_dma source(%dma_start3A_1344 : memref<4096xf32, #tpu.memory_space<hbm>>) target(%arg13 : memref<4096xf32, #tpu.memory_space<vmem>>) target_semaphore(%run_scoped3A : memref<!tpu.dma_semaphore, #tpu.memory_space<semaphore_mem>>)
      %dma_wait3A_1345 = tpu.memref_slice %arg4[%mul3A_40] : memref<32768xf32, #tpu.memory_space<hbm>> -> memref<4096xf32, #tpu.memory_space<hbm>>
      %dma_wait3A_1346 = tpu.memref_slice %arg4[%mul3A_40] : memref<32768xf32, #tpu.memory_space<hbm>> -> memref<4096xf32, #tpu.memory_space<hbm>>
      tpu.wait_dma2 semaphore(%run_scoped3A : memref<!tpu.dma_semaphore, #tpu.memory_space<semaphore_mem>>) src(%dma_wait3A_1346 : memref<4096xf32, #tpu.memory_space<hbm>>) dst(%arg13 : memref<4096xf32, #tpu.memory_space<vmem>>)
      tpu.yield
    }) : () -> ()
    %mul3A_41 = arith.constant 1024 : i32
    %mul3A_42 = arith.muli %select_n3A, %mul3A_41 : i32
    %add3A_43 = arith.addi %mul3A_42, %mul3A_32 : i32
    "tpu.region"() ({
      %run_scoped3A = tpu.sem_alloc : memref<!tpu.dma_semaphore, #tpu.memory_space<semaphore_mem>>
      %dma_start3A_1343 = tpu.memref_slice %arg5[%add3A_43] : memref<8192xf32, #tpu.memory_space<hbm>> -> memref<256xf32, #tpu.memory_space<hbm>>
      %dma_start3A_1344 = tpu.memref_slice %arg5[%add3A_43] : memref<8192xf32, #tpu.memory_space<hbm>> -> memref<256xf32, #tpu.memory_space<hbm>>
      tpu.enqueue_dma source(%dma_start3A_1344 : memref<256xf32, #tpu.memory_space<hbm>>) target(%arg18 : memref<256xf32, #tpu.memory_space<vmem>>) target_semaphore(%run_scoped3A : memref<!tpu.dma_semaphore, #tpu.memory_space<semaphore_mem>>)
      %dma_wait3A_1345 = tpu.memref_slice %arg5[%add3A_43] : memref<8192xf32, #tpu.memory_space<hbm>> -> memref<256xf32, #tpu.memory_space<hbm>>
      %dma_wait3A_1346 = tpu.memref_slice %arg5[%add3A_43] : memref<8192xf32, #tpu.memory_space<hbm>> -> memref<256xf32, #tpu.memory_space<hbm>>
      tpu.wait_dma2 semaphore(%run_scoped3A : memref<!tpu.dma_semaphore, #tpu.memory_space<semaphore_mem>>) src(%dma_wait3A_1346 : memref<256xf32, #tpu.memory_space<hbm>>) dst(%arg18 : memref<256xf32, #tpu.memory_space<vmem>>)
      tpu.yield
    }) : () -> ()
    %mul3A_44 = arith.constant 1024 : i32
    %mul3A_45 = arith.muli %select_n3A, %mul3A_44 : i32
    %add3A_46 = arith.addi %mul3A_45, %mul3A_32 : i32
    "tpu.region"() ({
      %run_scoped3A = tpu.sem_alloc : memref<!tpu.dma_semaphore, #tpu.memory_space<semaphore_mem>>
      %dma_start3A_1343 = tpu.memref_slice %arg6[%add3A_46] : memref<8192xf32, #tpu.memory_space<hbm>> -> memref<256xf32, #tpu.memory_space<hbm>>
      %dma_start3A_1344 = tpu.memref_slice %arg6[%add3A_46] : memref<8192xf32, #tpu.memory_space<hbm>> -> memref<256xf32, #tpu.memory_space<hbm>>
      tpu.enqueue_dma source(%dma_start3A_1344 : memref<256xf32, #tpu.memory_space<hbm>>) target(%arg19 : memref<256xf32, #tpu.memory_space<vmem>>) target_semaphore(%run_scoped3A : memref<!tpu.dma_semaphore, #tpu.memory_space<semaphore_mem>>)
      %dma_wait3A_1345 = tpu.memref_slice %arg6[%add3A_46] : memref<8192xf32, #tpu.memory_space<hbm>> -> memref<256xf32, #tpu.memory_space<hbm>>
      %dma_wait3A_1346 = tpu.memref_slice %arg6[%add3A_46] : memref<8192xf32, #tpu.memory_space<hbm>> -> memref<256xf32, #tpu.memory_space<hbm>>
      tpu.wait_dma2 semaphore(%run_scoped3A : memref<!tpu.dma_semaphore, #tpu.memory_space<semaphore_mem>>) src(%dma_wait3A_1346 : memref<256xf32, #tpu.memory_space<hbm>>) dst(%arg19 : memref<256xf32, #tpu.memory_space<vmem>>)
      tpu.yield
    }) : () -> ()
    %mul3A_47 = arith.constant 1024 : i32
    %mul3A_48 = arith.muli %select_n3A, %mul3A_47 : i32
    %add3A_49 = arith.addi %mul3A_48, %mul3A_32 : i32
    "tpu.region"() ({
      %run_scoped3A = tpu.sem_alloc : memref<!tpu.dma_semaphore, #tpu.memory_space<semaphore_mem>>
      %dma_start3A_1343 = tpu.memref_slice %arg7[%add3A_49] : memref<8192xf32, #tpu.memory_space<hbm>> -> memref<256xf32, #tpu.memory_space<hbm>>
      %dma_start3A_1344 = tpu.memref_slice %arg7[%add3A_49] : memref<8192xf32, #tpu.memory_space<hbm>> -> memref<256xf32, #tpu.memory_space<hbm>>
      tpu.enqueue_dma source(%dma_start3A_1344 : memref<256xf32, #tpu.memory_space<hbm>>) target(%arg20 : memref<256xf32, #tpu.memory_space<vmem>>) target_semaphore(%run_scoped3A : memref<!tpu.dma_semaphore, #tpu.memory_space<semaphore_mem>>)
      %dma_wait3A_1345 = tpu.memref_slice %arg7[%add3A_49] : memref<8192xf32, #tpu.memory_space<hbm>> -> memref<256xf32, #tpu.memory_space<hbm>>
      %dma_wait3A_1346 = tpu.memref_slice %arg7[%add3A_49] : memref<8192xf32, #tpu.memory_space<hbm>> -> memref<256xf32, #tpu.memory_space<hbm>>
      tpu.wait_dma2 semaphore(%run_scoped3A : memref<!tpu.dma_semaphore, #tpu.memory_space<semaphore_mem>>) src(%dma_wait3A_1346 : memref<256xf32, #tpu.memory_space<hbm>>) dst(%arg20 : memref<256xf32, #tpu.memory_space<vmem>>)
      tpu.yield
    }) : () -> ()
    %scan3A = arith.constant 0 : i32
    %scan3A_50 = arith.constant 0 : i32
    %scan3A_51 = arith.constant 256 : i32
    %scan3A_52 = arith.addi %scan3A_50, %scan3A_51 : i32
    %scan3A_53 = arith.constant 1 : i32
    %scan3A_54 = scf.for %scan3A_1343 = %scan3A_50 to %scan3A_52 step %scan3A_53 iter_args(%scan3A_1344 = %scan3A) -> (i32)  : i32 {
      %mul3A_1345 = arith.constant 16 : i32
      %mul3A_1346 = arith.muli %scan3A_1343, %mul3A_1345 : i32
      %get3A = arith.index_cast %mul3A_1346 : i32 to index
      %get3A_1347 = tpu.vector_load %arg11[%get3A] {strides = array<i32>} : memref<4096xf32, #tpu.memory_space<vmem>>, vector<16xf32>,
      %mul3A_1348 = arith.constant 16 : i32
      %mul3A_1349 = arith.muli %scan3A_1343, %mul3A_1348 : i32
      %get3A_1350 = arith.index_cast %mul3A_1349 : i32 to index
      %get3A_1351 = tpu.vector_load %arg12[%get3A_1350] {strides = array<i32>} : memref<4096xf32, #tpu.memory_space<vmem>>, vector<16xf32>,
      %mul3A_1352 = arith.constant 16 : i32
      %mul3A_1353 = arith.muli %scan3A_1343, %mul3A_1352 : i32
      %get3A_1354 = arith.index_cast %mul3A_1353 : i32 to index
      %get3A_1355 = tpu.vector_load %arg13[%get3A_1354] {strides = array<i32>} : memref<4096xf32, #tpu.memory_space<vmem>>, vector<16xf32>,
      %mul3A_1356 = arith.mulf %get3A_1347, %get3A_1347 : vector<16xf32>
      %mul3A_1357 = arith.mulf %get3A_1351, %get3A_1351 : vector<16xf32>
      %add3A_1358 = arith.addf %mul3A_1356, %mul3A_1357 : vector<16xf32>
      %mul3A_1359 = arith.mulf %get3A_1355, %get3A_1355 : vector<16xf32>
      %add3A_1360 = arith.addf %add3A_1358, %mul3A_1359 : vector<16xf32>
      %mul3A_1361 = arith.constant 16 : i32
      %mul3A_1362 = arith.muli %scan3A_1343, %mul3A_1361 : i32
      %swap3A = arith.index_cast %mul3A_1362 : i32 to index
      %swap3A_1363 = tpu.vector_load %arg17[%swap3A] {strides = array<i32>} : memref<4096xf32, #tpu.memory_space<vmem>>, vector<16xf32>,
      tpu.vector_store %arg17[%swap3A], %add3A_1360 {strides = array<i32>} : memref<4096xf32, #tpu.memory_space<vmem>>, vector<16xf32>,
      %bitcast3A = vector.bitcast %get3A_1347 : vector<16xf32> to vector<16xi32>
      %shift_right_logical3A = arith.constant 16 : i32
      %shift_right_logical3A_1364 = vector.broadcast %shift_right_logical3A : i32 to vector<16xi32>
      %shift_right_logical3A_1365 = arith.shrui %bitcast3A, %shift_right_logical3A_1364 : vector<16xi32>
      %and3A_1366 = arith.constant 1 : i32
      %and3A_1367 = vector.broadcast %and3A_1366 : i32 to vector<16xi32>
      %and3A_1368 = arith.andi %shift_right_logical3A_1365, %and3A_1367 : vector<16xi32>
      %add3A_1369 = arith.constant 32767 : i32
      %add3A_1370 = vector.broadcast %add3A_1369 : i32 to vector<16xi32>
      %add3A_1371 = arith.addi %add3A_1370, %and3A_1368 : vector<16xi32>
      %add3A_1372 = arith.addi %bitcast3A, %add3A_1371 : vector<16xi32>
      %and3A_1373 = arith.constant -65536 : i32
      %and3A_1374 = vector.broadcast %and3A_1373 : i32 to vector<16xi32>
      %and3A_1375 = arith.andi %add3A_1372, %and3A_1374 : vector<16xi32>
      %bitcast3A_1376 = vector.bitcast %and3A_1375 : vector<16xi32> to vector<16xf32>
      %mul3A_1377 = arith.constant 16 : i32
      %mul3A_1378 = arith.muli %scan3A_1343, %mul3A_1377 : i32
      %swap3A_1379 = arith.index_cast %mul3A_1378 : i32 to index
      %swap3A_1380 = tpu.vector_load %arg14[%swap3A_1379] {strides = array<i32>} : memref<4096xf32, #tpu.memory_space<vmem>>, vector<16xf32>,
      tpu.vector_store %arg14[%swap3A_1379], %bitcast3A_1376 {strides = array<i32>} : memref<4096xf32, #tpu.memory_space<vmem>>, vector<16xf32>,
      %bitcast3A_1381 = vector.bitcast %get3A_1351 : vector<16xf32> to vector<16xi32>
      %shift_right_logical3A_1382 = arith.constant 16 : i32
      %shift_right_logical3A_1383 = vector.broadcast %shift_right_logical3A_1382 : i32 to vector<16xi32>
      %shift_right_logical3A_1384 = arith.shrui %bitcast3A_1381, %shift_right_logical3A_1383 : vector<16xi32>
      %and3A_1385 = arith.constant 1 : i32
      %and3A_1386 = vector.broadcast %and3A_1385 : i32 to vector<16xi32>
      %and3A_1387 = arith.andi %shift_right_logical3A_1384, %and3A_1386 : vector<16xi32>
      %add3A_1388 = arith.constant 32767 : i32
      %add3A_1389 = vector.broadcast %add3A_1388 : i32 to vector<16xi32>
      %add3A_1390 = arith.addi %add3A_1389, %and3A_1387 : vector<16xi32>
      %add3A_1391 = arith.addi %bitcast3A_1381, %add3A_1390 : vector<16xi32>
      %and3A_1392 = arith.constant -65536 : i32
      %and3A_1393 = vector.broadcast %and3A_1392 : i32 to vector<16xi32>
      %and3A_1394 = arith.andi %add3A_1391, %and3A_1393 : vector<16xi32>
      %bitcast3A_1395 = vector.bitcast %and3A_1394 : vector<16xi32> to vector<16xf32>
      %mul3A_1396 = arith.constant 16 : i32
      %mul3A_1397 = arith.muli %scan3A_1343, %mul3A_1396 : i32
      %swap3A_1398 = arith.index_cast %mul3A_1397 : i32 to index
      %swap3A_1399 = tpu.vector_load %arg15[%swap3A_1398] {strides = array<i32>} : memref<4096xf32, #tpu.memory_space<vmem>>, vector<16xf32>,
      tpu.vector_store %arg15[%swap3A_1398], %bitcast3A_1395 {strides = array<i32>} : memref<4096xf32, #tpu.memory_space<vmem>>, vector<16xf32>,
      %bitcast3A_1400 = vector.bitcast %get3A_1355 : vector<16xf32> to vector<16xi32>
      %shift_right_logical3A_1401 = arith.constant 16 : i32
      %shift_right_logical3A_1402 = vector.broadcast %shift_right_logical3A_1401 : i32 to vector<16xi32>
      %shift_right_logical3A_1403 = arith.shrui %bitcast3A_1400, %shift_right_logical3A_1402 : vector<16xi32>
      %and3A_1404 = arith.constant 1 : i32
      %and3A_1405 = vector.broadcast %and3A_1404 : i32 to vector<16xi32>
      %and3A_1406 = arith.andi %shift_right_logical3A_1403, %and3A_1405 : vector<16xi32>
      %add3A_1407 = arith.constant 32767 : i32
      %add3A_1408 = vector.broadcast %add3A_1407 : i32 to vector<16xi32>
      %add3A_1409 = arith.addi %add3A_1408, %and3A_1406 : vector<16xi32>
      %add3A_1410 = arith.addi %bitcast3A_1400, %add3A_1409 : vector<16xi32>
      %and3A_1411 = arith.constant -65536 : i32
      %and3A_1412 = vector.broadcast %and3A_1411 : i32 to vector<16xi32>
      %and3A_1413 = arith.andi %add3A_1410, %and3A_1412 : vector<16xi32>
      %bitcast3A_1414 = vector.bitcast %and3A_1413 : vector<16xi32> to vector<16xf32>
      %mul3A_1415 = arith.constant 16 : i32
      %mul3A_1416 = arith.muli %scan3A_1343, %mul3A_1415 : i32
      %swap3A_1417 = arith.index_cast %mul3A_1416 : i32 to index
      %swap3A_1418 = tpu.vector_load %arg16[%swap3A_1417] {strides = array<i32>} : memref<4096xf32, #tpu.memory_space<vmem>>, vector<16xf32>,
      tpu.vector_store %arg16[%swap3A_1417], %bitcast3A_1414 {strides = array<i32>} : memref<4096xf32, #tpu.memory_space<vmem>>, vector<16xf32>,
      %scan3A_1419 = arith.constant 0 : i32
      scf.yield %scan3A_1419 : i32
    }
    %scan3A_55 = arith.constant 256 : i32
    %iota3A = tpu.iota {dimensions = array<i32: 0>} : vector<16xi32>
    %scan3A_56 = arith.constant 0 : i32
    %scan3A_57 = arith.constant 0 : i32
    %scan3A_58 = arith.constant 256 : i32
    %scan3A_59 = arith.addi %scan3A_57, %scan3A_58 : i32
    %scan3A_60 = arith.constant 1 : i32
    %scan3A_61 = scf.for %scan3A_1343 = %scan3A_57 to %scan3A_59 step %scan3A_60 iter_args(%scan3A_1344 = %scan3A_56) -> (i32)  : i32 {
      %jit3A_1345 = arith.constant 16 : i32
      %div3A_1346 = arith.divsi %scan3A_1343, %jit3A_1345 : i32
      %sign3A_1347 = arith.constant 0 : i32
      %sign3A_1348 = arith.cmpi sgt, %scan3A_1343, %sign3A_1347 : i32
      %sign3A_1349 = arith.extui %sign3A_1348 : i1 to i32
      %sign3A_1350 = arith.constant 0 : i32
      %sign3A_1351 = arith.cmpi slt, %scan3A_1343, %sign3A_1350 : i32
      %sign3A_1352 = arith.extui %sign3A_1351 : i1 to i32
      %sign3A_1353 = arith.subi %sign3A_1349, %sign3A_1352 : i32
      %sign3A_1354 = arith.constant 0 : i32
      %sign3A_1355 = arith.cmpi sgt, %jit3A_1345, %sign3A_1354 : i32
      %sign3A_1356 = arith.extui %sign3A_1355 : i1 to i32
      %sign3A_1357 = arith.constant 0 : i32
      %sign3A_1358 = arith.cmpi slt, %jit3A_1345, %sign3A_1357 : i32
      %sign3A_1359 = arith.extui %sign3A_1358 : i1 to i32
      %sign3A_1360 = arith.subi %sign3A_1356, %sign3A_1359 : i32
      %ne3A_1361 = arith.cmpi ne, %sign3A_1353, %sign3A_1360 : i32
      %rem3A_1362 = arith.remsi %scan3A_1343, %jit3A_1345 : i32
      %ne3A_1363 = arith.constant 0 : i32
      %ne3A_1364 = arith.cmpi ne, %rem3A_1362, %ne3A_1363 : i32
      %and3A_1365 = arith.andi %ne3A_1361, %ne3A_1364 : i1
      %sub3A_1366 = arith.constant 1 : i32
      %sub3A_1367 = arith.subi %div3A_1346, %sub3A_1366 : i32
      %select_n3A_1368 = arith.select %and3A_1365, %sub3A_1367, %div3A_1346 : i32
      %mul3A_1369 = arith.constant 16 : i32
      %mul3A_1370 = arith.muli %select_n3A_1368, %mul3A_1369 : i32
      %jit3A_1371 = arith.constant 16 : i32
      %eq3A_1372 = arith.constant 0 : i32
      %eq3A_1373 = arith.cmpi eq, %jit3A_1371, %eq3A_1372 : i32
      %jit3A_1374 = arith.constant 1 : i32
      %select_n3A_1375 = arith.select %eq3A_1373, %jit3A_1374, %jit3A_1371 : i32
      %rem3A_1376 = arith.remsi %scan3A_1343, %select_n3A_1375 : i32
      %ne3A_1377 = arith.constant 0 : i32
      %ne3A_1378 = arith.cmpi ne, %rem3A_1376, %ne3A_1377 : i32
      %lt3A_1379 = arith.constant 0 : i32
      %lt3A_1380 = arith.cmpi slt, %rem3A_1376, %lt3A_1379 : i32
      %lt3A_1381 = arith.constant 0 : i32
      %lt3A_1382 = arith.cmpi slt, %select_n3A_1375, %lt3A_1381 : i32
      %ne3A_1383 = arith.xori %lt3A_1380, %lt3A_1382 : i1
      %and3A_1384 = arith.andi %ne3A_1383, %ne3A_1378 : i1
      %add3A_1385 = arith.addi %rem3A_1376, %select_n3A_1375 : i32
      %select_n3A_1386 = arith.select %and3A_1384, %add3A_1385, %rem3A_1376 : i32
      %get3A = arith.index_cast %mul3A_1370 : i32 to index
      %get3A_1387 = tpu.vector_load %arg18[%get3A] {strides = array<i32>} : memref<256xf32, #tpu.memory_space<vmem>>, vector<16xf32>,
      %broadcast_in_dim3A = arith.constant 0.000000e+00 : f32
      %broadcast_in_dim3A_1388 = vector.broadcast %broadcast_in_dim3A : f32 to vector<16xf32>
      %eq3A_1389 = vector.broadcast %select_n3A_1386 : i32 to vector<16xi32>
      %eq3A_1390 = arith.cmpi eq, %iota3A, %eq3A_1389 : vector<16xi32>
      %select_n3A_1391 = arith.select %eq3A_1390, %get3A_1387, %broadcast_in_dim3A_1388 : vector<16xi1>, vector<16xf32>
      %reduce_sum3A = arith.constant true
      %reduce_sum3A_1392 = vector.broadcast %reduce_sum3A : i1 to vector<16xi1>
      %reduce_sum3A_1393 = tpu.scan <sum>, %select_n3A_1391 masked %reduce_sum3A_1392 : vector<16xf32>, vector<16xi1> -> vector<16xf32>
      %reduce_sum3A_1394 = vector.extract %reduce_sum3A_1393[15] : f32 from vector<16xf32>
      %broadcast_in_dim3A_1395 = vector.broadcast %reduce_sum3A_1394 : f32 to vector<16xf32>
      %get3A_1396 = arith.index_cast %mul3A_1370 : i32 to index
      %get3A_1397 = tpu.vector_load %arg19[%get3A_1396] {strides = array<i32>} : memref<256xf32, #tpu.memory_space<vmem>>, vector<16xf32>,
      %broadcast_in_dim3A_1398 = arith.constant 0.000000e+00 : f32
      %broadcast_in_dim3A_1399 = vector.broadcast %broadcast_in_dim3A_1398 : f32 to vector<16xf32>
      %eq3A_1400 = vector.broadcast %select_n3A_1386 : i32 to vector<16xi32>
      %eq3A_1401 = arith.cmpi eq, %iota3A, %eq3A_1400 : vector<16xi32>
      %select_n3A_1402 = arith.select %eq3A_1401, %get3A_1397, %broadcast_in_dim3A_1399 : vector<16xi1>, vector<16xf32>
      %reduce_sum3A_1403 = arith.constant true
      %reduce_sum3A_1404 = vector.broadcast %reduce_sum3A_1403 : i1 to vector<16xi1>
      %reduce_sum3A_1405 = tpu.scan <sum>, %select_n3A_1402 masked %reduce_sum3A_1404 : vector<16xf32>, vector<16xi1> -> vector<16xf32>
      %reduce_sum3A_1406 = vector.extract %reduce_sum3A_1405[15] : f32 from vector<16xf32>
      %broadcast_in_dim3A_1407 = vector.broadcast %reduce_sum3A_1406 : f32 to vector<16xf32>
      %get3A_1408 = arith.index_cast %mul3A_1370 : i32 to index
      %get3A_1409 = tpu.vector_load %arg20[%get3A_1408] {strides = array<i32>} : memref<256xf32, #tpu.memory_space<vmem>>, vector<16xf32>,
      %broadcast_in_dim3A_1410 = arith.constant 0.000000e+00 : f32
      %broadcast_in_dim3A_1411 = vector.broadcast %broadcast_in_dim3A_1410 : f32 to vector<16xf32>
      %eq3A_1412 = vector.broadcast %select_n3A_1386 : i32 to vector<16xi32>
      %eq3A_1413 = arith.cmpi eq, %iota3A, %eq3A_1412 : vector<16xi32>
      %select_n3A_1414 = arith.select %eq3A_1413, %get3A_1409, %broadcast_in_dim3A_1411 : vector<16xi1>, vector<16xf32>
      %reduce_sum3A_1415 = arith.constant true
      %reduce_sum3A_1416 = vector.broadcast %reduce_sum3A_1415 : i1 to vector<16xi1>
      %reduce_sum3A_1417 = tpu.scan <sum>, %select_n3A_1414 masked %reduce_sum3A_1416 : vector<16xf32>, vector<16xi1> -> vector<16xf32>
      %reduce_sum3A_1418 = vector.extract %reduce_sum3A_1417[15] : f32 from vector<16xf32>
      %broadcast_in_dim3A_1419 = vector.broadcast %reduce_sum3A_1418 : f32 to vector<16xf32>
      %mul3A_1420 = arith.mulf %broadcast_in_dim3A_1395, %broadcast_in_dim3A_1395 : vector<16xf32>
      %mul3A_1421 = arith.mulf %broadcast_in_dim3A_1407, %broadcast_in_dim3A_1407 : vector<16xf32>
      %add3A_1422 = arith.addf %mul3A_1420, %mul3A_1421 : vector<16xf32>
      %mul3A_1423 = arith.mulf %broadcast_in_dim3A_1419, %broadcast_in_dim3A_1419 : vector<16xf32>
      %add3A_1424 = arith.addf %add3A_1422, %mul3A_1423 : vector<16xf32>
      %bitcast3A = vector.bitcast %broadcast_in_dim3A_1395 : vector<16xf32> to vector<16xi32>
      %shift_right_logical3A = arith.constant 16 : i32
      %shift_right_logical3A_1425 = vector.broadcast %shift_right_logical3A : i32 to vector<16xi32>
      %shift_right_logical3A_1426 = arith.shrui %bitcast3A, %shift_right_logical3A_1425 : vector<16xi32>
      %and3A_1427 = arith.constant 1 : i32
      %and3A_1428 = vector.broadcast %and3A_1427 : i32 to vector<16xi32>
      %and3A_1429 = arith.andi %shift_right_logical3A_1426, %and3A_1428 : vector<16xi32>
      %add3A_1430 = arith.constant 32767 : i32
      %add3A_1431 = vector.broadcast %add3A_1430 : i32 to vector<16xi32>
      %add3A_1432 = arith.addi %add3A_1431, %and3A_1429 : vector<16xi32>
      %add3A_1433 = arith.addi %bitcast3A, %add3A_1432 : vector<16xi32>
      %and3A_1434 = arith.constant -65536 : i32
      %and3A_1435 = vector.broadcast %and3A_1434 : i32 to vector<16xi32>
      %and3A_1436 = arith.andi %add3A_1433, %and3A_1435 : vector<16xi32>
      %bitcast3A_1437 = vector.bitcast %and3A_1436 : vector<16xi32> to vector<16xf32>
      %bitcast3A_1438 = vector.bitcast %broadcast_in_dim3A_1407 : vector<16xf32> to vector<16xi32>
      %shift_right_logical3A_1439 = arith.constant 16 : i32
      %shift_right_logical3A_1440 = vector.broadcast %shift_right_logical3A_1439 : i32 to vector<16xi32>
      %shift_right_logical3A_1441 = arith.shrui %bitcast3A_1438, %shift_right_logical3A_1440 : vector<16xi32>
      %and3A_1442 = arith.constant 1 : i32
      %and3A_1443 = vector.broadcast %and3A_1442 : i32 to vector<16xi32>
      %and3A_1444 = arith.andi %shift_right_logical3A_1441, %and3A_1443 : vector<16xi32>
      %add3A_1445 = arith.constant 32767 : i32
      %add3A_1446 = vector.broadcast %add3A_1445 : i32 to vector<16xi32>
      %add3A_1447 = arith.addi %add3A_1446, %and3A_1444 : vector<16xi32>
      %add3A_1448 = arith.addi %bitcast3A_1438, %add3A_1447 : vector<16xi32>
      %and3A_1449 = arith.constant -65536 : i32
      %and3A_1450 = vector.broadcast %and3A_1449 : i32 to vector<16xi32>
      %and3A_1451 = arith.andi %add3A_1448, %and3A_1450 : vector<16xi32>
      %bitcast3A_1452 = vector.bitcast %and3A_1451 : vector<16xi32> to vector<16xf32>
      %bitcast3A_1453 = vector.bitcast %broadcast_in_dim3A_1419 : vector<16xf32> to vector<16xi32>
      %shift_right_logical3A_1454 = arith.constant 16 : i32
      %shift_right_logical3A_1455 = vector.broadcast %shift_right_logical3A_1454 : i32 to vector<16xi32>
      %shift_right_logical3A_1456 = arith.shrui %bitcast3A_1453, %shift_right_logical3A_1455 : vector<16xi32>
      %and3A_1457 = arith.constant 1 : i32
      %and3A_1458 = vector.broadcast %and3A_1457 : i32 to vector<16xi32>
      %and3A_1459 = arith.andi %shift_right_logical3A_1456, %and3A_1458 : vector<16xi32>
      %add3A_1460 = arith.constant 32767 : i32
      %add3A_1461 = vector.broadcast %add3A_1460 : i32 to vector<16xi32>
      %add3A_1462 = arith.addi %add3A_1461, %and3A_1459 : vector<16xi32>
      %add3A_1463 = arith.addi %bitcast3A_1453, %add3A_1462 : vector<16xi32>
      %and3A_1464 = arith.constant -65536 : i32
      %and3A_1465 = vector.broadcast %and3A_1464 : i32 to vector<16xi32>
      %and3A_1466 = arith.andi %add3A_1463, %and3A_1465 : vector<16xi32>
      %bitcast3A_1467 = vector.bitcast %and3A_1466 : vector<16xi32> to vector<16xf32>
      %while3A = arith.constant 0 : i32
      %while3A_1468 = arith.constant 0 : i32
      %while3A_1469:2 = scf.while (%while3A_1572 = %while3A, %while3A_1573 = %while3A_1468) : (i32, i32) -> (i32, i32) {
        %lt3A_1574 = arith.constant 32 : i32
        %lt3A_1575 = arith.cmpi slt, %while3A_1572, %lt3A_1574 : i32
        %lt3A_1576 = arith.constant 256 : i32
        %lt3A_1577 = arith.cmpi slt, %while3A_1573, %lt3A_1576 : i32
        %and3A_1578 = arith.andi %lt3A_1575, %lt3A_1577 : i1
        scf.condition(%and3A_1578) %while3A_1572, %while3A_1573 : i32, i32
      } do {
      ^bb0(%while3A_1572: i32, %while3A_1573: i32):
        %mul3A_1574 = arith.constant 16 : i32
        %mul3A_1575 = arith.muli %while3A_1573, %mul3A_1574 : i32
        %get3A_1576 = arith.index_cast %mul3A_1575 : i32 to index
        %get3A_1577 = tpu.vector_load %arg14[%get3A_1576] {strides = array<i32>} : memref<4096xf32, #tpu.memory_space<vmem>>, vector<16xf32>,
        %get3A_1578 = arith.index_cast %mul3A_1575 : i32 to index
        %get3A_1579 = tpu.vector_load %arg15[%get3A_1578] {strides = array<i32>} : memref<4096xf32, #tpu.memory_space<vmem>>, vector<16xf32>,
        %get3A_1580 = arith.index_cast %mul3A_1575 : i32 to index
        %get3A_1581 = tpu.vector_load %arg16[%get3A_1580] {strides = array<i32>} : memref<4096xf32, #tpu.memory_space<vmem>>, vector<16xf32>,
        %get3A_1582 = arith.index_cast %mul3A_1575 : i32 to index
        %get3A_1583 = tpu.vector_load %arg17[%get3A_1582] {strides = array<i32>} : memref<4096xf32, #tpu.memory_space<vmem>>, vector<16xf32>,
        %mul3A_1584 = arith.mulf %bitcast3A_1437, %get3A_1577 : vector<16xf32>
        %mul3A_1585 = arith.mulf %bitcast3A_1452, %get3A_1579 : vector<16xf32>
        %add3A_1586 = arith.addf %mul3A_1584, %mul3A_1585 : vector<16xf32>
        %mul3A_1587 = arith.mulf %bitcast3A_1467, %get3A_1581 : vector<16xf32>
        %add3A_1588 = arith.addf %add3A_1586, %mul3A_1587 : vector<16xf32>
        %mul3A_1589 = arith.constant -2.000000e+00 : f32
        %mul3A_1590 = vector.broadcast %mul3A_1589 : f32 to vector<16xf32>
        %mul3A_1591 = arith.mulf %mul3A_1590, %add3A_1588 : vector<16xf32>
        %add3A_1592 = arith.addf %mul3A_1591, %add3A_1424 : vector<16xf32>
        %add3A_1593 = arith.addf %add3A_1592, %get3A_1583 : vector<16xf32>
        %le3A = arith.constant 1.600000e-01 : f32
        %le3A_1594 = vector.broadcast %le3A : f32 to vector<16xf32>
        %le3A_1595 = arith.cmpf ole, %add3A_1593, %le3A_1594 : vector<16xf32>
        %convert_element_type3A_1596 = arith.extui %le3A_1595 : vector<16xi1> to vector<16xi32>
        %cumsum3A = arith.constant true
        %cumsum3A_1597 = vector.broadcast %cumsum3A : i1 to vector<16xi1>
        %cumsum3A_1598 = tpu.scan <sum>, %convert_element_type3A_1596 masked %cumsum3A_1597 : vector<16xi32>, vector<16xi1> -> vector<16xi32>
        %add3A_1599 = vector.broadcast %while3A_1572 : i32 to vector<16xi32>
        %add3A_1600 = arith.addi %add3A_1599, %cumsum3A_1598 : vector<16xi32>
        %sub3A_1601 = arith.constant 1 : i32
        %sub3A_1602 = vector.broadcast %sub3A_1601 : i32 to vector<16xi32>
        %sub3A_1603 = arith.subi %add3A_1600, %sub3A_1602 : vector<16xi32>
        %add3A_1604 = vector.broadcast %mul3A_1575 : i32 to vector<16xi32>
        %add3A_1605 = arith.addi %add3A_1604, %iota3A : vector<16xi32>
        tpu.vector_store_idx %arg21[%sub3A_1603], %add3A_1605 masked %le3A_1595 : memref<48xi32, #tpu.memory_space<vmem>>[vector<16xi32>], vector<16xi32>, vector<16xi1>
        %reduce_sum3A_1606 = arith.constant true
        %reduce_sum3A_1607 = vector.broadcast %reduce_sum3A_1606 : i1 to vector<16xi1>
        %reduce_sum3A_1608 = tpu.scan <sum>, %convert_element_type3A_1596 masked %reduce_sum3A_1607 : vector<16xi32>, vector<16xi1> -> vector<16xi32>
        %reduce_sum3A_1609 = vector.extract %reduce_sum3A_1608[15] : i32 from vector<16xi32>
        %add3A_1610 = arith.addi %while3A_1572, %reduce_sum3A_1609 : i32
        %add3A_1611 = arith.constant 1 : i32
        %add3A_1612 = arith.addi %while3A_1573, %add3A_1611 : i32
        scf.yield %add3A_1610, %add3A_1612 : i32, i32
      }
      %get3A_1470 = arith.constant 0 : index
      %get3A_1471 = tpu.vector_load %arg21[%get3A_1470] {strides = array<i32>} : memref<48xi32, #tpu.memory_space<vmem>>, vector<16xi32>,
      %broadcast_in_dim3A_1472 = arith.constant 0 : i32
      %broadcast_in_dim3A_1473 = vector.broadcast %broadcast_in_dim3A_1472 : i32 to vector<16xi32>
      %eq3A_1474 = arith.constant 0 : i32
      %eq3A_1475 = vector.broadcast %eq3A_1474 : i32 to vector<16xi32>
      %eq3A_1476 = arith.cmpi eq, %iota3A, %eq3A_1475 : vector<16xi32>
      %select_n3A_1477 = arith.select %eq3A_1476, %get3A_1471, %broadcast_in_dim3A_1473 : vector<16xi1>, vector<16xi32>
      %reduce_sum3A_1478 = arith.constant true
      %reduce_sum3A_1479 = vector.broadcast %reduce_sum3A_1478 : i1 to vector<16xi1>
      %reduce_sum3A_1480 = tpu.scan <sum>, %select_n3A_1477 masked %reduce_sum3A_1479 : vector<16xi32>, vector<16xi1> -> vector<16xi32>
      %reduce_sum3A_1481 = vector.extract %reduce_sum3A_1480[15] : i32 from vector<16xi32>
      %broadcast_in_dim3A_1482 = vector.broadcast %reduce_sum3A_1481 : i32 to vector<16xi32>
      %lt3A_1483 = vector.broadcast %while3A_1469#0 : i32 to vector<16xi32>
      %lt3A_1484 = arith.cmpi slt, %iota3A, %lt3A_1483 : vector<16xi32>
      %get3A_1485 = arith.constant 0 : index
      %get3A_1486 = tpu.vector_load %arg21[%get3A_1485] {strides = array<i32>} : memref<48xi32, #tpu.memory_space<vmem>>, vector<16xi32>,
      %select_n3A_1487 = arith.select %lt3A_1484, %get3A_1486, %broadcast_in_dim3A_1482 : vector<16xi1>, vector<16xi32>
      %add3A_1488 = arith.constant 16 : i32
      %add3A_1489 = vector.broadcast %add3A_1488 : i32 to vector<16xi32>
      %add3A_1490 = arith.addi %iota3A, %add3A_1489 : vector<16xi32>
      %lt3A_1491 = vector.broadcast %while3A_1469#0 : i32 to vector<16xi32>
      %lt3A_1492 = arith.cmpi slt, %add3A_1490, %lt3A_1491 : vector<16xi32>
      %get3A_1493 = arith.constant 16 : index
      %get3A_1494 = tpu.vector_load %arg21[%get3A_1493] {strides = array<i32>} : memref<48xi32, #tpu.memory_space<vmem>>, vector<16xi32>,
      %select_n3A_1495 = arith.select %lt3A_1492, %get3A_1494, %broadcast_in_dim3A_1482 : vector<16xi1>, vector<16xi32>
      %add3A_1496 = vector.broadcast %mul3A_34 : i32 to vector<16xi32>
      %add3A_1497 = arith.addi %select_n3A_1487, %add3A_1496 : vector<16xi32>
      %mul3A_1498 = arith.constant 32 : i32
      %mul3A_1499 = arith.muli %scan3A_1343, %mul3A_1498 : i32
      %swap3A = arith.index_cast %mul3A_1499 : i32 to index
      %swap3A_1500 = tpu.vector_load %arg22[%swap3A] {strides = array<i32>} : memref<8192xi32, #tpu.memory_space<vmem>>, vector<16xi32>,
      tpu.vector_store %arg22[%swap3A], %add3A_1497 {strides = array<i32>} : memref<8192xi32, #tpu.memory_space<vmem>>, vector<16xi32>,
      %add3A_1501 = vector.broadcast %mul3A_34 : i32 to vector<16xi32>
      %add3A_1502 = arith.addi %select_n3A_1495, %add3A_1501 : vector<16xi32>
      %mul3A_1503 = arith.constant 32 : i32
      %mul3A_1504 = arith.muli %scan3A_1343, %mul3A_1503 : i32
      %add3A_1505 = arith.constant 16 : i32
      %add3A_1506 = arith.addi %mul3A_1504, %add3A_1505 : i32
      %swap3A_1507 = arith.index_cast %add3A_1506 : i32 to index
      %swap3A_1508 = tpu.vector_load %arg22[%swap3A_1507] {strides = array<i32>} : memref<8192xi32, #tpu.memory_space<vmem>>, vector<16xi32>,
      tpu.vector_store %arg22[%swap3A_1507], %add3A_1502 {strides = array<i32>} : memref<8192xi32, #tpu.memory_space<vmem>>, vector<16xi32>,
      %jit3A_1509 = arith.constant 8 : i32
      %eq3A_1510 = arith.constant 0 : i32
      %eq3A_1511 = arith.cmpi eq, %jit3A_1509, %eq3A_1510 : i32
      %jit3A_1512 = arith.constant 1 : i32
      %select_n3A_1513 = arith.select %eq3A_1511, %jit3A_1512, %jit3A_1509 : i32
      %rem3A_1514 = arith.remsi %scan3A_1343, %select_n3A_1513 : i32
      %ne3A_1515 = arith.constant 0 : i32
      %ne3A_1516 = arith.cmpi ne, %rem3A_1514, %ne3A_1515 : i32
      %lt3A_1517 = arith.constant 0 : i32
      %lt3A_1518 = arith.cmpi slt, %rem3A_1514, %lt3A_1517 : i32
      %lt3A_1519 = arith.constant 0 : i32
      %lt3A_1520 = arith.cmpi slt, %select_n3A_1513, %lt3A_1519 : i32
      %ne3A_1521 = arith.xori %lt3A_1518, %lt3A_1520 : i1
      %and3A_1522 = arith.andi %ne3A_1521, %ne3A_1516 : i1
      %add3A_1523 = arith.addi %rem3A_1514, %select_n3A_1513 : i32
      %select_n3A_1524 = arith.select %and3A_1522, %add3A_1523, %rem3A_1514 : i32
      %mul3A_1525 = arith.constant 32 : i32
      %mul3A_1526 = arith.muli %select_n3A_1524, %mul3A_1525 : i32
      %add3A_1527 = arith.constant 0 : i32
      %add3A_1528 = arith.addi %mul3A_1526, %add3A_1527 : i32
      %add3A_1529 = vector.broadcast %add3A_1528 : i32 to vector<16xi32>
      %add3A_1530 = arith.addi %add3A_1529, %iota3A : vector<16xi32>
      %gather3A = tpu.vector_load_idx %arg11[%select_n3A_1487] : memref<4096xf32, #tpu.memory_space<vmem>>[vector<16xi32>], vector<16xf32>,
      %broadcast_in_dim3A_1531 = arith.constant 0 : i32
      %broadcast_in_dim3A_1532 = vector.broadcast %broadcast_in_dim3A_1531 : i32 to vector<16xi32>
      tpu.vector_store_idx %arg23[%add3A_1530, %broadcast_in_dim3A_1532], %gather3A : memref<256x16xf32, #tpu.memory_space<vmem>>[vector<16xi32>, vector<16xi32>], vector<16xf32>,
      %gather3A_1533 = tpu.vector_load_idx %arg12[%select_n3A_1487] : memref<4096xf32, #tpu.memory_space<vmem>>[vector<16xi32>], vector<16xf32>,
      %broadcast_in_dim3A_1534 = arith.constant 1 : i32
      %broadcast_in_dim3A_1535 = vector.broadcast %broadcast_in_dim3A_1534 : i32 to vector<16xi32>
      tpu.vector_store_idx %arg23[%add3A_1530, %broadcast_in_dim3A_1535], %gather3A_1533 : memref<256x16xf32, #tpu.memory_space<vmem>>[vector<16xi32>, vector<16xi32>], vector<16xf32>,
      %gather3A_1536 = tpu.vector_load_idx %arg13[%select_n3A_1487] : memref<4096xf32, #tpu.memory_space<vmem>>[vector<16xi32>], vector<16xf32>,
      %broadcast_in_dim3A_1537 = arith.constant 2 : i32
      %broadcast_in_dim3A_1538 = vector.broadcast %broadcast_in_dim3A_1537 : i32 to vector<16xi32>
      tpu.vector_store_idx %arg23[%add3A_1530, %broadcast_in_dim3A_1538], %gather3A_1536 : memref<256x16xf32, #tpu.memory_space<vmem>>[vector<16xi32>, vector<16xi32>], vector<16xf32>,
      %add3A_1539 = arith.constant 16 : i32
      %add3A_1540 = arith.addi %mul3A_1526, %add3A_1539 : i32
      %add3A_1541 = vector.broadcast %add3A_1540 : i32 to vector<16xi32>
      %add3A_1542 = arith.addi %add3A_1541, %iota3A : vector<16xi32>
      %gather3A_1543 = tpu.vector_load_idx %arg11[%select_n3A_1495] : memref<4096xf32, #tpu.memory_space<vmem>>[vector<16xi32>], vector<16xf32>,
      %broadcast_in_dim3A_1544 = arith.constant 0 : i32
      %broadcast_in_dim3A_1545 = vector.broadcast %broadcast_in_dim3A_1544 : i32 to vector<16xi32>
      tpu.vector_store_idx %arg23[%add3A_1542, %broadcast_in_dim3A_1545], %gather3A_1543 : memref<256x16xf32, #tpu.memory_space<vmem>>[vector<16xi32>, vector<16xi32>], vector<16xf32>,
      %gather3A_1546 = tpu.vector_load_idx %arg12[%select_n3A_1495] : memref<4096xf32, #tpu.memory_space<vmem>>[vector<16xi32>], vector<16xf32>,
      %broadcast_in_dim3A_1547 = arith.constant 1 : i32
      %broadcast_in_dim3A_1548 = vector.broadcast %broadcast_in_dim3A_1547 : i32 to vector<16xi32>
      tpu.vector_store_idx %arg23[%add3A_1542, %broadcast_in_dim3A_1548], %gather3A_1546 : memref<256x16xf32, #tpu.memory_space<vmem>>[vector<16xi32>, vector<16xi32>], vector<16xf32>,
      %gather3A_1549 = tpu.vector_load_idx %arg13[%select_n3A_1495] : memref<4096xf32, #tpu.memory_space<vmem>>[vector<16xi32>], vector<16xf32>,
      %broadcast_in_dim3A_1550 = arith.constant 2 : i32
      %broadcast_in_dim3A_1551 = vector.broadcast %broadcast_in_dim3A_1550 : i32 to vector<16xi32>
      tpu.vector_store_idx %arg23[%add3A_1542, %broadcast_in_dim3A_1551], %gather3A_1549 : memref<256x16xf32, #tpu.memory_space<vmem>>[vector<16xi32>, vector<16xi32>], vector<16xf32>,
      %jit3A_1552 = arith.constant 8 : i32
      %eq3A_1553 = arith.constant 0 : i32
      %eq3A_1554 = arith.cmpi eq, %jit3A_1552, %eq3A_1553 : i32
      %jit3A_1555 = arith.constant 1 : i32
      %select_n3A_1556 = arith.select %eq3A_1554, %jit3A_1555, %jit3A_1552 : i32
      %rem3A_1557 = arith.remsi %scan3A_1343, %select_n3A_1556 : i32
      %ne3A_1558 = arith.constant 0 : i32
      %ne3A_1559 = arith.cmpi ne, %rem3A_1557, %ne3A_1558 : i32
      %lt3A_1560 = arith.constant 0 : i32
      %lt3A_1561 = arith.cmpi slt, %rem3A_1557, %lt3A_1560 : i32
      %lt3A_1562 = arith.constant 0 : i32
      %lt3A_1563 = arith.cmpi slt, %select_n3A_1556, %lt3A_1562 : i32
      %ne3A_1564 = arith.xori %lt3A_1561, %lt3A_1563 : i1
      %and3A_1565 = arith.andi %ne3A_1564, %ne3A_1559 : i1
      %add3A_1566 = arith.addi %rem3A_1557, %select_n3A_1556 : i32
      %select_n3A_1567 = arith.select %and3A_1565, %add3A_1566, %rem3A_1557 : i32
      %eq3A_1568 = arith.constant 7 : i32
      %eq3A_1569 = arith.cmpi eq, %select_n3A_1567, %eq3A_1568 : i32
      %convert_element_type3A = arith.extui %eq3A_1569 : i1 to i32
      %cond3A = arith.constant 0 : i32
      %cond3A_1570 = arith.cmpi ne, %convert_element_type3A, %cond3A : i32
      scf.if %cond3A_1570 {
        %mul3A_1572 = arith.constant 256 : i32
        %mul3A_1573 = arith.muli %add3A, %mul3A_1572 : i32
        %add3A_1574 = arith.addi %mul3A_1573, %scan3A_1343 : i32
        %sub3A_1575 = arith.constant 7 : i32
        %sub3A_1576 = arith.subi %add3A_1574, %sub3A_1575 : i32
        %mul3A_1577 = arith.constant 32 : i32
        %mul3A_1578 = arith.muli %sub3A_1576, %mul3A_1577 : i32
        "tpu.region"() ({
          %run_scoped3A = tpu.sem_alloc : memref<!tpu.dma_semaphore, #tpu.memory_space<semaphore_mem>>
          %dma_start3A_1579 = arith.constant 0 : i32
          %dma_start3A_1580 = tpu.memref_slice %arg10[%mul3A_1578, %dma_start3A_1579] : memref<262144x16xf32, #tpu.memory_space<hbm>> -> memref<256x16xf32, #tpu.memory_space<hbm>>
          %dma_start3A_1581 = arith.constant 0 : i32
          %dma_start3A_1582 = tpu.memref_slice %arg10[%mul3A_1578, %dma_start3A_1581] : memref<262144x16xf32, #tpu.memory_space<hbm>> -> memref<256x16xf32, #tpu.memory_space<hbm>>
          tpu.enqueue_dma source(%arg23 : memref<256x16xf32, #tpu.memory_space<vmem>>) target(%dma_start3A_1582 : memref<256x16xf32, #tpu.memory_space<hbm>>) target_semaphore(%run_scoped3A : memref<!tpu.dma_semaphore, #tpu.memory_space<semaphore_mem>>)
          %dma_wait3A_1583 = arith.constant 0 : i32
          %dma_wait3A_1584 = tpu.memref_slice %arg10[%mul3A_1578, %dma_wait3A_1583] : memref<262144x16xf32, #tpu.memory_space<hbm>> -> memref<256x16xf32, #tpu.memory_space<hbm>>
          %dma_wait3A_1585 = arith.constant 0 : i32
          %dma_wait3A_1586 = tpu.memref_slice %arg10[%mul3A_1578, %dma_wait3A_1585] : memref<262144x16xf32, #tpu.memory_space<hbm>> -> memref<256x16xf32, #tpu.memory_space<hbm>>
          tpu.wait_dma2 semaphore(%run_scoped3A : memref<!tpu.dma_semaphore, #tpu.memory_space<semaphore_mem>>) src(%arg23 : memref<256x16xf32, #tpu.memory_space<vmem>>) dst(%dma_wait3A_1586 : memref<256x16xf32, #tpu.memory_space<hbm>>)
          tpu.yield
        }) : () -> ()
      } else {
      }
      %scan3A_1571 = arith.constant 0 : i32
      scf.yield %scan3A_1571 : i32
    }
    %scan3A_62 = arith.constant 256 : i32
    %mul3A_63 = arith.constant 8192 : i32
    %mul3A_64 = arith.muli %add3A, %mul3A_63 : i32
    %dma_start3A = arith.constant 0 : i32
    %dma_start3A_65 = tpu.memref_slice %arg22[%dma_start3A] : memref<8192xi32, #tpu.memory_space<vmem>> -> memref<128xi32, #tpu.memory_space<vmem>>
    %dma_start3A_66 = arith.constant 0 : i32
    %dma_start3A_67 = arith.constant 0 : i32
    %dma_start3A_68 = tpu.memref_slice %arg8[%dma_start3A_66, %dma_start3A_67] : memref<32768x128xf32, #tpu.memory_space<hbm>> -> memref<32768x128xf32, #tpu.memory_space<hbm>>
    tpu.enqueue_indirect_dma source(%dma_start3A_68 : memref<32768x128xf32, #tpu.memory_space<hbm>>) target(%arg24 : memref<128x128xf32, #tpu.memory_space<vmem>>) offsets(%dma_start3A_65 : memref<128xi32, #tpu.memory_space<vmem>>) semaphore(%arg26 : memref<!tpu.dma_semaphore, #tpu.memory_space<semaphore_mem>>)
    %dma_start3A_69 = arith.constant 128 : i32
    %dma_start3A_70 = tpu.memref_slice %arg22[%dma_start3A_69] : memref<8192xi32, #tpu.memory_space<vmem>> -> memref<128xi32, #tpu.memory_space<vmem>>
    %dma_start3A_71 = arith.constant 0 : i32
    %dma_start3A_72 = arith.constant 0 : i32
    %dma_start3A_73 = tpu.memref_slice %arg8[%dma_start3A_71, %dma_start3A_72] : memref<32768x128xf32, #tpu.memory_space<hbm>> -> memref<32768x128xf32, #tpu.memory_space<hbm>>
    tpu.enqueue_indirect_dma source(%dma_start3A_73 : memref<32768x128xf32, #tpu.memory_space<hbm>>) target(%arg25 : memref<128x128xf32, #tpu.memory_space<vmem>>) offsets(%dma_start3A_70 : memref<128xi32, #tpu.memory_space<vmem>>) semaphore(%arg27 : memref<!tpu.dma_semaphore, #tpu.memory_space<semaphore_mem>>)
    %dma_wait3A = arith.constant 0 : i32
    %dma_wait3A_74 = tpu.memref_slice %arg22[%dma_wait3A] : memref<8192xi32, #tpu.memory_space<vmem>> -> memref<128xi32, #tpu.memory_space<vmem>>
    %dma_wait3A_75 = arith.constant 0 : i32
    %dma_wait3A_76 = arith.constant 0 : i32
    %dma_wait3A_77 = tpu.memref_slice %arg8[%dma_wait3A_75, %dma_wait3A_76] : memref<32768x128xf32, #tpu.memory_space<hbm>> -> memref<32768x128xf32, #tpu.memory_space<hbm>>
    tpu.wait_indirect_dma semaphore(%arg26 : memref<!tpu.dma_semaphore, #tpu.memory_space<semaphore_mem>>) src(%dma_wait3A_77 : memref<32768x128xf32, #tpu.memory_space<hbm>>) dst(%arg24 : memref<128x128xf32, #tpu.memory_space<vmem>>)
    %add3A_78 = arith.constant 0 : i32
    %add3A_79 = arith.addi %mul3A_64, %add3A_78 : i32
    %dma_start3A_80 = arith.constant 0 : i32
    %dma_start3A_81 = tpu.memref_slice %arg9[%add3A_79, %dma_start3A_80] : memref<262144x128xf32, #tpu.memory_space<hbm>> -> memref<128x128xf32, #tpu.memory_space<hbm>>
    %dma_start3A_82 = arith.constant 0 : i32
    %dma_start3A_83 = tpu.memref_slice %arg9[%add3A_79, %dma_start3A_82] : memref<262144x128xf32, #tpu.memory_space<hbm>> -> memref<128x128xf32, #tpu.memory_space<hbm>>
    tpu.enqueue_dma source(%arg24 : memref<128x128xf32, #tpu.memory_space<vmem>>) target(%dma_start3A_83 : memref<128x128xf32, #tpu.memory_space<hbm>>) target_semaphore(%arg28 : memref<!tpu.dma_semaphore, #tpu.memory_space<semaphore_mem>>)
    %dma_wait3A_84 = arith.constant 0 : i32
    %dma_wait3A_85 = tpu.memref_slice %arg9[%add3A_79, %dma_wait3A_84] : memref<262144x128xf32, #tpu.memory_space<hbm>> -> memref<128x128xf32, #tpu.memory_space<hbm>>
    %dma_wait3A_86 = arith.constant 0 : i32
    %dma_wait3A_87 = tpu.memref_slice %arg9[%add3A_79, %dma_wait3A_86] : memref<262144x128xf32, #tpu.memory_space<hbm>> -> memref<128x128xf32, #tpu.memory_space<hbm>>
    tpu.wait_dma2 semaphore(%arg28 : memref<!tpu.dma_semaphore, #tpu.memory_space<semaphore_mem>>) src(%arg24 : memref<128x128xf32, #tpu.memory_space<vmem>>) dst(%dma_wait3A_87 : memref<128x128xf32, #tpu.memory_space<hbm>>)
    %dma_start3A_88 = arith.constant 256 : i32
    %dma_start3A_89 = tpu.memref_slice %arg22[%dma_start3A_88] : memref<8192xi32, #tpu.memory_space<vmem>> -> memref<128xi32, #tpu.memory_space<vmem>>
    %dma_start3A_90 = arith.constant 0 : i32
    %dma_start3A_91 = arith.constant 0 : i32
    %dma_start3A_92 = tpu.memref_slice %arg8[%dma_start3A_90, %dma_start3A_91] : memref<32768x128xf32, #tpu.memory_space<hbm>> -> memref<32768x128xf32, #tpu.memory_space<hbm>>
    tpu.enqueue_indirect_dma source(%dma_start3A_92 : memref<32768x128xf32, #tpu.memory_space<hbm>>) target(%arg24 : memref<128x128xf32, #tpu.memory_space<vmem>>) offsets(%dma_start3A_89 : memref<128xi32, #tpu.memory_space<vmem>>) semaphore(%arg26 : memref<!tpu.dma_semaphore, #tpu.memory_space<semaphore_mem>>)
    %dma_wait3A_93 = arith.constant 128 : i32
    %dma_wait3A_94 = tpu.memref_slice %arg22[%dma_wait3A_93] : memref<8192xi32, #tpu.memory_space<vmem>> -> memref<128xi32, #tpu.memory_space<vmem>>
    %dma_wait3A_95 = arith.constant 0 : i32
    %dma_wait3A_96 = arith.constant 0 : i32
    %dma_wait3A_97 = tpu.memref_slice %arg8[%dma_wait3A_95, %dma_wait3A_96] : memref<32768x128xf32, #tpu.memory_space<hbm>> -> memref<32768x128xf32, #tpu.memory_space<hbm>>
    tpu.wait_indirect_dma semaphore(%arg27 : memref<!tpu.dma_semaphore, #tpu.memory_space<semaphore_mem>>) src(%dma_wait3A_97 : memref<32768x128xf32, #tpu.memory_space<hbm>>) dst(%arg25 : memref<128x128xf32, #tpu.memory_space<vmem>>)
    %add3A_98 = arith.constant 128 : i32
    %add3A_99 = arith.addi %mul3A_64, %add3A_98 : i32
    %dma_start3A_100 = arith.constant 0 : i32
    %dma_start3A_101 = tpu.memref_slice %arg9[%add3A_99, %dma_start3A_100] : memref<262144x128xf32, #tpu.memory_space<hbm>> -> memref<128x128xf32, #tpu.memory_space<hbm>>
    %dma_start3A_102 = arith.constant 0 : i32
    %dma_start3A_103 = tpu.memref_slice %arg9[%add3A_99, %dma_start3A_102] : memref<262144x128xf32, #tpu.memory_space<hbm>> -> memref<128x128xf32, #tpu.memory_space<hbm>>
    tpu.enqueue_dma source(%arg25 : memref<128x128xf32, #tpu.memory_space<vmem>>) target(%dma_start3A_103 : memref<128x128xf32, #tpu.memory_space<hbm>>) target_semaphore(%arg29 : memref<!tpu.dma_semaphore, #tpu.memory_space<semaphore_mem>>)
    %dma_wait3A_104 = arith.constant 0 : i32
    %dma_wait3A_105 = tpu.memref_slice %arg9[%add3A_99, %dma_wait3A_104] : memref<262144x128xf32, #tpu.memory_space<hbm>> -> memref<128x128xf32, #tpu.memory_space<hbm>>
    %dma_wait3A_106 = arith.constant 0 : i32
    %dma_wait3A_107 = tpu.memref_slice %arg9[%add3A_99, %dma_wait3A_106] : memref<262144x128xf32, #tpu.memory_space<hbm>> -> memref<128x128xf32, #tpu.memory_space<hbm>>
    tpu.wait_dma2 semaphore(%arg29 : memref<!tpu.dma_semaphore, #tpu.memory_space<semaphore_mem>>) src(%arg25 : memref<128x128xf32, #tpu.memory_space<vmem>>) dst(%dma_wait3A_107 : memref<128x128xf32, #tpu.memory_space<hbm>>)
    %dma_start3A_108 = arith.constant 384 : i32
    %dma_start3A_109 = tpu.memref_slice %arg22[%dma_start3A_108] : memref<8192xi32, #tpu.memory_space<vmem>> -> memref<128xi32, #tpu.memory_space<vmem>>
    %dma_start3A_110 = arith.constant 0 : i32
    %dma_start3A_111 = arith.constant 0 : i32
    %dma_start3A_112 = tpu.memref_slice %arg8[%dma_start3A_110, %dma_start3A_111] : memref<32768x128xf32, #tpu.memory_space<hbm>> -> memref<32768x128xf32, #tpu.memory_space<hbm>>
    tpu.enqueue_indirect_dma source(%dma_start3A_112 : memref<32768x128xf32, #tpu.memory_space<hbm>>) target(%arg25 : memref<128x128xf32, #tpu.memory_space<vmem>>) offsets(%dma_start3A_109 : memref<128xi32, #tpu.memory_space<vmem>>) semaphore(%arg27 : memref<!tpu.dma_semaphore, #tpu.memory_space<semaphore_mem>>)
    %dma_wait3A_113 = arith.constant 256 : i32
    %dma_wait3A_114 = tpu.memref_slice %arg22[%dma_wait3A_113] : memref<8192xi32, #tpu.memory_space<vmem>> -> memref<128xi32, #tpu.memory_space<vmem>>
    %dma_wait3A_115 = arith.constant 0 : i32
    %dma_wait3A_116 = arith.constant 0 : i32
    %dma_wait3A_117 = tpu.memref_slice %arg8[%dma_wait3A_115, %dma_wait3A_116] : memref<32768x128xf32, #tpu.memory_space<hbm>> -> memref<32768x128xf32, #tpu.memory_space<hbm>>
    tpu.wait_indirect_dma semaphore(%arg26 : memref<!tpu.dma_semaphore, #tpu.memory_space<semaphore_mem>>) src(%dma_wait3A_117 : memref<32768x128xf32, #tpu.memory_space<hbm>>) dst(%arg24 : memref<128x128xf32, #tpu.memory_space<vmem>>)
    %add3A_118 = arith.constant 256 : i32
    %add3A_119 = arith.addi %mul3A_64, %add3A_118 : i32
    %dma_start3A_120 = arith.constant 0 : i32
    %dma_start3A_121 = tpu.memref_slice %arg9[%add3A_119, %dma_start3A_120] : memref<262144x128xf32, #tpu.memory_space<hbm>> -> memref<128x128xf32, #tpu.memory_space<hbm>>
    %dma_start3A_122 = arith.constant 0 : i32
    %dma_start3A_123 = tpu.memref_slice %arg9[%add3A_119, %dma_start3A_122] : memref<262144x128xf32, #tpu.memory_space<hbm>> -> memref<128x128xf32, #tpu.memory_space<hbm>>
    tpu.enqueue_dma source(%arg24 : memref<128x128xf32, #tpu.memory_space<vmem>>) target(%dma_start3A_123 : memref<128x128xf32, #tpu.memory_space<hbm>>) target_semaphore(%arg28 : memref<!tpu.dma_semaphore, #tpu.memory_space<semaphore_mem>>)
    %dma_wait3A_124 = arith.constant 0 : i32
    %dma_wait3A_125 = tpu.memref_slice %arg9[%add3A_119, %dma_wait3A_124] : memref<262144x128xf32, #tpu.memory_space<hbm>> -> memref<128x128xf32, #tpu.memory_space<hbm>>
    %dma_wait3A_126 = arith.constant 0 : i32
    %dma_wait3A_127 = tpu.memref_slice %arg9[%add3A_119, %dma_wait3A_126] : memref<262144x128xf32, #tpu.memory_space<hbm>> -> memref<128x128xf32, #tpu.memory_space<hbm>>
    tpu.wait_dma2 semaphore(%arg28 : memref<!tpu.dma_semaphore, #tpu.memory_space<semaphore_mem>>) src(%arg24 : memref<128x128xf32, #tpu.memory_space<vmem>>) dst(%dma_wait3A_127 : memref<128x128xf32, #tpu.memory_space<hbm>>)
    %dma_start3A_128 = arith.constant 512 : i32
    %dma_start3A_129 = tpu.memref_slice %arg22[%dma_start3A_128] : memref<8192xi32, #tpu.memory_space<vmem>> -> memref<128xi32, #tpu.memory_space<vmem>>
    %dma_start3A_130 = arith.constant 0 : i32
    %dma_start3A_131 = arith.constant 0 : i32
    %dma_start3A_132 = tpu.memref_slice %arg8[%dma_start3A_130, %dma_start3A_131] : memref<32768x128xf32, #tpu.memory_space<hbm>> -> memref<32768x128xf32, #tpu.memory_space<hbm>>
    tpu.enqueue_indirect_dma source(%dma_start3A_132 : memref<32768x128xf32, #tpu.memory_space<hbm>>) target(%arg24 : memref<128x128xf32, #tpu.memory_space<vmem>>) offsets(%dma_start3A_129 : memref<128xi32, #tpu.memory_space<vmem>>) semaphore(%arg26 : memref<!tpu.dma_semaphore, #tpu.memory_space<semaphore_mem>>)
    %dma_wait3A_133 = arith.constant 384 : i32
    %dma_wait3A_134 = tpu.memref_slice %arg22[%dma_wait3A_133] : memref<8192xi32, #tpu.memory_space<vmem>> -> memref<128xi32, #tpu.memory_space<vmem>>
    %dma_wait3A_135 = arith.constant 0 : i32
    %dma_wait3A_136 = arith.constant 0 : i32
    %dma_wait3A_137 = tpu.memref_slice %arg8[%dma_wait3A_135, %dma_wait3A_136] : memref<32768x128xf32, #tpu.memory_space<hbm>> -> memref<32768x128xf32, #tpu.memory_space<hbm>>
    tpu.wait_indirect_dma semaphore(%arg27 : memref<!tpu.dma_semaphore, #tpu.memory_space<semaphore_mem>>) src(%dma_wait3A_137 : memref<32768x128xf32, #tpu.memory_space<hbm>>) dst(%arg25 : memref<128x128xf32, #tpu.memory_space<vmem>>)
    %add3A_138 = arith.constant 384 : i32
    %add3A_139 = arith.addi %mul3A_64, %add3A_138 : i32
    %dma_start3A_140 = arith.constant 0 : i32
    %dma_start3A_141 = tpu.memref_slice %arg9[%add3A_139, %dma_start3A_140] : memref<262144x128xf32, #tpu.memory_space<hbm>> -> memref<128x128xf32, #tpu.memory_space<hbm>>
    %dma_start3A_142 = arith.constant 0 : i32
    %dma_start3A_143 = tpu.memref_slice %arg9[%add3A_139, %dma_start3A_142] : memref<262144x128xf32, #tpu.memory_space<hbm>> -> memref<128x128xf32, #tpu.memory_space<hbm>>
    tpu.enqueue_dma source(%arg25 : memref<128x128xf32, #tpu.memory_space<vmem>>) target(%dma_start3A_143 : memref<128x128xf32, #tpu.memory_space<hbm>>) target_semaphore(%arg29 : memref<!tpu.dma_semaphore, #tpu.memory_space<semaphore_mem>>)
    %dma_wait3A_144 = arith.constant 0 : i32
    %dma_wait3A_145 = tpu.memref_slice %arg9[%add3A_139, %dma_wait3A_144] : memref<262144x128xf32, #tpu.memory_space<hbm>> -> memref<128x128xf32, #tpu.memory_space<hbm>>
    %dma_wait3A_146 = arith.constant 0 : i32
    %dma_wait3A_147 = tpu.memref_slice %arg9[%add3A_139, %dma_wait3A_146] : memref<262144x128xf32, #tpu.memory_space<hbm>> -> memref<128x128xf32, #tpu.memory_space<hbm>>
    tpu.wait_dma2 semaphore(%arg29 : memref<!tpu.dma_semaphore, #tpu.memory_space<semaphore_mem>>) src(%arg25 : memref<128x128xf32, #tpu.memory_space<vmem>>) dst(%dma_wait3A_147 : memref<128x128xf32, #tpu.memory_space<hbm>>)
    %dma_start3A_148 = arith.constant 640 : i32
    %dma_start3A_149 = tpu.memref_slice %arg22[%dma_start3A_148] : memref<8192xi32, #tpu.memory_space<vmem>> -> memref<128xi32, #tpu.memory_space<vmem>>
    %dma_start3A_150 = arith.constant 0 : i32
    %dma_start3A_151 = arith.constant 0 : i32
    %dma_start3A_152 = tpu.memref_slice %arg8[%dma_start3A_150, %dma_start3A_151] : memref<32768x128xf32, #tpu.memory_space<hbm>> -> memref<32768x128xf32, #tpu.memory_space<hbm>>
    tpu.enqueue_indirect_dma source(%dma_start3A_152 : memref<32768x128xf32, #tpu.memory_space<hbm>>) target(%arg25 : memref<128x128xf32, #tpu.memory_space<vmem>>) offsets(%dma_start3A_149 : memref<128xi32, #tpu.memory_space<vmem>>) semaphore(%arg27 : memref<!tpu.dma_semaphore, #tpu.memory_space<semaphore_mem>>)
    %dma_wait3A_153 = arith.constant 512 : i32
    %dma_wait3A_154 = tpu.memref_slice %arg22[%dma_wait3A_153] : memref<8192xi32, #tpu.memory_space<vmem>> -> memref<128xi32, #tpu.memory_space<vmem>>
    %dma_wait3A_155 = arith.constant 0 : i32
    %dma_wait3A_156 = arith.constant 0 : i32
    %dma_wait3A_157 = tpu.memref_slice %arg8[%dma_wait3A_155, %dma_wait3A_156] : memref<32768x128xf32, #tpu.memory_space<hbm>> -> memref<32768x128xf32, #tpu.memory_space<hbm>>
    tpu.wait_indirect_dma semaphore(%arg26 : memref<!tpu.dma_semaphore, #tpu.memory_space<semaphore_mem>>) src(%dma_wait3A_157 : memref<32768x128xf32, #tpu.memory_space<hbm>>) dst(%arg24 : memref<128x128xf32, #tpu.memory_space<vmem>>)
    %add3A_158 = arith.constant 512 : i32
    %add3A_159 = arith.addi %mul3A_64, %add3A_158 : i32
    %dma_start3A_160 = arith.constant 0 : i32
    %dma_start3A_161 = tpu.memref_slice %arg9[%add3A_159, %dma_start3A_160] : memref<262144x128xf32, #tpu.memory_space<hbm>> -> memref<128x128xf32, #tpu.memory_space<hbm>>
    %dma_start3A_162 = arith.constant 0 : i32
    %dma_start3A_163 = tpu.memref_slice %arg9[%add3A_159, %dma_start3A_162] : memref<262144x128xf32, #tpu.memory_space<hbm>> -> memref<128x128xf32, #tpu.memory_space<hbm>>
    tpu.enqueue_dma source(%arg24 : memref<128x128xf32, #tpu.memory_space<vmem>>) target(%dma_start3A_163 : memref<128x128xf32, #tpu.memory_space<hbm>>) target_semaphore(%arg28 : memref<!tpu.dma_semaphore, #tpu.memory_space<semaphore_mem>>)
    %dma_wait3A_164 = arith.constant 0 : i32
    %dma_wait3A_165 = tpu.memref_slice %arg9[%add3A_159, %dma_wait3A_164] : memref<262144x128xf32, #tpu.memory_space<hbm>> -> memref<128x128xf32, #tpu.memory_space<hbm>>
    %dma_wait3A_166 = arith.constant 0 : i32
    %dma_wait3A_167 = tpu.memref_slice %arg9[%add3A_159, %dma_wait3A_166] : memref<262144x128xf32, #tpu.memory_space<hbm>> -> memref<128x128xf32, #tpu.memory_space<hbm>>
    tpu.wait_dma2 semaphore(%arg28 : memref<!tpu.dma_semaphore, #tpu.memory_space<semaphore_mem>>) src(%arg24 : memref<128x128xf32, #tpu.memory_space<vmem>>) dst(%dma_wait3A_167 : memref<128x128xf32, #tpu.memory_space<hbm>>)
    %dma_start3A_168 = arith.constant 768 : i32
    %dma_start3A_169 = tpu.memref_slice %arg22[%dma_start3A_168] : memref<8192xi32, #tpu.memory_space<vmem>> -> memref<128xi32, #tpu.memory_space<vmem>>
    %dma_start3A_170 = arith.constant 0 : i32
    %dma_start3A_171 = arith.constant 0 : i32
    %dma_start3A_172 = tpu.memref_slice %arg8[%dma_start3A_170, %dma_start3A_171] : memref<32768x128xf32, #tpu.memory_space<hbm>> -> memref<32768x128xf32, #tpu.memory_space<hbm>>
    tpu.enqueue_indirect_dma source(%dma_start3A_172 : memref<32768x128xf32, #tpu.memory_space<hbm>>) target(%arg24 : memref<128x128xf32, #tpu.memory_space<vmem>>) offsets(%dma_start3A_169 : memref<128xi32, #tpu.memory_space<vmem>>) semaphore(%arg26 : memref<!tpu.dma_semaphore, #tpu.memory_space<semaphore_mem>>)
    %dma_wait3A_173 = arith.constant 640 : i32
    %dma_wait3A_174 = tpu.memref_slice %arg22[%dma_wait3A_173] : memref<8192xi32, #tpu.memory_space<vmem>> -> memref<128xi32, #tpu.memory_space<vmem>>
    %dma_wait3A_175 = arith.constant 0 : i32
    %dma_wait3A_176 = arith.constant 0 : i32
    %dma_wait3A_177 = tpu.memref_slice %arg8[%dma_wait3A_175, %dma_wait3A_176] : memref<32768x128xf32, #tpu.memory_space<hbm>> -> memref<32768x128xf32, #tpu.memory_space<hbm>>
    tpu.wait_indirect_dma semaphore(%arg27 : memref<!tpu.dma_semaphore, #tpu.memory_space<semaphore_mem>>) src(%dma_wait3A_177 : memref<32768x128xf32, #tpu.memory_space<hbm>>) dst(%arg25 : memref<128x128xf32, #tpu.memory_space<vmem>>)
    %add3A_178 = arith.constant 640 : i32
    %add3A_179 = arith.addi %mul3A_64, %add3A_178 : i32
    %dma_start3A_180 = arith.constant 0 : i32
    %dma_start3A_181 = tpu.memref_slice %arg9[%add3A_179, %dma_start3A_180] : memref<262144x128xf32, #tpu.memory_space<hbm>> -> memref<128x128xf32, #tpu.memory_space<hbm>>
    %dma_start3A_182 = arith.constant 0 : i32
    %dma_start3A_183 = tpu.memref_slice %arg9[%add3A_179, %dma_start3A_182] : memref<262144x128xf32, #tpu.memory_space<hbm>> -> memref<128x128xf32, #tpu.memory_space<hbm>>
    tpu.enqueue_dma source(%arg25 : memref<128x128xf32, #tpu.memory_space<vmem>>) target(%dma_start3A_183 : memref<128x128xf32, #tpu.memory_space<hbm>>) target_semaphore(%arg29 : memref<!tpu.dma_semaphore, #tpu.memory_space<semaphore_mem>>)
    %dma_wait3A_184 = arith.constant 0 : i32
    %dma_wait3A_185 = tpu.memref_slice %arg9[%add3A_179, %dma_wait3A_184] : memref<262144x128xf32, #tpu.memory_space<hbm>> -> memref<128x128xf32, #tpu.memory_space<hbm>>
    %dma_wait3A_186 = arith.constant 0 : i32
    %dma_wait3A_187 = tpu.memref_slice %arg9[%add3A_179, %dma_wait3A_186] : memref<262144x128xf32, #tpu.memory_space<hbm>> -> memref<128x128xf32, #tpu.memory_space<hbm>>
    tpu.wait_dma2 semaphore(%arg29 : memref<!tpu.dma_semaphore, #tpu.memory_space<semaphore_mem>>) src(%arg25 : memref<128x128xf32, #tpu.memory_space<vmem>>) dst(%dma_wait3A_187 : memref<128x128xf32, #tpu.memory_space<hbm>>)
    %dma_start3A_188 = arith.constant 896 : i32
    %dma_start3A_189 = tpu.memref_slice %arg22[%dma_start3A_188] : memref<8192xi32, #tpu.memory_space<vmem>> -> memref<128xi32, #tpu.memory_space<vmem>>
    %dma_start3A_190 = arith.constant 0 : i32
    %dma_start3A_191 = arith.constant 0 : i32
    %dma_start3A_192 = tpu.memref_slice %arg8[%dma_start3A_190, %dma_start3A_191] : memref<32768x128xf32, #tpu.memory_space<hbm>> -> memref<32768x128xf32, #tpu.memory_space<hbm>>
    tpu.enqueue_indirect_dma source(%dma_start3A_192 : memref<32768x128xf32, #tpu.memory_space<hbm>>) target(%arg25 : memref<128x128xf32, #tpu.memory_space<vmem>>) offsets(%dma_start3A_189 : memref<128xi32, #tpu.memory_space<vmem>>) semaphore(%arg27 : memref<!tpu.dma_semaphore, #tpu.memory_space<semaphore_mem>>)
    %dma_wait3A_193 = arith.constant 768 : i32
    %dma_wait3A_194 = tpu.memref_slice %arg22[%dma_wait3A_193] : memref<8192xi32, #tpu.memory_space<vmem>> -> memref<128xi32, #tpu.memory_space<vmem>>
    %dma_wait3A_195 = arith.constant 0 : i32
    %dma_wait3A_196 = arith.constant 0 : i32
    %dma_wait3A_197 = tpu.memref_slice %arg8[%dma_wait3A_195, %dma_wait3A_196] : memref<32768x128xf32, #tpu.memory_space<hbm>> -> memref<32768x128xf32, #tpu.memory_space<hbm>>
    tpu.wait_indirect_dma semaphore(%arg26 : memref<!tpu.dma_semaphore, #tpu.memory_space<semaphore_mem>>) src(%dma_wait3A_197 : memref<32768x128xf32, #tpu.memory_space<hbm>>) dst(%arg24 : memref<128x128xf32, #tpu.memory_space<vmem>>)
    %add3A_198 = arith.constant 768 : i32
    %add3A_199 = arith.addi %mul3A_64, %add3A_198 : i32
    %dma_start3A_200 = arith.constant 0 : i32
    %dma_start3A_201 = tpu.memref_slice %arg9[%add3A_199, %dma_start3A_200] : memref<262144x128xf32, #tpu.memory_space<hbm>> -> memref<128x128xf32, #tpu.memory_space<hbm>>
    %dma_start3A_202 = arith.constant 0 : i32
    %dma_start3A_203 = tpu.memref_slice %arg9[%add3A_199, %dma_start3A_202] : memref<262144x128xf32, #tpu.memory_space<hbm>> -> memref<128x128xf32, #tpu.memory_space<hbm>>
    tpu.enqueue_dma source(%arg24 : memref<128x128xf32, #tpu.memory_space<vmem>>) target(%dma_start3A_203 : memref<128x128xf32, #tpu.memory_space<hbm>>) target_semaphore(%arg28 : memref<!tpu.dma_semaphore, #tpu.memory_space<semaphore_mem>>)
    %dma_wait3A_204 = arith.constant 0 : i32
    %dma_wait3A_205 = tpu.memref_slice %arg9[%add3A_199, %dma_wait3A_204] : memref<262144x128xf32, #tpu.memory_space<hbm>> -> memref<128x128xf32, #tpu.memory_space<hbm>>
    %dma_wait3A_206 = arith.constant 0 : i32
    %dma_wait3A_207 = tpu.memref_slice %arg9[%add3A_199, %dma_wait3A_206] : memref<262144x128xf32, #tpu.memory_space<hbm>> -> memref<128x128xf32, #tpu.memory_space<hbm>>
    tpu.wait_dma2 semaphore(%arg28 : memref<!tpu.dma_semaphore, #tpu.memory_space<semaphore_mem>>) src(%arg24 : memref<128x128xf32, #tpu.memory_space<vmem>>) dst(%dma_wait3A_207 : memref<128x128xf32, #tpu.memory_space<hbm>>)
    %dma_start3A_208 = arith.constant 1024 : i32
    %dma_start3A_209 = tpu.memref_slice %arg22[%dma_start3A_208] : memref<8192xi32, #tpu.memory_space<vmem>> -> memref<128xi32, #tpu.memory_space<vmem>>
    %dma_start3A_210 = arith.constant 0 : i32
    %dma_start3A_211 = arith.constant 0 : i32
    %dma_start3A_212 = tpu.memref_slice %arg8[%dma_start3A_210, %dma_start3A_211] : memref<32768x128xf32, #tpu.memory_space<hbm>> -> memref<32768x128xf32, #tpu.memory_space<hbm>>
    tpu.enqueue_indirect_dma source(%dma_start3A_212 : memref<32768x128xf32, #tpu.memory_space<hbm>>) target(%arg24 : memref<128x128xf32, #tpu.memory_space<vmem>>) offsets(%dma_start3A_209 : memref<128xi32, #tpu.memory_space<vmem>>) semaphore(%arg26 : memref<!tpu.dma_semaphore, #tpu.memory_space<semaphore_mem>>)
    %dma_wait3A_213 = arith.constant 896 : i32
    %dma_wait3A_214 = tpu.memref_slice %arg22[%dma_wait3A_213] : memref<8192xi32, #tpu.memory_space<vmem>> -> memref<128xi32, #tpu.memory_space<vmem>>
    %dma_wait3A_215 = arith.constant 0 : i32
    %dma_wait3A_216 = arith.constant 0 : i32
    %dma_wait3A_217 = tpu.memref_slice %arg8[%dma_wait3A_215, %dma_wait3A_216] : memref<32768x128xf32, #tpu.memory_space<hbm>> -> memref<32768x128xf32, #tpu.memory_space<hbm>>
    tpu.wait_indirect_dma semaphore(%arg27 : memref<!tpu.dma_semaphore, #tpu.memory_space<semaphore_mem>>) src(%dma_wait3A_217 : memref<32768x128xf32, #tpu.memory_space<hbm>>) dst(%arg25 : memref<128x128xf32, #tpu.memory_space<vmem>>)
    %add3A_218 = arith.constant 896 : i32
    %add3A_219 = arith.addi %mul3A_64, %add3A_218 : i32
    %dma_start3A_220 = arith.constant 0 : i32
    %dma_start3A_221 = tpu.memref_slice %arg9[%add3A_219, %dma_start3A_220] : memref<262144x128xf32, #tpu.memory_space<hbm>> -> memref<128x128xf32, #tpu.memory_space<hbm>>
    %dma_start3A_222 = arith.constant 0 : i32
    %dma_start3A_223 = tpu.memref_slice %arg9[%add3A_219, %dma_start3A_222] : memref<262144x128xf32, #tpu.memory_space<hbm>> -> memref<128x128xf32, #tpu.memory_space<hbm>>
    tpu.enqueue_dma source(%arg25 : memref<128x128xf32, #tpu.memory_space<vmem>>) target(%dma_start3A_223 : memref<128x128xf32, #tpu.memory_space<hbm>>) target_semaphore(%arg29 : memref<!tpu.dma_semaphore, #tpu.memory_space<semaphore_mem>>)
    %dma_wait3A_224 = arith.constant 0 : i32
    %dma_wait3A_225 = tpu.memref_slice %arg9[%add3A_219, %dma_wait3A_224] : memref<262144x128xf32, #tpu.memory_space<hbm>> -> memref<128x128xf32, #tpu.memory_space<hbm>>
    %dma_wait3A_226 = arith.constant 0 : i32
    %dma_wait3A_227 = tpu.memref_slice %arg9[%add3A_219, %dma_wait3A_226] : memref<262144x128xf32, #tpu.memory_space<hbm>> -> memref<128x128xf32, #tpu.memory_space<hbm>>
    tpu.wait_dma2 semaphore(%arg29 : memref<!tpu.dma_semaphore, #tpu.memory_space<semaphore_mem>>) src(%arg25 : memref<128x128xf32, #tpu.memory_space<vmem>>) dst(%dma_wait3A_227 : memref<128x128xf32, #tpu.memory_space<hbm>>)
    %dma_start3A_228 = arith.constant 1152 : i32
    %dma_start3A_229 = tpu.memref_slice %arg22[%dma_start3A_228] : memref<8192xi32, #tpu.memory_space<vmem>> -> memref<128xi32, #tpu.memory_space<vmem>>
    %dma_start3A_230 = arith.constant 0 : i32
    %dma_start3A_231 = arith.constant 0 : i32
    %dma_start3A_232 = tpu.memref_slice %arg8[%dma_start3A_230, %dma_start3A_231] : memref<32768x128xf32, #tpu.memory_space<hbm>> -> memref<32768x128xf32, #tpu.memory_space<hbm>>
    tpu.enqueue_indirect_dma source(%dma_start3A_232 : memref<32768x128xf32, #tpu.memory_space<hbm>>) target(%arg25 : memref<128x128xf32, #tpu.memory_space<vmem>>) offsets(%dma_start3A_229 : memref<128xi32, #tpu.memory_space<vmem>>) semaphore(%arg27 : memref<!tpu.dma_semaphore, #tpu.memory_space<semaphore_mem>>)
    %dma_wait3A_233 = arith.constant 1024 : i32
    %dma_wait3A_234 = tpu.memref_slice %arg22[%dma_wait3A_233] : memref<8192xi32, #tpu.memory_space<vmem>> -> memref<128xi32, #tpu.memory_space<vmem>>
    %dma_wait3A_235 = arith.constant 0 : i32
    %dma_wait3A_236 = arith.constant 0 : i32
    %dma_wait3A_237 = tpu.memref_slice %arg8[%dma_wait3A_235, %dma_wait3A_236] : memref<32768x128xf32, #tpu.memory_space<hbm>> -> memref<32768x128xf32, #tpu.memory_space<hbm>>
    tpu.wait_indirect_dma semaphore(%arg26 : memref<!tpu.dma_semaphore, #tpu.memory_space<semaphore_mem>>) src(%dma_wait3A_237 : memref<32768x128xf32, #tpu.memory_space<hbm>>) dst(%arg24 : memref<128x128xf32, #tpu.memory_space<vmem>>)
    %add3A_238 = arith.constant 1024 : i32
    %add3A_239 = arith.addi %mul3A_64, %add3A_238 : i32
    %dma_start3A_240 = arith.constant 0 : i32
    %dma_start3A_241 = tpu.memref_slice %arg9[%add3A_239, %dma_start3A_240] : memref<262144x128xf32, #tpu.memory_space<hbm>> -> memref<128x128xf32, #tpu.memory_space<hbm>>
    %dma_start3A_242 = arith.constant 0 : i32
    %dma_start3A_243 = tpu.memref_slice %arg9[%add3A_239, %dma_start3A_242] : memref<262144x128xf32, #tpu.memory_space<hbm>> -> memref<128x128xf32, #tpu.memory_space<hbm>>
    tpu.enqueue_dma source(%arg24 : memref<128x128xf32, #tpu.memory_space<vmem>>) target(%dma_start3A_243 : memref<128x128xf32, #tpu.memory_space<hbm>>) target_semaphore(%arg28 : memref<!tpu.dma_semaphore, #tpu.memory_space<semaphore_mem>>)
    %dma_wait3A_244 = arith.constant 0 : i32
    %dma_wait3A_245 = tpu.memref_slice %arg9[%add3A_239, %dma_wait3A_244] : memref<262144x128xf32, #tpu.memory_space<hbm>> -> memref<128x128xf32, #tpu.memory_space<hbm>>
    %dma_wait3A_246 = arith.constant 0 : i32
    %dma_wait3A_247 = tpu.memref_slice %arg9[%add3A_239, %dma_wait3A_246] : memref<262144x128xf32, #tpu.memory_space<hbm>> -> memref<128x128xf32, #tpu.memory_space<hbm>>
    tpu.wait_dma2 semaphore(%arg28 : memref<!tpu.dma_semaphore, #tpu.memory_space<semaphore_mem>>) src(%arg24 : memref<128x128xf32, #tpu.memory_space<vmem>>) dst(%dma_wait3A_247 : memref<128x128xf32, #tpu.memory_space<hbm>>)
    %dma_start3A_248 = arith.constant 1280 : i32
    %dma_start3A_249 = tpu.memref_slice %arg22[%dma_start3A_248] : memref<8192xi32, #tpu.memory_space<vmem>> -> memref<128xi32, #tpu.memory_space<vmem>>
    %dma_start3A_250 = arith.constant 0 : i32
    %dma_start3A_251 = arith.constant 0 : i32
    %dma_start3A_252 = tpu.memref_slice %arg8[%dma_start3A_250, %dma_start3A_251] : memref<32768x128xf32, #tpu.memory_space<hbm>> -> memref<32768x128xf32, #tpu.memory_space<hbm>>
    tpu.enqueue_indirect_dma source(%dma_start3A_252 : memref<32768x128xf32, #tpu.memory_space<hbm>>) target(%arg24 : memref<128x128xf32, #tpu.memory_space<vmem>>) offsets(%dma_start3A_249 : memref<128xi32, #tpu.memory_space<vmem>>) semaphore(%arg26 : memref<!tpu.dma_semaphore, #tpu.memory_space<semaphore_mem>>)
    %dma_wait3A_253 = arith.constant 1152 : i32
    %dma_wait3A_254 = tpu.memref_slice %arg22[%dma_wait3A_253] : memref<8192xi32, #tpu.memory_space<vmem>> -> memref<128xi32, #tpu.memory_space<vmem>>
    %dma_wait3A_255 = arith.constant 0 : i32
    %dma_wait3A_256 = arith.constant 0 : i32
    %dma_wait3A_257 = tpu.memref_slice %arg8[%dma_wait3A_255, %dma_wait3A_256] : memref<32768x128xf32, #tpu.memory_space<hbm>> -> memref<32768x128xf32, #tpu.memory_space<hbm>>
    tpu.wait_indirect_dma semaphore(%arg27 : memref<!tpu.dma_semaphore, #tpu.memory_space<semaphore_mem>>) src(%dma_wait3A_257 : memref<32768x128xf32, #tpu.memory_space<hbm>>) dst(%arg25 : memref<128x128xf32, #tpu.memory_space<vmem>>)
    %add3A_258 = arith.constant 1152 : i32
    %add3A_259 = arith.addi %mul3A_64, %add3A_258 : i32
    %dma_start3A_260 = arith.constant 0 : i32
    %dma_start3A_261 = tpu.memref_slice %arg9[%add3A_259, %dma_start3A_260] : memref<262144x128xf32, #tpu.memory_space<hbm>> -> memref<128x128xf32, #tpu.memory_space<hbm>>
    %dma_start3A_262 = arith.constant 0 : i32
    %dma_start3A_263 = tpu.memref_slice %arg9[%add3A_259, %dma_start3A_262] : memref<262144x128xf32, #tpu.memory_space<hbm>> -> memref<128x128xf32, #tpu.memory_space<hbm>>
    tpu.enqueue_dma source(%arg25 : memref<128x128xf32, #tpu.memory_space<vmem>>) target(%dma_start3A_263 : memref<128x128xf32, #tpu.memory_space<hbm>>) target_semaphore(%arg29 : memref<!tpu.dma_semaphore, #tpu.memory_space<semaphore_mem>>)
    %dma_wait3A_264 = arith.constant 0 : i32
    %dma_wait3A_265 = tpu.memref_slice %arg9[%add3A_259, %dma_wait3A_264] : memref<262144x128xf32, #tpu.memory_space<hbm>> -> memref<128x128xf32, #tpu.memory_space<hbm>>
    %dma_wait3A_266 = arith.constant 0 : i32
    %dma_wait3A_267 = tpu.memref_slice %arg9[%add3A_259, %dma_wait3A_266] : memref<262144x128xf32, #tpu.memory_space<hbm>> -> memref<128x128xf32, #tpu.memory_space<hbm>>
    tpu.wait_dma2 semaphore(%arg29 : memref<!tpu.dma_semaphore, #tpu.memory_space<semaphore_mem>>) src(%arg25 : memref<128x128xf32, #tpu.memory_space<vmem>>) dst(%dma_wait3A_267 : memref<128x128xf32, #tpu.memory_space<hbm>>)
    %dma_start3A_268 = arith.constant 1408 : i32
    %dma_start3A_269 = tpu.memref_slice %arg22[%dma_start3A_268] : memref<8192xi32, #tpu.memory_space<vmem>> -> memref<128xi32, #tpu.memory_space<vmem>>
    %dma_start3A_270 = arith.constant 0 : i32
    %dma_start3A_271 = arith.constant 0 : i32
    %dma_start3A_272 = tpu.memref_slice %arg8[%dma_start3A_270, %dma_start3A_271] : memref<32768x128xf32, #tpu.memory_space<hbm>> -> memref<32768x128xf32, #tpu.memory_space<hbm>>
    tpu.enqueue_indirect_dma source(%dma_start3A_272 : memref<32768x128xf32, #tpu.memory_space<hbm>>) target(%arg25 : memref<128x128xf32, #tpu.memory_space<vmem>>) offsets(%dma_start3A_269 : memref<128xi32, #tpu.memory_space<vmem>>) semaphore(%arg27 : memref<!tpu.dma_semaphore, #tpu.memory_space<semaphore_mem>>)
    %dma_wait3A_273 = arith.constant 1280 : i32
    %dma_wait3A_274 = tpu.memref_slice %arg22[%dma_wait3A_273] : memref<8192xi32, #tpu.memory_space<vmem>> -> memref<128xi32, #tpu.memory_space<vmem>>
    %dma_wait3A_275 = arith.constant 0 : i32
    %dma_wait3A_276 = arith.constant 0 : i32
    %dma_wait3A_277 = tpu.memref_slice %arg8[%dma_wait3A_275, %dma_wait3A_276] : memref<32768x128xf32, #tpu.memory_space<hbm>> -> memref<32768x128xf32, #tpu.memory_space<hbm>>
    tpu.wait_indirect_dma semaphore(%arg26 : memref<!tpu.dma_semaphore, #tpu.memory_space<semaphore_mem>>) src(%dma_wait3A_277 : memref<32768x128xf32, #tpu.memory_space<hbm>>) dst(%arg24 : memref<128x128xf32, #tpu.memory_space<vmem>>)
    %add3A_278 = arith.constant 1280 : i32
    %add3A_279 = arith.addi %mul3A_64, %add3A_278 : i32
    %dma_start3A_280 = arith.constant 0 : i32
    %dma_start3A_281 = tpu.memref_slice %arg9[%add3A_279, %dma_start3A_280] : memref<262144x128xf32, #tpu.memory_space<hbm>> -> memref<128x128xf32, #tpu.memory_space<hbm>>
    %dma_start3A_282 = arith.constant 0 : i32
    %dma_start3A_283 = tpu.memref_slice %arg9[%add3A_279, %dma_start3A_282] : memref<262144x128xf32, #tpu.memory_space<hbm>> -> memref<128x128xf32, #tpu.memory_space<hbm>>
    tpu.enqueue_dma source(%arg24 : memref<128x128xf32, #tpu.memory_space<vmem>>) target(%dma_start3A_283 : memref<128x128xf32, #tpu.memory_space<hbm>>) target_semaphore(%arg28 : memref<!tpu.dma_semaphore, #tpu.memory_space<semaphore_mem>>)
    %dma_wait3A_284 = arith.constant 0 : i32
    %dma_wait3A_285 = tpu.memref_slice %arg9[%add3A_279, %dma_wait3A_284] : memref<262144x128xf32, #tpu.memory_space<hbm>> -> memref<128x128xf32, #tpu.memory_space<hbm>>
    %dma_wait3A_286 = arith.constant 0 : i32
    %dma_wait3A_287 = tpu.memref_slice %arg9[%add3A_279, %dma_wait3A_286] : memref<262144x128xf32, #tpu.memory_space<hbm>> -> memref<128x128xf32, #tpu.memory_space<hbm>>
    tpu.wait_dma2 semaphore(%arg28 : memref<!tpu.dma_semaphore, #tpu.memory_space<semaphore_mem>>) src(%arg24 : memref<128x128xf32, #tpu.memory_space<vmem>>) dst(%dma_wait3A_287 : memref<128x128xf32, #tpu.memory_space<hbm>>)
    %dma_start3A_288 = arith.constant 1536 : i32
    %dma_start3A_289 = tpu.memref_slice %arg22[%dma_start3A_288] : memref<8192xi32, #tpu.memory_space<vmem>> -> memref<128xi32, #tpu.memory_space<vmem>>
    %dma_start3A_290 = arith.constant 0 : i32
    %dma_start3A_291 = arith.constant 0 : i32
    %dma_start3A_292 = tpu.memref_slice %arg8[%dma_start3A_290, %dma_start3A_291] : memref<32768x128xf32, #tpu.memory_space<hbm>> -> memref<32768x128xf32, #tpu.memory_space<hbm>>
    tpu.enqueue_indirect_dma source(%dma_start3A_292 : memref<32768x128xf32, #tpu.memory_space<hbm>>) target(%arg24 : memref<128x128xf32, #tpu.memory_space<vmem>>) offsets(%dma_start3A_289 : memref<128xi32, #tpu.memory_space<vmem>>) semaphore(%arg26 : memref<!tpu.dma_semaphore, #tpu.memory_space<semaphore_mem>>)
    %dma_wait3A_293 = arith.constant 1408 : i32
    %dma_wait3A_294 = tpu.memref_slice %arg22[%dma_wait3A_293] : memref<8192xi32, #tpu.memory_space<vmem>> -> memref<128xi32, #tpu.memory_space<vmem>>
    %dma_wait3A_295 = arith.constant 0 : i32
    %dma_wait3A_296 = arith.constant 0 : i32
    %dma_wait3A_297 = tpu.memref_slice %arg8[%dma_wait3A_295, %dma_wait3A_296] : memref<32768x128xf32, #tpu.memory_space<hbm>> -> memref<32768x128xf32, #tpu.memory_space<hbm>>
    tpu.wait_indirect_dma semaphore(%arg27 : memref<!tpu.dma_semaphore, #tpu.memory_space<semaphore_mem>>) src(%dma_wait3A_297 : memref<32768x128xf32, #tpu.memory_space<hbm>>) dst(%arg25 : memref<128x128xf32, #tpu.memory_space<vmem>>)
    %add3A_298 = arith.constant 1408 : i32
    %add3A_299 = arith.addi %mul3A_64, %add3A_298 : i32
    %dma_start3A_300 = arith.constant 0 : i32
    %dma_start3A_301 = tpu.memref_slice %arg9[%add3A_299, %dma_start3A_300] : memref<262144x128xf32, #tpu.memory_space<hbm>> -> memref<128x128xf32, #tpu.memory_space<hbm>>
    %dma_start3A_302 = arith.constant 0 : i32
    %dma_start3A_303 = tpu.memref_slice %arg9[%add3A_299, %dma_start3A_302] : memref<262144x128xf32, #tpu.memory_space<hbm>> -> memref<128x128xf32, #tpu.memory_space<hbm>>
    tpu.enqueue_dma source(%arg25 : memref<128x128xf32, #tpu.memory_space<vmem>>) target(%dma_start3A_303 : memref<128x128xf32, #tpu.memory_space<hbm>>) target_semaphore(%arg29 : memref<!tpu.dma_semaphore, #tpu.memory_space<semaphore_mem>>)
    %dma_wait3A_304 = arith.constant 0 : i32
    %dma_wait3A_305 = tpu.memref_slice %arg9[%add3A_299, %dma_wait3A_304] : memref<262144x128xf32, #tpu.memory_space<hbm>> -> memref<128x128xf32, #tpu.memory_space<hbm>>
    %dma_wait3A_306 = arith.constant 0 : i32
    %dma_wait3A_307 = tpu.memref_slice %arg9[%add3A_299, %dma_wait3A_306] : memref<262144x128xf32, #tpu.memory_space<hbm>> -> memref<128x128xf32, #tpu.memory_space<hbm>>
    tpu.wait_dma2 semaphore(%arg29 : memref<!tpu.dma_semaphore, #tpu.memory_space<semaphore_mem>>) src(%arg25 : memref<128x128xf32, #tpu.memory_space<vmem>>) dst(%dma_wait3A_307 : memref<128x128xf32, #tpu.memory_space<hbm>>)
    %dma_start3A_308 = arith.constant 1664 : i32
    %dma_start3A_309 = tpu.memref_slice %arg22[%dma_start3A_308] : memref<8192xi32, #tpu.memory_space<vmem>> -> memref<128xi32, #tpu.memory_space<vmem>>
    %dma_start3A_310 = arith.constant 0 : i32
    %dma_start3A_311 = arith.constant 0 : i32
    %dma_start3A_312 = tpu.memref_slice %arg8[%dma_start3A_310, %dma_start3A_311] : memref<32768x128xf32, #tpu.memory_space<hbm>> -> memref<32768x128xf32, #tpu.memory_space<hbm>>
    tpu.enqueue_indirect_dma source(%dma_start3A_312 : memref<32768x128xf32, #tpu.memory_space<hbm>>) target(%arg25 : memref<128x128xf32, #tpu.memory_space<vmem>>) offsets(%dma_start3A_309 : memref<128xi32, #tpu.memory_space<vmem>>) semaphore(%arg27 : memref<!tpu.dma_semaphore, #tpu.memory_space<semaphore_mem>>)
    %dma_wait3A_313 = arith.constant 1536 : i32
    %dma_wait3A_314 = tpu.memref_slice %arg22[%dma_wait3A_313] : memref<8192xi32, #tpu.memory_space<vmem>> -> memref<128xi32, #tpu.memory_space<vmem>>
    %dma_wait3A_315 = arith.constant 0 : i32
    %dma_wait3A_316 = arith.constant 0 : i32
    %dma_wait3A_317 = tpu.memref_slice %arg8[%dma_wait3A_315, %dma_wait3A_316] : memref<32768x128xf32, #tpu.memory_space<hbm>> -> memref<32768x128xf32, #tpu.memory_space<hbm>>
    tpu.wait_indirect_dma semaphore(%arg26 : memref<!tpu.dma_semaphore, #tpu.memory_space<semaphore_mem>>) src(%dma_wait3A_317 : memref<32768x128xf32, #tpu.memory_space<hbm>>) dst(%arg24 : memref<128x128xf32, #tpu.memory_space<vmem>>)
    %add3A_318 = arith.constant 1536 : i32
    %add3A_319 = arith.addi %mul3A_64, %add3A_318 : i32
    %dma_start3A_320 = arith.constant 0 : i32
    %dma_start3A_321 = tpu.memref_slice %arg9[%add3A_319, %dma_start3A_320] : memref<262144x128xf32, #tpu.memory_space<hbm>> -> memref<128x128xf32, #tpu.memory_space<hbm>>
    %dma_start3A_322 = arith.constant 0 : i32
    %dma_start3A_323 = tpu.memref_slice %arg9[%add3A_319, %dma_start3A_322] : memref<262144x128xf32, #tpu.memory_space<hbm>> -> memref<128x128xf32, #tpu.memory_space<hbm>>
    tpu.enqueue_dma source(%arg24 : memref<128x128xf32, #tpu.memory_space<vmem>>) target(%dma_start3A_323 : memref<128x128xf32, #tpu.memory_space<hbm>>) target_semaphore(%arg28 : memref<!tpu.dma_semaphore, #tpu.memory_space<semaphore_mem>>)
    %dma_wait3A_324 = arith.constant 0 : i32
    %dma_wait3A_325 = tpu.memref_slice %arg9[%add3A_319, %dma_wait3A_324] : memref<262144x128xf32, #tpu.memory_space<hbm>> -> memref<128x128xf32, #tpu.memory_space<hbm>>
    %dma_wait3A_326 = arith.constant 0 : i32
    %dma_wait3A_327 = tpu.memref_slice %arg9[%add3A_319, %dma_wait3A_326] : memref<262144x128xf32, #tpu.memory_space<hbm>> -> memref<128x128xf32, #tpu.memory_space<hbm>>
    tpu.wait_dma2 semaphore(%arg28 : memref<!tpu.dma_semaphore, #tpu.memory_space<semaphore_mem>>) src(%arg24 : memref<128x128xf32, #tpu.memory_space<vmem>>) dst(%dma_wait3A_327 : memref<128x128xf32, #tpu.memory_space<hbm>>)
    %dma_start3A_328 = arith.constant 1792 : i32
    %dma_start3A_329 = tpu.memref_slice %arg22[%dma_start3A_328] : memref<8192xi32, #tpu.memory_space<vmem>> -> memref<128xi32, #tpu.memory_space<vmem>>
    %dma_start3A_330 = arith.constant 0 : i32
    %dma_start3A_331 = arith.constant 0 : i32
    %dma_start3A_332 = tpu.memref_slice %arg8[%dma_start3A_330, %dma_start3A_331] : memref<32768x128xf32, #tpu.memory_space<hbm>> -> memref<32768x128xf32, #tpu.memory_space<hbm>>
    tpu.enqueue_indirect_dma source(%dma_start3A_332 : memref<32768x128xf32, #tpu.memory_space<hbm>>) target(%arg24 : memref<128x128xf32, #tpu.memory_space<vmem>>) offsets(%dma_start3A_329 : memref<128xi32, #tpu.memory_space<vmem>>) semaphore(%arg26 : memref<!tpu.dma_semaphore, #tpu.memory_space<semaphore_mem>>)
    %dma_wait3A_333 = arith.constant 1664 : i32
    %dma_wait3A_334 = tpu.memref_slice %arg22[%dma_wait3A_333] : memref<8192xi32, #tpu.memory_space<vmem>> -> memref<128xi32, #tpu.memory_space<vmem>>
    %dma_wait3A_335 = arith.constant 0 : i32
    %dma_wait3A_336 = arith.constant 0 : i32
    %dma_wait3A_337 = tpu.memref_slice %arg8[%dma_wait3A_335, %dma_wait3A_336] : memref<32768x128xf32, #tpu.memory_space<hbm>> -> memref<32768x128xf32, #tpu.memory_space<hbm>>
    tpu.wait_indirect_dma semaphore(%arg27 : memref<!tpu.dma_semaphore, #tpu.memory_space<semaphore_mem>>) src(%dma_wait3A_337 : memref<32768x128xf32, #tpu.memory_space<hbm>>) dst(%arg25 : memref<128x128xf32, #tpu.memory_space<vmem>>)
    %add3A_338 = arith.constant 1664 : i32
    %add3A_339 = arith.addi %mul3A_64, %add3A_338 : i32
    %dma_start3A_340 = arith.constant 0 : i32
    %dma_start3A_341 = tpu.memref_slice %arg9[%add3A_339, %dma_start3A_340] : memref<262144x128xf32, #tpu.memory_space<hbm>> -> memref<128x128xf32, #tpu.memory_space<hbm>>
    %dma_start3A_342 = arith.constant 0 : i32
    %dma_start3A_343 = tpu.memref_slice %arg9[%add3A_339, %dma_start3A_342] : memref<262144x128xf32, #tpu.memory_space<hbm>> -> memref<128x128xf32, #tpu.memory_space<hbm>>
    tpu.enqueue_dma source(%arg25 : memref<128x128xf32, #tpu.memory_space<vmem>>) target(%dma_start3A_343 : memref<128x128xf32, #tpu.memory_space<hbm>>) target_semaphore(%arg29 : memref<!tpu.dma_semaphore, #tpu.memory_space<semaphore_mem>>)
    %dma_wait3A_344 = arith.constant 0 : i32
    %dma_wait3A_345 = tpu.memref_slice %arg9[%add3A_339, %dma_wait3A_344] : memref<262144x128xf32, #tpu.memory_space<hbm>> -> memref<128x128xf32, #tpu.memory_space<hbm>>
    %dma_wait3A_346 = arith.constant 0 : i32
    %dma_wait3A_347 = tpu.memref_slice %arg9[%add3A_339, %dma_wait3A_346] : memref<262144x128xf32, #tpu.memory_space<hbm>> -> memref<128x128xf32, #tpu.memory_space<hbm>>
    tpu.wait_dma2 semaphore(%arg29 : memref<!tpu.dma_semaphore, #tpu.memory_space<semaphore_mem>>) src(%arg25 : memref<128x128xf32, #tpu.memory_space<vmem>>) dst(%dma_wait3A_347 : memref<128x128xf32, #tpu.memory_space<hbm>>)
    %dma_start3A_348 = arith.constant 1920 : i32
    %dma_start3A_349 = tpu.memref_slice %arg22[%dma_start3A_348] : memref<8192xi32, #tpu.memory_space<vmem>> -> memref<128xi32, #tpu.memory_space<vmem>>
    %dma_start3A_350 = arith.constant 0 : i32
    %dma_start3A_351 = arith.constant 0 : i32
    %dma_start3A_352 = tpu.memref_slice %arg8[%dma_start3A_350, %dma_start3A_351] : memref<32768x128xf32, #tpu.memory_space<hbm>> -> memref<32768x128xf32, #tpu.memory_space<hbm>>
    tpu.enqueue_indirect_dma source(%dma_start3A_352 : memref<32768x128xf32, #tpu.memory_space<hbm>>) target(%arg25 : memref<128x128xf32, #tpu.memory_space<vmem>>) offsets(%dma_start3A_349 : memref<128xi32, #tpu.memory_space<vmem>>) semaphore(%arg27 : memref<!tpu.dma_semaphore, #tpu.memory_space<semaphore_mem>>)
    %dma_wait3A_353 = arith.constant 1792 : i32
    %dma_wait3A_354 = tpu.memref_slice %arg22[%dma_wait3A_353] : memref<8192xi32, #tpu.memory_space<vmem>> -> memref<128xi32, #tpu.memory_space<vmem>>
    %dma_wait3A_355 = arith.constant 0 : i32
    %dma_wait3A_356 = arith.constant 0 : i32
    %dma_wait3A_357 = tpu.memref_slice %arg8[%dma_wait3A_355, %dma_wait3A_356] : memref<32768x128xf32, #tpu.memory_space<hbm>> -> memref<32768x128xf32, #tpu.memory_space<hbm>>
    tpu.wait_indirect_dma semaphore(%arg26 : memref<!tpu.dma_semaphore, #tpu.memory_space<semaphore_mem>>) src(%dma_wait3A_357 : memref<32768x128xf32, #tpu.memory_space<hbm>>) dst(%arg24 : memref<128x128xf32, #tpu.memory_space<vmem>>)
    %add3A_358 = arith.constant 1792 : i32
    %add3A_359 = arith.addi %mul3A_64, %add3A_358 : i32
    %dma_start3A_360 = arith.constant 0 : i32
    %dma_start3A_361 = tpu.memref_slice %arg9[%add3A_359, %dma_start3A_360] : memref<262144x128xf32, #tpu.memory_space<hbm>> -> memref<128x128xf32, #tpu.memory_space<hbm>>
    %dma_start3A_362 = arith.constant 0 : i32
    %dma_start3A_363 = tpu.memref_slice %arg9[%add3A_359, %dma_start3A_362] : memref<262144x128xf32, #tpu.memory_space<hbm>> -> memref<128x128xf32, #tpu.memory_space<hbm>>
    tpu.enqueue_dma source(%arg24 : memref<128x128xf32, #tpu.memory_space<vmem>>) target(%dma_start3A_363 : memref<128x128xf32, #tpu.memory_space<hbm>>) target_semaphore(%arg28 : memref<!tpu.dma_semaphore, #tpu.memory_space<semaphore_mem>>)
    %dma_wait3A_364 = arith.constant 0 : i32
    %dma_wait3A_365 = tpu.memref_slice %arg9[%add3A_359, %dma_wait3A_364] : memref<262144x128xf32, #tpu.memory_space<hbm>> -> memref<128x128xf32, #tpu.memory_space<hbm>>
    %dma_wait3A_366 = arith.constant 0 : i32
    %dma_wait3A_367 = tpu.memref_slice %arg9[%add3A_359, %dma_wait3A_366] : memref<262144x128xf32, #tpu.memory_space<hbm>> -> memref<128x128xf32, #tpu.memory_space<hbm>>
    tpu.wait_dma2 semaphore(%arg28 : memref<!tpu.dma_semaphore, #tpu.memory_space<semaphore_mem>>) src(%arg24 : memref<128x128xf32, #tpu.memory_space<vmem>>) dst(%dma_wait3A_367 : memref<128x128xf32, #tpu.memory_space<hbm>>)
    %dma_start3A_368 = arith.constant 2048 : i32
    %dma_start3A_369 = tpu.memref_slice %arg22[%dma_start3A_368] : memref<8192xi32, #tpu.memory_space<vmem>> -> memref<128xi32, #tpu.memory_space<vmem>>
    %dma_start3A_370 = arith.constant 0 : i32
    %dma_start3A_371 = arith.constant 0 : i32
    %dma_start3A_372 = tpu.memref_slice %arg8[%dma_start3A_370, %dma_start3A_371] : memref<32768x128xf32, #tpu.memory_space<hbm>> -> memref<32768x128xf32, #tpu.memory_space<hbm>>
    tpu.enqueue_indirect_dma source(%dma_start3A_372 : memref<32768x128xf32, #tpu.memory_space<hbm>>) target(%arg24 : memref<128x128xf32, #tpu.memory_space<vmem>>) offsets(%dma_start3A_369 : memref<128xi32, #tpu.memory_space<vmem>>) semaphore(%arg26 : memref<!tpu.dma_semaphore, #tpu.memory_space<semaphore_mem>>)
    %dma_wait3A_373 = arith.constant 1920 : i32
    %dma_wait3A_374 = tpu.memref_slice %arg22[%dma_wait3A_373] : memref<8192xi32, #tpu.memory_space<vmem>> -> memref<128xi32, #tpu.memory_space<vmem>>
    %dma_wait3A_375 = arith.constant 0 : i32
    %dma_wait3A_376 = arith.constant 0 : i32
    %dma_wait3A_377 = tpu.memref_slice %arg8[%dma_wait3A_375, %dma_wait3A_376] : memref<32768x128xf32, #tpu.memory_space<hbm>> -> memref<32768x128xf32, #tpu.memory_space<hbm>>
    tpu.wait_indirect_dma semaphore(%arg27 : memref<!tpu.dma_semaphore, #tpu.memory_space<semaphore_mem>>) src(%dma_wait3A_377 : memref<32768x128xf32, #tpu.memory_space<hbm>>) dst(%arg25 : memref<128x128xf32, #tpu.memory_space<vmem>>)
    %add3A_378 = arith.constant 1920 : i32
    %add3A_379 = arith.addi %mul3A_64, %add3A_378 : i32
    %dma_start3A_380 = arith.constant 0 : i32
    %dma_start3A_381 = tpu.memref_slice %arg9[%add3A_379, %dma_start3A_380] : memref<262144x128xf32, #tpu.memory_space<hbm>> -> memref<128x128xf32, #tpu.memory_space<hbm>>
    %dma_start3A_382 = arith.constant 0 : i32
    %dma_start3A_383 = tpu.memref_slice %arg9[%add3A_379, %dma_start3A_382] : memref<262144x128xf32, #tpu.memory_space<hbm>> -> memref<128x128xf32, #tpu.memory_space<hbm>>
    tpu.enqueue_dma source(%arg25 : memref<128x128xf32, #tpu.memory_space<vmem>>) target(%dma_start3A_383 : memref<128x128xf32, #tpu.memory_space<hbm>>) target_semaphore(%arg29 : memref<!tpu.dma_semaphore, #tpu.memory_space<semaphore_mem>>)
    %dma_wait3A_384 = arith.constant 0 : i32
    %dma_wait3A_385 = tpu.memref_slice %arg9[%add3A_379, %dma_wait3A_384] : memref<262144x128xf32, #tpu.memory_space<hbm>> -> memref<128x128xf32, #tpu.memory_space<hbm>>
    %dma_wait3A_386 = arith.constant 0 : i32
    %dma_wait3A_387 = tpu.memref_slice %arg9[%add3A_379, %dma_wait3A_386] : memref<262144x128xf32, #tpu.memory_space<hbm>> -> memref<128x128xf32, #tpu.memory_space<hbm>>
    tpu.wait_dma2 semaphore(%arg29 : memref<!tpu.dma_semaphore, #tpu.memory_space<semaphore_mem>>) src(%arg25 : memref<128x128xf32, #tpu.memory_space<vmem>>) dst(%dma_wait3A_387 : memref<128x128xf32, #tpu.memory_space<hbm>>)
    %dma_start3A_388 = arith.constant 2176 : i32
    %dma_start3A_389 = tpu.memref_slice %arg22[%dma_start3A_388] : memref<8192xi32, #tpu.memory_space<vmem>> -> memref<128xi32, #tpu.memory_space<vmem>>
    %dma_start3A_390 = arith.constant 0 : i32
    %dma_start3A_391 = arith.constant 0 : i32
    %dma_start3A_392 = tpu.memref_slice %arg8[%dma_start3A_390, %dma_start3A_391] : memref<32768x128xf32, #tpu.memory_space<hbm>> -> memref<32768x128xf32, #tpu.memory_space<hbm>>
    tpu.enqueue_indirect_dma source(%dma_start3A_392 : memref<32768x128xf32, #tpu.memory_space<hbm>>) target(%arg25 : memref<128x128xf32, #tpu.memory_space<vmem>>) offsets(%dma_start3A_389 : memref<128xi32, #tpu.memory_space<vmem>>) semaphore(%arg27 : memref<!tpu.dma_semaphore, #tpu.memory_space<semaphore_mem>>)
    %dma_wait3A_393 = arith.constant 2048 : i32
    %dma_wait3A_394 = tpu.memref_slice %arg22[%dma_wait3A_393] : memref<8192xi32, #tpu.memory_space<vmem>> -> memref<128xi32, #tpu.memory_space<vmem>>
    %dma_wait3A_395 = arith.constant 0 : i32
    %dma_wait3A_396 = arith.constant 0 : i32
    %dma_wait3A_397 = tpu.memref_slice %arg8[%dma_wait3A_395, %dma_wait3A_396] : memref<32768x128xf32, #tpu.memory_space<hbm>> -> memref<32768x128xf32, #tpu.memory_space<hbm>>
    tpu.wait_indirect_dma semaphore(%arg26 : memref<!tpu.dma_semaphore, #tpu.memory_space<semaphore_mem>>) src(%dma_wait3A_397 : memref<32768x128xf32, #tpu.memory_space<hbm>>) dst(%arg24 : memref<128x128xf32, #tpu.memory_space<vmem>>)
    %add3A_398 = arith.constant 2048 : i32
    %add3A_399 = arith.addi %mul3A_64, %add3A_398 : i32
    %dma_start3A_400 = arith.constant 0 : i32
    %dma_start3A_401 = tpu.memref_slice %arg9[%add3A_399, %dma_start3A_400] : memref<262144x128xf32, #tpu.memory_space<hbm>> -> memref<128x128xf32, #tpu.memory_space<hbm>>
    %dma_start3A_402 = arith.constant 0 : i32
    %dma_start3A_403 = tpu.memref_slice %arg9[%add3A_399, %dma_start3A_402] : memref<262144x128xf32, #tpu.memory_space<hbm>> -> memref<128x128xf32, #tpu.memory_space<hbm>>
    tpu.enqueue_dma source(%arg24 : memref<128x128xf32, #tpu.memory_space<vmem>>) target(%dma_start3A_403 : memref<128x128xf32, #tpu.memory_space<hbm>>) target_semaphore(%arg28 : memref<!tpu.dma_semaphore, #tpu.memory_space<semaphore_mem>>)
    %dma_wait3A_404 = arith.constant 0 : i32
    %dma_wait3A_405 = tpu.memref_slice %arg9[%add3A_399, %dma_wait3A_404] : memref<262144x128xf32, #tpu.memory_space<hbm>> -> memref<128x128xf32, #tpu.memory_space<hbm>>
    %dma_wait3A_406 = arith.constant 0 : i32
    %dma_wait3A_407 = tpu.memref_slice %arg9[%add3A_399, %dma_wait3A_406] : memref<262144x128xf32, #tpu.memory_space<hbm>> -> memref<128x128xf32, #tpu.memory_space<hbm>>
    tpu.wait_dma2 semaphore(%arg28 : memref<!tpu.dma_semaphore, #tpu.memory_space<semaphore_mem>>) src(%arg24 : memref<128x128xf32, #tpu.memory_space<vmem>>) dst(%dma_wait3A_407 : memref<128x128xf32, #tpu.memory_space<hbm>>)
    %dma_start3A_408 = arith.constant 2304 : i32
    %dma_start3A_409 = tpu.memref_slice %arg22[%dma_start3A_408] : memref<8192xi32, #tpu.memory_space<vmem>> -> memref<128xi32, #tpu.memory_space<vmem>>
    %dma_start3A_410 = arith.constant 0 : i32
    %dma_start3A_411 = arith.constant 0 : i32
    %dma_start3A_412 = tpu.memref_slice %arg8[%dma_start3A_410, %dma_start3A_411] : memref<32768x128xf32, #tpu.memory_space<hbm>> -> memref<32768x128xf32, #tpu.memory_space<hbm>>
    tpu.enqueue_indirect_dma source(%dma_start3A_412 : memref<32768x128xf32, #tpu.memory_space<hbm>>) target(%arg24 : memref<128x128xf32, #tpu.memory_space<vmem>>) offsets(%dma_start3A_409 : memref<128xi32, #tpu.memory_space<vmem>>) semaphore(%arg26 : memref<!tpu.dma_semaphore, #tpu.memory_space<semaphore_mem>>)
    %dma_wait3A_413 = arith.constant 2176 : i32
    %dma_wait3A_414 = tpu.memref_slice %arg22[%dma_wait3A_413] : memref<8192xi32, #tpu.memory_space<vmem>> -> memref<128xi32, #tpu.memory_space<vmem>>
    %dma_wait3A_415 = arith.constant 0 : i32
    %dma_wait3A_416 = arith.constant 0 : i32
    %dma_wait3A_417 = tpu.memref_slice %arg8[%dma_wait3A_415, %dma_wait3A_416] : memref<32768x128xf32, #tpu.memory_space<hbm>> -> memref<32768x128xf32, #tpu.memory_space<hbm>>
    tpu.wait_indirect_dma semaphore(%arg27 : memref<!tpu.dma_semaphore, #tpu.memory_space<semaphore_mem>>) src(%dma_wait3A_417 : memref<32768x128xf32, #tpu.memory_space<hbm>>) dst(%arg25 : memref<128x128xf32, #tpu.memory_space<vmem>>)
    %add3A_418 = arith.constant 2176 : i32
    %add3A_419 = arith.addi %mul3A_64, %add3A_418 : i32
    %dma_start3A_420 = arith.constant 0 : i32
    %dma_start3A_421 = tpu.memref_slice %arg9[%add3A_419, %dma_start3A_420] : memref<262144x128xf32, #tpu.memory_space<hbm>> -> memref<128x128xf32, #tpu.memory_space<hbm>>
    %dma_start3A_422 = arith.constant 0 : i32
    %dma_start3A_423 = tpu.memref_slice %arg9[%add3A_419, %dma_start3A_422] : memref<262144x128xf32, #tpu.memory_space<hbm>> -> memref<128x128xf32, #tpu.memory_space<hbm>>
    tpu.enqueue_dma source(%arg25 : memref<128x128xf32, #tpu.memory_space<vmem>>) target(%dma_start3A_423 : memref<128x128xf32, #tpu.memory_space<hbm>>) target_semaphore(%arg29 : memref<!tpu.dma_semaphore, #tpu.memory_space<semaphore_mem>>)
    %dma_wait3A_424 = arith.constant 0 : i32
    %dma_wait3A_425 = tpu.memref_slice %arg9[%add3A_419, %dma_wait3A_424] : memref<262144x128xf32, #tpu.memory_space<hbm>> -> memref<128x128xf32, #tpu.memory_space<hbm>>
    %dma_wait3A_426 = arith.constant 0 : i32
    %dma_wait3A_427 = tpu.memref_slice %arg9[%add3A_419, %dma_wait3A_426] : memref<262144x128xf32, #tpu.memory_space<hbm>> -> memref<128x128xf32, #tpu.memory_space<hbm>>
    tpu.wait_dma2 semaphore(%arg29 : memref<!tpu.dma_semaphore, #tpu.memory_space<semaphore_mem>>) src(%arg25 : memref<128x128xf32, #tpu.memory_space<vmem>>) dst(%dma_wait3A_427 : memref<128x128xf32, #tpu.memory_space<hbm>>)
    %dma_start3A_428 = arith.constant 2432 : i32
    %dma_start3A_429 = tpu.memref_slice %arg22[%dma_start3A_428] : memref<8192xi32, #tpu.memory_space<vmem>> -> memref<128xi32, #tpu.memory_space<vmem>>
    %dma_start3A_430 = arith.constant 0 : i32
    %dma_start3A_431 = arith.constant 0 : i32
    %dma_start3A_432 = tpu.memref_slice %arg8[%dma_start3A_430, %dma_start3A_431] : memref<32768x128xf32, #tpu.memory_space<hbm>> -> memref<32768x128xf32, #tpu.memory_space<hbm>>
    tpu.enqueue_indirect_dma source(%dma_start3A_432 : memref<32768x128xf32, #tpu.memory_space<hbm>>) target(%arg25 : memref<128x128xf32, #tpu.memory_space<vmem>>) offsets(%dma_start3A_429 : memref<128xi32, #tpu.memory_space<vmem>>) semaphore(%arg27 : memref<!tpu.dma_semaphore, #tpu.memory_space<semaphore_mem>>)
    %dma_wait3A_433 = arith.constant 2304 : i32
    %dma_wait3A_434 = tpu.memref_slice %arg22[%dma_wait3A_433] : memref<8192xi32, #tpu.memory_space<vmem>> -> memref<128xi32, #tpu.memory_space<vmem>>
    %dma_wait3A_435 = arith.constant 0 : i32
    %dma_wait3A_436 = arith.constant 0 : i32
    %dma_wait3A_437 = tpu.memref_slice %arg8[%dma_wait3A_435, %dma_wait3A_436] : memref<32768x128xf32, #tpu.memory_space<hbm>> -> memref<32768x128xf32, #tpu.memory_space<hbm>>
    tpu.wait_indirect_dma semaphore(%arg26 : memref<!tpu.dma_semaphore, #tpu.memory_space<semaphore_mem>>) src(%dma_wait3A_437 : memref<32768x128xf32, #tpu.memory_space<hbm>>) dst(%arg24 : memref<128x128xf32, #tpu.memory_space<vmem>>)
    %add3A_438 = arith.constant 2304 : i32
    %add3A_439 = arith.addi %mul3A_64, %add3A_438 : i32
    %dma_start3A_440 = arith.constant 0 : i32
    %dma_start3A_441 = tpu.memref_slice %arg9[%add3A_439, %dma_start3A_440] : memref<262144x128xf32, #tpu.memory_space<hbm>> -> memref<128x128xf32, #tpu.memory_space<hbm>>
    %dma_start3A_442 = arith.constant 0 : i32
    %dma_start3A_443 = tpu.memref_slice %arg9[%add3A_439, %dma_start3A_442] : memref<262144x128xf32, #tpu.memory_space<hbm>> -> memref<128x128xf32, #tpu.memory_space<hbm>>
    tpu.enqueue_dma source(%arg24 : memref<128x128xf32, #tpu.memory_space<vmem>>) target(%dma_start3A_443 : memref<128x128xf32, #tpu.memory_space<hbm>>) target_semaphore(%arg28 : memref<!tpu.dma_semaphore, #tpu.memory_space<semaphore_mem>>)
    %dma_wait3A_444 = arith.constant 0 : i32
    %dma_wait3A_445 = tpu.memref_slice %arg9[%add3A_439, %dma_wait3A_444] : memref<262144x128xf32, #tpu.memory_space<hbm>> -> memref<128x128xf32, #tpu.memory_space<hbm>>
    %dma_wait3A_446 = arith.constant 0 : i32
    %dma_wait3A_447 = tpu.memref_slice %arg9[%add3A_439, %dma_wait3A_446] : memref<262144x128xf32, #tpu.memory_space<hbm>> -> memref<128x128xf32, #tpu.memory_space<hbm>>
    tpu.wait_dma2 semaphore(%arg28 : memref<!tpu.dma_semaphore, #tpu.memory_space<semaphore_mem>>) src(%arg24 : memref<128x128xf32, #tpu.memory_space<vmem>>) dst(%dma_wait3A_447 : memref<128x128xf32, #tpu.memory_space<hbm>>)
    %dma_start3A_448 = arith.constant 2560 : i32
    %dma_start3A_449 = tpu.memref_slice %arg22[%dma_start3A_448] : memref<8192xi32, #tpu.memory_space<vmem>> -> memref<128xi32, #tpu.memory_space<vmem>>
    %dma_start3A_450 = arith.constant 0 : i32
    %dma_start3A_451 = arith.constant 0 : i32
    %dma_start3A_452 = tpu.memref_slice %arg8[%dma_start3A_450, %dma_start3A_451] : memref<32768x128xf32, #tpu.memory_space<hbm>> -> memref<32768x128xf32, #tpu.memory_space<hbm>>
    tpu.enqueue_indirect_dma source(%dma_start3A_452 : memref<32768x128xf32, #tpu.memory_space<hbm>>) target(%arg24 : memref<128x128xf32, #tpu.memory_space<vmem>>) offsets(%dma_start3A_449 : memref<128xi32, #tpu.memory_space<vmem>>) semaphore(%arg26 : memref<!tpu.dma_semaphore, #tpu.memory_space<semaphore_mem>>)
    %dma_wait3A_453 = arith.constant 2432 : i32
    %dma_wait3A_454 = tpu.memref_slice %arg22[%dma_wait3A_453] : memref<8192xi32, #tpu.memory_space<vmem>> -> memref<128xi32, #tpu.memory_space<vmem>>
    %dma_wait3A_455 = arith.constant 0 : i32
    %dma_wait3A_456 = arith.constant 0 : i32
    %dma_wait3A_457 = tpu.memref_slice %arg8[%dma_wait3A_455, %dma_wait3A_456] : memref<32768x128xf32, #tpu.memory_space<hbm>> -> memref<32768x128xf32, #tpu.memory_space<hbm>>
    tpu.wait_indirect_dma semaphore(%arg27 : memref<!tpu.dma_semaphore, #tpu.memory_space<semaphore_mem>>) src(%dma_wait3A_457 : memref<32768x128xf32, #tpu.memory_space<hbm>>) dst(%arg25 : memref<128x128xf32, #tpu.memory_space<vmem>>)
    %add3A_458 = arith.constant 2432 : i32
    %add3A_459 = arith.addi %mul3A_64, %add3A_458 : i32
    %dma_start3A_460 = arith.constant 0 : i32
    %dma_start3A_461 = tpu.memref_slice %arg9[%add3A_459, %dma_start3A_460] : memref<262144x128xf32, #tpu.memory_space<hbm>> -> memref<128x128xf32, #tpu.memory_space<hbm>>
    %dma_start3A_462 = arith.constant 0 : i32
    %dma_start3A_463 = tpu.memref_slice %arg9[%add3A_459, %dma_start3A_462] : memref<262144x128xf32, #tpu.memory_space<hbm>> -> memref<128x128xf32, #tpu.memory_space<hbm>>
    tpu.enqueue_dma source(%arg25 : memref<128x128xf32, #tpu.memory_space<vmem>>) target(%dma_start3A_463 : memref<128x128xf32, #tpu.memory_space<hbm>>) target_semaphore(%arg29 : memref<!tpu.dma_semaphore, #tpu.memory_space<semaphore_mem>>)
    %dma_wait3A_464 = arith.constant 0 : i32
    %dma_wait3A_465 = tpu.memref_slice %arg9[%add3A_459, %dma_wait3A_464] : memref<262144x128xf32, #tpu.memory_space<hbm>> -> memref<128x128xf32, #tpu.memory_space<hbm>>
    %dma_wait3A_466 = arith.constant 0 : i32
    %dma_wait3A_467 = tpu.memref_slice %arg9[%add3A_459, %dma_wait3A_466] : memref<262144x128xf32, #tpu.memory_space<hbm>> -> memref<128x128xf32, #tpu.memory_space<hbm>>
    tpu.wait_dma2 semaphore(%arg29 : memref<!tpu.dma_semaphore, #tpu.memory_space<semaphore_mem>>) src(%arg25 : memref<128x128xf32, #tpu.memory_space<vmem>>) dst(%dma_wait3A_467 : memref<128x128xf32, #tpu.memory_space<hbm>>)
    %dma_start3A_468 = arith.constant 2688 : i32
    %dma_start3A_469 = tpu.memref_slice %arg22[%dma_start3A_468] : memref<8192xi32, #tpu.memory_space<vmem>> -> memref<128xi32, #tpu.memory_space<vmem>>
    %dma_start3A_470 = arith.constant 0 : i32
    %dma_start3A_471 = arith.constant 0 : i32
    %dma_start3A_472 = tpu.memref_slice %arg8[%dma_start3A_470, %dma_start3A_471] : memref<32768x128xf32, #tpu.memory_space<hbm>> -> memref<32768x128xf32, #tpu.memory_space<hbm>>
    tpu.enqueue_indirect_dma source(%dma_start3A_472 : memref<32768x128xf32, #tpu.memory_space<hbm>>) target(%arg25 : memref<128x128xf32, #tpu.memory_space<vmem>>) offsets(%dma_start3A_469 : memref<128xi32, #tpu.memory_space<vmem>>) semaphore(%arg27 : memref<!tpu.dma_semaphore, #tpu.memory_space<semaphore_mem>>)
    %dma_wait3A_473 = arith.constant 2560 : i32
    %dma_wait3A_474 = tpu.memref_slice %arg22[%dma_wait3A_473] : memref<8192xi32, #tpu.memory_space<vmem>> -> memref<128xi32, #tpu.memory_space<vmem>>
    %dma_wait3A_475 = arith.constant 0 : i32
    %dma_wait3A_476 = arith.constant 0 : i32
    %dma_wait3A_477 = tpu.memref_slice %arg8[%dma_wait3A_475, %dma_wait3A_476] : memref<32768x128xf32, #tpu.memory_space<hbm>> -> memref<32768x128xf32, #tpu.memory_space<hbm>>
    tpu.wait_indirect_dma semaphore(%arg26 : memref<!tpu.dma_semaphore, #tpu.memory_space<semaphore_mem>>) src(%dma_wait3A_477 : memref<32768x128xf32, #tpu.memory_space<hbm>>) dst(%arg24 : memref<128x128xf32, #tpu.memory_space<vmem>>)
    %add3A_478 = arith.constant 2560 : i32
    %add3A_479 = arith.addi %mul3A_64, %add3A_478 : i32
    %dma_start3A_480 = arith.constant 0 : i32
    %dma_start3A_481 = tpu.memref_slice %arg9[%add3A_479, %dma_start3A_480] : memref<262144x128xf32, #tpu.memory_space<hbm>> -> memref<128x128xf32, #tpu.memory_space<hbm>>
    %dma_start3A_482 = arith.constant 0 : i32
    %dma_start3A_483 = tpu.memref_slice %arg9[%add3A_479, %dma_start3A_482] : memref<262144x128xf32, #tpu.memory_space<hbm>> -> memref<128x128xf32, #tpu.memory_space<hbm>>
    tpu.enqueue_dma source(%arg24 : memref<128x128xf32, #tpu.memory_space<vmem>>) target(%dma_start3A_483 : memref<128x128xf32, #tpu.memory_space<hbm>>) target_semaphore(%arg28 : memref<!tpu.dma_semaphore, #tpu.memory_space<semaphore_mem>>)
    %dma_wait3A_484 = arith.constant 0 : i32
    %dma_wait3A_485 = tpu.memref_slice %arg9[%add3A_479, %dma_wait3A_484] : memref<262144x128xf32, #tpu.memory_space<hbm>> -> memref<128x128xf32, #tpu.memory_space<hbm>>
    %dma_wait3A_486 = arith.constant 0 : i32
    %dma_wait3A_487 = tpu.memref_slice %arg9[%add3A_479, %dma_wait3A_486] : memref<262144x128xf32, #tpu.memory_space<hbm>> -> memref<128x128xf32, #tpu.memory_space<hbm>>
    tpu.wait_dma2 semaphore(%arg28 : memref<!tpu.dma_semaphore, #tpu.memory_space<semaphore_mem>>) src(%arg24 : memref<128x128xf32, #tpu.memory_space<vmem>>) dst(%dma_wait3A_487 : memref<128x128xf32, #tpu.memory_space<hbm>>)
    %dma_start3A_488 = arith.constant 2816 : i32
    %dma_start3A_489 = tpu.memref_slice %arg22[%dma_start3A_488] : memref<8192xi32, #tpu.memory_space<vmem>> -> memref<128xi32, #tpu.memory_space<vmem>>
    %dma_start3A_490 = arith.constant 0 : i32
    %dma_start3A_491 = arith.constant 0 : i32
    %dma_start3A_492 = tpu.memref_slice %arg8[%dma_start3A_490, %dma_start3A_491] : memref<32768x128xf32, #tpu.memory_space<hbm>> -> memref<32768x128xf32, #tpu.memory_space<hbm>>
    tpu.enqueue_indirect_dma source(%dma_start3A_492 : memref<32768x128xf32, #tpu.memory_space<hbm>>) target(%arg24 : memref<128x128xf32, #tpu.memory_space<vmem>>) offsets(%dma_start3A_489 : memref<128xi32, #tpu.memory_space<vmem>>) semaphore(%arg26 : memref<!tpu.dma_semaphore, #tpu.memory_space<semaphore_mem>>)
    %dma_wait3A_493 = arith.constant 2688 : i32
    %dma_wait3A_494 = tpu.memref_slice %arg22[%dma_wait3A_493] : memref<8192xi32, #tpu.memory_space<vmem>> -> memref<128xi32, #tpu.memory_space<vmem>>
    %dma_wait3A_495 = arith.constant 0 : i32
    %dma_wait3A_496 = arith.constant 0 : i32
    %dma_wait3A_497 = tpu.memref_slice %arg8[%dma_wait3A_495, %dma_wait3A_496] : memref<32768x128xf32, #tpu.memory_space<hbm>> -> memref<32768x128xf32, #tpu.memory_space<hbm>>
    tpu.wait_indirect_dma semaphore(%arg27 : memref<!tpu.dma_semaphore, #tpu.memory_space<semaphore_mem>>) src(%dma_wait3A_497 : memref<32768x128xf32, #tpu.memory_space<hbm>>) dst(%arg25 : memref<128x128xf32, #tpu.memory_space<vmem>>)
    %add3A_498 = arith.constant 2688 : i32
    %add3A_499 = arith.addi %mul3A_64, %add3A_498 : i32
    %dma_start3A_500 = arith.constant 0 : i32
    %dma_start3A_501 = tpu.memref_slice %arg9[%add3A_499, %dma_start3A_500] : memref<262144x128xf32, #tpu.memory_space<hbm>> -> memref<128x128xf32, #tpu.memory_space<hbm>>
    %dma_start3A_502 = arith.constant 0 : i32
    %dma_start3A_503 = tpu.memref_slice %arg9[%add3A_499, %dma_start3A_502] : memref<262144x128xf32, #tpu.memory_space<hbm>> -> memref<128x128xf32, #tpu.memory_space<hbm>>
    tpu.enqueue_dma source(%arg25 : memref<128x128xf32, #tpu.memory_space<vmem>>) target(%dma_start3A_503 : memref<128x128xf32, #tpu.memory_space<hbm>>) target_semaphore(%arg29 : memref<!tpu.dma_semaphore, #tpu.memory_space<semaphore_mem>>)
    %dma_wait3A_504 = arith.constant 0 : i32
    %dma_wait3A_505 = tpu.memref_slice %arg9[%add3A_499, %dma_wait3A_504] : memref<262144x128xf32, #tpu.memory_space<hbm>> -> memref<128x128xf32, #tpu.memory_space<hbm>>
    %dma_wait3A_506 = arith.constant 0 : i32
    %dma_wait3A_507 = tpu.memref_slice %arg9[%add3A_499, %dma_wait3A_506] : memref<262144x128xf32, #tpu.memory_space<hbm>> -> memref<128x128xf32, #tpu.memory_space<hbm>>
    tpu.wait_dma2 semaphore(%arg29 : memref<!tpu.dma_semaphore, #tpu.memory_space<semaphore_mem>>) src(%arg25 : memref<128x128xf32, #tpu.memory_space<vmem>>) dst(%dma_wait3A_507 : memref<128x128xf32, #tpu.memory_space<hbm>>)
    %dma_start3A_508 = arith.constant 2944 : i32
    %dma_start3A_509 = tpu.memref_slice %arg22[%dma_start3A_508] : memref<8192xi32, #tpu.memory_space<vmem>> -> memref<128xi32, #tpu.memory_space<vmem>>
    %dma_start3A_510 = arith.constant 0 : i32
    %dma_start3A_511 = arith.constant 0 : i32
    %dma_start3A_512 = tpu.memref_slice %arg8[%dma_start3A_510, %dma_start3A_511] : memref<32768x128xf32, #tpu.memory_space<hbm>> -> memref<32768x128xf32, #tpu.memory_space<hbm>>
    tpu.enqueue_indirect_dma source(%dma_start3A_512 : memref<32768x128xf32, #tpu.memory_space<hbm>>) target(%arg25 : memref<128x128xf32, #tpu.memory_space<vmem>>) offsets(%dma_start3A_509 : memref<128xi32, #tpu.memory_space<vmem>>) semaphore(%arg27 : memref<!tpu.dma_semaphore, #tpu.memory_space<semaphore_mem>>)
    %dma_wait3A_513 = arith.constant 2816 : i32
    %dma_wait3A_514 = tpu.memref_slice %arg22[%dma_wait3A_513] : memref<8192xi32, #tpu.memory_space<vmem>> -> memref<128xi32, #tpu.memory_space<vmem>>
    %dma_wait3A_515 = arith.constant 0 : i32
    %dma_wait3A_516 = arith.constant 0 : i32
    %dma_wait3A_517 = tpu.memref_slice %arg8[%dma_wait3A_515, %dma_wait3A_516] : memref<32768x128xf32, #tpu.memory_space<hbm>> -> memref<32768x128xf32, #tpu.memory_space<hbm>>
    tpu.wait_indirect_dma semaphore(%arg26 : memref<!tpu.dma_semaphore, #tpu.memory_space<semaphore_mem>>) src(%dma_wait3A_517 : memref<32768x128xf32, #tpu.memory_space<hbm>>) dst(%arg24 : memref<128x128xf32, #tpu.memory_space<vmem>>)
    %add3A_518 = arith.constant 2816 : i32
    %add3A_519 = arith.addi %mul3A_64, %add3A_518 : i32
    %dma_start3A_520 = arith.constant 0 : i32
    %dma_start3A_521 = tpu.memref_slice %arg9[%add3A_519, %dma_start3A_520] : memref<262144x128xf32, #tpu.memory_space<hbm>> -> memref<128x128xf32, #tpu.memory_space<hbm>>
    %dma_start3A_522 = arith.constant 0 : i32
    %dma_start3A_523 = tpu.memref_slice %arg9[%add3A_519, %dma_start3A_522] : memref<262144x128xf32, #tpu.memory_space<hbm>> -> memref<128x128xf32, #tpu.memory_space<hbm>>
    tpu.enqueue_dma source(%arg24 : memref<128x128xf32, #tpu.memory_space<vmem>>) target(%dma_start3A_523 : memref<128x128xf32, #tpu.memory_space<hbm>>) target_semaphore(%arg28 : memref<!tpu.dma_semaphore, #tpu.memory_space<semaphore_mem>>)
    %dma_wait3A_524 = arith.constant 0 : i32
    %dma_wait3A_525 = tpu.memref_slice %arg9[%add3A_519, %dma_wait3A_524] : memref<262144x128xf32, #tpu.memory_space<hbm>> -> memref<128x128xf32, #tpu.memory_space<hbm>>
    %dma_wait3A_526 = arith.constant 0 : i32
    %dma_wait3A_527 = tpu.memref_slice %arg9[%add3A_519, %dma_wait3A_526] : memref<262144x128xf32, #tpu.memory_space<hbm>> -> memref<128x128xf32, #tpu.memory_space<hbm>>
    tpu.wait_dma2 semaphore(%arg28 : memref<!tpu.dma_semaphore, #tpu.memory_space<semaphore_mem>>) src(%arg24 : memref<128x128xf32, #tpu.memory_space<vmem>>) dst(%dma_wait3A_527 : memref<128x128xf32, #tpu.memory_space<hbm>>)
    %dma_start3A_528 = arith.constant 3072 : i32
    %dma_start3A_529 = tpu.memref_slice %arg22[%dma_start3A_528] : memref<8192xi32, #tpu.memory_space<vmem>> -> memref<128xi32, #tpu.memory_space<vmem>>
    %dma_start3A_530 = arith.constant 0 : i32
    %dma_start3A_531 = arith.constant 0 : i32
    %dma_start3A_532 = tpu.memref_slice %arg8[%dma_start3A_530, %dma_start3A_531] : memref<32768x128xf32, #tpu.memory_space<hbm>> -> memref<32768x128xf32, #tpu.memory_space<hbm>>
    tpu.enqueue_indirect_dma source(%dma_start3A_532 : memref<32768x128xf32, #tpu.memory_space<hbm>>) target(%arg24 : memref<128x128xf32, #tpu.memory_space<vmem>>) offsets(%dma_start3A_529 : memref<128xi32, #tpu.memory_space<vmem>>) semaphore(%arg26 : memref<!tpu.dma_semaphore, #tpu.memory_space<semaphore_mem>>)
    %dma_wait3A_533 = arith.constant 2944 : i32
    %dma_wait3A_534 = tpu.memref_slice %arg22[%dma_wait3A_533] : memref<8192xi32, #tpu.memory_space<vmem>> -> memref<128xi32, #tpu.memory_space<vmem>>
    %dma_wait3A_535 = arith.constant 0 : i32
    %dma_wait3A_536 = arith.constant 0 : i32
    %dma_wait3A_537 = tpu.memref_slice %arg8[%dma_wait3A_535, %dma_wait3A_536] : memref<32768x128xf32, #tpu.memory_space<hbm>> -> memref<32768x128xf32, #tpu.memory_space<hbm>>
    tpu.wait_indirect_dma semaphore(%arg27 : memref<!tpu.dma_semaphore, #tpu.memory_space<semaphore_mem>>) src(%dma_wait3A_537 : memref<32768x128xf32, #tpu.memory_space<hbm>>) dst(%arg25 : memref<128x128xf32, #tpu.memory_space<vmem>>)
    %add3A_538 = arith.constant 2944 : i32
    %add3A_539 = arith.addi %mul3A_64, %add3A_538 : i32
    %dma_start3A_540 = arith.constant 0 : i32
    %dma_start3A_541 = tpu.memref_slice %arg9[%add3A_539, %dma_start3A_540] : memref<262144x128xf32, #tpu.memory_space<hbm>> -> memref<128x128xf32, #tpu.memory_space<hbm>>
    %dma_start3A_542 = arith.constant 0 : i32
    %dma_start3A_543 = tpu.memref_slice %arg9[%add3A_539, %dma_start3A_542] : memref<262144x128xf32, #tpu.memory_space<hbm>> -> memref<128x128xf32, #tpu.memory_space<hbm>>
    tpu.enqueue_dma source(%arg25 : memref<128x128xf32, #tpu.memory_space<vmem>>) target(%dma_start3A_543 : memref<128x128xf32, #tpu.memory_space<hbm>>) target_semaphore(%arg29 : memref<!tpu.dma_semaphore, #tpu.memory_space<semaphore_mem>>)
    %dma_wait3A_544 = arith.constant 0 : i32
    %dma_wait3A_545 = tpu.memref_slice %arg9[%add3A_539, %dma_wait3A_544] : memref<262144x128xf32, #tpu.memory_space<hbm>> -> memref<128x128xf32, #tpu.memory_space<hbm>>
    %dma_wait3A_546 = arith.constant 0 : i32
    %dma_wait3A_547 = tpu.memref_slice %arg9[%add3A_539, %dma_wait3A_546] : memref<262144x128xf32, #tpu.memory_space<hbm>> -> memref<128x128xf32, #tpu.memory_space<hbm>>
    tpu.wait_dma2 semaphore(%arg29 : memref<!tpu.dma_semaphore, #tpu.memory_space<semaphore_mem>>) src(%arg25 : memref<128x128xf32, #tpu.memory_space<vmem>>) dst(%dma_wait3A_547 : memref<128x128xf32, #tpu.memory_space<hbm>>)
    %dma_start3A_548 = arith.constant 3200 : i32
    %dma_start3A_549 = tpu.memref_slice %arg22[%dma_start3A_548] : memref<8192xi32, #tpu.memory_space<vmem>> -> memref<128xi32, #tpu.memory_space<vmem>>
    %dma_start3A_550 = arith.constant 0 : i32
    %dma_start3A_551 = arith.constant 0 : i32
    %dma_start3A_552 = tpu.memref_slice %arg8[%dma_start3A_550, %dma_start3A_551] : memref<32768x128xf32, #tpu.memory_space<hbm>> -> memref<32768x128xf32, #tpu.memory_space<hbm>>
    tpu.enqueue_indirect_dma source(%dma_start3A_552 : memref<32768x128xf32, #tpu.memory_space<hbm>>) target(%arg25 : memref<128x128xf32, #tpu.memory_space<vmem>>) offsets(%dma_start3A_549 : memref<128xi32, #tpu.memory_space<vmem>>) semaphore(%arg27 : memref<!tpu.dma_semaphore, #tpu.memory_space<semaphore_mem>>)
    %dma_wait3A_553 = arith.constant 3072 : i32
    %dma_wait3A_554 = tpu.memref_slice %arg22[%dma_wait3A_553] : memref<8192xi32, #tpu.memory_space<vmem>> -> memref<128xi32, #tpu.memory_space<vmem>>
    %dma_wait3A_555 = arith.constant 0 : i32
    %dma_wait3A_556 = arith.constant 0 : i32
    %dma_wait3A_557 = tpu.memref_slice %arg8[%dma_wait3A_555, %dma_wait3A_556] : memref<32768x128xf32, #tpu.memory_space<hbm>> -> memref<32768x128xf32, #tpu.memory_space<hbm>>
    tpu.wait_indirect_dma semaphore(%arg26 : memref<!tpu.dma_semaphore, #tpu.memory_space<semaphore_mem>>) src(%dma_wait3A_557 : memref<32768x128xf32, #tpu.memory_space<hbm>>) dst(%arg24 : memref<128x128xf32, #tpu.memory_space<vmem>>)
    %add3A_558 = arith.constant 3072 : i32
    %add3A_559 = arith.addi %mul3A_64, %add3A_558 : i32
    %dma_start3A_560 = arith.constant 0 : i32
    %dma_start3A_561 = tpu.memref_slice %arg9[%add3A_559, %dma_start3A_560] : memref<262144x128xf32, #tpu.memory_space<hbm>> -> memref<128x128xf32, #tpu.memory_space<hbm>>
    %dma_start3A_562 = arith.constant 0 : i32
    %dma_start3A_563 = tpu.memref_slice %arg9[%add3A_559, %dma_start3A_562] : memref<262144x128xf32, #tpu.memory_space<hbm>> -> memref<128x128xf32, #tpu.memory_space<hbm>>
    tpu.enqueue_dma source(%arg24 : memref<128x128xf32, #tpu.memory_space<vmem>>) target(%dma_start3A_563 : memref<128x128xf32, #tpu.memory_space<hbm>>) target_semaphore(%arg28 : memref<!tpu.dma_semaphore, #tpu.memory_space<semaphore_mem>>)
    %dma_wait3A_564 = arith.constant 0 : i32
    %dma_wait3A_565 = tpu.memref_slice %arg9[%add3A_559, %dma_wait3A_564] : memref<262144x128xf32, #tpu.memory_space<hbm>> -> memref<128x128xf32, #tpu.memory_space<hbm>>
    %dma_wait3A_566 = arith.constant 0 : i32
    %dma_wait3A_567 = tpu.memref_slice %arg9[%add3A_559, %dma_wait3A_566] : memref<262144x128xf32, #tpu.memory_space<hbm>> -> memref<128x128xf32, #tpu.memory_space<hbm>>
    tpu.wait_dma2 semaphore(%arg28 : memref<!tpu.dma_semaphore, #tpu.memory_space<semaphore_mem>>) src(%arg24 : memref<128x128xf32, #tpu.memory_space<vmem>>) dst(%dma_wait3A_567 : memref<128x128xf32, #tpu.memory_space<hbm>>)
    %dma_start3A_568 = arith.constant 3328 : i32
    %dma_start3A_569 = tpu.memref_slice %arg22[%dma_start3A_568] : memref<8192xi32, #tpu.memory_space<vmem>> -> memref<128xi32, #tpu.memory_space<vmem>>
    %dma_start3A_570 = arith.constant 0 : i32
    %dma_start3A_571 = arith.constant 0 : i32
    %dma_start3A_572 = tpu.memref_slice %arg8[%dma_start3A_570, %dma_start3A_571] : memref<32768x128xf32, #tpu.memory_space<hbm>> -> memref<32768x128xf32, #tpu.memory_space<hbm>>
    tpu.enqueue_indirect_dma source(%dma_start3A_572 : memref<32768x128xf32, #tpu.memory_space<hbm>>) target(%arg24 : memref<128x128xf32, #tpu.memory_space<vmem>>) offsets(%dma_start3A_569 : memref<128xi32, #tpu.memory_space<vmem>>) semaphore(%arg26 : memref<!tpu.dma_semaphore, #tpu.memory_space<semaphore_mem>>)
    %dma_wait3A_573 = arith.constant 3200 : i32
    %dma_wait3A_574 = tpu.memref_slice %arg22[%dma_wait3A_573] : memref<8192xi32, #tpu.memory_space<vmem>> -> memref<128xi32, #tpu.memory_space<vmem>>
    %dma_wait3A_575 = arith.constant 0 : i32
    %dma_wait3A_576 = arith.constant 0 : i32
    %dma_wait3A_577 = tpu.memref_slice %arg8[%dma_wait3A_575, %dma_wait3A_576] : memref<32768x128xf32, #tpu.memory_space<hbm>> -> memref<32768x128xf32, #tpu.memory_space<hbm>>
    tpu.wait_indirect_dma semaphore(%arg27 : memref<!tpu.dma_semaphore, #tpu.memory_space<semaphore_mem>>) src(%dma_wait3A_577 : memref<32768x128xf32, #tpu.memory_space<hbm>>) dst(%arg25 : memref<128x128xf32, #tpu.memory_space<vmem>>)
    %add3A_578 = arith.constant 3200 : i32
    %add3A_579 = arith.addi %mul3A_64, %add3A_578 : i32
    %dma_start3A_580 = arith.constant 0 : i32
    %dma_start3A_581 = tpu.memref_slice %arg9[%add3A_579, %dma_start3A_580] : memref<262144x128xf32, #tpu.memory_space<hbm>> -> memref<128x128xf32, #tpu.memory_space<hbm>>
    %dma_start3A_582 = arith.constant 0 : i32
    %dma_start3A_583 = tpu.memref_slice %arg9[%add3A_579, %dma_start3A_582] : memref<262144x128xf32, #tpu.memory_space<hbm>> -> memref<128x128xf32, #tpu.memory_space<hbm>>
    tpu.enqueue_dma source(%arg25 : memref<128x128xf32, #tpu.memory_space<vmem>>) target(%dma_start3A_583 : memref<128x128xf32, #tpu.memory_space<hbm>>) target_semaphore(%arg29 : memref<!tpu.dma_semaphore, #tpu.memory_space<semaphore_mem>>)
    %dma_wait3A_584 = arith.constant 0 : i32
    %dma_wait3A_585 = tpu.memref_slice %arg9[%add3A_579, %dma_wait3A_584] : memref<262144x128xf32, #tpu.memory_space<hbm>> -> memref<128x128xf32, #tpu.memory_space<hbm>>
    %dma_wait3A_586 = arith.constant 0 : i32
    %dma_wait3A_587 = tpu.memref_slice %arg9[%add3A_579, %dma_wait3A_586] : memref<262144x128xf32, #tpu.memory_space<hbm>> -> memref<128x128xf32, #tpu.memory_space<hbm>>
    tpu.wait_dma2 semaphore(%arg29 : memref<!tpu.dma_semaphore, #tpu.memory_space<semaphore_mem>>) src(%arg25 : memref<128x128xf32, #tpu.memory_space<vmem>>) dst(%dma_wait3A_587 : memref<128x128xf32, #tpu.memory_space<hbm>>)
    %dma_start3A_588 = arith.constant 3456 : i32
    %dma_start3A_589 = tpu.memref_slice %arg22[%dma_start3A_588] : memref<8192xi32, #tpu.memory_space<vmem>> -> memref<128xi32, #tpu.memory_space<vmem>>
    %dma_start3A_590 = arith.constant 0 : i32
    %dma_start3A_591 = arith.constant 0 : i32
    %dma_start3A_592 = tpu.memref_slice %arg8[%dma_start3A_590, %dma_start3A_591] : memref<32768x128xf32, #tpu.memory_space<hbm>> -> memref<32768x128xf32, #tpu.memory_space<hbm>>
    tpu.enqueue_indirect_dma source(%dma_start3A_592 : memref<32768x128xf32, #tpu.memory_space<hbm>>) target(%arg25 : memref<128x128xf32, #tpu.memory_space<vmem>>) offsets(%dma_start3A_589 : memref<128xi32, #tpu.memory_space<vmem>>) semaphore(%arg27 : memref<!tpu.dma_semaphore, #tpu.memory_space<semaphore_mem>>)
    %dma_wait3A_593 = arith.constant 3328 : i32
    %dma_wait3A_594 = tpu.memref_slice %arg22[%dma_wait3A_593] : memref<8192xi32, #tpu.memory_space<vmem>> -> memref<128xi32, #tpu.memory_space<vmem>>
    %dma_wait3A_595 = arith.constant 0 : i32
    %dma_wait3A_596 = arith.constant 0 : i32
    %dma_wait3A_597 = tpu.memref_slice %arg8[%dma_wait3A_595, %dma_wait3A_596] : memref<32768x128xf32, #tpu.memory_space<hbm>> -> memref<32768x128xf32, #tpu.memory_space<hbm>>
    tpu.wait_indirect_dma semaphore(%arg26 : memref<!tpu.dma_semaphore, #tpu.memory_space<semaphore_mem>>) src(%dma_wait3A_597 : memref<32768x128xf32, #tpu.memory_space<hbm>>) dst(%arg24 : memref<128x128xf32, #tpu.memory_space<vmem>>)
    %add3A_598 = arith.constant 3328 : i32
    %add3A_599 = arith.addi %mul3A_64, %add3A_598 : i32
    %dma_start3A_600 = arith.constant 0 : i32
    %dma_start3A_601 = tpu.memref_slice %arg9[%add3A_599, %dma_start3A_600] : memref<262144x128xf32, #tpu.memory_space<hbm>> -> memref<128x128xf32, #tpu.memory_space<hbm>>
    %dma_start3A_602 = arith.constant 0 : i32
    %dma_start3A_603 = tpu.memref_slice %arg9[%add3A_599, %dma_start3A_602] : memref<262144x128xf32, #tpu.memory_space<hbm>> -> memref<128x128xf32, #tpu.memory_space<hbm>>
    tpu.enqueue_dma source(%arg24 : memref<128x128xf32, #tpu.memory_space<vmem>>) target(%dma_start3A_603 : memref<128x128xf32, #tpu.memory_space<hbm>>) target_semaphore(%arg28 : memref<!tpu.dma_semaphore, #tpu.memory_space<semaphore_mem>>)
    %dma_wait3A_604 = arith.constant 0 : i32
    %dma_wait3A_605 = tpu.memref_slice %arg9[%add3A_599, %dma_wait3A_604] : memref<262144x128xf32, #tpu.memory_space<hbm>> -> memref<128x128xf32, #tpu.memory_space<hbm>>
    %dma_wait3A_606 = arith.constant 0 : i32
    %dma_wait3A_607 = tpu.memref_slice %arg9[%add3A_599, %dma_wait3A_606] : memref<262144x128xf32, #tpu.memory_space<hbm>> -> memref<128x128xf32, #tpu.memory_space<hbm>>
    tpu.wait_dma2 semaphore(%arg28 : memref<!tpu.dma_semaphore, #tpu.memory_space<semaphore_mem>>) src(%arg24 : memref<128x128xf32, #tpu.memory_space<vmem>>) dst(%dma_wait3A_607 : memref<128x128xf32, #tpu.memory_space<hbm>>)
    %dma_start3A_608 = arith.constant 3584 : i32
    %dma_start3A_609 = tpu.memref_slice %arg22[%dma_start3A_608] : memref<8192xi32, #tpu.memory_space<vmem>> -> memref<128xi32, #tpu.memory_space<vmem>>
    %dma_start3A_610 = arith.constant 0 : i32
    %dma_start3A_611 = arith.constant 0 : i32
    %dma_start3A_612 = tpu.memref_slice %arg8[%dma_start3A_610, %dma_start3A_611] : memref<32768x128xf32, #tpu.memory_space<hbm>> -> memref<32768x128xf32, #tpu.memory_space<hbm>>
    tpu.enqueue_indirect_dma source(%dma_start3A_612 : memref<32768x128xf32, #tpu.memory_space<hbm>>) target(%arg24 : memref<128x128xf32, #tpu.memory_space<vmem>>) offsets(%dma_start3A_609 : memref<128xi32, #tpu.memory_space<vmem>>) semaphore(%arg26 : memref<!tpu.dma_semaphore, #tpu.memory_space<semaphore_mem>>)
    %dma_wait3A_613 = arith.constant 3456 : i32
    %dma_wait3A_614 = tpu.memref_slice %arg22[%dma_wait3A_613] : memref<8192xi32, #tpu.memory_space<vmem>> -> memref<128xi32, #tpu.memory_space<vmem>>
    %dma_wait3A_615 = arith.constant 0 : i32
    %dma_wait3A_616 = arith.constant 0 : i32
    %dma_wait3A_617 = tpu.memref_slice %arg8[%dma_wait3A_615, %dma_wait3A_616] : memref<32768x128xf32, #tpu.memory_space<hbm>> -> memref<32768x128xf32, #tpu.memory_space<hbm>>
    tpu.wait_indirect_dma semaphore(%arg27 : memref<!tpu.dma_semaphore, #tpu.memory_space<semaphore_mem>>) src(%dma_wait3A_617 : memref<32768x128xf32, #tpu.memory_space<hbm>>) dst(%arg25 : memref<128x128xf32, #tpu.memory_space<vmem>>)
    %add3A_618 = arith.constant 3456 : i32
    %add3A_619 = arith.addi %mul3A_64, %add3A_618 : i32
    %dma_start3A_620 = arith.constant 0 : i32
    %dma_start3A_621 = tpu.memref_slice %arg9[%add3A_619, %dma_start3A_620] : memref<262144x128xf32, #tpu.memory_space<hbm>> -> memref<128x128xf32, #tpu.memory_space<hbm>>
    %dma_start3A_622 = arith.constant 0 : i32
    %dma_start3A_623 = tpu.memref_slice %arg9[%add3A_619, %dma_start3A_622] : memref<262144x128xf32, #tpu.memory_space<hbm>> -> memref<128x128xf32, #tpu.memory_space<hbm>>
    tpu.enqueue_dma source(%arg25 : memref<128x128xf32, #tpu.memory_space<vmem>>) target(%dma_start3A_623 : memref<128x128xf32, #tpu.memory_space<hbm>>) target_semaphore(%arg29 : memref<!tpu.dma_semaphore, #tpu.memory_space<semaphore_mem>>)
    %dma_wait3A_624 = arith.constant 0 : i32
    %dma_wait3A_625 = tpu.memref_slice %arg9[%add3A_619, %dma_wait3A_624] : memref<262144x128xf32, #tpu.memory_space<hbm>> -> memref<128x128xf32, #tpu.memory_space<hbm>>
    %dma_wait3A_626 = arith.constant 0 : i32
    %dma_wait3A_627 = tpu.memref_slice %arg9[%add3A_619, %dma_wait3A_626] : memref<262144x128xf32, #tpu.memory_space<hbm>> -> memref<128x128xf32, #tpu.memory_space<hbm>>
    tpu.wait_dma2 semaphore(%arg29 : memref<!tpu.dma_semaphore, #tpu.memory_space<semaphore_mem>>) src(%arg25 : memref<128x128xf32, #tpu.memory_space<vmem>>) dst(%dma_wait3A_627 : memref<128x128xf32, #tpu.memory_space<hbm>>)
    %dma_start3A_628 = arith.constant 3712 : i32
    %dma_start3A_629 = tpu.memref_slice %arg22[%dma_start3A_628] : memref<8192xi32, #tpu.memory_space<vmem>> -> memref<128xi32, #tpu.memory_space<vmem>>
    %dma_start3A_630 = arith.constant 0 : i32
    %dma_start3A_631 = arith.constant 0 : i32
    %dma_start3A_632 = tpu.memref_slice %arg8[%dma_start3A_630, %dma_start3A_631] : memref<32768x128xf32, #tpu.memory_space<hbm>> -> memref<32768x128xf32, #tpu.memory_space<hbm>>
    tpu.enqueue_indirect_dma source(%dma_start3A_632 : memref<32768x128xf32, #tpu.memory_space<hbm>>) target(%arg25 : memref<128x128xf32, #tpu.memory_space<vmem>>) offsets(%dma_start3A_629 : memref<128xi32, #tpu.memory_space<vmem>>) semaphore(%arg27 : memref<!tpu.dma_semaphore, #tpu.memory_space<semaphore_mem>>)
    %dma_wait3A_633 = arith.constant 3584 : i32
    %dma_wait3A_634 = tpu.memref_slice %arg22[%dma_wait3A_633] : memref<8192xi32, #tpu.memory_space<vmem>> -> memref<128xi32, #tpu.memory_space<vmem>>
    %dma_wait3A_635 = arith.constant 0 : i32
    %dma_wait3A_636 = arith.constant 0 : i32
    %dma_wait3A_637 = tpu.memref_slice %arg8[%dma_wait3A_635, %dma_wait3A_636] : memref<32768x128xf32, #tpu.memory_space<hbm>> -> memref<32768x128xf32, #tpu.memory_space<hbm>>
    tpu.wait_indirect_dma semaphore(%arg26 : memref<!tpu.dma_semaphore, #tpu.memory_space<semaphore_mem>>) src(%dma_wait3A_637 : memref<32768x128xf32, #tpu.memory_space<hbm>>) dst(%arg24 : memref<128x128xf32, #tpu.memory_space<vmem>>)
    %add3A_638 = arith.constant 3584 : i32
    %add3A_639 = arith.addi %mul3A_64, %add3A_638 : i32
    %dma_start3A_640 = arith.constant 0 : i32
    %dma_start3A_641 = tpu.memref_slice %arg9[%add3A_639, %dma_start3A_640] : memref<262144x128xf32, #tpu.memory_space<hbm>> -> memref<128x128xf32, #tpu.memory_space<hbm>>
    %dma_start3A_642 = arith.constant 0 : i32
    %dma_start3A_643 = tpu.memref_slice %arg9[%add3A_639, %dma_start3A_642] : memref<262144x128xf32, #tpu.memory_space<hbm>> -> memref<128x128xf32, #tpu.memory_space<hbm>>
    tpu.enqueue_dma source(%arg24 : memref<128x128xf32, #tpu.memory_space<vmem>>) target(%dma_start3A_643 : memref<128x128xf32, #tpu.memory_space<hbm>>) target_semaphore(%arg28 : memref<!tpu.dma_semaphore, #tpu.memory_space<semaphore_mem>>)
    %dma_wait3A_644 = arith.constant 0 : i32
    %dma_wait3A_645 = tpu.memref_slice %arg9[%add3A_639, %dma_wait3A_644] : memref<262144x128xf32, #tpu.memory_space<hbm>> -> memref<128x128xf32, #tpu.memory_space<hbm>>
    %dma_wait3A_646 = arith.constant 0 : i32
    %dma_wait3A_647 = tpu.memref_slice %arg9[%add3A_639, %dma_wait3A_646] : memref<262144x128xf32, #tpu.memory_space<hbm>> -> memref<128x128xf32, #tpu.memory_space<hbm>>
    tpu.wait_dma2 semaphore(%arg28 : memref<!tpu.dma_semaphore, #tpu.memory_space<semaphore_mem>>) src(%arg24 : memref<128x128xf32, #tpu.memory_space<vmem>>) dst(%dma_wait3A_647 : memref<128x128xf32, #tpu.memory_space<hbm>>)
    %dma_start3A_648 = arith.constant 3840 : i32
    %dma_start3A_649 = tpu.memref_slice %arg22[%dma_start3A_648] : memref<8192xi32, #tpu.memory_space<vmem>> -> memref<128xi32, #tpu.memory_space<vmem>>
    %dma_start3A_650 = arith.constant 0 : i32
    %dma_start3A_651 = arith.constant 0 : i32
    %dma_start3A_652 = tpu.memref_slice %arg8[%dma_start3A_650, %dma_start3A_651] : memref<32768x128xf32, #tpu.memory_space<hbm>> -> memref<32768x128xf32, #tpu.memory_space<hbm>>
    tpu.enqueue_indirect_dma source(%dma_start3A_652 : memref<32768x128xf32, #tpu.memory_space<hbm>>) target(%arg24 : memref<128x128xf32, #tpu.memory_space<vmem>>) offsets(%dma_start3A_649 : memref<128xi32, #tpu.memory_space<vmem>>) semaphore(%arg26 : memref<!tpu.dma_semaphore, #tpu.memory_space<semaphore_mem>>)
    %dma_wait3A_653 = arith.constant 3712 : i32
    %dma_wait3A_654 = tpu.memref_slice %arg22[%dma_wait3A_653] : memref<8192xi32, #tpu.memory_space<vmem>> -> memref<128xi32, #tpu.memory_space<vmem>>
    %dma_wait3A_655 = arith.constant 0 : i32
    %dma_wait3A_656 = arith.constant 0 : i32
    %dma_wait3A_657 = tpu.memref_slice %arg8[%dma_wait3A_655, %dma_wait3A_656] : memref<32768x128xf32, #tpu.memory_space<hbm>> -> memref<32768x128xf32, #tpu.memory_space<hbm>>
    tpu.wait_indirect_dma semaphore(%arg27 : memref<!tpu.dma_semaphore, #tpu.memory_space<semaphore_mem>>) src(%dma_wait3A_657 : memref<32768x128xf32, #tpu.memory_space<hbm>>) dst(%arg25 : memref<128x128xf32, #tpu.memory_space<vmem>>)
    %add3A_658 = arith.constant 3712 : i32
    %add3A_659 = arith.addi %mul3A_64, %add3A_658 : i32
    %dma_start3A_660 = arith.constant 0 : i32
    %dma_start3A_661 = tpu.memref_slice %arg9[%add3A_659, %dma_start3A_660] : memref<262144x128xf32, #tpu.memory_space<hbm>> -> memref<128x128xf32, #tpu.memory_space<hbm>>
    %dma_start3A_662 = arith.constant 0 : i32
    %dma_start3A_663 = tpu.memref_slice %arg9[%add3A_659, %dma_start3A_662] : memref<262144x128xf32, #tpu.memory_space<hbm>> -> memref<128x128xf32, #tpu.memory_space<hbm>>
    tpu.enqueue_dma source(%arg25 : memref<128x128xf32, #tpu.memory_space<vmem>>) target(%dma_start3A_663 : memref<128x128xf32, #tpu.memory_space<hbm>>) target_semaphore(%arg29 : memref<!tpu.dma_semaphore, #tpu.memory_space<semaphore_mem>>)
    %dma_wait3A_664 = arith.constant 0 : i32
    %dma_wait3A_665 = tpu.memref_slice %arg9[%add3A_659, %dma_wait3A_664] : memref<262144x128xf32, #tpu.memory_space<hbm>> -> memref<128x128xf32, #tpu.memory_space<hbm>>
    %dma_wait3A_666 = arith.constant 0 : i32
    %dma_wait3A_667 = tpu.memref_slice %arg9[%add3A_659, %dma_wait3A_666] : memref<262144x128xf32, #tpu.memory_space<hbm>> -> memref<128x128xf32, #tpu.memory_space<hbm>>
    tpu.wait_dma2 semaphore(%arg29 : memref<!tpu.dma_semaphore, #tpu.memory_space<semaphore_mem>>) src(%arg25 : memref<128x128xf32, #tpu.memory_space<vmem>>) dst(%dma_wait3A_667 : memref<128x128xf32, #tpu.memory_space<hbm>>)
    %dma_start3A_668 = arith.constant 3968 : i32
    %dma_start3A_669 = tpu.memref_slice %arg22[%dma_start3A_668] : memref<8192xi32, #tpu.memory_space<vmem>> -> memref<128xi32, #tpu.memory_space<vmem>>
    %dma_start3A_670 = arith.constant 0 : i32
    %dma_start3A_671 = arith.constant 0 : i32
    %dma_start3A_672 = tpu.memref_slice %arg8[%dma_start3A_670, %dma_start3A_671] : memref<32768x128xf32, #tpu.memory_space<hbm>> -> memref<32768x128xf32, #tpu.memory_space<hbm>>
    tpu.enqueue_indirect_dma source(%dma_start3A_672 : memref<32768x128xf32, #tpu.memory_space<hbm>>) target(%arg25 : memref<128x128xf32, #tpu.memory_space<vmem>>) offsets(%dma_start3A_669 : memref<128xi32, #tpu.memory_space<vmem>>) semaphore(%arg27 : memref<!tpu.dma_semaphore, #tpu.memory_space<semaphore_mem>>)
    %dma_wait3A_673 = arith.constant 3840 : i32
    %dma_wait3A_674 = tpu.memref_slice %arg22[%dma_wait3A_673] : memref<8192xi32, #tpu.memory_space<vmem>> -> memref<128xi32, #tpu.memory_space<vmem>>
    %dma_wait3A_675 = arith.constant 0 : i32
    %dma_wait3A_676 = arith.constant 0 : i32
    %dma_wait3A_677 = tpu.memref_slice %arg8[%dma_wait3A_675, %dma_wait3A_676] : memref<32768x128xf32, #tpu.memory_space<hbm>> -> memref<32768x128xf32, #tpu.memory_space<hbm>>
    tpu.wait_indirect_dma semaphore(%arg26 : memref<!tpu.dma_semaphore, #tpu.memory_space<semaphore_mem>>) src(%dma_wait3A_677 : memref<32768x128xf32, #tpu.memory_space<hbm>>) dst(%arg24 : memref<128x128xf32, #tpu.memory_space<vmem>>)
    %add3A_678 = arith.constant 3840 : i32
    %add3A_679 = arith.addi %mul3A_64, %add3A_678 : i32
    %dma_start3A_680 = arith.constant 0 : i32
    %dma_start3A_681 = tpu.memref_slice %arg9[%add3A_679, %dma_start3A_680] : memref<262144x128xf32, #tpu.memory_space<hbm>> -> memref<128x128xf32, #tpu.memory_space<hbm>>
    %dma_start3A_682 = arith.constant 0 : i32
    %dma_start3A_683 = tpu.memref_slice %arg9[%add3A_679, %dma_start3A_682] : memref<262144x128xf32, #tpu.memory_space<hbm>> -> memref<128x128xf32, #tpu.memory_space<hbm>>
    tpu.enqueue_dma source(%arg24 : memref<128x128xf32, #tpu.memory_space<vmem>>) target(%dma_start3A_683 : memref<128x128xf32, #tpu.memory_space<hbm>>) target_semaphore(%arg28 : memref<!tpu.dma_semaphore, #tpu.memory_space<semaphore_mem>>)
    %dma_wait3A_684 = arith.constant 0 : i32
    %dma_wait3A_685 = tpu.memref_slice %arg9[%add3A_679, %dma_wait3A_684] : memref<262144x128xf32, #tpu.memory_space<hbm>> -> memref<128x128xf32, #tpu.memory_space<hbm>>
    %dma_wait3A_686 = arith.constant 0 : i32
    %dma_wait3A_687 = tpu.memref_slice %arg9[%add3A_679, %dma_wait3A_686] : memref<262144x128xf32, #tpu.memory_space<hbm>> -> memref<128x128xf32, #tpu.memory_space<hbm>>
    tpu.wait_dma2 semaphore(%arg28 : memref<!tpu.dma_semaphore, #tpu.memory_space<semaphore_mem>>) src(%arg24 : memref<128x128xf32, #tpu.memory_space<vmem>>) dst(%dma_wait3A_687 : memref<128x128xf32, #tpu.memory_space<hbm>>)
    %dma_start3A_688 = arith.constant 4096 : i32
    %dma_start3A_689 = tpu.memref_slice %arg22[%dma_start3A_688] : memref<8192xi32, #tpu.memory_space<vmem>> -> memref<128xi32, #tpu.memory_space<vmem>>
    %dma_start3A_690 = arith.constant 0 : i32
    %dma_start3A_691 = arith.constant 0 : i32
    %dma_start3A_692 = tpu.memref_slice %arg8[%dma_start3A_690, %dma_start3A_691] : memref<32768x128xf32, #tpu.memory_space<hbm>> -> memref<32768x128xf32, #tpu.memory_space<hbm>>
    tpu.enqueue_indirect_dma source(%dma_start3A_692 : memref<32768x128xf32, #tpu.memory_space<hbm>>) target(%arg24 : memref<128x128xf32, #tpu.memory_space<vmem>>) offsets(%dma_start3A_689 : memref<128xi32, #tpu.memory_space<vmem>>) semaphore(%arg26 : memref<!tpu.dma_semaphore, #tpu.memory_space<semaphore_mem>>)
    %dma_wait3A_693 = arith.constant 3968 : i32
    %dma_wait3A_694 = tpu.memref_slice %arg22[%dma_wait3A_693] : memref<8192xi32, #tpu.memory_space<vmem>> -> memref<128xi32, #tpu.memory_space<vmem>>
    %dma_wait3A_695 = arith.constant 0 : i32
    %dma_wait3A_696 = arith.constant 0 : i32
    %dma_wait3A_697 = tpu.memref_slice %arg8[%dma_wait3A_695, %dma_wait3A_696] : memref<32768x128xf32, #tpu.memory_space<hbm>> -> memref<32768x128xf32, #tpu.memory_space<hbm>>
    tpu.wait_indirect_dma semaphore(%arg27 : memref<!tpu.dma_semaphore, #tpu.memory_space<semaphore_mem>>) src(%dma_wait3A_697 : memref<32768x128xf32, #tpu.memory_space<hbm>>) dst(%arg25 : memref<128x128xf32, #tpu.memory_space<vmem>>)
    %add3A_698 = arith.constant 3968 : i32
    %add3A_699 = arith.addi %mul3A_64, %add3A_698 : i32
    %dma_start3A_700 = arith.constant 0 : i32
    %dma_start3A_701 = tpu.memref_slice %arg9[%add3A_699, %dma_start3A_700] : memref<262144x128xf32, #tpu.memory_space<hbm>> -> memref<128x128xf32, #tpu.memory_space<hbm>>
    %dma_start3A_702 = arith.constant 0 : i32
    %dma_start3A_703 = tpu.memref_slice %arg9[%add3A_699, %dma_start3A_702] : memref<262144x128xf32, #tpu.memory_space<hbm>> -> memref<128x128xf32, #tpu.memory_space<hbm>>
    tpu.enqueue_dma source(%arg25 : memref<128x128xf32, #tpu.memory_space<vmem>>) target(%dma_start3A_703 : memref<128x128xf32, #tpu.memory_space<hbm>>) target_semaphore(%arg29 : memref<!tpu.dma_semaphore, #tpu.memory_space<semaphore_mem>>)
    %dma_wait3A_704 = arith.constant 0 : i32
    %dma_wait3A_705 = tpu.memref_slice %arg9[%add3A_699, %dma_wait3A_704] : memref<262144x128xf32, #tpu.memory_space<hbm>> -> memref<128x128xf32, #tpu.memory_space<hbm>>
    %dma_wait3A_706 = arith.constant 0 : i32
    %dma_wait3A_707 = tpu.memref_slice %arg9[%add3A_699, %dma_wait3A_706] : memref<262144x128xf32, #tpu.memory_space<hbm>> -> memref<128x128xf32, #tpu.memory_space<hbm>>
    tpu.wait_dma2 semaphore(%arg29 : memref<!tpu.dma_semaphore, #tpu.memory_space<semaphore_mem>>) src(%arg25 : memref<128x128xf32, #tpu.memory_space<vmem>>) dst(%dma_wait3A_707 : memref<128x128xf32, #tpu.memory_space<hbm>>)
    %dma_start3A_708 = arith.constant 4224 : i32
    %dma_start3A_709 = tpu.memref_slice %arg22[%dma_start3A_708] : memref<8192xi32, #tpu.memory_space<vmem>> -> memref<128xi32, #tpu.memory_space<vmem>>
    %dma_start3A_710 = arith.constant 0 : i32
    %dma_start3A_711 = arith.constant 0 : i32
    %dma_start3A_712 = tpu.memref_slice %arg8[%dma_start3A_710, %dma_start3A_711] : memref<32768x128xf32, #tpu.memory_space<hbm>> -> memref<32768x128xf32, #tpu.memory_space<hbm>>
    tpu.enqueue_indirect_dma source(%dma_start3A_712 : memref<32768x128xf32, #tpu.memory_space<hbm>>) target(%arg25 : memref<128x128xf32, #tpu.memory_space<vmem>>) offsets(%dma_start3A_709 : memref<128xi32, #tpu.memory_space<vmem>>) semaphore(%arg27 : memref<!tpu.dma_semaphore, #tpu.memory_space<semaphore_mem>>)
    %dma_wait3A_713 = arith.constant 4096 : i32
    %dma_wait3A_714 = tpu.memref_slice %arg22[%dma_wait3A_713] : memref<8192xi32, #tpu.memory_space<vmem>> -> memref<128xi32, #tpu.memory_space<vmem>>
    %dma_wait3A_715 = arith.constant 0 : i32
    %dma_wait3A_716 = arith.constant 0 : i32
    %dma_wait3A_717 = tpu.memref_slice %arg8[%dma_wait3A_715, %dma_wait3A_716] : memref<32768x128xf32, #tpu.memory_space<hbm>> -> memref<32768x128xf32, #tpu.memory_space<hbm>>
    tpu.wait_indirect_dma semaphore(%arg26 : memref<!tpu.dma_semaphore, #tpu.memory_space<semaphore_mem>>) src(%dma_wait3A_717 : memref<32768x128xf32, #tpu.memory_space<hbm>>) dst(%arg24 : memref<128x128xf32, #tpu.memory_space<vmem>>)
    %add3A_718 = arith.constant 4096 : i32
    %add3A_719 = arith.addi %mul3A_64, %add3A_718 : i32
    %dma_start3A_720 = arith.constant 0 : i32
    %dma_start3A_721 = tpu.memref_slice %arg9[%add3A_719, %dma_start3A_720] : memref<262144x128xf32, #tpu.memory_space<hbm>> -> memref<128x128xf32, #tpu.memory_space<hbm>>
    %dma_start3A_722 = arith.constant 0 : i32
    %dma_start3A_723 = tpu.memref_slice %arg9[%add3A_719, %dma_start3A_722] : memref<262144x128xf32, #tpu.memory_space<hbm>> -> memref<128x128xf32, #tpu.memory_space<hbm>>
    tpu.enqueue_dma source(%arg24 : memref<128x128xf32, #tpu.memory_space<vmem>>) target(%dma_start3A_723 : memref<128x128xf32, #tpu.memory_space<hbm>>) target_semaphore(%arg28 : memref<!tpu.dma_semaphore, #tpu.memory_space<semaphore_mem>>)
    %dma_wait3A_724 = arith.constant 0 : i32
    %dma_wait3A_725 = tpu.memref_slice %arg9[%add3A_719, %dma_wait3A_724] : memref<262144x128xf32, #tpu.memory_space<hbm>> -> memref<128x128xf32, #tpu.memory_space<hbm>>
    %dma_wait3A_726 = arith.constant 0 : i32
    %dma_wait3A_727 = tpu.memref_slice %arg9[%add3A_719, %dma_wait3A_726] : memref<262144x128xf32, #tpu.memory_space<hbm>> -> memref<128x128xf32, #tpu.memory_space<hbm>>
    tpu.wait_dma2 semaphore(%arg28 : memref<!tpu.dma_semaphore, #tpu.memory_space<semaphore_mem>>) src(%arg24 : memref<128x128xf32, #tpu.memory_space<vmem>>) dst(%dma_wait3A_727 : memref<128x128xf32, #tpu.memory_space<hbm>>)
    %dma_start3A_728 = arith.constant 4352 : i32
    %dma_start3A_729 = tpu.memref_slice %arg22[%dma_start3A_728] : memref<8192xi32, #tpu.memory_space<vmem>> -> memref<128xi32, #tpu.memory_space<vmem>>
    %dma_start3A_730 = arith.constant 0 : i32
    %dma_start3A_731 = arith.constant 0 : i32
    %dma_start3A_732 = tpu.memref_slice %arg8[%dma_start3A_730, %dma_start3A_731] : memref<32768x128xf32, #tpu.memory_space<hbm>> -> memref<32768x128xf32, #tpu.memory_space<hbm>>
    tpu.enqueue_indirect_dma source(%dma_start3A_732 : memref<32768x128xf32, #tpu.memory_space<hbm>>) target(%arg24 : memref<128x128xf32, #tpu.memory_space<vmem>>) offsets(%dma_start3A_729 : memref<128xi32, #tpu.memory_space<vmem>>) semaphore(%arg26 : memref<!tpu.dma_semaphore, #tpu.memory_space<semaphore_mem>>)
    %dma_wait3A_733 = arith.constant 4224 : i32
    %dma_wait3A_734 = tpu.memref_slice %arg22[%dma_wait3A_733] : memref<8192xi32, #tpu.memory_space<vmem>> -> memref<128xi32, #tpu.memory_space<vmem>>
    %dma_wait3A_735 = arith.constant 0 : i32
    %dma_wait3A_736 = arith.constant 0 : i32
    %dma_wait3A_737 = tpu.memref_slice %arg8[%dma_wait3A_735, %dma_wait3A_736] : memref<32768x128xf32, #tpu.memory_space<hbm>> -> memref<32768x128xf32, #tpu.memory_space<hbm>>
    tpu.wait_indirect_dma semaphore(%arg27 : memref<!tpu.dma_semaphore, #tpu.memory_space<semaphore_mem>>) src(%dma_wait3A_737 : memref<32768x128xf32, #tpu.memory_space<hbm>>) dst(%arg25 : memref<128x128xf32, #tpu.memory_space<vmem>>)
    %add3A_738 = arith.constant 4224 : i32
    %add3A_739 = arith.addi %mul3A_64, %add3A_738 : i32
    %dma_start3A_740 = arith.constant 0 : i32
    %dma_start3A_741 = tpu.memref_slice %arg9[%add3A_739, %dma_start3A_740] : memref<262144x128xf32, #tpu.memory_space<hbm>> -> memref<128x128xf32, #tpu.memory_space<hbm>>
    %dma_start3A_742 = arith.constant 0 : i32
    %dma_start3A_743 = tpu.memref_slice %arg9[%add3A_739, %dma_start3A_742] : memref<262144x128xf32, #tpu.memory_space<hbm>> -> memref<128x128xf32, #tpu.memory_space<hbm>>
    tpu.enqueue_dma source(%arg25 : memref<128x128xf32, #tpu.memory_space<vmem>>) target(%dma_start3A_743 : memref<128x128xf32, #tpu.memory_space<hbm>>) target_semaphore(%arg29 : memref<!tpu.dma_semaphore, #tpu.memory_space<semaphore_mem>>)
    %dma_wait3A_744 = arith.constant 0 : i32
    %dma_wait3A_745 = tpu.memref_slice %arg9[%add3A_739, %dma_wait3A_744] : memref<262144x128xf32, #tpu.memory_space<hbm>> -> memref<128x128xf32, #tpu.memory_space<hbm>>
    %dma_wait3A_746 = arith.constant 0 : i32
    %dma_wait3A_747 = tpu.memref_slice %arg9[%add3A_739, %dma_wait3A_746] : memref<262144x128xf32, #tpu.memory_space<hbm>> -> memref<128x128xf32, #tpu.memory_space<hbm>>
    tpu.wait_dma2 semaphore(%arg29 : memref<!tpu.dma_semaphore, #tpu.memory_space<semaphore_mem>>) src(%arg25 : memref<128x128xf32, #tpu.memory_space<vmem>>) dst(%dma_wait3A_747 : memref<128x128xf32, #tpu.memory_space<hbm>>)
    %dma_start3A_748 = arith.constant 4480 : i32
    %dma_start3A_749 = tpu.memref_slice %arg22[%dma_start3A_748] : memref<8192xi32, #tpu.memory_space<vmem>> -> memref<128xi32, #tpu.memory_space<vmem>>
    %dma_start3A_750 = arith.constant 0 : i32
    %dma_start3A_751 = arith.constant 0 : i32
    %dma_start3A_752 = tpu.memref_slice %arg8[%dma_start3A_750, %dma_start3A_751] : memref<32768x128xf32, #tpu.memory_space<hbm>> -> memref<32768x128xf32, #tpu.memory_space<hbm>>
    tpu.enqueue_indirect_dma source(%dma_start3A_752 : memref<32768x128xf32, #tpu.memory_space<hbm>>) target(%arg25 : memref<128x128xf32, #tpu.memory_space<vmem>>) offsets(%dma_start3A_749 : memref<128xi32, #tpu.memory_space<vmem>>) semaphore(%arg27 : memref<!tpu.dma_semaphore, #tpu.memory_space<semaphore_mem>>)
    %dma_wait3A_753 = arith.constant 4352 : i32
    %dma_wait3A_754 = tpu.memref_slice %arg22[%dma_wait3A_753] : memref<8192xi32, #tpu.memory_space<vmem>> -> memref<128xi32, #tpu.memory_space<vmem>>
    %dma_wait3A_755 = arith.constant 0 : i32
    %dma_wait3A_756 = arith.constant 0 : i32
    %dma_wait3A_757 = tpu.memref_slice %arg8[%dma_wait3A_755, %dma_wait3A_756] : memref<32768x128xf32, #tpu.memory_space<hbm>> -> memref<32768x128xf32, #tpu.memory_space<hbm>>
    tpu.wait_indirect_dma semaphore(%arg26 : memref<!tpu.dma_semaphore, #tpu.memory_space<semaphore_mem>>) src(%dma_wait3A_757 : memref<32768x128xf32, #tpu.memory_space<hbm>>) dst(%arg24 : memref<128x128xf32, #tpu.memory_space<vmem>>)
    %add3A_758 = arith.constant 4352 : i32
    %add3A_759 = arith.addi %mul3A_64, %add3A_758 : i32
    %dma_start3A_760 = arith.constant 0 : i32
    %dma_start3A_761 = tpu.memref_slice %arg9[%add3A_759, %dma_start3A_760] : memref<262144x128xf32, #tpu.memory_space<hbm>> -> memref<128x128xf32, #tpu.memory_space<hbm>>
    %dma_start3A_762 = arith.constant 0 : i32
    %dma_start3A_763 = tpu.memref_slice %arg9[%add3A_759, %dma_start3A_762] : memref<262144x128xf32, #tpu.memory_space<hbm>> -> memref<128x128xf32, #tpu.memory_space<hbm>>
    tpu.enqueue_dma source(%arg24 : memref<128x128xf32, #tpu.memory_space<vmem>>) target(%dma_start3A_763 : memref<128x128xf32, #tpu.memory_space<hbm>>) target_semaphore(%arg28 : memref<!tpu.dma_semaphore, #tpu.memory_space<semaphore_mem>>)
    %dma_wait3A_764 = arith.constant 0 : i32
    %dma_wait3A_765 = tpu.memref_slice %arg9[%add3A_759, %dma_wait3A_764] : memref<262144x128xf32, #tpu.memory_space<hbm>> -> memref<128x128xf32, #tpu.memory_space<hbm>>
    %dma_wait3A_766 = arith.constant 0 : i32
    %dma_wait3A_767 = tpu.memref_slice %arg9[%add3A_759, %dma_wait3A_766] : memref<262144x128xf32, #tpu.memory_space<hbm>> -> memref<128x128xf32, #tpu.memory_space<hbm>>
    tpu.wait_dma2 semaphore(%arg28 : memref<!tpu.dma_semaphore, #tpu.memory_space<semaphore_mem>>) src(%arg24 : memref<128x128xf32, #tpu.memory_space<vmem>>) dst(%dma_wait3A_767 : memref<128x128xf32, #tpu.memory_space<hbm>>)
    %dma_start3A_768 = arith.constant 4608 : i32
    %dma_start3A_769 = tpu.memref_slice %arg22[%dma_start3A_768] : memref<8192xi32, #tpu.memory_space<vmem>> -> memref<128xi32, #tpu.memory_space<vmem>>
    %dma_start3A_770 = arith.constant 0 : i32
    %dma_start3A_771 = arith.constant 0 : i32
    %dma_start3A_772 = tpu.memref_slice %arg8[%dma_start3A_770, %dma_start3A_771] : memref<32768x128xf32, #tpu.memory_space<hbm>> -> memref<32768x128xf32, #tpu.memory_space<hbm>>
    tpu.enqueue_indirect_dma source(%dma_start3A_772 : memref<32768x128xf32, #tpu.memory_space<hbm>>) target(%arg24 : memref<128x128xf32, #tpu.memory_space<vmem>>) offsets(%dma_start3A_769 : memref<128xi32, #tpu.memory_space<vmem>>) semaphore(%arg26 : memref<!tpu.dma_semaphore, #tpu.memory_space<semaphore_mem>>)
    %dma_wait3A_773 = arith.constant 4480 : i32
    %dma_wait3A_774 = tpu.memref_slice %arg22[%dma_wait3A_773] : memref<8192xi32, #tpu.memory_space<vmem>> -> memref<128xi32, #tpu.memory_space<vmem>>
    %dma_wait3A_775 = arith.constant 0 : i32
    %dma_wait3A_776 = arith.constant 0 : i32
    %dma_wait3A_777 = tpu.memref_slice %arg8[%dma_wait3A_775, %dma_wait3A_776] : memref<32768x128xf32, #tpu.memory_space<hbm>> -> memref<32768x128xf32, #tpu.memory_space<hbm>>
    tpu.wait_indirect_dma semaphore(%arg27 : memref<!tpu.dma_semaphore, #tpu.memory_space<semaphore_mem>>) src(%dma_wait3A_777 : memref<32768x128xf32, #tpu.memory_space<hbm>>) dst(%arg25 : memref<128x128xf32, #tpu.memory_space<vmem>>)
    %add3A_778 = arith.constant 4480 : i32
    %add3A_779 = arith.addi %mul3A_64, %add3A_778 : i32
    %dma_start3A_780 = arith.constant 0 : i32
    %dma_start3A_781 = tpu.memref_slice %arg9[%add3A_779, %dma_start3A_780] : memref<262144x128xf32, #tpu.memory_space<hbm>> -> memref<128x128xf32, #tpu.memory_space<hbm>>
    %dma_start3A_782 = arith.constant 0 : i32
    %dma_start3A_783 = tpu.memref_slice %arg9[%add3A_779, %dma_start3A_782] : memref<262144x128xf32, #tpu.memory_space<hbm>> -> memref<128x128xf32, #tpu.memory_space<hbm>>
    tpu.enqueue_dma source(%arg25 : memref<128x128xf32, #tpu.memory_space<vmem>>) target(%dma_start3A_783 : memref<128x128xf32, #tpu.memory_space<hbm>>) target_semaphore(%arg29 : memref<!tpu.dma_semaphore, #tpu.memory_space<semaphore_mem>>)
    %dma_wait3A_784 = arith.constant 0 : i32
    %dma_wait3A_785 = tpu.memref_slice %arg9[%add3A_779, %dma_wait3A_784] : memref<262144x128xf32, #tpu.memory_space<hbm>> -> memref<128x128xf32, #tpu.memory_space<hbm>>
    %dma_wait3A_786 = arith.constant 0 : i32
    %dma_wait3A_787 = tpu.memref_slice %arg9[%add3A_779, %dma_wait3A_786] : memref<262144x128xf32, #tpu.memory_space<hbm>> -> memref<128x128xf32, #tpu.memory_space<hbm>>
    tpu.wait_dma2 semaphore(%arg29 : memref<!tpu.dma_semaphore, #tpu.memory_space<semaphore_mem>>) src(%arg25 : memref<128x128xf32, #tpu.memory_space<vmem>>) dst(%dma_wait3A_787 : memref<128x128xf32, #tpu.memory_space<hbm>>)
    %dma_start3A_788 = arith.constant 4736 : i32
    %dma_start3A_789 = tpu.memref_slice %arg22[%dma_start3A_788] : memref<8192xi32, #tpu.memory_space<vmem>> -> memref<128xi32, #tpu.memory_space<vmem>>
    %dma_start3A_790 = arith.constant 0 : i32
    %dma_start3A_791 = arith.constant 0 : i32
    %dma_start3A_792 = tpu.memref_slice %arg8[%dma_start3A_790, %dma_start3A_791] : memref<32768x128xf32, #tpu.memory_space<hbm>> -> memref<32768x128xf32, #tpu.memory_space<hbm>>
    tpu.enqueue_indirect_dma source(%dma_start3A_792 : memref<32768x128xf32, #tpu.memory_space<hbm>>) target(%arg25 : memref<128x128xf32, #tpu.memory_space<vmem>>) offsets(%dma_start3A_789 : memref<128xi32, #tpu.memory_space<vmem>>) semaphore(%arg27 : memref<!tpu.dma_semaphore, #tpu.memory_space<semaphore_mem>>)
    %dma_wait3A_793 = arith.constant 4608 : i32
    %dma_wait3A_794 = tpu.memref_slice %arg22[%dma_wait3A_793] : memref<8192xi32, #tpu.memory_space<vmem>> -> memref<128xi32, #tpu.memory_space<vmem>>
    %dma_wait3A_795 = arith.constant 0 : i32
    %dma_wait3A_796 = arith.constant 0 : i32
    %dma_wait3A_797 = tpu.memref_slice %arg8[%dma_wait3A_795, %dma_wait3A_796] : memref<32768x128xf32, #tpu.memory_space<hbm>> -> memref<32768x128xf32, #tpu.memory_space<hbm>>
    tpu.wait_indirect_dma semaphore(%arg26 : memref<!tpu.dma_semaphore, #tpu.memory_space<semaphore_mem>>) src(%dma_wait3A_797 : memref<32768x128xf32, #tpu.memory_space<hbm>>) dst(%arg24 : memref<128x128xf32, #tpu.memory_space<vmem>>)
    %add3A_798 = arith.constant 4608 : i32
    %add3A_799 = arith.addi %mul3A_64, %add3A_798 : i32
    %dma_start3A_800 = arith.constant 0 : i32
    %dma_start3A_801 = tpu.memref_slice %arg9[%add3A_799, %dma_start3A_800] : memref<262144x128xf32, #tpu.memory_space<hbm>> -> memref<128x128xf32, #tpu.memory_space<hbm>>
    %dma_start3A_802 = arith.constant 0 : i32
    %dma_start3A_803 = tpu.memref_slice %arg9[%add3A_799, %dma_start3A_802] : memref<262144x128xf32, #tpu.memory_space<hbm>> -> memref<128x128xf32, #tpu.memory_space<hbm>>
    tpu.enqueue_dma source(%arg24 : memref<128x128xf32, #tpu.memory_space<vmem>>) target(%dma_start3A_803 : memref<128x128xf32, #tpu.memory_space<hbm>>) target_semaphore(%arg28 : memref<!tpu.dma_semaphore, #tpu.memory_space<semaphore_mem>>)
    %dma_wait3A_804 = arith.constant 0 : i32
    %dma_wait3A_805 = tpu.memref_slice %arg9[%add3A_799, %dma_wait3A_804] : memref<262144x128xf32, #tpu.memory_space<hbm>> -> memref<128x128xf32, #tpu.memory_space<hbm>>
    %dma_wait3A_806 = arith.constant 0 : i32
    %dma_wait3A_807 = tpu.memref_slice %arg9[%add3A_799, %dma_wait3A_806] : memref<262144x128xf32, #tpu.memory_space<hbm>> -> memref<128x128xf32, #tpu.memory_space<hbm>>
    tpu.wait_dma2 semaphore(%arg28 : memref<!tpu.dma_semaphore, #tpu.memory_space<semaphore_mem>>) src(%arg24 : memref<128x128xf32, #tpu.memory_space<vmem>>) dst(%dma_wait3A_807 : memref<128x128xf32, #tpu.memory_space<hbm>>)
    %dma_start3A_808 = arith.constant 4864 : i32
    %dma_start3A_809 = tpu.memref_slice %arg22[%dma_start3A_808] : memref<8192xi32, #tpu.memory_space<vmem>> -> memref<128xi32, #tpu.memory_space<vmem>>
    %dma_start3A_810 = arith.constant 0 : i32
    %dma_start3A_811 = arith.constant 0 : i32
    %dma_start3A_812 = tpu.memref_slice %arg8[%dma_start3A_810, %dma_start3A_811] : memref<32768x128xf32, #tpu.memory_space<hbm>> -> memref<32768x128xf32, #tpu.memory_space<hbm>>
    tpu.enqueue_indirect_dma source(%dma_start3A_812 : memref<32768x128xf32, #tpu.memory_space<hbm>>) target(%arg24 : memref<128x128xf32, #tpu.memory_space<vmem>>) offsets(%dma_start3A_809 : memref<128xi32, #tpu.memory_space<vmem>>) semaphore(%arg26 : memref<!tpu.dma_semaphore, #tpu.memory_space<semaphore_mem>>)
    %dma_wait3A_813 = arith.constant 4736 : i32
    %dma_wait3A_814 = tpu.memref_slice %arg22[%dma_wait3A_813] : memref<8192xi32, #tpu.memory_space<vmem>> -> memref<128xi32, #tpu.memory_space<vmem>>
    %dma_wait3A_815 = arith.constant 0 : i32
    %dma_wait3A_816 = arith.constant 0 : i32
    %dma_wait3A_817 = tpu.memref_slice %arg8[%dma_wait3A_815, %dma_wait3A_816] : memref<32768x128xf32, #tpu.memory_space<hbm>> -> memref<32768x128xf32, #tpu.memory_space<hbm>>
    tpu.wait_indirect_dma semaphore(%arg27 : memref<!tpu.dma_semaphore, #tpu.memory_space<semaphore_mem>>) src(%dma_wait3A_817 : memref<32768x128xf32, #tpu.memory_space<hbm>>) dst(%arg25 : memref<128x128xf32, #tpu.memory_space<vmem>>)
    %add3A_818 = arith.constant 4736 : i32
    %add3A_819 = arith.addi %mul3A_64, %add3A_818 : i32
    %dma_start3A_820 = arith.constant 0 : i32
    %dma_start3A_821 = tpu.memref_slice %arg9[%add3A_819, %dma_start3A_820] : memref<262144x128xf32, #tpu.memory_space<hbm>> -> memref<128x128xf32, #tpu.memory_space<hbm>>
    %dma_start3A_822 = arith.constant 0 : i32
    %dma_start3A_823 = tpu.memref_slice %arg9[%add3A_819, %dma_start3A_822] : memref<262144x128xf32, #tpu.memory_space<hbm>> -> memref<128x128xf32, #tpu.memory_space<hbm>>
    tpu.enqueue_dma source(%arg25 : memref<128x128xf32, #tpu.memory_space<vmem>>) target(%dma_start3A_823 : memref<128x128xf32, #tpu.memory_space<hbm>>) target_semaphore(%arg29 : memref<!tpu.dma_semaphore, #tpu.memory_space<semaphore_mem>>)
    %dma_wait3A_824 = arith.constant 0 : i32
    %dma_wait3A_825 = tpu.memref_slice %arg9[%add3A_819, %dma_wait3A_824] : memref<262144x128xf32, #tpu.memory_space<hbm>> -> memref<128x128xf32, #tpu.memory_space<hbm>>
    %dma_wait3A_826 = arith.constant 0 : i32
    %dma_wait3A_827 = tpu.memref_slice %arg9[%add3A_819, %dma_wait3A_826] : memref<262144x128xf32, #tpu.memory_space<hbm>> -> memref<128x128xf32, #tpu.memory_space<hbm>>
    tpu.wait_dma2 semaphore(%arg29 : memref<!tpu.dma_semaphore, #tpu.memory_space<semaphore_mem>>) src(%arg25 : memref<128x128xf32, #tpu.memory_space<vmem>>) dst(%dma_wait3A_827 : memref<128x128xf32, #tpu.memory_space<hbm>>)
    %dma_start3A_828 = arith.constant 4992 : i32
    %dma_start3A_829 = tpu.memref_slice %arg22[%dma_start3A_828] : memref<8192xi32, #tpu.memory_space<vmem>> -> memref<128xi32, #tpu.memory_space<vmem>>
    %dma_start3A_830 = arith.constant 0 : i32
    %dma_start3A_831 = arith.constant 0 : i32
    %dma_start3A_832 = tpu.memref_slice %arg8[%dma_start3A_830, %dma_start3A_831] : memref<32768x128xf32, #tpu.memory_space<hbm>> -> memref<32768x128xf32, #tpu.memory_space<hbm>>
    tpu.enqueue_indirect_dma source(%dma_start3A_832 : memref<32768x128xf32, #tpu.memory_space<hbm>>) target(%arg25 : memref<128x128xf32, #tpu.memory_space<vmem>>) offsets(%dma_start3A_829 : memref<128xi32, #tpu.memory_space<vmem>>) semaphore(%arg27 : memref<!tpu.dma_semaphore, #tpu.memory_space<semaphore_mem>>)
    %dma_wait3A_833 = arith.constant 4864 : i32
    %dma_wait3A_834 = tpu.memref_slice %arg22[%dma_wait3A_833] : memref<8192xi32, #tpu.memory_space<vmem>> -> memref<128xi32, #tpu.memory_space<vmem>>
    %dma_wait3A_835 = arith.constant 0 : i32
    %dma_wait3A_836 = arith.constant 0 : i32
    %dma_wait3A_837 = tpu.memref_slice %arg8[%dma_wait3A_835, %dma_wait3A_836] : memref<32768x128xf32, #tpu.memory_space<hbm>> -> memref<32768x128xf32, #tpu.memory_space<hbm>>
    tpu.wait_indirect_dma semaphore(%arg26 : memref<!tpu.dma_semaphore, #tpu.memory_space<semaphore_mem>>) src(%dma_wait3A_837 : memref<32768x128xf32, #tpu.memory_space<hbm>>) dst(%arg24 : memref<128x128xf32, #tpu.memory_space<vmem>>)
    %add3A_838 = arith.constant 4864 : i32
    %add3A_839 = arith.addi %mul3A_64, %add3A_838 : i32
    %dma_start3A_840 = arith.constant 0 : i32
    %dma_start3A_841 = tpu.memref_slice %arg9[%add3A_839, %dma_start3A_840] : memref<262144x128xf32, #tpu.memory_space<hbm>> -> memref<128x128xf32, #tpu.memory_space<hbm>>
    %dma_start3A_842 = arith.constant 0 : i32
    %dma_start3A_843 = tpu.memref_slice %arg9[%add3A_839, %dma_start3A_842] : memref<262144x128xf32, #tpu.memory_space<hbm>> -> memref<128x128xf32, #tpu.memory_space<hbm>>
    tpu.enqueue_dma source(%arg24 : memref<128x128xf32, #tpu.memory_space<vmem>>) target(%dma_start3A_843 : memref<128x128xf32, #tpu.memory_space<hbm>>) target_semaphore(%arg28 : memref<!tpu.dma_semaphore, #tpu.memory_space<semaphore_mem>>)
    %dma_wait3A_844 = arith.constant 0 : i32
    %dma_wait3A_845 = tpu.memref_slice %arg9[%add3A_839, %dma_wait3A_844] : memref<262144x128xf32, #tpu.memory_space<hbm>> -> memref<128x128xf32, #tpu.memory_space<hbm>>
    %dma_wait3A_846 = arith.constant 0 : i32
    %dma_wait3A_847 = tpu.memref_slice %arg9[%add3A_839, %dma_wait3A_846] : memref<262144x128xf32, #tpu.memory_space<hbm>> -> memref<128x128xf32, #tpu.memory_space<hbm>>
    tpu.wait_dma2 semaphore(%arg28 : memref<!tpu.dma_semaphore, #tpu.memory_space<semaphore_mem>>) src(%arg24 : memref<128x128xf32, #tpu.memory_space<vmem>>) dst(%dma_wait3A_847 : memref<128x128xf32, #tpu.memory_space<hbm>>)
    %dma_start3A_848 = arith.constant 5120 : i32
    %dma_start3A_849 = tpu.memref_slice %arg22[%dma_start3A_848] : memref<8192xi32, #tpu.memory_space<vmem>> -> memref<128xi32, #tpu.memory_space<vmem>>
    %dma_start3A_850 = arith.constant 0 : i32
    %dma_start3A_851 = arith.constant 0 : i32
    %dma_start3A_852 = tpu.memref_slice %arg8[%dma_start3A_850, %dma_start3A_851] : memref<32768x128xf32, #tpu.memory_space<hbm>> -> memref<32768x128xf32, #tpu.memory_space<hbm>>
    tpu.enqueue_indirect_dma source(%dma_start3A_852 : memref<32768x128xf32, #tpu.memory_space<hbm>>) target(%arg24 : memref<128x128xf32, #tpu.memory_space<vmem>>) offsets(%dma_start3A_849 : memref<128xi32, #tpu.memory_space<vmem>>) semaphore(%arg26 : memref<!tpu.dma_semaphore, #tpu.memory_space<semaphore_mem>>)
    %dma_wait3A_853 = arith.constant 4992 : i32
    %dma_wait3A_854 = tpu.memref_slice %arg22[%dma_wait3A_853] : memref<8192xi32, #tpu.memory_space<vmem>> -> memref<128xi32, #tpu.memory_space<vmem>>
    %dma_wait3A_855 = arith.constant 0 : i32
    %dma_wait3A_856 = arith.constant 0 : i32
    %dma_wait3A_857 = tpu.memref_slice %arg8[%dma_wait3A_855, %dma_wait3A_856] : memref<32768x128xf32, #tpu.memory_space<hbm>> -> memref<32768x128xf32, #tpu.memory_space<hbm>>
    tpu.wait_indirect_dma semaphore(%arg27 : memref<!tpu.dma_semaphore, #tpu.memory_space<semaphore_mem>>) src(%dma_wait3A_857 : memref<32768x128xf32, #tpu.memory_space<hbm>>) dst(%arg25 : memref<128x128xf32, #tpu.memory_space<vmem>>)
    %add3A_858 = arith.constant 4992 : i32
    %add3A_859 = arith.addi %mul3A_64, %add3A_858 : i32
    %dma_start3A_860 = arith.constant 0 : i32
    %dma_start3A_861 = tpu.memref_slice %arg9[%add3A_859, %dma_start3A_860] : memref<262144x128xf32, #tpu.memory_space<hbm>> -> memref<128x128xf32, #tpu.memory_space<hbm>>
    %dma_start3A_862 = arith.constant 0 : i32
    %dma_start3A_863 = tpu.memref_slice %arg9[%add3A_859, %dma_start3A_862] : memref<262144x128xf32, #tpu.memory_space<hbm>> -> memref<128x128xf32, #tpu.memory_space<hbm>>
    tpu.enqueue_dma source(%arg25 : memref<128x128xf32, #tpu.memory_space<vmem>>) target(%dma_start3A_863 : memref<128x128xf32, #tpu.memory_space<hbm>>) target_semaphore(%arg29 : memref<!tpu.dma_semaphore, #tpu.memory_space<semaphore_mem>>)
    %dma_wait3A_864 = arith.constant 0 : i32
    %dma_wait3A_865 = tpu.memref_slice %arg9[%add3A_859, %dma_wait3A_864] : memref<262144x128xf32, #tpu.memory_space<hbm>> -> memref<128x128xf32, #tpu.memory_space<hbm>>
    %dma_wait3A_866 = arith.constant 0 : i32
    %dma_wait3A_867 = tpu.memref_slice %arg9[%add3A_859, %dma_wait3A_866] : memref<262144x128xf32, #tpu.memory_space<hbm>> -> memref<128x128xf32, #tpu.memory_space<hbm>>
    tpu.wait_dma2 semaphore(%arg29 : memref<!tpu.dma_semaphore, #tpu.memory_space<semaphore_mem>>) src(%arg25 : memref<128x128xf32, #tpu.memory_space<vmem>>) dst(%dma_wait3A_867 : memref<128x128xf32, #tpu.memory_space<hbm>>)
    %dma_start3A_868 = arith.constant 5248 : i32
    %dma_start3A_869 = tpu.memref_slice %arg22[%dma_start3A_868] : memref<8192xi32, #tpu.memory_space<vmem>> -> memref<128xi32, #tpu.memory_space<vmem>>
    %dma_start3A_870 = arith.constant 0 : i32
    %dma_start3A_871 = arith.constant 0 : i32
    %dma_start3A_872 = tpu.memref_slice %arg8[%dma_start3A_870, %dma_start3A_871] : memref<32768x128xf32, #tpu.memory_space<hbm>> -> memref<32768x128xf32, #tpu.memory_space<hbm>>
    tpu.enqueue_indirect_dma source(%dma_start3A_872 : memref<32768x128xf32, #tpu.memory_space<hbm>>) target(%arg25 : memref<128x128xf32, #tpu.memory_space<vmem>>) offsets(%dma_start3A_869 : memref<128xi32, #tpu.memory_space<vmem>>) semaphore(%arg27 : memref<!tpu.dma_semaphore, #tpu.memory_space<semaphore_mem>>)
    %dma_wait3A_873 = arith.constant 5120 : i32
    %dma_wait3A_874 = tpu.memref_slice %arg22[%dma_wait3A_873] : memref<8192xi32, #tpu.memory_space<vmem>> -> memref<128xi32, #tpu.memory_space<vmem>>
    %dma_wait3A_875 = arith.constant 0 : i32
    %dma_wait3A_876 = arith.constant 0 : i32
    %dma_wait3A_877 = tpu.memref_slice %arg8[%dma_wait3A_875, %dma_wait3A_876] : memref<32768x128xf32, #tpu.memory_space<hbm>> -> memref<32768x128xf32, #tpu.memory_space<hbm>>
    tpu.wait_indirect_dma semaphore(%arg26 : memref<!tpu.dma_semaphore, #tpu.memory_space<semaphore_mem>>) src(%dma_wait3A_877 : memref<32768x128xf32, #tpu.memory_space<hbm>>) dst(%arg24 : memref<128x128xf32, #tpu.memory_space<vmem>>)
    %add3A_878 = arith.constant 5120 : i32
    %add3A_879 = arith.addi %mul3A_64, %add3A_878 : i32
    %dma_start3A_880 = arith.constant 0 : i32
    %dma_start3A_881 = tpu.memref_slice %arg9[%add3A_879, %dma_start3A_880] : memref<262144x128xf32, #tpu.memory_space<hbm>> -> memref<128x128xf32, #tpu.memory_space<hbm>>
    %dma_start3A_882 = arith.constant 0 : i32
    %dma_start3A_883 = tpu.memref_slice %arg9[%add3A_879, %dma_start3A_882] : memref<262144x128xf32, #tpu.memory_space<hbm>> -> memref<128x128xf32, #tpu.memory_space<hbm>>
    tpu.enqueue_dma source(%arg24 : memref<128x128xf32, #tpu.memory_space<vmem>>) target(%dma_start3A_883 : memref<128x128xf32, #tpu.memory_space<hbm>>) target_semaphore(%arg28 : memref<!tpu.dma_semaphore, #tpu.memory_space<semaphore_mem>>)
    %dma_wait3A_884 = arith.constant 0 : i32
    %dma_wait3A_885 = tpu.memref_slice %arg9[%add3A_879, %dma_wait3A_884] : memref<262144x128xf32, #tpu.memory_space<hbm>> -> memref<128x128xf32, #tpu.memory_space<hbm>>
    %dma_wait3A_886 = arith.constant 0 : i32
    %dma_wait3A_887 = tpu.memref_slice %arg9[%add3A_879, %dma_wait3A_886] : memref<262144x128xf32, #tpu.memory_space<hbm>> -> memref<128x128xf32, #tpu.memory_space<hbm>>
    tpu.wait_dma2 semaphore(%arg28 : memref<!tpu.dma_semaphore, #tpu.memory_space<semaphore_mem>>) src(%arg24 : memref<128x128xf32, #tpu.memory_space<vmem>>) dst(%dma_wait3A_887 : memref<128x128xf32, #tpu.memory_space<hbm>>)
    %dma_start3A_888 = arith.constant 5376 : i32
    %dma_start3A_889 = tpu.memref_slice %arg22[%dma_start3A_888] : memref<8192xi32, #tpu.memory_space<vmem>> -> memref<128xi32, #tpu.memory_space<vmem>>
    %dma_start3A_890 = arith.constant 0 : i32
    %dma_start3A_891 = arith.constant 0 : i32
    %dma_start3A_892 = tpu.memref_slice %arg8[%dma_start3A_890, %dma_start3A_891] : memref<32768x128xf32, #tpu.memory_space<hbm>> -> memref<32768x128xf32, #tpu.memory_space<hbm>>
    tpu.enqueue_indirect_dma source(%dma_start3A_892 : memref<32768x128xf32, #tpu.memory_space<hbm>>) target(%arg24 : memref<128x128xf32, #tpu.memory_space<vmem>>) offsets(%dma_start3A_889 : memref<128xi32, #tpu.memory_space<vmem>>) semaphore(%arg26 : memref<!tpu.dma_semaphore, #tpu.memory_space<semaphore_mem>>)
    %dma_wait3A_893 = arith.constant 5248 : i32
    %dma_wait3A_894 = tpu.memref_slice %arg22[%dma_wait3A_893] : memref<8192xi32, #tpu.memory_space<vmem>> -> memref<128xi32, #tpu.memory_space<vmem>>
    %dma_wait3A_895 = arith.constant 0 : i32
    %dma_wait3A_896 = arith.constant 0 : i32
    %dma_wait3A_897 = tpu.memref_slice %arg8[%dma_wait3A_895, %dma_wait3A_896] : memref<32768x128xf32, #tpu.memory_space<hbm>> -> memref<32768x128xf32, #tpu.memory_space<hbm>>
    tpu.wait_indirect_dma semaphore(%arg27 : memref<!tpu.dma_semaphore, #tpu.memory_space<semaphore_mem>>) src(%dma_wait3A_897 : memref<32768x128xf32, #tpu.memory_space<hbm>>) dst(%arg25 : memref<128x128xf32, #tpu.memory_space<vmem>>)
    %add3A_898 = arith.constant 5248 : i32
    %add3A_899 = arith.addi %mul3A_64, %add3A_898 : i32
    %dma_start3A_900 = arith.constant 0 : i32
    %dma_start3A_901 = tpu.memref_slice %arg9[%add3A_899, %dma_start3A_900] : memref<262144x128xf32, #tpu.memory_space<hbm>> -> memref<128x128xf32, #tpu.memory_space<hbm>>
    %dma_start3A_902 = arith.constant 0 : i32
    %dma_start3A_903 = tpu.memref_slice %arg9[%add3A_899, %dma_start3A_902] : memref<262144x128xf32, #tpu.memory_space<hbm>> -> memref<128x128xf32, #tpu.memory_space<hbm>>
    tpu.enqueue_dma source(%arg25 : memref<128x128xf32, #tpu.memory_space<vmem>>) target(%dma_start3A_903 : memref<128x128xf32, #tpu.memory_space<hbm>>) target_semaphore(%arg29 : memref<!tpu.dma_semaphore, #tpu.memory_space<semaphore_mem>>)
    %dma_wait3A_904 = arith.constant 0 : i32
    %dma_wait3A_905 = tpu.memref_slice %arg9[%add3A_899, %dma_wait3A_904] : memref<262144x128xf32, #tpu.memory_space<hbm>> -> memref<128x128xf32, #tpu.memory_space<hbm>>
    %dma_wait3A_906 = arith.constant 0 : i32
    %dma_wait3A_907 = tpu.memref_slice %arg9[%add3A_899, %dma_wait3A_906] : memref<262144x128xf32, #tpu.memory_space<hbm>> -> memref<128x128xf32, #tpu.memory_space<hbm>>
    tpu.wait_dma2 semaphore(%arg29 : memref<!tpu.dma_semaphore, #tpu.memory_space<semaphore_mem>>) src(%arg25 : memref<128x128xf32, #tpu.memory_space<vmem>>) dst(%dma_wait3A_907 : memref<128x128xf32, #tpu.memory_space<hbm>>)
    %dma_start3A_908 = arith.constant 5504 : i32
    %dma_start3A_909 = tpu.memref_slice %arg22[%dma_start3A_908] : memref<8192xi32, #tpu.memory_space<vmem>> -> memref<128xi32, #tpu.memory_space<vmem>>
    %dma_start3A_910 = arith.constant 0 : i32
    %dma_start3A_911 = arith.constant 0 : i32
    %dma_start3A_912 = tpu.memref_slice %arg8[%dma_start3A_910, %dma_start3A_911] : memref<32768x128xf32, #tpu.memory_space<hbm>> -> memref<32768x128xf32, #tpu.memory_space<hbm>>
    tpu.enqueue_indirect_dma source(%dma_start3A_912 : memref<32768x128xf32, #tpu.memory_space<hbm>>) target(%arg25 : memref<128x128xf32, #tpu.memory_space<vmem>>) offsets(%dma_start3A_909 : memref<128xi32, #tpu.memory_space<vmem>>) semaphore(%arg27 : memref<!tpu.dma_semaphore, #tpu.memory_space<semaphore_mem>>)
    %dma_wait3A_913 = arith.constant 5376 : i32
    %dma_wait3A_914 = tpu.memref_slice %arg22[%dma_wait3A_913] : memref<8192xi32, #tpu.memory_space<vmem>> -> memref<128xi32, #tpu.memory_space<vmem>>
    %dma_wait3A_915 = arith.constant 0 : i32
    %dma_wait3A_916 = arith.constant 0 : i32
    %dma_wait3A_917 = tpu.memref_slice %arg8[%dma_wait3A_915, %dma_wait3A_916] : memref<32768x128xf32, #tpu.memory_space<hbm>> -> memref<32768x128xf32, #tpu.memory_space<hbm>>
    tpu.wait_indirect_dma semaphore(%arg26 : memref<!tpu.dma_semaphore, #tpu.memory_space<semaphore_mem>>) src(%dma_wait3A_917 : memref<32768x128xf32, #tpu.memory_space<hbm>>) dst(%arg24 : memref<128x128xf32, #tpu.memory_space<vmem>>)
    %add3A_918 = arith.constant 5376 : i32
    %add3A_919 = arith.addi %mul3A_64, %add3A_918 : i32
    %dma_start3A_920 = arith.constant 0 : i32
    %dma_start3A_921 = tpu.memref_slice %arg9[%add3A_919, %dma_start3A_920] : memref<262144x128xf32, #tpu.memory_space<hbm>> -> memref<128x128xf32, #tpu.memory_space<hbm>>
    %dma_start3A_922 = arith.constant 0 : i32
    %dma_start3A_923 = tpu.memref_slice %arg9[%add3A_919, %dma_start3A_922] : memref<262144x128xf32, #tpu.memory_space<hbm>> -> memref<128x128xf32, #tpu.memory_space<hbm>>
    tpu.enqueue_dma source(%arg24 : memref<128x128xf32, #tpu.memory_space<vmem>>) target(%dma_start3A_923 : memref<128x128xf32, #tpu.memory_space<hbm>>) target_semaphore(%arg28 : memref<!tpu.dma_semaphore, #tpu.memory_space<semaphore_mem>>)
    %dma_wait3A_924 = arith.constant 0 : i32
    %dma_wait3A_925 = tpu.memref_slice %arg9[%add3A_919, %dma_wait3A_924] : memref<262144x128xf32, #tpu.memory_space<hbm>> -> memref<128x128xf32, #tpu.memory_space<hbm>>
    %dma_wait3A_926 = arith.constant 0 : i32
    %dma_wait3A_927 = tpu.memref_slice %arg9[%add3A_919, %dma_wait3A_926] : memref<262144x128xf32, #tpu.memory_space<hbm>> -> memref<128x128xf32, #tpu.memory_space<hbm>>
    tpu.wait_dma2 semaphore(%arg28 : memref<!tpu.dma_semaphore, #tpu.memory_space<semaphore_mem>>) src(%arg24 : memref<128x128xf32, #tpu.memory_space<vmem>>) dst(%dma_wait3A_927 : memref<128x128xf32, #tpu.memory_space<hbm>>)
    %dma_start3A_928 = arith.constant 5632 : i32
    %dma_start3A_929 = tpu.memref_slice %arg22[%dma_start3A_928] : memref<8192xi32, #tpu.memory_space<vmem>> -> memref<128xi32, #tpu.memory_space<vmem>>
    %dma_start3A_930 = arith.constant 0 : i32
    %dma_start3A_931 = arith.constant 0 : i32
    %dma_start3A_932 = tpu.memref_slice %arg8[%dma_start3A_930, %dma_start3A_931] : memref<32768x128xf32, #tpu.memory_space<hbm>> -> memref<32768x128xf32, #tpu.memory_space<hbm>>
    tpu.enqueue_indirect_dma source(%dma_start3A_932 : memref<32768x128xf32, #tpu.memory_space<hbm>>) target(%arg24 : memref<128x128xf32, #tpu.memory_space<vmem>>) offsets(%dma_start3A_929 : memref<128xi32, #tpu.memory_space<vmem>>) semaphore(%arg26 : memref<!tpu.dma_semaphore, #tpu.memory_space<semaphore_mem>>)
    %dma_wait3A_933 = arith.constant 5504 : i32
    %dma_wait3A_934 = tpu.memref_slice %arg22[%dma_wait3A_933] : memref<8192xi32, #tpu.memory_space<vmem>> -> memref<128xi32, #tpu.memory_space<vmem>>
    %dma_wait3A_935 = arith.constant 0 : i32
    %dma_wait3A_936 = arith.constant 0 : i32
    %dma_wait3A_937 = tpu.memref_slice %arg8[%dma_wait3A_935, %dma_wait3A_936] : memref<32768x128xf32, #tpu.memory_space<hbm>> -> memref<32768x128xf32, #tpu.memory_space<hbm>>
    tpu.wait_indirect_dma semaphore(%arg27 : memref<!tpu.dma_semaphore, #tpu.memory_space<semaphore_mem>>) src(%dma_wait3A_937 : memref<32768x128xf32, #tpu.memory_space<hbm>>) dst(%arg25 : memref<128x128xf32, #tpu.memory_space<vmem>>)
    %add3A_938 = arith.constant 5504 : i32
    %add3A_939 = arith.addi %mul3A_64, %add3A_938 : i32
    %dma_start3A_940 = arith.constant 0 : i32
    %dma_start3A_941 = tpu.memref_slice %arg9[%add3A_939, %dma_start3A_940] : memref<262144x128xf32, #tpu.memory_space<hbm>> -> memref<128x128xf32, #tpu.memory_space<hbm>>
    %dma_start3A_942 = arith.constant 0 : i32
    %dma_start3A_943 = tpu.memref_slice %arg9[%add3A_939, %dma_start3A_942] : memref<262144x128xf32, #tpu.memory_space<hbm>> -> memref<128x128xf32, #tpu.memory_space<hbm>>
    tpu.enqueue_dma source(%arg25 : memref<128x128xf32, #tpu.memory_space<vmem>>) target(%dma_start3A_943 : memref<128x128xf32, #tpu.memory_space<hbm>>) target_semaphore(%arg29 : memref<!tpu.dma_semaphore, #tpu.memory_space<semaphore_mem>>)
    %dma_wait3A_944 = arith.constant 0 : i32
    %dma_wait3A_945 = tpu.memref_slice %arg9[%add3A_939, %dma_wait3A_944] : memref<262144x128xf32, #tpu.memory_space<hbm>> -> memref<128x128xf32, #tpu.memory_space<hbm>>
    %dma_wait3A_946 = arith.constant 0 : i32
    %dma_wait3A_947 = tpu.memref_slice %arg9[%add3A_939, %dma_wait3A_946] : memref<262144x128xf32, #tpu.memory_space<hbm>> -> memref<128x128xf32, #tpu.memory_space<hbm>>
    tpu.wait_dma2 semaphore(%arg29 : memref<!tpu.dma_semaphore, #tpu.memory_space<semaphore_mem>>) src(%arg25 : memref<128x128xf32, #tpu.memory_space<vmem>>) dst(%dma_wait3A_947 : memref<128x128xf32, #tpu.memory_space<hbm>>)
    %dma_start3A_948 = arith.constant 5760 : i32
    %dma_start3A_949 = tpu.memref_slice %arg22[%dma_start3A_948] : memref<8192xi32, #tpu.memory_space<vmem>> -> memref<128xi32, #tpu.memory_space<vmem>>
    %dma_start3A_950 = arith.constant 0 : i32
    %dma_start3A_951 = arith.constant 0 : i32
    %dma_start3A_952 = tpu.memref_slice %arg8[%dma_start3A_950, %dma_start3A_951] : memref<32768x128xf32, #tpu.memory_space<hbm>> -> memref<32768x128xf32, #tpu.memory_space<hbm>>
    tpu.enqueue_indirect_dma source(%dma_start3A_952 : memref<32768x128xf32, #tpu.memory_space<hbm>>) target(%arg25 : memref<128x128xf32, #tpu.memory_space<vmem>>) offsets(%dma_start3A_949 : memref<128xi32, #tpu.memory_space<vmem>>) semaphore(%arg27 : memref<!tpu.dma_semaphore, #tpu.memory_space<semaphore_mem>>)
    %dma_wait3A_953 = arith.constant 5632 : i32
    %dma_wait3A_954 = tpu.memref_slice %arg22[%dma_wait3A_953] : memref<8192xi32, #tpu.memory_space<vmem>> -> memref<128xi32, #tpu.memory_space<vmem>>
    %dma_wait3A_955 = arith.constant 0 : i32
    %dma_wait3A_956 = arith.constant 0 : i32
    %dma_wait3A_957 = tpu.memref_slice %arg8[%dma_wait3A_955, %dma_wait3A_956] : memref<32768x128xf32, #tpu.memory_space<hbm>> -> memref<32768x128xf32, #tpu.memory_space<hbm>>
    tpu.wait_indirect_dma semaphore(%arg26 : memref<!tpu.dma_semaphore, #tpu.memory_space<semaphore_mem>>) src(%dma_wait3A_957 : memref<32768x128xf32, #tpu.memory_space<hbm>>) dst(%arg24 : memref<128x128xf32, #tpu.memory_space<vmem>>)
    %add3A_958 = arith.constant 5632 : i32
    %add3A_959 = arith.addi %mul3A_64, %add3A_958 : i32
    %dma_start3A_960 = arith.constant 0 : i32
    %dma_start3A_961 = tpu.memref_slice %arg9[%add3A_959, %dma_start3A_960] : memref<262144x128xf32, #tpu.memory_space<hbm>> -> memref<128x128xf32, #tpu.memory_space<hbm>>
    %dma_start3A_962 = arith.constant 0 : i32
    %dma_start3A_963 = tpu.memref_slice %arg9[%add3A_959, %dma_start3A_962] : memref<262144x128xf32, #tpu.memory_space<hbm>> -> memref<128x128xf32, #tpu.memory_space<hbm>>
    tpu.enqueue_dma source(%arg24 : memref<128x128xf32, #tpu.memory_space<vmem>>) target(%dma_start3A_963 : memref<128x128xf32, #tpu.memory_space<hbm>>) target_semaphore(%arg28 : memref<!tpu.dma_semaphore, #tpu.memory_space<semaphore_mem>>)
    %dma_wait3A_964 = arith.constant 0 : i32
    %dma_wait3A_965 = tpu.memref_slice %arg9[%add3A_959, %dma_wait3A_964] : memref<262144x128xf32, #tpu.memory_space<hbm>> -> memref<128x128xf32, #tpu.memory_space<hbm>>
    %dma_wait3A_966 = arith.constant 0 : i32
    %dma_wait3A_967 = tpu.memref_slice %arg9[%add3A_959, %dma_wait3A_966] : memref<262144x128xf32, #tpu.memory_space<hbm>> -> memref<128x128xf32, #tpu.memory_space<hbm>>
    tpu.wait_dma2 semaphore(%arg28 : memref<!tpu.dma_semaphore, #tpu.memory_space<semaphore_mem>>) src(%arg24 : memref<128x128xf32, #tpu.memory_space<vmem>>) dst(%dma_wait3A_967 : memref<128x128xf32, #tpu.memory_space<hbm>>)
    %dma_start3A_968 = arith.constant 5888 : i32
    %dma_start3A_969 = tpu.memref_slice %arg22[%dma_start3A_968] : memref<8192xi32, #tpu.memory_space<vmem>> -> memref<128xi32, #tpu.memory_space<vmem>>
    %dma_start3A_970 = arith.constant 0 : i32
    %dma_start3A_971 = arith.constant 0 : i32
    %dma_start3A_972 = tpu.memref_slice %arg8[%dma_start3A_970, %dma_start3A_971] : memref<32768x128xf32, #tpu.memory_space<hbm>> -> memref<32768x128xf32, #tpu.memory_space<hbm>>
    tpu.enqueue_indirect_dma source(%dma_start3A_972 : memref<32768x128xf32, #tpu.memory_space<hbm>>) target(%arg24 : memref<128x128xf32, #tpu.memory_space<vmem>>) offsets(%dma_start3A_969 : memref<128xi32, #tpu.memory_space<vmem>>) semaphore(%arg26 : memref<!tpu.dma_semaphore, #tpu.memory_space<semaphore_mem>>)
    %dma_wait3A_973 = arith.constant 5760 : i32
    %dma_wait3A_974 = tpu.memref_slice %arg22[%dma_wait3A_973] : memref<8192xi32, #tpu.memory_space<vmem>> -> memref<128xi32, #tpu.memory_space<vmem>>
    %dma_wait3A_975 = arith.constant 0 : i32
    %dma_wait3A_976 = arith.constant 0 : i32
    %dma_wait3A_977 = tpu.memref_slice %arg8[%dma_wait3A_975, %dma_wait3A_976] : memref<32768x128xf32, #tpu.memory_space<hbm>> -> memref<32768x128xf32, #tpu.memory_space<hbm>>
    tpu.wait_indirect_dma semaphore(%arg27 : memref<!tpu.dma_semaphore, #tpu.memory_space<semaphore_mem>>) src(%dma_wait3A_977 : memref<32768x128xf32, #tpu.memory_space<hbm>>) dst(%arg25 : memref<128x128xf32, #tpu.memory_space<vmem>>)
    %add3A_978 = arith.constant 5760 : i32
    %add3A_979 = arith.addi %mul3A_64, %add3A_978 : i32
    %dma_start3A_980 = arith.constant 0 : i32
    %dma_start3A_981 = tpu.memref_slice %arg9[%add3A_979, %dma_start3A_980] : memref<262144x128xf32, #tpu.memory_space<hbm>> -> memref<128x128xf32, #tpu.memory_space<hbm>>
    %dma_start3A_982 = arith.constant 0 : i32
    %dma_start3A_983 = tpu.memref_slice %arg9[%add3A_979, %dma_start3A_982] : memref<262144x128xf32, #tpu.memory_space<hbm>> -> memref<128x128xf32, #tpu.memory_space<hbm>>
    tpu.enqueue_dma source(%arg25 : memref<128x128xf32, #tpu.memory_space<vmem>>) target(%dma_start3A_983 : memref<128x128xf32, #tpu.memory_space<hbm>>) target_semaphore(%arg29 : memref<!tpu.dma_semaphore, #tpu.memory_space<semaphore_mem>>)
    %dma_wait3A_984 = arith.constant 0 : i32
    %dma_wait3A_985 = tpu.memref_slice %arg9[%add3A_979, %dma_wait3A_984] : memref<262144x128xf32, #tpu.memory_space<hbm>> -> memref<128x128xf32, #tpu.memory_space<hbm>>
    %dma_wait3A_986 = arith.constant 0 : i32
    %dma_wait3A_987 = tpu.memref_slice %arg9[%add3A_979, %dma_wait3A_986] : memref<262144x128xf32, #tpu.memory_space<hbm>> -> memref<128x128xf32, #tpu.memory_space<hbm>>
    tpu.wait_dma2 semaphore(%arg29 : memref<!tpu.dma_semaphore, #tpu.memory_space<semaphore_mem>>) src(%arg25 : memref<128x128xf32, #tpu.memory_space<vmem>>) dst(%dma_wait3A_987 : memref<128x128xf32, #tpu.memory_space<hbm>>)
    %dma_start3A_988 = arith.constant 6016 : i32
    %dma_start3A_989 = tpu.memref_slice %arg22[%dma_start3A_988] : memref<8192xi32, #tpu.memory_space<vmem>> -> memref<128xi32, #tpu.memory_space<vmem>>
    %dma_start3A_990 = arith.constant 0 : i32
    %dma_start3A_991 = arith.constant 0 : i32
    %dma_start3A_992 = tpu.memref_slice %arg8[%dma_start3A_990, %dma_start3A_991] : memref<32768x128xf32, #tpu.memory_space<hbm>> -> memref<32768x128xf32, #tpu.memory_space<hbm>>
    tpu.enqueue_indirect_dma source(%dma_start3A_992 : memref<32768x128xf32, #tpu.memory_space<hbm>>) target(%arg25 : memref<128x128xf32, #tpu.memory_space<vmem>>) offsets(%dma_start3A_989 : memref<128xi32, #tpu.memory_space<vmem>>) semaphore(%arg27 : memref<!tpu.dma_semaphore, #tpu.memory_space<semaphore_mem>>)
    %dma_wait3A_993 = arith.constant 5888 : i32
    %dma_wait3A_994 = tpu.memref_slice %arg22[%dma_wait3A_993] : memref<8192xi32, #tpu.memory_space<vmem>> -> memref<128xi32, #tpu.memory_space<vmem>>
    %dma_wait3A_995 = arith.constant 0 : i32
    %dma_wait3A_996 = arith.constant 0 : i32
    %dma_wait3A_997 = tpu.memref_slice %arg8[%dma_wait3A_995, %dma_wait3A_996] : memref<32768x128xf32, #tpu.memory_space<hbm>> -> memref<32768x128xf32, #tpu.memory_space<hbm>>
    tpu.wait_indirect_dma semaphore(%arg26 : memref<!tpu.dma_semaphore, #tpu.memory_space<semaphore_mem>>) src(%dma_wait3A_997 : memref<32768x128xf32, #tpu.memory_space<hbm>>) dst(%arg24 : memref<128x128xf32, #tpu.memory_space<vmem>>)
    %add3A_998 = arith.constant 5888 : i32
    %add3A_999 = arith.addi %mul3A_64, %add3A_998 : i32
    %dma_start3A_1000 = arith.constant 0 : i32
    %dma_start3A_1001 = tpu.memref_slice %arg9[%add3A_999, %dma_start3A_1000] : memref<262144x128xf32, #tpu.memory_space<hbm>> -> memref<128x128xf32, #tpu.memory_space<hbm>>
    %dma_start3A_1002 = arith.constant 0 : i32
    %dma_start3A_1003 = tpu.memref_slice %arg9[%add3A_999, %dma_start3A_1002] : memref<262144x128xf32, #tpu.memory_space<hbm>> -> memref<128x128xf32, #tpu.memory_space<hbm>>
    tpu.enqueue_dma source(%arg24 : memref<128x128xf32, #tpu.memory_space<vmem>>) target(%dma_start3A_1003 : memref<128x128xf32, #tpu.memory_space<hbm>>) target_semaphore(%arg28 : memref<!tpu.dma_semaphore, #tpu.memory_space<semaphore_mem>>)
    %dma_wait3A_1004 = arith.constant 0 : i32
    %dma_wait3A_1005 = tpu.memref_slice %arg9[%add3A_999, %dma_wait3A_1004] : memref<262144x128xf32, #tpu.memory_space<hbm>> -> memref<128x128xf32, #tpu.memory_space<hbm>>
    %dma_wait3A_1006 = arith.constant 0 : i32
    %dma_wait3A_1007 = tpu.memref_slice %arg9[%add3A_999, %dma_wait3A_1006] : memref<262144x128xf32, #tpu.memory_space<hbm>> -> memref<128x128xf32, #tpu.memory_space<hbm>>
    tpu.wait_dma2 semaphore(%arg28 : memref<!tpu.dma_semaphore, #tpu.memory_space<semaphore_mem>>) src(%arg24 : memref<128x128xf32, #tpu.memory_space<vmem>>) dst(%dma_wait3A_1007 : memref<128x128xf32, #tpu.memory_space<hbm>>)
    %dma_start3A_1008 = arith.constant 6144 : i32
    %dma_start3A_1009 = tpu.memref_slice %arg22[%dma_start3A_1008] : memref<8192xi32, #tpu.memory_space<vmem>> -> memref<128xi32, #tpu.memory_space<vmem>>
    %dma_start3A_1010 = arith.constant 0 : i32
    %dma_start3A_1011 = arith.constant 0 : i32
    %dma_start3A_1012 = tpu.memref_slice %arg8[%dma_start3A_1010, %dma_start3A_1011] : memref<32768x128xf32, #tpu.memory_space<hbm>> -> memref<32768x128xf32, #tpu.memory_space<hbm>>
    tpu.enqueue_indirect_dma source(%dma_start3A_1012 : memref<32768x128xf32, #tpu.memory_space<hbm>>) target(%arg24 : memref<128x128xf32, #tpu.memory_space<vmem>>) offsets(%dma_start3A_1009 : memref<128xi32, #tpu.memory_space<vmem>>) semaphore(%arg26 : memref<!tpu.dma_semaphore, #tpu.memory_space<semaphore_mem>>)
    %dma_wait3A_1013 = arith.constant 6016 : i32
    %dma_wait3A_1014 = tpu.memref_slice %arg22[%dma_wait3A_1013] : memref<8192xi32, #tpu.memory_space<vmem>> -> memref<128xi32, #tpu.memory_space<vmem>>
    %dma_wait3A_1015 = arith.constant 0 : i32
    %dma_wait3A_1016 = arith.constant 0 : i32
    %dma_wait3A_1017 = tpu.memref_slice %arg8[%dma_wait3A_1015, %dma_wait3A_1016] : memref<32768x128xf32, #tpu.memory_space<hbm>> -> memref<32768x128xf32, #tpu.memory_space<hbm>>
    tpu.wait_indirect_dma semaphore(%arg27 : memref<!tpu.dma_semaphore, #tpu.memory_space<semaphore_mem>>) src(%dma_wait3A_1017 : memref<32768x128xf32, #tpu.memory_space<hbm>>) dst(%arg25 : memref<128x128xf32, #tpu.memory_space<vmem>>)
    %add3A_1018 = arith.constant 6016 : i32
    %add3A_1019 = arith.addi %mul3A_64, %add3A_1018 : i32
    %dma_start3A_1020 = arith.constant 0 : i32
    %dma_start3A_1021 = tpu.memref_slice %arg9[%add3A_1019, %dma_start3A_1020] : memref<262144x128xf32, #tpu.memory_space<hbm>> -> memref<128x128xf32, #tpu.memory_space<hbm>>
    %dma_start3A_1022 = arith.constant 0 : i32
    %dma_start3A_1023 = tpu.memref_slice %arg9[%add3A_1019, %dma_start3A_1022] : memref<262144x128xf32, #tpu.memory_space<hbm>> -> memref<128x128xf32, #tpu.memory_space<hbm>>
    tpu.enqueue_dma source(%arg25 : memref<128x128xf32, #tpu.memory_space<vmem>>) target(%dma_start3A_1023 : memref<128x128xf32, #tpu.memory_space<hbm>>) target_semaphore(%arg29 : memref<!tpu.dma_semaphore, #tpu.memory_space<semaphore_mem>>)
    %dma_wait3A_1024 = arith.constant 0 : i32
    %dma_wait3A_1025 = tpu.memref_slice %arg9[%add3A_1019, %dma_wait3A_1024] : memref<262144x128xf32, #tpu.memory_space<hbm>> -> memref<128x128xf32, #tpu.memory_space<hbm>>
    %dma_wait3A_1026 = arith.constant 0 : i32
    %dma_wait3A_1027 = tpu.memref_slice %arg9[%add3A_1019, %dma_wait3A_1026] : memref<262144x128xf32, #tpu.memory_space<hbm>> -> memref<128x128xf32, #tpu.memory_space<hbm>>
    tpu.wait_dma2 semaphore(%arg29 : memref<!tpu.dma_semaphore, #tpu.memory_space<semaphore_mem>>) src(%arg25 : memref<128x128xf32, #tpu.memory_space<vmem>>) dst(%dma_wait3A_1027 : memref<128x128xf32, #tpu.memory_space<hbm>>)
    %dma_start3A_1028 = arith.constant 6272 : i32
    %dma_start3A_1029 = tpu.memref_slice %arg22[%dma_start3A_1028] : memref<8192xi32, #tpu.memory_space<vmem>> -> memref<128xi32, #tpu.memory_space<vmem>>
    %dma_start3A_1030 = arith.constant 0 : i32
    %dma_start3A_1031 = arith.constant 0 : i32
    %dma_start3A_1032 = tpu.memref_slice %arg8[%dma_start3A_1030, %dma_start3A_1031] : memref<32768x128xf32, #tpu.memory_space<hbm>> -> memref<32768x128xf32, #tpu.memory_space<hbm>>
    tpu.enqueue_indirect_dma source(%dma_start3A_1032 : memref<32768x128xf32, #tpu.memory_space<hbm>>) target(%arg25 : memref<128x128xf32, #tpu.memory_space<vmem>>) offsets(%dma_start3A_1029 : memref<128xi32, #tpu.memory_space<vmem>>) semaphore(%arg27 : memref<!tpu.dma_semaphore, #tpu.memory_space<semaphore_mem>>)
    %dma_wait3A_1033 = arith.constant 6144 : i32
    %dma_wait3A_1034 = tpu.memref_slice %arg22[%dma_wait3A_1033] : memref<8192xi32, #tpu.memory_space<vmem>> -> memref<128xi32, #tpu.memory_space<vmem>>
    %dma_wait3A_1035 = arith.constant 0 : i32
    %dma_wait3A_1036 = arith.constant 0 : i32
    %dma_wait3A_1037 = tpu.memref_slice %arg8[%dma_wait3A_1035, %dma_wait3A_1036] : memref<32768x128xf32, #tpu.memory_space<hbm>> -> memref<32768x128xf32, #tpu.memory_space<hbm>>
    tpu.wait_indirect_dma semaphore(%arg26 : memref<!tpu.dma_semaphore, #tpu.memory_space<semaphore_mem>>) src(%dma_wait3A_1037 : memref<32768x128xf32, #tpu.memory_space<hbm>>) dst(%arg24 : memref<128x128xf32, #tpu.memory_space<vmem>>)
    %add3A_1038 = arith.constant 6144 : i32
    %add3A_1039 = arith.addi %mul3A_64, %add3A_1038 : i32
    %dma_start3A_1040 = arith.constant 0 : i32
    %dma_start3A_1041 = tpu.memref_slice %arg9[%add3A_1039, %dma_start3A_1040] : memref<262144x128xf32, #tpu.memory_space<hbm>> -> memref<128x128xf32, #tpu.memory_space<hbm>>
    %dma_start3A_1042 = arith.constant 0 : i32
    %dma_start3A_1043 = tpu.memref_slice %arg9[%add3A_1039, %dma_start3A_1042] : memref<262144x128xf32, #tpu.memory_space<hbm>> -> memref<128x128xf32, #tpu.memory_space<hbm>>
    tpu.enqueue_dma source(%arg24 : memref<128x128xf32, #tpu.memory_space<vmem>>) target(%dma_start3A_1043 : memref<128x128xf32, #tpu.memory_space<hbm>>) target_semaphore(%arg28 : memref<!tpu.dma_semaphore, #tpu.memory_space<semaphore_mem>>)
    %dma_wait3A_1044 = arith.constant 0 : i32
    %dma_wait3A_1045 = tpu.memref_slice %arg9[%add3A_1039, %dma_wait3A_1044] : memref<262144x128xf32, #tpu.memory_space<hbm>> -> memref<128x128xf32, #tpu.memory_space<hbm>>
    %dma_wait3A_1046 = arith.constant 0 : i32
    %dma_wait3A_1047 = tpu.memref_slice %arg9[%add3A_1039, %dma_wait3A_1046] : memref<262144x128xf32, #tpu.memory_space<hbm>> -> memref<128x128xf32, #tpu.memory_space<hbm>>
    tpu.wait_dma2 semaphore(%arg28 : memref<!tpu.dma_semaphore, #tpu.memory_space<semaphore_mem>>) src(%arg24 : memref<128x128xf32, #tpu.memory_space<vmem>>) dst(%dma_wait3A_1047 : memref<128x128xf32, #tpu.memory_space<hbm>>)
    %dma_start3A_1048 = arith.constant 6400 : i32
    %dma_start3A_1049 = tpu.memref_slice %arg22[%dma_start3A_1048] : memref<8192xi32, #tpu.memory_space<vmem>> -> memref<128xi32, #tpu.memory_space<vmem>>
    %dma_start3A_1050 = arith.constant 0 : i32
    %dma_start3A_1051 = arith.constant 0 : i32
    %dma_start3A_1052 = tpu.memref_slice %arg8[%dma_start3A_1050, %dma_start3A_1051] : memref<32768x128xf32, #tpu.memory_space<hbm>> -> memref<32768x128xf32, #tpu.memory_space<hbm>>
    tpu.enqueue_indirect_dma source(%dma_start3A_1052 : memref<32768x128xf32, #tpu.memory_space<hbm>>) target(%arg24 : memref<128x128xf32, #tpu.memory_space<vmem>>) offsets(%dma_start3A_1049 : memref<128xi32, #tpu.memory_space<vmem>>) semaphore(%arg26 : memref<!tpu.dma_semaphore, #tpu.memory_space<semaphore_mem>>)
    %dma_wait3A_1053 = arith.constant 6272 : i32
    %dma_wait3A_1054 = tpu.memref_slice %arg22[%dma_wait3A_1053] : memref<8192xi32, #tpu.memory_space<vmem>> -> memref<128xi32, #tpu.memory_space<vmem>>
    %dma_wait3A_1055 = arith.constant 0 : i32
    %dma_wait3A_1056 = arith.constant 0 : i32
    %dma_wait3A_1057 = tpu.memref_slice %arg8[%dma_wait3A_1055, %dma_wait3A_1056] : memref<32768x128xf32, #tpu.memory_space<hbm>> -> memref<32768x128xf32, #tpu.memory_space<hbm>>
    tpu.wait_indirect_dma semaphore(%arg27 : memref<!tpu.dma_semaphore, #tpu.memory_space<semaphore_mem>>) src(%dma_wait3A_1057 : memref<32768x128xf32, #tpu.memory_space<hbm>>) dst(%arg25 : memref<128x128xf32, #tpu.memory_space<vmem>>)
    %add3A_1058 = arith.constant 6272 : i32
    %add3A_1059 = arith.addi %mul3A_64, %add3A_1058 : i32
    %dma_start3A_1060 = arith.constant 0 : i32
    %dma_start3A_1061 = tpu.memref_slice %arg9[%add3A_1059, %dma_start3A_1060] : memref<262144x128xf32, #tpu.memory_space<hbm>> -> memref<128x128xf32, #tpu.memory_space<hbm>>
    %dma_start3A_1062 = arith.constant 0 : i32
    %dma_start3A_1063 = tpu.memref_slice %arg9[%add3A_1059, %dma_start3A_1062] : memref<262144x128xf32, #tpu.memory_space<hbm>> -> memref<128x128xf32, #tpu.memory_space<hbm>>
    tpu.enqueue_dma source(%arg25 : memref<128x128xf32, #tpu.memory_space<vmem>>) target(%dma_start3A_1063 : memref<128x128xf32, #tpu.memory_space<hbm>>) target_semaphore(%arg29 : memref<!tpu.dma_semaphore, #tpu.memory_space<semaphore_mem>>)
    %dma_wait3A_1064 = arith.constant 0 : i32
    %dma_wait3A_1065 = tpu.memref_slice %arg9[%add3A_1059, %dma_wait3A_1064] : memref<262144x128xf32, #tpu.memory_space<hbm>> -> memref<128x128xf32, #tpu.memory_space<hbm>>
    %dma_wait3A_1066 = arith.constant 0 : i32
    %dma_wait3A_1067 = tpu.memref_slice %arg9[%add3A_1059, %dma_wait3A_1066] : memref<262144x128xf32, #tpu.memory_space<hbm>> -> memref<128x128xf32, #tpu.memory_space<hbm>>
    tpu.wait_dma2 semaphore(%arg29 : memref<!tpu.dma_semaphore, #tpu.memory_space<semaphore_mem>>) src(%arg25 : memref<128x128xf32, #tpu.memory_space<vmem>>) dst(%dma_wait3A_1067 : memref<128x128xf32, #tpu.memory_space<hbm>>)
    %dma_start3A_1068 = arith.constant 6528 : i32
    %dma_start3A_1069 = tpu.memref_slice %arg22[%dma_start3A_1068] : memref<8192xi32, #tpu.memory_space<vmem>> -> memref<128xi32, #tpu.memory_space<vmem>>
    %dma_start3A_1070 = arith.constant 0 : i32
    %dma_start3A_1071 = arith.constant 0 : i32
    %dma_start3A_1072 = tpu.memref_slice %arg8[%dma_start3A_1070, %dma_start3A_1071] : memref<32768x128xf32, #tpu.memory_space<hbm>> -> memref<32768x128xf32, #tpu.memory_space<hbm>>
    tpu.enqueue_indirect_dma source(%dma_start3A_1072 : memref<32768x128xf32, #tpu.memory_space<hbm>>) target(%arg25 : memref<128x128xf32, #tpu.memory_space<vmem>>) offsets(%dma_start3A_1069 : memref<128xi32, #tpu.memory_space<vmem>>) semaphore(%arg27 : memref<!tpu.dma_semaphore, #tpu.memory_space<semaphore_mem>>)
    %dma_wait3A_1073 = arith.constant 6400 : i32
    %dma_wait3A_1074 = tpu.memref_slice %arg22[%dma_wait3A_1073] : memref<8192xi32, #tpu.memory_space<vmem>> -> memref<128xi32, #tpu.memory_space<vmem>>
    %dma_wait3A_1075 = arith.constant 0 : i32
    %dma_wait3A_1076 = arith.constant 0 : i32
    %dma_wait3A_1077 = tpu.memref_slice %arg8[%dma_wait3A_1075, %dma_wait3A_1076] : memref<32768x128xf32, #tpu.memory_space<hbm>> -> memref<32768x128xf32, #tpu.memory_space<hbm>>
    tpu.wait_indirect_dma semaphore(%arg26 : memref<!tpu.dma_semaphore, #tpu.memory_space<semaphore_mem>>) src(%dma_wait3A_1077 : memref<32768x128xf32, #tpu.memory_space<hbm>>) dst(%arg24 : memref<128x128xf32, #tpu.memory_space<vmem>>)
    %add3A_1078 = arith.constant 6400 : i32
    %add3A_1079 = arith.addi %mul3A_64, %add3A_1078 : i32
    %dma_start3A_1080 = arith.constant 0 : i32
    %dma_start3A_1081 = tpu.memref_slice %arg9[%add3A_1079, %dma_start3A_1080] : memref<262144x128xf32, #tpu.memory_space<hbm>> -> memref<128x128xf32, #tpu.memory_space<hbm>>
    %dma_start3A_1082 = arith.constant 0 : i32
    %dma_start3A_1083 = tpu.memref_slice %arg9[%add3A_1079, %dma_start3A_1082] : memref<262144x128xf32, #tpu.memory_space<hbm>> -> memref<128x128xf32, #tpu.memory_space<hbm>>
    tpu.enqueue_dma source(%arg24 : memref<128x128xf32, #tpu.memory_space<vmem>>) target(%dma_start3A_1083 : memref<128x128xf32, #tpu.memory_space<hbm>>) target_semaphore(%arg28 : memref<!tpu.dma_semaphore, #tpu.memory_space<semaphore_mem>>)
    %dma_wait3A_1084 = arith.constant 0 : i32
    %dma_wait3A_1085 = tpu.memref_slice %arg9[%add3A_1079, %dma_wait3A_1084] : memref<262144x128xf32, #tpu.memory_space<hbm>> -> memref<128x128xf32, #tpu.memory_space<hbm>>
    %dma_wait3A_1086 = arith.constant 0 : i32
    %dma_wait3A_1087 = tpu.memref_slice %arg9[%add3A_1079, %dma_wait3A_1086] : memref<262144x128xf32, #tpu.memory_space<hbm>> -> memref<128x128xf32, #tpu.memory_space<hbm>>
    tpu.wait_dma2 semaphore(%arg28 : memref<!tpu.dma_semaphore, #tpu.memory_space<semaphore_mem>>) src(%arg24 : memref<128x128xf32, #tpu.memory_space<vmem>>) dst(%dma_wait3A_1087 : memref<128x128xf32, #tpu.memory_space<hbm>>)
    %dma_start3A_1088 = arith.constant 6656 : i32
    %dma_start3A_1089 = tpu.memref_slice %arg22[%dma_start3A_1088] : memref<8192xi32, #tpu.memory_space<vmem>> -> memref<128xi32, #tpu.memory_space<vmem>>
    %dma_start3A_1090 = arith.constant 0 : i32
    %dma_start3A_1091 = arith.constant 0 : i32
    %dma_start3A_1092 = tpu.memref_slice %arg8[%dma_start3A_1090, %dma_start3A_1091] : memref<32768x128xf32, #tpu.memory_space<hbm>> -> memref<32768x128xf32, #tpu.memory_space<hbm>>
    tpu.enqueue_indirect_dma source(%dma_start3A_1092 : memref<32768x128xf32, #tpu.memory_space<hbm>>) target(%arg24 : memref<128x128xf32, #tpu.memory_space<vmem>>) offsets(%dma_start3A_1089 : memref<128xi32, #tpu.memory_space<vmem>>) semaphore(%arg26 : memref<!tpu.dma_semaphore, #tpu.memory_space<semaphore_mem>>)
    %dma_wait3A_1093 = arith.constant 6528 : i32
    %dma_wait3A_1094 = tpu.memref_slice %arg22[%dma_wait3A_1093] : memref<8192xi32, #tpu.memory_space<vmem>> -> memref<128xi32, #tpu.memory_space<vmem>>
    %dma_wait3A_1095 = arith.constant 0 : i32
    %dma_wait3A_1096 = arith.constant 0 : i32
    %dma_wait3A_1097 = tpu.memref_slice %arg8[%dma_wait3A_1095, %dma_wait3A_1096] : memref<32768x128xf32, #tpu.memory_space<hbm>> -> memref<32768x128xf32, #tpu.memory_space<hbm>>
    tpu.wait_indirect_dma semaphore(%arg27 : memref<!tpu.dma_semaphore, #tpu.memory_space<semaphore_mem>>) src(%dma_wait3A_1097 : memref<32768x128xf32, #tpu.memory_space<hbm>>) dst(%arg25 : memref<128x128xf32, #tpu.memory_space<vmem>>)
    %add3A_1098 = arith.constant 6528 : i32
    %add3A_1099 = arith.addi %mul3A_64, %add3A_1098 : i32
    %dma_start3A_1100 = arith.constant 0 : i32
    %dma_start3A_1101 = tpu.memref_slice %arg9[%add3A_1099, %dma_start3A_1100] : memref<262144x128xf32, #tpu.memory_space<hbm>> -> memref<128x128xf32, #tpu.memory_space<hbm>>
    %dma_start3A_1102 = arith.constant 0 : i32
    %dma_start3A_1103 = tpu.memref_slice %arg9[%add3A_1099, %dma_start3A_1102] : memref<262144x128xf32, #tpu.memory_space<hbm>> -> memref<128x128xf32, #tpu.memory_space<hbm>>
    tpu.enqueue_dma source(%arg25 : memref<128x128xf32, #tpu.memory_space<vmem>>) target(%dma_start3A_1103 : memref<128x128xf32, #tpu.memory_space<hbm>>) target_semaphore(%arg29 : memref<!tpu.dma_semaphore, #tpu.memory_space<semaphore_mem>>)
    %dma_wait3A_1104 = arith.constant 0 : i32
    %dma_wait3A_1105 = tpu.memref_slice %arg9[%add3A_1099, %dma_wait3A_1104] : memref<262144x128xf32, #tpu.memory_space<hbm>> -> memref<128x128xf32, #tpu.memory_space<hbm>>
    %dma_wait3A_1106 = arith.constant 0 : i32
    %dma_wait3A_1107 = tpu.memref_slice %arg9[%add3A_1099, %dma_wait3A_1106] : memref<262144x128xf32, #tpu.memory_space<hbm>> -> memref<128x128xf32, #tpu.memory_space<hbm>>
    tpu.wait_dma2 semaphore(%arg29 : memref<!tpu.dma_semaphore, #tpu.memory_space<semaphore_mem>>) src(%arg25 : memref<128x128xf32, #tpu.memory_space<vmem>>) dst(%dma_wait3A_1107 : memref<128x128xf32, #tpu.memory_space<hbm>>)
    %dma_start3A_1108 = arith.constant 6784 : i32
    %dma_start3A_1109 = tpu.memref_slice %arg22[%dma_start3A_1108] : memref<8192xi32, #tpu.memory_space<vmem>> -> memref<128xi32, #tpu.memory_space<vmem>>
    %dma_start3A_1110 = arith.constant 0 : i32
    %dma_start3A_1111 = arith.constant 0 : i32
    %dma_start3A_1112 = tpu.memref_slice %arg8[%dma_start3A_1110, %dma_start3A_1111] : memref<32768x128xf32, #tpu.memory_space<hbm>> -> memref<32768x128xf32, #tpu.memory_space<hbm>>
    tpu.enqueue_indirect_dma source(%dma_start3A_1112 : memref<32768x128xf32, #tpu.memory_space<hbm>>) target(%arg25 : memref<128x128xf32, #tpu.memory_space<vmem>>) offsets(%dma_start3A_1109 : memref<128xi32, #tpu.memory_space<vmem>>) semaphore(%arg27 : memref<!tpu.dma_semaphore, #tpu.memory_space<semaphore_mem>>)
    %dma_wait3A_1113 = arith.constant 6656 : i32
    %dma_wait3A_1114 = tpu.memref_slice %arg22[%dma_wait3A_1113] : memref<8192xi32, #tpu.memory_space<vmem>> -> memref<128xi32, #tpu.memory_space<vmem>>
    %dma_wait3A_1115 = arith.constant 0 : i32
    %dma_wait3A_1116 = arith.constant 0 : i32
    %dma_wait3A_1117 = tpu.memref_slice %arg8[%dma_wait3A_1115, %dma_wait3A_1116] : memref<32768x128xf32, #tpu.memory_space<hbm>> -> memref<32768x128xf32, #tpu.memory_space<hbm>>
    tpu.wait_indirect_dma semaphore(%arg26 : memref<!tpu.dma_semaphore, #tpu.memory_space<semaphore_mem>>) src(%dma_wait3A_1117 : memref<32768x128xf32, #tpu.memory_space<hbm>>) dst(%arg24 : memref<128x128xf32, #tpu.memory_space<vmem>>)
    %add3A_1118 = arith.constant 6656 : i32
    %add3A_1119 = arith.addi %mul3A_64, %add3A_1118 : i32
    %dma_start3A_1120 = arith.constant 0 : i32
    %dma_start3A_1121 = tpu.memref_slice %arg9[%add3A_1119, %dma_start3A_1120] : memref<262144x128xf32, #tpu.memory_space<hbm>> -> memref<128x128xf32, #tpu.memory_space<hbm>>
    %dma_start3A_1122 = arith.constant 0 : i32
    %dma_start3A_1123 = tpu.memref_slice %arg9[%add3A_1119, %dma_start3A_1122] : memref<262144x128xf32, #tpu.memory_space<hbm>> -> memref<128x128xf32, #tpu.memory_space<hbm>>
    tpu.enqueue_dma source(%arg24 : memref<128x128xf32, #tpu.memory_space<vmem>>) target(%dma_start3A_1123 : memref<128x128xf32, #tpu.memory_space<hbm>>) target_semaphore(%arg28 : memref<!tpu.dma_semaphore, #tpu.memory_space<semaphore_mem>>)
    %dma_wait3A_1124 = arith.constant 0 : i32
    %dma_wait3A_1125 = tpu.memref_slice %arg9[%add3A_1119, %dma_wait3A_1124] : memref<262144x128xf32, #tpu.memory_space<hbm>> -> memref<128x128xf32, #tpu.memory_space<hbm>>
    %dma_wait3A_1126 = arith.constant 0 : i32
    %dma_wait3A_1127 = tpu.memref_slice %arg9[%add3A_1119, %dma_wait3A_1126] : memref<262144x128xf32, #tpu.memory_space<hbm>> -> memref<128x128xf32, #tpu.memory_space<hbm>>
    tpu.wait_dma2 semaphore(%arg28 : memref<!tpu.dma_semaphore, #tpu.memory_space<semaphore_mem>>) src(%arg24 : memref<128x128xf32, #tpu.memory_space<vmem>>) dst(%dma_wait3A_1127 : memref<128x128xf32, #tpu.memory_space<hbm>>)
    %dma_start3A_1128 = arith.constant 6912 : i32
    %dma_start3A_1129 = tpu.memref_slice %arg22[%dma_start3A_1128] : memref<8192xi32, #tpu.memory_space<vmem>> -> memref<128xi32, #tpu.memory_space<vmem>>
    %dma_start3A_1130 = arith.constant 0 : i32
    %dma_start3A_1131 = arith.constant 0 : i32
    %dma_start3A_1132 = tpu.memref_slice %arg8[%dma_start3A_1130, %dma_start3A_1131] : memref<32768x128xf32, #tpu.memory_space<hbm>> -> memref<32768x128xf32, #tpu.memory_space<hbm>>
    tpu.enqueue_indirect_dma source(%dma_start3A_1132 : memref<32768x128xf32, #tpu.memory_space<hbm>>) target(%arg24 : memref<128x128xf32, #tpu.memory_space<vmem>>) offsets(%dma_start3A_1129 : memref<128xi32, #tpu.memory_space<vmem>>) semaphore(%arg26 : memref<!tpu.dma_semaphore, #tpu.memory_space<semaphore_mem>>)
    %dma_wait3A_1133 = arith.constant 6784 : i32
    %dma_wait3A_1134 = tpu.memref_slice %arg22[%dma_wait3A_1133] : memref<8192xi32, #tpu.memory_space<vmem>> -> memref<128xi32, #tpu.memory_space<vmem>>
    %dma_wait3A_1135 = arith.constant 0 : i32
    %dma_wait3A_1136 = arith.constant 0 : i32
    %dma_wait3A_1137 = tpu.memref_slice %arg8[%dma_wait3A_1135, %dma_wait3A_1136] : memref<32768x128xf32, #tpu.memory_space<hbm>> -> memref<32768x128xf32, #tpu.memory_space<hbm>>
    tpu.wait_indirect_dma semaphore(%arg27 : memref<!tpu.dma_semaphore, #tpu.memory_space<semaphore_mem>>) src(%dma_wait3A_1137 : memref<32768x128xf32, #tpu.memory_space<hbm>>) dst(%arg25 : memref<128x128xf32, #tpu.memory_space<vmem>>)
    %add3A_1138 = arith.constant 6784 : i32
    %add3A_1139 = arith.addi %mul3A_64, %add3A_1138 : i32
    %dma_start3A_1140 = arith.constant 0 : i32
    %dma_start3A_1141 = tpu.memref_slice %arg9[%add3A_1139, %dma_start3A_1140] : memref<262144x128xf32, #tpu.memory_space<hbm>> -> memref<128x128xf32, #tpu.memory_space<hbm>>
    %dma_start3A_1142 = arith.constant 0 : i32
    %dma_start3A_1143 = tpu.memref_slice %arg9[%add3A_1139, %dma_start3A_1142] : memref<262144x128xf32, #tpu.memory_space<hbm>> -> memref<128x128xf32, #tpu.memory_space<hbm>>
    tpu.enqueue_dma source(%arg25 : memref<128x128xf32, #tpu.memory_space<vmem>>) target(%dma_start3A_1143 : memref<128x128xf32, #tpu.memory_space<hbm>>) target_semaphore(%arg29 : memref<!tpu.dma_semaphore, #tpu.memory_space<semaphore_mem>>)
    %dma_wait3A_1144 = arith.constant 0 : i32
    %dma_wait3A_1145 = tpu.memref_slice %arg9[%add3A_1139, %dma_wait3A_1144] : memref<262144x128xf32, #tpu.memory_space<hbm>> -> memref<128x128xf32, #tpu.memory_space<hbm>>
    %dma_wait3A_1146 = arith.constant 0 : i32
    %dma_wait3A_1147 = tpu.memref_slice %arg9[%add3A_1139, %dma_wait3A_1146] : memref<262144x128xf32, #tpu.memory_space<hbm>> -> memref<128x128xf32, #tpu.memory_space<hbm>>
    tpu.wait_dma2 semaphore(%arg29 : memref<!tpu.dma_semaphore, #tpu.memory_space<semaphore_mem>>) src(%arg25 : memref<128x128xf32, #tpu.memory_space<vmem>>) dst(%dma_wait3A_1147 : memref<128x128xf32, #tpu.memory_space<hbm>>)
    %dma_start3A_1148 = arith.constant 7040 : i32
    %dma_start3A_1149 = tpu.memref_slice %arg22[%dma_start3A_1148] : memref<8192xi32, #tpu.memory_space<vmem>> -> memref<128xi32, #tpu.memory_space<vmem>>
    %dma_start3A_1150 = arith.constant 0 : i32
    %dma_start3A_1151 = arith.constant 0 : i32
    %dma_start3A_1152 = tpu.memref_slice %arg8[%dma_start3A_1150, %dma_start3A_1151] : memref<32768x128xf32, #tpu.memory_space<hbm>> -> memref<32768x128xf32, #tpu.memory_space<hbm>>
    tpu.enqueue_indirect_dma source(%dma_start3A_1152 : memref<32768x128xf32, #tpu.memory_space<hbm>>) target(%arg25 : memref<128x128xf32, #tpu.memory_space<vmem>>) offsets(%dma_start3A_1149 : memref<128xi32, #tpu.memory_space<vmem>>) semaphore(%arg27 : memref<!tpu.dma_semaphore, #tpu.memory_space<semaphore_mem>>)
    %dma_wait3A_1153 = arith.constant 6912 : i32
    %dma_wait3A_1154 = tpu.memref_slice %arg22[%dma_wait3A_1153] : memref<8192xi32, #tpu.memory_space<vmem>> -> memref<128xi32, #tpu.memory_space<vmem>>
    %dma_wait3A_1155 = arith.constant 0 : i32
    %dma_wait3A_1156 = arith.constant 0 : i32
    %dma_wait3A_1157 = tpu.memref_slice %arg8[%dma_wait3A_1155, %dma_wait3A_1156] : memref<32768x128xf32, #tpu.memory_space<hbm>> -> memref<32768x128xf32, #tpu.memory_space<hbm>>
    tpu.wait_indirect_dma semaphore(%arg26 : memref<!tpu.dma_semaphore, #tpu.memory_space<semaphore_mem>>) src(%dma_wait3A_1157 : memref<32768x128xf32, #tpu.memory_space<hbm>>) dst(%arg24 : memref<128x128xf32, #tpu.memory_space<vmem>>)
    %add3A_1158 = arith.constant 6912 : i32
    %add3A_1159 = arith.addi %mul3A_64, %add3A_1158 : i32
    %dma_start3A_1160 = arith.constant 0 : i32
    %dma_start3A_1161 = tpu.memref_slice %arg9[%add3A_1159, %dma_start3A_1160] : memref<262144x128xf32, #tpu.memory_space<hbm>> -> memref<128x128xf32, #tpu.memory_space<hbm>>
    %dma_start3A_1162 = arith.constant 0 : i32
    %dma_start3A_1163 = tpu.memref_slice %arg9[%add3A_1159, %dma_start3A_1162] : memref<262144x128xf32, #tpu.memory_space<hbm>> -> memref<128x128xf32, #tpu.memory_space<hbm>>
    tpu.enqueue_dma source(%arg24 : memref<128x128xf32, #tpu.memory_space<vmem>>) target(%dma_start3A_1163 : memref<128x128xf32, #tpu.memory_space<hbm>>) target_semaphore(%arg28 : memref<!tpu.dma_semaphore, #tpu.memory_space<semaphore_mem>>)
    %dma_wait3A_1164 = arith.constant 0 : i32
    %dma_wait3A_1165 = tpu.memref_slice %arg9[%add3A_1159, %dma_wait3A_1164] : memref<262144x128xf32, #tpu.memory_space<hbm>> -> memref<128x128xf32, #tpu.memory_space<hbm>>
    %dma_wait3A_1166 = arith.constant 0 : i32
    %dma_wait3A_1167 = tpu.memref_slice %arg9[%add3A_1159, %dma_wait3A_1166] : memref<262144x128xf32, #tpu.memory_space<hbm>> -> memref<128x128xf32, #tpu.memory_space<hbm>>
    tpu.wait_dma2 semaphore(%arg28 : memref<!tpu.dma_semaphore, #tpu.memory_space<semaphore_mem>>) src(%arg24 : memref<128x128xf32, #tpu.memory_space<vmem>>) dst(%dma_wait3A_1167 : memref<128x128xf32, #tpu.memory_space<hbm>>)
    %dma_start3A_1168 = arith.constant 7168 : i32
    %dma_start3A_1169 = tpu.memref_slice %arg22[%dma_start3A_1168] : memref<8192xi32, #tpu.memory_space<vmem>> -> memref<128xi32, #tpu.memory_space<vmem>>
    %dma_start3A_1170 = arith.constant 0 : i32
    %dma_start3A_1171 = arith.constant 0 : i32
    %dma_start3A_1172 = tpu.memref_slice %arg8[%dma_start3A_1170, %dma_start3A_1171] : memref<32768x128xf32, #tpu.memory_space<hbm>> -> memref<32768x128xf32, #tpu.memory_space<hbm>>
    tpu.enqueue_indirect_dma source(%dma_start3A_1172 : memref<32768x128xf32, #tpu.memory_space<hbm>>) target(%arg24 : memref<128x128xf32, #tpu.memory_space<vmem>>) offsets(%dma_start3A_1169 : memref<128xi32, #tpu.memory_space<vmem>>) semaphore(%arg26 : memref<!tpu.dma_semaphore, #tpu.memory_space<semaphore_mem>>)
    %dma_wait3A_1173 = arith.constant 7040 : i32
    %dma_wait3A_1174 = tpu.memref_slice %arg22[%dma_wait3A_1173] : memref<8192xi32, #tpu.memory_space<vmem>> -> memref<128xi32, #tpu.memory_space<vmem>>
    %dma_wait3A_1175 = arith.constant 0 : i32
    %dma_wait3A_1176 = arith.constant 0 : i32
    %dma_wait3A_1177 = tpu.memref_slice %arg8[%dma_wait3A_1175, %dma_wait3A_1176] : memref<32768x128xf32, #tpu.memory_space<hbm>> -> memref<32768x128xf32, #tpu.memory_space<hbm>>
    tpu.wait_indirect_dma semaphore(%arg27 : memref<!tpu.dma_semaphore, #tpu.memory_space<semaphore_mem>>) src(%dma_wait3A_1177 : memref<32768x128xf32, #tpu.memory_space<hbm>>) dst(%arg25 : memref<128x128xf32, #tpu.memory_space<vmem>>)
    %add3A_1178 = arith.constant 7040 : i32
    %add3A_1179 = arith.addi %mul3A_64, %add3A_1178 : i32
    %dma_start3A_1180 = arith.constant 0 : i32
    %dma_start3A_1181 = tpu.memref_slice %arg9[%add3A_1179, %dma_start3A_1180] : memref<262144x128xf32, #tpu.memory_space<hbm>> -> memref<128x128xf32, #tpu.memory_space<hbm>>
    %dma_start3A_1182 = arith.constant 0 : i32
    %dma_start3A_1183 = tpu.memref_slice %arg9[%add3A_1179, %dma_start3A_1182] : memref<262144x128xf32, #tpu.memory_space<hbm>> -> memref<128x128xf32, #tpu.memory_space<hbm>>
    tpu.enqueue_dma source(%arg25 : memref<128x128xf32, #tpu.memory_space<vmem>>) target(%dma_start3A_1183 : memref<128x128xf32, #tpu.memory_space<hbm>>) target_semaphore(%arg29 : memref<!tpu.dma_semaphore, #tpu.memory_space<semaphore_mem>>)
    %dma_wait3A_1184 = arith.constant 0 : i32
    %dma_wait3A_1185 = tpu.memref_slice %arg9[%add3A_1179, %dma_wait3A_1184] : memref<262144x128xf32, #tpu.memory_space<hbm>> -> memref<128x128xf32, #tpu.memory_space<hbm>>
    %dma_wait3A_1186 = arith.constant 0 : i32
    %dma_wait3A_1187 = tpu.memref_slice %arg9[%add3A_1179, %dma_wait3A_1186] : memref<262144x128xf32, #tpu.memory_space<hbm>> -> memref<128x128xf32, #tpu.memory_space<hbm>>
    tpu.wait_dma2 semaphore(%arg29 : memref<!tpu.dma_semaphore, #tpu.memory_space<semaphore_mem>>) src(%arg25 : memref<128x128xf32, #tpu.memory_space<vmem>>) dst(%dma_wait3A_1187 : memref<128x128xf32, #tpu.memory_space<hbm>>)
    %dma_start3A_1188 = arith.constant 7296 : i32
    %dma_start3A_1189 = tpu.memref_slice %arg22[%dma_start3A_1188] : memref<8192xi32, #tpu.memory_space<vmem>> -> memref<128xi32, #tpu.memory_space<vmem>>
    %dma_start3A_1190 = arith.constant 0 : i32
    %dma_start3A_1191 = arith.constant 0 : i32
    %dma_start3A_1192 = tpu.memref_slice %arg8[%dma_start3A_1190, %dma_start3A_1191] : memref<32768x128xf32, #tpu.memory_space<hbm>> -> memref<32768x128xf32, #tpu.memory_space<hbm>>
    tpu.enqueue_indirect_dma source(%dma_start3A_1192 : memref<32768x128xf32, #tpu.memory_space<hbm>>) target(%arg25 : memref<128x128xf32, #tpu.memory_space<vmem>>) offsets(%dma_start3A_1189 : memref<128xi32, #tpu.memory_space<vmem>>) semaphore(%arg27 : memref<!tpu.dma_semaphore, #tpu.memory_space<semaphore_mem>>)
    %dma_wait3A_1193 = arith.constant 7168 : i32
    %dma_wait3A_1194 = tpu.memref_slice %arg22[%dma_wait3A_1193] : memref<8192xi32, #tpu.memory_space<vmem>> -> memref<128xi32, #tpu.memory_space<vmem>>
    %dma_wait3A_1195 = arith.constant 0 : i32
    %dma_wait3A_1196 = arith.constant 0 : i32
    %dma_wait3A_1197 = tpu.memref_slice %arg8[%dma_wait3A_1195, %dma_wait3A_1196] : memref<32768x128xf32, #tpu.memory_space<hbm>> -> memref<32768x128xf32, #tpu.memory_space<hbm>>
    tpu.wait_indirect_dma semaphore(%arg26 : memref<!tpu.dma_semaphore, #tpu.memory_space<semaphore_mem>>) src(%dma_wait3A_1197 : memref<32768x128xf32, #tpu.memory_space<hbm>>) dst(%arg24 : memref<128x128xf32, #tpu.memory_space<vmem>>)
    %add3A_1198 = arith.constant 7168 : i32
    %add3A_1199 = arith.addi %mul3A_64, %add3A_1198 : i32
    %dma_start3A_1200 = arith.constant 0 : i32
    %dma_start3A_1201 = tpu.memref_slice %arg9[%add3A_1199, %dma_start3A_1200] : memref<262144x128xf32, #tpu.memory_space<hbm>> -> memref<128x128xf32, #tpu.memory_space<hbm>>
    %dma_start3A_1202 = arith.constant 0 : i32
    %dma_start3A_1203 = tpu.memref_slice %arg9[%add3A_1199, %dma_start3A_1202] : memref<262144x128xf32, #tpu.memory_space<hbm>> -> memref<128x128xf32, #tpu.memory_space<hbm>>
    tpu.enqueue_dma source(%arg24 : memref<128x128xf32, #tpu.memory_space<vmem>>) target(%dma_start3A_1203 : memref<128x128xf32, #tpu.memory_space<hbm>>) target_semaphore(%arg28 : memref<!tpu.dma_semaphore, #tpu.memory_space<semaphore_mem>>)
    %dma_wait3A_1204 = arith.constant 0 : i32
    %dma_wait3A_1205 = tpu.memref_slice %arg9[%add3A_1199, %dma_wait3A_1204] : memref<262144x128xf32, #tpu.memory_space<hbm>> -> memref<128x128xf32, #tpu.memory_space<hbm>>
    %dma_wait3A_1206 = arith.constant 0 : i32
    %dma_wait3A_1207 = tpu.memref_slice %arg9[%add3A_1199, %dma_wait3A_1206] : memref<262144x128xf32, #tpu.memory_space<hbm>> -> memref<128x128xf32, #tpu.memory_space<hbm>>
    tpu.wait_dma2 semaphore(%arg28 : memref<!tpu.dma_semaphore, #tpu.memory_space<semaphore_mem>>) src(%arg24 : memref<128x128xf32, #tpu.memory_space<vmem>>) dst(%dma_wait3A_1207 : memref<128x128xf32, #tpu.memory_space<hbm>>)
    %dma_start3A_1208 = arith.constant 7424 : i32
    %dma_start3A_1209 = tpu.memref_slice %arg22[%dma_start3A_1208] : memref<8192xi32, #tpu.memory_space<vmem>> -> memref<128xi32, #tpu.memory_space<vmem>>
    %dma_start3A_1210 = arith.constant 0 : i32
    %dma_start3A_1211 = arith.constant 0 : i32
    %dma_start3A_1212 = tpu.memref_slice %arg8[%dma_start3A_1210, %dma_start3A_1211] : memref<32768x128xf32, #tpu.memory_space<hbm>> -> memref<32768x128xf32, #tpu.memory_space<hbm>>
    tpu.enqueue_indirect_dma source(%dma_start3A_1212 : memref<32768x128xf32, #tpu.memory_space<hbm>>) target(%arg24 : memref<128x128xf32, #tpu.memory_space<vmem>>) offsets(%dma_start3A_1209 : memref<128xi32, #tpu.memory_space<vmem>>) semaphore(%arg26 : memref<!tpu.dma_semaphore, #tpu.memory_space<semaphore_mem>>)
    %dma_wait3A_1213 = arith.constant 7296 : i32
    %dma_wait3A_1214 = tpu.memref_slice %arg22[%dma_wait3A_1213] : memref<8192xi32, #tpu.memory_space<vmem>> -> memref<128xi32, #tpu.memory_space<vmem>>
    %dma_wait3A_1215 = arith.constant 0 : i32
    %dma_wait3A_1216 = arith.constant 0 : i32
    %dma_wait3A_1217 = tpu.memref_slice %arg8[%dma_wait3A_1215, %dma_wait3A_1216] : memref<32768x128xf32, #tpu.memory_space<hbm>> -> memref<32768x128xf32, #tpu.memory_space<hbm>>
    tpu.wait_indirect_dma semaphore(%arg27 : memref<!tpu.dma_semaphore, #tpu.memory_space<semaphore_mem>>) src(%dma_wait3A_1217 : memref<32768x128xf32, #tpu.memory_space<hbm>>) dst(%arg25 : memref<128x128xf32, #tpu.memory_space<vmem>>)
    %add3A_1218 = arith.constant 7296 : i32
    %add3A_1219 = arith.addi %mul3A_64, %add3A_1218 : i32
    %dma_start3A_1220 = arith.constant 0 : i32
    %dma_start3A_1221 = tpu.memref_slice %arg9[%add3A_1219, %dma_start3A_1220] : memref<262144x128xf32, #tpu.memory_space<hbm>> -> memref<128x128xf32, #tpu.memory_space<hbm>>
    %dma_start3A_1222 = arith.constant 0 : i32
    %dma_start3A_1223 = tpu.memref_slice %arg9[%add3A_1219, %dma_start3A_1222] : memref<262144x128xf32, #tpu.memory_space<hbm>> -> memref<128x128xf32, #tpu.memory_space<hbm>>
    tpu.enqueue_dma source(%arg25 : memref<128x128xf32, #tpu.memory_space<vmem>>) target(%dma_start3A_1223 : memref<128x128xf32, #tpu.memory_space<hbm>>) target_semaphore(%arg29 : memref<!tpu.dma_semaphore, #tpu.memory_space<semaphore_mem>>)
    %dma_wait3A_1224 = arith.constant 0 : i32
    %dma_wait3A_1225 = tpu.memref_slice %arg9[%add3A_1219, %dma_wait3A_1224] : memref<262144x128xf32, #tpu.memory_space<hbm>> -> memref<128x128xf32, #tpu.memory_space<hbm>>
    %dma_wait3A_1226 = arith.constant 0 : i32
    %dma_wait3A_1227 = tpu.memref_slice %arg9[%add3A_1219, %dma_wait3A_1226] : memref<262144x128xf32, #tpu.memory_space<hbm>> -> memref<128x128xf32, #tpu.memory_space<hbm>>
    tpu.wait_dma2 semaphore(%arg29 : memref<!tpu.dma_semaphore, #tpu.memory_space<semaphore_mem>>) src(%arg25 : memref<128x128xf32, #tpu.memory_space<vmem>>) dst(%dma_wait3A_1227 : memref<128x128xf32, #tpu.memory_space<hbm>>)
    %dma_start3A_1228 = arith.constant 7552 : i32
    %dma_start3A_1229 = tpu.memref_slice %arg22[%dma_start3A_1228] : memref<8192xi32, #tpu.memory_space<vmem>> -> memref<128xi32, #tpu.memory_space<vmem>>
    %dma_start3A_1230 = arith.constant 0 : i32
    %dma_start3A_1231 = arith.constant 0 : i32
    %dma_start3A_1232 = tpu.memref_slice %arg8[%dma_start3A_1230, %dma_start3A_1231] : memref<32768x128xf32, #tpu.memory_space<hbm>> -> memref<32768x128xf32, #tpu.memory_space<hbm>>
    tpu.enqueue_indirect_dma source(%dma_start3A_1232 : memref<32768x128xf32, #tpu.memory_space<hbm>>) target(%arg25 : memref<128x128xf32, #tpu.memory_space<vmem>>) offsets(%dma_start3A_1229 : memref<128xi32, #tpu.memory_space<vmem>>) semaphore(%arg27 : memref<!tpu.dma_semaphore, #tpu.memory_space<semaphore_mem>>)
    %dma_wait3A_1233 = arith.constant 7424 : i32
    %dma_wait3A_1234 = tpu.memref_slice %arg22[%dma_wait3A_1233] : memref<8192xi32, #tpu.memory_space<vmem>> -> memref<128xi32, #tpu.memory_space<vmem>>
    %dma_wait3A_1235 = arith.constant 0 : i32
    %dma_wait3A_1236 = arith.constant 0 : i32
    %dma_wait3A_1237 = tpu.memref_slice %arg8[%dma_wait3A_1235, %dma_wait3A_1236] : memref<32768x128xf32, #tpu.memory_space<hbm>> -> memref<32768x128xf32, #tpu.memory_space<hbm>>
    tpu.wait_indirect_dma semaphore(%arg26 : memref<!tpu.dma_semaphore, #tpu.memory_space<semaphore_mem>>) src(%dma_wait3A_1237 : memref<32768x128xf32, #tpu.memory_space<hbm>>) dst(%arg24 : memref<128x128xf32, #tpu.memory_space<vmem>>)
    %add3A_1238 = arith.constant 7424 : i32
    %add3A_1239 = arith.addi %mul3A_64, %add3A_1238 : i32
    %dma_start3A_1240 = arith.constant 0 : i32
    %dma_start3A_1241 = tpu.memref_slice %arg9[%add3A_1239, %dma_start3A_1240] : memref<262144x128xf32, #tpu.memory_space<hbm>> -> memref<128x128xf32, #tpu.memory_space<hbm>>
    %dma_start3A_1242 = arith.constant 0 : i32
    %dma_start3A_1243 = tpu.memref_slice %arg9[%add3A_1239, %dma_start3A_1242] : memref<262144x128xf32, #tpu.memory_space<hbm>> -> memref<128x128xf32, #tpu.memory_space<hbm>>
    tpu.enqueue_dma source(%arg24 : memref<128x128xf32, #tpu.memory_space<vmem>>) target(%dma_start3A_1243 : memref<128x128xf32, #tpu.memory_space<hbm>>) target_semaphore(%arg28 : memref<!tpu.dma_semaphore, #tpu.memory_space<semaphore_mem>>)
    %dma_wait3A_1244 = arith.constant 0 : i32
    %dma_wait3A_1245 = tpu.memref_slice %arg9[%add3A_1239, %dma_wait3A_1244] : memref<262144x128xf32, #tpu.memory_space<hbm>> -> memref<128x128xf32, #tpu.memory_space<hbm>>
    %dma_wait3A_1246 = arith.constant 0 : i32
    %dma_wait3A_1247 = tpu.memref_slice %arg9[%add3A_1239, %dma_wait3A_1246] : memref<262144x128xf32, #tpu.memory_space<hbm>> -> memref<128x128xf32, #tpu.memory_space<hbm>>
    tpu.wait_dma2 semaphore(%arg28 : memref<!tpu.dma_semaphore, #tpu.memory_space<semaphore_mem>>) src(%arg24 : memref<128x128xf32, #tpu.memory_space<vmem>>) dst(%dma_wait3A_1247 : memref<128x128xf32, #tpu.memory_space<hbm>>)
    %dma_start3A_1248 = arith.constant 7680 : i32
    %dma_start3A_1249 = tpu.memref_slice %arg22[%dma_start3A_1248] : memref<8192xi32, #tpu.memory_space<vmem>> -> memref<128xi32, #tpu.memory_space<vmem>>
    %dma_start3A_1250 = arith.constant 0 : i32
    %dma_start3A_1251 = arith.constant 0 : i32
    %dma_start3A_1252 = tpu.memref_slice %arg8[%dma_start3A_1250, %dma_start3A_1251] : memref<32768x128xf32, #tpu.memory_space<hbm>> -> memref<32768x128xf32, #tpu.memory_space<hbm>>
    tpu.enqueue_indirect_dma source(%dma_start3A_1252 : memref<32768x128xf32, #tpu.memory_space<hbm>>) target(%arg24 : memref<128x128xf32, #tpu.memory_space<vmem>>) offsets(%dma_start3A_1249 : memref<128xi32, #tpu.memory_space<vmem>>) semaphore(%arg26 : memref<!tpu.dma_semaphore, #tpu.memory_space<semaphore_mem>>)
    %dma_wait3A_1253 = arith.constant 7552 : i32
    %dma_wait3A_1254 = tpu.memref_slice %arg22[%dma_wait3A_1253] : memref<8192xi32, #tpu.memory_space<vmem>> -> memref<128xi32, #tpu.memory_space<vmem>>
    %dma_wait3A_1255 = arith.constant 0 : i32
    %dma_wait3A_1256 = arith.constant 0 : i32
    %dma_wait3A_1257 = tpu.memref_slice %arg8[%dma_wait3A_1255, %dma_wait3A_1256] : memref<32768x128xf32, #tpu.memory_space<hbm>> -> memref<32768x128xf32, #tpu.memory_space<hbm>>
    tpu.wait_indirect_dma semaphore(%arg27 : memref<!tpu.dma_semaphore, #tpu.memory_space<semaphore_mem>>) src(%dma_wait3A_1257 : memref<32768x128xf32, #tpu.memory_space<hbm>>) dst(%arg25 : memref<128x128xf32, #tpu.memory_space<vmem>>)
    %add3A_1258 = arith.constant 7552 : i32
    %add3A_1259 = arith.addi %mul3A_64, %add3A_1258 : i32
    %dma_start3A_1260 = arith.constant 0 : i32
    %dma_start3A_1261 = tpu.memref_slice %arg9[%add3A_1259, %dma_start3A_1260] : memref<262144x128xf32, #tpu.memory_space<hbm>> -> memref<128x128xf32, #tpu.memory_space<hbm>>
    %dma_start3A_1262 = arith.constant 0 : i32
    %dma_start3A_1263 = tpu.memref_slice %arg9[%add3A_1259, %dma_start3A_1262] : memref<262144x128xf32, #tpu.memory_space<hbm>> -> memref<128x128xf32, #tpu.memory_space<hbm>>
    tpu.enqueue_dma source(%arg25 : memref<128x128xf32, #tpu.memory_space<vmem>>) target(%dma_start3A_1263 : memref<128x128xf32, #tpu.memory_space<hbm>>) target_semaphore(%arg29 : memref<!tpu.dma_semaphore, #tpu.memory_space<semaphore_mem>>)
    %dma_wait3A_1264 = arith.constant 0 : i32
    %dma_wait3A_1265 = tpu.memref_slice %arg9[%add3A_1259, %dma_wait3A_1264] : memref<262144x128xf32, #tpu.memory_space<hbm>> -> memref<128x128xf32, #tpu.memory_space<hbm>>
    %dma_wait3A_1266 = arith.constant 0 : i32
    %dma_wait3A_1267 = tpu.memref_slice %arg9[%add3A_1259, %dma_wait3A_1266] : memref<262144x128xf32, #tpu.memory_space<hbm>> -> memref<128x128xf32, #tpu.memory_space<hbm>>
    tpu.wait_dma2 semaphore(%arg29 : memref<!tpu.dma_semaphore, #tpu.memory_space<semaphore_mem>>) src(%arg25 : memref<128x128xf32, #tpu.memory_space<vmem>>) dst(%dma_wait3A_1267 : memref<128x128xf32, #tpu.memory_space<hbm>>)
    %dma_start3A_1268 = arith.constant 7808 : i32
    %dma_start3A_1269 = tpu.memref_slice %arg22[%dma_start3A_1268] : memref<8192xi32, #tpu.memory_space<vmem>> -> memref<128xi32, #tpu.memory_space<vmem>>
    %dma_start3A_1270 = arith.constant 0 : i32
    %dma_start3A_1271 = arith.constant 0 : i32
    %dma_start3A_1272 = tpu.memref_slice %arg8[%dma_start3A_1270, %dma_start3A_1271] : memref<32768x128xf32, #tpu.memory_space<hbm>> -> memref<32768x128xf32, #tpu.memory_space<hbm>>
    tpu.enqueue_indirect_dma source(%dma_start3A_1272 : memref<32768x128xf32, #tpu.memory_space<hbm>>) target(%arg25 : memref<128x128xf32, #tpu.memory_space<vmem>>) offsets(%dma_start3A_1269 : memref<128xi32, #tpu.memory_space<vmem>>) semaphore(%arg27 : memref<!tpu.dma_semaphore, #tpu.memory_space<semaphore_mem>>)
    %dma_wait3A_1273 = arith.constant 7680 : i32
    %dma_wait3A_1274 = tpu.memref_slice %arg22[%dma_wait3A_1273] : memref<8192xi32, #tpu.memory_space<vmem>> -> memref<128xi32, #tpu.memory_space<vmem>>
    %dma_wait3A_1275 = arith.constant 0 : i32
    %dma_wait3A_1276 = arith.constant 0 : i32
    %dma_wait3A_1277 = tpu.memref_slice %arg8[%dma_wait3A_1275, %dma_wait3A_1276] : memref<32768x128xf32, #tpu.memory_space<hbm>> -> memref<32768x128xf32, #tpu.memory_space<hbm>>
    tpu.wait_indirect_dma semaphore(%arg26 : memref<!tpu.dma_semaphore, #tpu.memory_space<semaphore_mem>>) src(%dma_wait3A_1277 : memref<32768x128xf32, #tpu.memory_space<hbm>>) dst(%arg24 : memref<128x128xf32, #tpu.memory_space<vmem>>)
    %add3A_1278 = arith.constant 7680 : i32
    %add3A_1279 = arith.addi %mul3A_64, %add3A_1278 : i32
    %dma_start3A_1280 = arith.constant 0 : i32
    %dma_start3A_1281 = tpu.memref_slice %arg9[%add3A_1279, %dma_start3A_1280] : memref<262144x128xf32, #tpu.memory_space<hbm>> -> memref<128x128xf32, #tpu.memory_space<hbm>>
    %dma_start3A_1282 = arith.constant 0 : i32
    %dma_start3A_1283 = tpu.memref_slice %arg9[%add3A_1279, %dma_start3A_1282] : memref<262144x128xf32, #tpu.memory_space<hbm>> -> memref<128x128xf32, #tpu.memory_space<hbm>>
    tpu.enqueue_dma source(%arg24 : memref<128x128xf32, #tpu.memory_space<vmem>>) target(%dma_start3A_1283 : memref<128x128xf32, #tpu.memory_space<hbm>>) target_semaphore(%arg28 : memref<!tpu.dma_semaphore, #tpu.memory_space<semaphore_mem>>)
    %dma_wait3A_1284 = arith.constant 0 : i32
    %dma_wait3A_1285 = tpu.memref_slice %arg9[%add3A_1279, %dma_wait3A_1284] : memref<262144x128xf32, #tpu.memory_space<hbm>> -> memref<128x128xf32, #tpu.memory_space<hbm>>
    %dma_wait3A_1286 = arith.constant 0 : i32
    %dma_wait3A_1287 = tpu.memref_slice %arg9[%add3A_1279, %dma_wait3A_1286] : memref<262144x128xf32, #tpu.memory_space<hbm>> -> memref<128x128xf32, #tpu.memory_space<hbm>>
    tpu.wait_dma2 semaphore(%arg28 : memref<!tpu.dma_semaphore, #tpu.memory_space<semaphore_mem>>) src(%arg24 : memref<128x128xf32, #tpu.memory_space<vmem>>) dst(%dma_wait3A_1287 : memref<128x128xf32, #tpu.memory_space<hbm>>)
    %dma_start3A_1288 = arith.constant 7936 : i32
    %dma_start3A_1289 = tpu.memref_slice %arg22[%dma_start3A_1288] : memref<8192xi32, #tpu.memory_space<vmem>> -> memref<128xi32, #tpu.memory_space<vmem>>
    %dma_start3A_1290 = arith.constant 0 : i32
    %dma_start3A_1291 = arith.constant 0 : i32
    %dma_start3A_1292 = tpu.memref_slice %arg8[%dma_start3A_1290, %dma_start3A_1291] : memref<32768x128xf32, #tpu.memory_space<hbm>> -> memref<32768x128xf32, #tpu.memory_space<hbm>>
    tpu.enqueue_indirect_dma source(%dma_start3A_1292 : memref<32768x128xf32, #tpu.memory_space<hbm>>) target(%arg24 : memref<128x128xf32, #tpu.memory_space<vmem>>) offsets(%dma_start3A_1289 : memref<128xi32, #tpu.memory_space<vmem>>) semaphore(%arg26 : memref<!tpu.dma_semaphore, #tpu.memory_space<semaphore_mem>>)
    %dma_wait3A_1293 = arith.constant 7808 : i32
    %dma_wait3A_1294 = tpu.memref_slice %arg22[%dma_wait3A_1293] : memref<8192xi32, #tpu.memory_space<vmem>> -> memref<128xi32, #tpu.memory_space<vmem>>
    %dma_wait3A_1295 = arith.constant 0 : i32
    %dma_wait3A_1296 = arith.constant 0 : i32
    %dma_wait3A_1297 = tpu.memref_slice %arg8[%dma_wait3A_1295, %dma_wait3A_1296] : memref<32768x128xf32, #tpu.memory_space<hbm>> -> memref<32768x128xf32, #tpu.memory_space<hbm>>
    tpu.wait_indirect_dma semaphore(%arg27 : memref<!tpu.dma_semaphore, #tpu.memory_space<semaphore_mem>>) src(%dma_wait3A_1297 : memref<32768x128xf32, #tpu.memory_space<hbm>>) dst(%arg25 : memref<128x128xf32, #tpu.memory_space<vmem>>)
    %add3A_1298 = arith.constant 7808 : i32
    %add3A_1299 = arith.addi %mul3A_64, %add3A_1298 : i32
    %dma_start3A_1300 = arith.constant 0 : i32
    %dma_start3A_1301 = tpu.memref_slice %arg9[%add3A_1299, %dma_start3A_1300] : memref<262144x128xf32, #tpu.memory_space<hbm>> -> memref<128x128xf32, #tpu.memory_space<hbm>>
    %dma_start3A_1302 = arith.constant 0 : i32
    %dma_start3A_1303 = tpu.memref_slice %arg9[%add3A_1299, %dma_start3A_1302] : memref<262144x128xf32, #tpu.memory_space<hbm>> -> memref<128x128xf32, #tpu.memory_space<hbm>>
    tpu.enqueue_dma source(%arg25 : memref<128x128xf32, #tpu.memory_space<vmem>>) target(%dma_start3A_1303 : memref<128x128xf32, #tpu.memory_space<hbm>>) target_semaphore(%arg29 : memref<!tpu.dma_semaphore, #tpu.memory_space<semaphore_mem>>)
    %dma_wait3A_1304 = arith.constant 0 : i32
    %dma_wait3A_1305 = tpu.memref_slice %arg9[%add3A_1299, %dma_wait3A_1304] : memref<262144x128xf32, #tpu.memory_space<hbm>> -> memref<128x128xf32, #tpu.memory_space<hbm>>
    %dma_wait3A_1306 = arith.constant 0 : i32
    %dma_wait3A_1307 = tpu.memref_slice %arg9[%add3A_1299, %dma_wait3A_1306] : memref<262144x128xf32, #tpu.memory_space<hbm>> -> memref<128x128xf32, #tpu.memory_space<hbm>>
    tpu.wait_dma2 semaphore(%arg29 : memref<!tpu.dma_semaphore, #tpu.memory_space<semaphore_mem>>) src(%arg25 : memref<128x128xf32, #tpu.memory_space<vmem>>) dst(%dma_wait3A_1307 : memref<128x128xf32, #tpu.memory_space<hbm>>)
    %dma_start3A_1308 = arith.constant 8064 : i32
    %dma_start3A_1309 = tpu.memref_slice %arg22[%dma_start3A_1308] : memref<8192xi32, #tpu.memory_space<vmem>> -> memref<128xi32, #tpu.memory_space<vmem>>
    %dma_start3A_1310 = arith.constant 0 : i32
    %dma_start3A_1311 = arith.constant 0 : i32
    %dma_start3A_1312 = tpu.memref_slice %arg8[%dma_start3A_1310, %dma_start3A_1311] : memref<32768x128xf32, #tpu.memory_space<hbm>> -> memref<32768x128xf32, #tpu.memory_space<hbm>>
    tpu.enqueue_indirect_dma source(%dma_start3A_1312 : memref<32768x128xf32, #tpu.memory_space<hbm>>) target(%arg25 : memref<128x128xf32, #tpu.memory_space<vmem>>) offsets(%dma_start3A_1309 : memref<128xi32, #tpu.memory_space<vmem>>) semaphore(%arg27 : memref<!tpu.dma_semaphore, #tpu.memory_space<semaphore_mem>>)
    %dma_wait3A_1313 = arith.constant 7936 : i32
    %dma_wait3A_1314 = tpu.memref_slice %arg22[%dma_wait3A_1313] : memref<8192xi32, #tpu.memory_space<vmem>> -> memref<128xi32, #tpu.memory_space<vmem>>
    %dma_wait3A_1315 = arith.constant 0 : i32
    %dma_wait3A_1316 = arith.constant 0 : i32
    %dma_wait3A_1317 = tpu.memref_slice %arg8[%dma_wait3A_1315, %dma_wait3A_1316] : memref<32768x128xf32, #tpu.memory_space<hbm>> -> memref<32768x128xf32, #tpu.memory_space<hbm>>
    tpu.wait_indirect_dma semaphore(%arg26 : memref<!tpu.dma_semaphore, #tpu.memory_space<semaphore_mem>>) src(%dma_wait3A_1317 : memref<32768x128xf32, #tpu.memory_space<hbm>>) dst(%arg24 : memref<128x128xf32, #tpu.memory_space<vmem>>)
    %add3A_1318 = arith.constant 7936 : i32
    %add3A_1319 = arith.addi %mul3A_64, %add3A_1318 : i32
    %dma_start3A_1320 = arith.constant 0 : i32
    %dma_start3A_1321 = tpu.memref_slice %arg9[%add3A_1319, %dma_start3A_1320] : memref<262144x128xf32, #tpu.memory_space<hbm>> -> memref<128x128xf32, #tpu.memory_space<hbm>>
    %dma_start3A_1322 = arith.constant 0 : i32
    %dma_start3A_1323 = tpu.memref_slice %arg9[%add3A_1319, %dma_start3A_1322] : memref<262144x128xf32, #tpu.memory_space<hbm>> -> memref<128x128xf32, #tpu.memory_space<hbm>>
    tpu.enqueue_dma source(%arg24 : memref<128x128xf32, #tpu.memory_space<vmem>>) target(%dma_start3A_1323 : memref<128x128xf32, #tpu.memory_space<hbm>>) target_semaphore(%arg28 : memref<!tpu.dma_semaphore, #tpu.memory_space<semaphore_mem>>)
    %dma_wait3A_1324 = arith.constant 8064 : i32
    %dma_wait3A_1325 = tpu.memref_slice %arg22[%dma_wait3A_1324] : memref<8192xi32, #tpu.memory_space<vmem>> -> memref<128xi32, #tpu.memory_space<vmem>>
    %dma_wait3A_1326 = arith.constant 0 : i32
    %dma_wait3A_1327 = arith.constant 0 : i32
    %dma_wait3A_1328 = tpu.memref_slice %arg8[%dma_wait3A_1326, %dma_wait3A_1327] : memref<32768x128xf32, #tpu.memory_space<hbm>> -> memref<32768x128xf32, #tpu.memory_space<hbm>>
    tpu.wait_indirect_dma semaphore(%arg27 : memref<!tpu.dma_semaphore, #tpu.memory_space<semaphore_mem>>) src(%dma_wait3A_1328 : memref<32768x128xf32, #tpu.memory_space<hbm>>) dst(%arg25 : memref<128x128xf32, #tpu.memory_space<vmem>>)
    %add3A_1329 = arith.constant 8064 : i32
    %add3A_1330 = arith.addi %mul3A_64, %add3A_1329 : i32
    %dma_start3A_1331 = arith.constant 0 : i32
    %dma_start3A_1332 = tpu.memref_slice %arg9[%add3A_1330, %dma_start3A_1331] : memref<262144x128xf32, #tpu.memory_space<hbm>> -> memref<128x128xf32, #tpu.memory_space<hbm>>
    %dma_start3A_1333 = arith.constant 0 : i32
    %dma_start3A_1334 = tpu.memref_slice %arg9[%add3A_1330, %dma_start3A_1333] : memref<262144x128xf32, #tpu.memory_space<hbm>> -> memref<128x128xf32, #tpu.memory_space<hbm>>
    tpu.enqueue_dma source(%arg25 : memref<128x128xf32, #tpu.memory_space<vmem>>) target(%dma_start3A_1334 : memref<128x128xf32, #tpu.memory_space<hbm>>) target_semaphore(%arg29 : memref<!tpu.dma_semaphore, #tpu.memory_space<semaphore_mem>>)
    %dma_wait3A_1335 = arith.constant 0 : i32
    %dma_wait3A_1336 = tpu.memref_slice %arg9[%add3A_1319, %dma_wait3A_1335] : memref<262144x128xf32, #tpu.memory_space<hbm>> -> memref<128x128xf32, #tpu.memory_space<hbm>>
    %dma_wait3A_1337 = arith.constant 0 : i32
    %dma_wait3A_1338 = tpu.memref_slice %arg9[%add3A_1319, %dma_wait3A_1337] : memref<262144x128xf32, #tpu.memory_space<hbm>> -> memref<128x128xf32, #tpu.memory_space<hbm>>
    tpu.wait_dma2 semaphore(%arg28 : memref<!tpu.dma_semaphore, #tpu.memory_space<semaphore_mem>>) src(%arg24 : memref<128x128xf32, #tpu.memory_space<vmem>>) dst(%dma_wait3A_1338 : memref<128x128xf32, #tpu.memory_space<hbm>>)
    %dma_wait3A_1339 = arith.constant 0 : i32
    %dma_wait3A_1340 = tpu.memref_slice %arg9[%add3A_1330, %dma_wait3A_1339] : memref<262144x128xf32, #tpu.memory_space<hbm>> -> memref<128x128xf32, #tpu.memory_space<hbm>>
    %dma_wait3A_1341 = arith.constant 0 : i32
    %dma_wait3A_1342 = tpu.memref_slice %arg9[%add3A_1330, %dma_wait3A_1341] : memref<262144x128xf32, #tpu.memory_space<hbm>> -> memref<128x128xf32, #tpu.memory_space<hbm>>
    tpu.wait_dma2 semaphore(%arg29 : memref<!tpu.dma_semaphore, #tpu.memory_space<semaphore_mem>>) src(%arg25 : memref<128x128xf32, #tpu.memory_space<vmem>>) dst(%dma_wait3A_1342 : memref<128x128xf32, #tpu.memory_space<hbm>>)
    return
  }
}

module attributes {stable_mosaic.version = 14 : i64} {
  func.func @_fps_body(%arg0: memref<8x4096xf32, #tpu.memory_space<vmem>>, %arg1: memref<8x4096xf32, #tpu.memory_space<vmem>>, %arg2: memref<8x4096xf32, #tpu.memory_space<vmem>>, %arg3: memref<1024x8x1xf32, #tpu.memory_space<vmem>>, %arg4: memref<1024x8x1xf32, #tpu.memory_space<vmem>>, %arg5: memref<1024x8x1xf32, #tpu.memory_space<vmem>>) attributes {dimension_semantics = [], scalar_prefetch = 0 : i64, scratch_operands = 0 : i64, tpu.core_type = #tpu.core_type<tc>} {
    %get3A = arith.constant 0 : index
    %get3A_0 = arith.constant 0 : index
    %get3A_1 = vector.load %arg0[%get3A, %get3A_0] : memref<8x4096xf32, #tpu.memory_space<vmem>>, vector<8x4096xf32>
    %get3A_2 = arith.constant 0 : index
    %get3A_3 = arith.constant 0 : index
    %get3A_4 = vector.load %arg1[%get3A_2, %get3A_3] : memref<8x4096xf32, #tpu.memory_space<vmem>>, vector<8x4096xf32>
    %get3A_5 = arith.constant 0 : index
    %get3A_6 = arith.constant 0 : index
    %get3A_7 = vector.load %arg2[%get3A_5, %get3A_6] : memref<8x4096xf32, #tpu.memory_space<vmem>>, vector<8x4096xf32>
    %iota3A = tpu.iota {dimensions = array<i32: 1>} : vector<8x4096xi32>
    %broadcast_in_dim3A = arith.constant 1.000000e+10 : f32
    %broadcast_in_dim3A_8 = vector.broadcast %broadcast_in_dim3A : f32 to vector<8x4096xf32>
    %slice3A = vector.extract_strided_slice %get3A_1 {offsets = [0, 0], sizes = [8, 1], strides = [1, 1]} : vector<8x4096xf32> to vector<8x1xf32>
    %slice3A_9 = vector.extract_strided_slice %get3A_4 {offsets = [0, 0], sizes = [8, 1], strides = [1, 1]} : vector<8x4096xf32> to vector<8x1xf32>
    %slice3A_10 = vector.extract_strided_slice %get3A_7 {offsets = [0, 0], sizes = [8, 1], strides = [1, 1]} : vector<8x4096xf32> to vector<8x1xf32>
    %scan3A = arith.constant 0 : i32
    %scan3A_11 = arith.constant 1024 : i32
    %scan3A_12 = arith.addi %scan3A, %scan3A_11 : i32
    %scan3A_13 = arith.constant 1 : i32
    %scan3A_14:4 = scf.for %scan3A_16 = %scan3A to %scan3A_12 step %scan3A_13 iter_args(%scan3A_17 = %broadcast_in_dim3A_8, %scan3A_18 = %slice3A, %scan3A_19 = %slice3A_9, %scan3A_20 = %slice3A_10) -> (vector<8x4096xf32>, vector<8x1xf32>, vector<8x1xf32>, vector<8x1xf32>)  : i32 {
      %broadcast_in_dim3A_21 = vector.shape_cast %scan3A_18 : vector<8x1xf32> to vector<1x8x1xf32>
      %swap3A = arith.index_cast %scan3A_16 : i32 to index
      %swap3A_22 = arith.constant 0 : index
      %swap3A_23 = arith.constant 0 : index
      %swap3A_24 = vector.load %arg3[%swap3A, %swap3A_22, %swap3A_23] : memref<1024x8x1xf32, #tpu.memory_space<vmem>>, vector<1x8x1xf32>
      tpu.vector_store %arg3[%swap3A, %swap3A_22, %swap3A_23], %broadcast_in_dim3A_21 {strides = array<i32>} : memref<1024x8x1xf32, #tpu.memory_space<vmem>>, vector<1x8x1xf32>,
      %broadcast_in_dim3A_25 = vector.shape_cast %scan3A_19 : vector<8x1xf32> to vector<1x8x1xf32>
      %swap3A_26 = arith.index_cast %scan3A_16 : i32 to index
      %swap3A_27 = arith.constant 0 : index
      %swap3A_28 = arith.constant 0 : index
      %swap3A_29 = vector.load %arg4[%swap3A_26, %swap3A_27, %swap3A_28] : memref<1024x8x1xf32, #tpu.memory_space<vmem>>, vector<1x8x1xf32>
      tpu.vector_store %arg4[%swap3A_26, %swap3A_27, %swap3A_28], %broadcast_in_dim3A_25 {strides = array<i32>} : memref<1024x8x1xf32, #tpu.memory_space<vmem>>, vector<1x8x1xf32>,
      %broadcast_in_dim3A_30 = vector.shape_cast %scan3A_20 : vector<8x1xf32> to vector<1x8x1xf32>
      %swap3A_31 = arith.index_cast %scan3A_16 : i32 to index
      %swap3A_32 = arith.constant 0 : index
      %swap3A_33 = arith.constant 0 : index
      %swap3A_34 = vector.load %arg5[%swap3A_31, %swap3A_32, %swap3A_33] : memref<1024x8x1xf32, #tpu.memory_space<vmem>>, vector<1x8x1xf32>
      tpu.vector_store %arg5[%swap3A_31, %swap3A_32, %swap3A_33], %broadcast_in_dim3A_30 {strides = array<i32>} : memref<1024x8x1xf32, #tpu.memory_space<vmem>>, vector<1x8x1xf32>,
      %sub3A = vector.broadcast %scan3A_18 : vector<8x1xf32> to vector<8x4096xf32>
      %sub3A_35 = arith.subf %get3A_1, %sub3A : vector<8x4096xf32>
      %sub3A_36 = vector.broadcast %scan3A_19 : vector<8x1xf32> to vector<8x4096xf32>
      %sub3A_37 = arith.subf %get3A_4, %sub3A_36 : vector<8x4096xf32>
      %sub3A_38 = vector.broadcast %scan3A_20 : vector<8x1xf32> to vector<8x4096xf32>
      %sub3A_39 = arith.subf %get3A_7, %sub3A_38 : vector<8x4096xf32>
      %mul3A = arith.mulf %sub3A_35, %sub3A_35 : vector<8x4096xf32>
      %mul3A_40 = arith.mulf %sub3A_37, %sub3A_37 : vector<8x4096xf32>
      %add3A = arith.addf %mul3A, %mul3A_40 : vector<8x4096xf32>
      %mul3A_41 = arith.mulf %sub3A_39, %sub3A_39 : vector<8x4096xf32>
      %add3A_42 = arith.addf %add3A, %mul3A_41 : vector<8x4096xf32>
      %min3A = arith.minimumf %scan3A_17, %add3A_42 : vector<8x4096xf32>
      %slice3A_43 = vector.extract_strided_slice %min3A {offsets = [0, 0], sizes = [8, 2048], strides = [1, 1]} : vector<8x4096xf32> to vector<8x2048xf32>
      %slice3A_44 = vector.extract_strided_slice %min3A {offsets = [0, 2048], sizes = [8, 2048], strides = [1, 1]} : vector<8x4096xf32> to vector<8x2048xf32>
      %slice3A_45 = vector.extract_strided_slice %iota3A {offsets = [0, 0], sizes = [8, 2048], strides = [1, 1]} : vector<8x4096xi32> to vector<8x2048xi32>
      %slice3A_46 = vector.extract_strided_slice %iota3A {offsets = [0, 2048], sizes = [8, 2048], strides = [1, 1]} : vector<8x4096xi32> to vector<8x2048xi32>
      %gt3A = arith.cmpf ogt, %slice3A_43, %slice3A_44 : vector<8x2048xf32>
      %eq3A = arith.cmpf oeq, %slice3A_43, %slice3A_44 : vector<8x2048xf32>
      %lt3A = arith.cmpi slt, %slice3A_45, %slice3A_46 : vector<8x2048xi32>
      %and3A = arith.andi %eq3A, %lt3A : vector<8x2048xi1>
      %or3A = arith.ori %gt3A, %and3A : vector<8x2048xi1>
      %select_n3A = arith.select %or3A, %slice3A_43, %slice3A_44 : vector<8x2048xi1>, vector<8x2048xf32>
      %select_n3A_47 = arith.select %or3A, %slice3A_45, %slice3A_46 : vector<8x2048xi1>, vector<8x2048xi32>
      %slice3A_48 = vector.extract_strided_slice %get3A_1 {offsets = [0, 0], sizes = [8, 2048], strides = [1, 1]} : vector<8x4096xf32> to vector<8x2048xf32>
      %slice3A_49 = vector.extract_strided_slice %get3A_1 {offsets = [0, 2048], sizes = [8, 2048], strides = [1, 1]} : vector<8x4096xf32> to vector<8x2048xf32>
      %select_n3A_50 = arith.select %or3A, %slice3A_48, %slice3A_49 : vector<8x2048xi1>, vector<8x2048xf32>
      %slice3A_51 = vector.extract_strided_slice %get3A_4 {offsets = [0, 0], sizes = [8, 2048], strides = [1, 1]} : vector<8x4096xf32> to vector<8x2048xf32>
      %slice3A_52 = vector.extract_strided_slice %get3A_4 {offsets = [0, 2048], sizes = [8, 2048], strides = [1, 1]} : vector<8x4096xf32> to vector<8x2048xf32>
      %select_n3A_53 = arith.select %or3A, %slice3A_51, %slice3A_52 : vector<8x2048xi1>, vector<8x2048xf32>
      %slice3A_54 = vector.extract_strided_slice %get3A_7 {offsets = [0, 0], sizes = [8, 2048], strides = [1, 1]} : vector<8x4096xf32> to vector<8x2048xf32>
      %slice3A_55 = vector.extract_strided_slice %get3A_7 {offsets = [0, 2048], sizes = [8, 2048], strides = [1, 1]} : vector<8x4096xf32> to vector<8x2048xf32>
      %select_n3A_56 = arith.select %or3A, %slice3A_54, %slice3A_55 : vector<8x2048xi1>, vector<8x2048xf32>
      %slice3A_57 = vector.extract_strided_slice %select_n3A {offsets = [0, 0], sizes = [8, 1024], strides = [1, 1]} : vector<8x2048xf32> to vector<8x1024xf32>
      %slice3A_58 = vector.extract_strided_slice %select_n3A {offsets = [0, 1024], sizes = [8, 1024], strides = [1, 1]} : vector<8x2048xf32> to vector<8x1024xf32>
      %slice3A_59 = vector.extract_strided_slice %select_n3A_47 {offsets = [0, 0], sizes = [8, 1024], strides = [1, 1]} : vector<8x2048xi32> to vector<8x1024xi32>
      %slice3A_60 = vector.extract_strided_slice %select_n3A_47 {offsets = [0, 1024], sizes = [8, 1024], strides = [1, 1]} : vector<8x2048xi32> to vector<8x1024xi32>
      %gt3A_61 = arith.cmpf ogt, %slice3A_57, %slice3A_58 : vector<8x1024xf32>
      %eq3A_62 = arith.cmpf oeq, %slice3A_57, %slice3A_58 : vector<8x1024xf32>
      %lt3A_63 = arith.cmpi slt, %slice3A_59, %slice3A_60 : vector<8x1024xi32>
      %and3A_64 = arith.andi %eq3A_62, %lt3A_63 : vector<8x1024xi1>
      %or3A_65 = arith.ori %gt3A_61, %and3A_64 : vector<8x1024xi1>
      %select_n3A_66 = arith.select %or3A_65, %slice3A_57, %slice3A_58 : vector<8x1024xi1>, vector<8x1024xf32>
      %select_n3A_67 = arith.select %or3A_65, %slice3A_59, %slice3A_60 : vector<8x1024xi1>, vector<8x1024xi32>
      %slice3A_68 = vector.extract_strided_slice %select_n3A_50 {offsets = [0, 0], sizes = [8, 1024], strides = [1, 1]} : vector<8x2048xf32> to vector<8x1024xf32>
      %slice3A_69 = vector.extract_strided_slice %select_n3A_50 {offsets = [0, 1024], sizes = [8, 1024], strides = [1, 1]} : vector<8x2048xf32> to vector<8x1024xf32>
      %select_n3A_70 = arith.select %or3A_65, %slice3A_68, %slice3A_69 : vector<8x1024xi1>, vector<8x1024xf32>
      %slice3A_71 = vector.extract_strided_slice %select_n3A_53 {offsets = [0, 0], sizes = [8, 1024], strides = [1, 1]} : vector<8x2048xf32> to vector<8x1024xf32>
      %slice3A_72 = vector.extract_strided_slice %select_n3A_53 {offsets = [0, 1024], sizes = [8, 1024], strides = [1, 1]} : vector<8x2048xf32> to vector<8x1024xf32>
      %select_n3A_73 = arith.select %or3A_65, %slice3A_71, %slice3A_72 : vector<8x1024xi1>, vector<8x1024xf32>
      %slice3A_74 = vector.extract_strided_slice %select_n3A_56 {offsets = [0, 0], sizes = [8, 1024], strides = [1, 1]} : vector<8x2048xf32> to vector<8x1024xf32>
      %slice3A_75 = vector.extract_strided_slice %select_n3A_56 {offsets = [0, 1024], sizes = [8, 1024], strides = [1, 1]} : vector<8x2048xf32> to vector<8x1024xf32>
      %select_n3A_76 = arith.select %or3A_65, %slice3A_74, %slice3A_75 : vector<8x1024xi1>, vector<8x1024xf32>
      %slice3A_77 = vector.extract_strided_slice %select_n3A_66 {offsets = [0, 0], sizes = [8, 512], strides = [1, 1]} : vector<8x1024xf32> to vector<8x512xf32>
      %slice3A_78 = vector.extract_strided_slice %select_n3A_66 {offsets = [0, 512], sizes = [8, 512], strides = [1, 1]} : vector<8x1024xf32> to vector<8x512xf32>
      %slice3A_79 = vector.extract_strided_slice %select_n3A_67 {offsets = [0, 0], sizes = [8, 512], strides = [1, 1]} : vector<8x1024xi32> to vector<8x512xi32>
      %slice3A_80 = vector.extract_strided_slice %select_n3A_67 {offsets = [0, 512], sizes = [8, 512], strides = [1, 1]} : vector<8x1024xi32> to vector<8x512xi32>
      %gt3A_81 = arith.cmpf ogt, %slice3A_77, %slice3A_78 : vector<8x512xf32>
      %eq3A_82 = arith.cmpf oeq, %slice3A_77, %slice3A_78 : vector<8x512xf32>
      %lt3A_83 = arith.cmpi slt, %slice3A_79, %slice3A_80 : vector<8x512xi32>
      %and3A_84 = arith.andi %eq3A_82, %lt3A_83 : vector<8x512xi1>
      %or3A_85 = arith.ori %gt3A_81, %and3A_84 : vector<8x512xi1>
      %select_n3A_86 = arith.select %or3A_85, %slice3A_77, %slice3A_78 : vector<8x512xi1>, vector<8x512xf32>
      %select_n3A_87 = arith.select %or3A_85, %slice3A_79, %slice3A_80 : vector<8x512xi1>, vector<8x512xi32>
      %slice3A_88 = vector.extract_strided_slice %select_n3A_70 {offsets = [0, 0], sizes = [8, 512], strides = [1, 1]} : vector<8x1024xf32> to vector<8x512xf32>
      %slice3A_89 = vector.extract_strided_slice %select_n3A_70 {offsets = [0, 512], sizes = [8, 512], strides = [1, 1]} : vector<8x1024xf32> to vector<8x512xf32>
      %select_n3A_90 = arith.select %or3A_85, %slice3A_88, %slice3A_89 : vector<8x512xi1>, vector<8x512xf32>
      %slice3A_91 = vector.extract_strided_slice %select_n3A_73 {offsets = [0, 0], sizes = [8, 512], strides = [1, 1]} : vector<8x1024xf32> to vector<8x512xf32>
      %slice3A_92 = vector.extract_strided_slice %select_n3A_73 {offsets = [0, 512], sizes = [8, 512], strides = [1, 1]} : vector<8x1024xf32> to vector<8x512xf32>
      %select_n3A_93 = arith.select %or3A_85, %slice3A_91, %slice3A_92 : vector<8x512xi1>, vector<8x512xf32>
      %slice3A_94 = vector.extract_strided_slice %select_n3A_76 {offsets = [0, 0], sizes = [8, 512], strides = [1, 1]} : vector<8x1024xf32> to vector<8x512xf32>
      %slice3A_95 = vector.extract_strided_slice %select_n3A_76 {offsets = [0, 512], sizes = [8, 512], strides = [1, 1]} : vector<8x1024xf32> to vector<8x512xf32>
      %select_n3A_96 = arith.select %or3A_85, %slice3A_94, %slice3A_95 : vector<8x512xi1>, vector<8x512xf32>
      %slice3A_97 = vector.extract_strided_slice %select_n3A_86 {offsets = [0, 0], sizes = [8, 256], strides = [1, 1]} : vector<8x512xf32> to vector<8x256xf32>
      %slice3A_98 = vector.extract_strided_slice %select_n3A_86 {offsets = [0, 256], sizes = [8, 256], strides = [1, 1]} : vector<8x512xf32> to vector<8x256xf32>
      %slice3A_99 = vector.extract_strided_slice %select_n3A_87 {offsets = [0, 0], sizes = [8, 256], strides = [1, 1]} : vector<8x512xi32> to vector<8x256xi32>
      %slice3A_100 = vector.extract_strided_slice %select_n3A_87 {offsets = [0, 256], sizes = [8, 256], strides = [1, 1]} : vector<8x512xi32> to vector<8x256xi32>
      %gt3A_101 = arith.cmpf ogt, %slice3A_97, %slice3A_98 : vector<8x256xf32>
      %eq3A_102 = arith.cmpf oeq, %slice3A_97, %slice3A_98 : vector<8x256xf32>
      %lt3A_103 = arith.cmpi slt, %slice3A_99, %slice3A_100 : vector<8x256xi32>
      %and3A_104 = arith.andi %eq3A_102, %lt3A_103 : vector<8x256xi1>
      %or3A_105 = arith.ori %gt3A_101, %and3A_104 : vector<8x256xi1>
      %select_n3A_106 = arith.select %or3A_105, %slice3A_97, %slice3A_98 : vector<8x256xi1>, vector<8x256xf32>
      %select_n3A_107 = arith.select %or3A_105, %slice3A_99, %slice3A_100 : vector<8x256xi1>, vector<8x256xi32>
      %slice3A_108 = vector.extract_strided_slice %select_n3A_90 {offsets = [0, 0], sizes = [8, 256], strides = [1, 1]} : vector<8x512xf32> to vector<8x256xf32>
      %slice3A_109 = vector.extract_strided_slice %select_n3A_90 {offsets = [0, 256], sizes = [8, 256], strides = [1, 1]} : vector<8x512xf32> to vector<8x256xf32>
      %select_n3A_110 = arith.select %or3A_105, %slice3A_108, %slice3A_109 : vector<8x256xi1>, vector<8x256xf32>
      %slice3A_111 = vector.extract_strided_slice %select_n3A_93 {offsets = [0, 0], sizes = [8, 256], strides = [1, 1]} : vector<8x512xf32> to vector<8x256xf32>
      %slice3A_112 = vector.extract_strided_slice %select_n3A_93 {offsets = [0, 256], sizes = [8, 256], strides = [1, 1]} : vector<8x512xf32> to vector<8x256xf32>
      %select_n3A_113 = arith.select %or3A_105, %slice3A_111, %slice3A_112 : vector<8x256xi1>, vector<8x256xf32>
      %slice3A_114 = vector.extract_strided_slice %select_n3A_96 {offsets = [0, 0], sizes = [8, 256], strides = [1, 1]} : vector<8x512xf32> to vector<8x256xf32>
      %slice3A_115 = vector.extract_strided_slice %select_n3A_96 {offsets = [0, 256], sizes = [8, 256], strides = [1, 1]} : vector<8x512xf32> to vector<8x256xf32>
      %select_n3A_116 = arith.select %or3A_105, %slice3A_114, %slice3A_115 : vector<8x256xi1>, vector<8x256xf32>
      %slice3A_117 = vector.extract_strided_slice %select_n3A_106 {offsets = [0, 0], sizes = [8, 128], strides = [1, 1]} : vector<8x256xf32> to vector<8x128xf32>
      %slice3A_118 = vector.extract_strided_slice %select_n3A_106 {offsets = [0, 128], sizes = [8, 128], strides = [1, 1]} : vector<8x256xf32> to vector<8x128xf32>
      %slice3A_119 = vector.extract_strided_slice %select_n3A_107 {offsets = [0, 0], sizes = [8, 128], strides = [1, 1]} : vector<8x256xi32> to vector<8x128xi32>
      %slice3A_120 = vector.extract_strided_slice %select_n3A_107 {offsets = [0, 128], sizes = [8, 128], strides = [1, 1]} : vector<8x256xi32> to vector<8x128xi32>
      %gt3A_121 = arith.cmpf ogt, %slice3A_117, %slice3A_118 : vector<8x128xf32>
      %eq3A_122 = arith.cmpf oeq, %slice3A_117, %slice3A_118 : vector<8x128xf32>
      %lt3A_123 = arith.cmpi slt, %slice3A_119, %slice3A_120 : vector<8x128xi32>
      %and3A_124 = arith.andi %eq3A_122, %lt3A_123 : vector<8x128xi1>
      %or3A_125 = arith.ori %gt3A_121, %and3A_124 : vector<8x128xi1>
      %select_n3A_126 = arith.select %or3A_125, %slice3A_117, %slice3A_118 : vector<8x128xi1>, vector<8x128xf32>
      %select_n3A_127 = arith.select %or3A_125, %slice3A_119, %slice3A_120 : vector<8x128xi1>, vector<8x128xi32>
      %slice3A_128 = vector.extract_strided_slice %select_n3A_110 {offsets = [0, 0], sizes = [8, 128], strides = [1, 1]} : vector<8x256xf32> to vector<8x128xf32>
      %slice3A_129 = vector.extract_strided_slice %select_n3A_110 {offsets = [0, 128], sizes = [8, 128], strides = [1, 1]} : vector<8x256xf32> to vector<8x128xf32>
      %select_n3A_130 = arith.select %or3A_125, %slice3A_128, %slice3A_129 : vector<8x128xi1>, vector<8x128xf32>
      %slice3A_131 = vector.extract_strided_slice %select_n3A_113 {offsets = [0, 0], sizes = [8, 128], strides = [1, 1]} : vector<8x256xf32> to vector<8x128xf32>
      %slice3A_132 = vector.extract_strided_slice %select_n3A_113 {offsets = [0, 128], sizes = [8, 128], strides = [1, 1]} : vector<8x256xf32> to vector<8x128xf32>
      %select_n3A_133 = arith.select %or3A_125, %slice3A_131, %slice3A_132 : vector<8x128xi1>, vector<8x128xf32>
      %slice3A_134 = vector.extract_strided_slice %select_n3A_116 {offsets = [0, 0], sizes = [8, 128], strides = [1, 1]} : vector<8x256xf32> to vector<8x128xf32>
      %slice3A_135 = vector.extract_strided_slice %select_n3A_116 {offsets = [0, 128], sizes = [8, 128], strides = [1, 1]} : vector<8x256xf32> to vector<8x128xf32>
      %select_n3A_136 = arith.select %or3A_125, %slice3A_134, %slice3A_135 : vector<8x128xi1>, vector<8x128xf32>
      %reduce_max3A = arith.constant dense<0xFF800000> : vector<8xf32>
      %reduce_max3A_137 = vector.multi_reduction <maximumf>, %select_n3A_126, %reduce_max3A [1] : vector<8x128xf32> to vector<8xf32>
      %broadcast_in_dim3A_138 = vector.shape_cast %reduce_max3A_137 : vector<8xf32> to vector<8x1xf32>
      %eq3A_139 = vector.broadcast %broadcast_in_dim3A_138 : vector<8x1xf32> to vector<8x128xf32>
      %eq3A_140 = arith.cmpf oeq, %select_n3A_126, %eq3A_139 : vector<8x128xf32>
      %jit3A = arith.constant 4096 : i32
      %broadcast_in_dim3A_141 = vector.broadcast %jit3A : i32 to vector<8x128xi32>
      %select_n3A_142 = arith.select %eq3A_140, %select_n3A_127, %broadcast_in_dim3A_141 : vector<8x128xi1>, vector<8x128xi32>
      %reduce_min3A = arith.constant dense<2147483647> : vector<8xi32>
      %reduce_min3A_143 = vector.multi_reduction <minsi>, %select_n3A_142, %reduce_min3A [1] : vector<8x128xi32> to vector<8xi32>
      %broadcast_in_dim3A_144 = vector.shape_cast %reduce_min3A_143 : vector<8xi32> to vector<8x1xi32>
      %eq3A_145 = vector.broadcast %broadcast_in_dim3A_138 : vector<8x1xf32> to vector<8x128xf32>
      %eq3A_146 = arith.cmpf oeq, %select_n3A_126, %eq3A_145 : vector<8x128xf32>
      %eq3A_147 = vector.broadcast %broadcast_in_dim3A_144 : vector<8x1xi32> to vector<8x128xi32>
      %eq3A_148 = arith.cmpi eq, %select_n3A_127, %eq3A_147 : vector<8x128xi32>
      %and3A_149 = arith.andi %eq3A_146, %eq3A_148 : vector<8x128xi1>
      %broadcast_in_dim3A_150 = arith.constant 0.000000e+00 : f32
      %broadcast_in_dim3A_151 = vector.broadcast %broadcast_in_dim3A_150 : f32 to vector<8x128xf32>
      %select_n3A_152 = arith.select %and3A_149, %select_n3A_130, %broadcast_in_dim3A_151 : vector<8x128xi1>, vector<8x128xf32>
      %reduce_sum3A = arith.constant dense<0.000000e+00> : vector<8xf32>
      %reduce_sum3A_153 = vector.multi_reduction <add>, %select_n3A_152, %reduce_sum3A [1] : vector<8x128xf32> to vector<8xf32>
      %broadcast_in_dim3A_154 = vector.shape_cast %reduce_sum3A_153 : vector<8xf32> to vector<8x1xf32>
      %select_n3A_155 = arith.select %and3A_149, %select_n3A_133, %broadcast_in_dim3A_151 : vector<8x128xi1>, vector<8x128xf32>
      %reduce_sum3A_156 = arith.constant dense<0.000000e+00> : vector<8xf32>
      %reduce_sum3A_157 = vector.multi_reduction <add>, %select_n3A_155, %reduce_sum3A_156 [1] : vector<8x128xf32> to vector<8xf32>
      %broadcast_in_dim3A_158 = vector.shape_cast %reduce_sum3A_157 : vector<8xf32> to vector<8x1xf32>
      %select_n3A_159 = arith.select %and3A_149, %select_n3A_136, %broadcast_in_dim3A_151 : vector<8x128xi1>, vector<8x128xf32>
      %reduce_sum3A_160 = arith.constant dense<0.000000e+00> : vector<8xf32>
      %reduce_sum3A_161 = vector.multi_reduction <add>, %select_n3A_159, %reduce_sum3A_160 [1] : vector<8x128xf32> to vector<8xf32>
      %broadcast_in_dim3A_162 = vector.shape_cast %reduce_sum3A_161 : vector<8xf32> to vector<8x1xf32>
      scf.yield %min3A, %broadcast_in_dim3A_154, %broadcast_in_dim3A_158, %broadcast_in_dim3A_162 : vector<8x4096xf32>, vector<8x1xf32>, vector<8x1xf32>, vector<8x1xf32>
    }
    %scan3A_15 = arith.constant 1024 : i32
    return
  }
}

module attributes {stable_mosaic.version = 14 : i64} {
  func.func @_table_body(%arg0: i32, %arg1: i32, %arg2: memref<1x128x256xf32, #tpu.memory_space<vmem>>, %arg3: memref<256x128xf32, #tpu.memory_space<vmem>>) attributes {dimension_semantics = [#tpu.dimension_semantics<arbitrary>, #tpu.dimension_semantics<arbitrary>], iteration_bounds = array<i64: 8, 16>, scalar_prefetch = 0 : i64, scratch_operands = 0 : i64, tpu.core_type = #tpu.core_type<tc>, window_params = [{transform_indices = @transform_0, window_bounds = array<i64: 1, 128, 256>}, {transform_indices = @transform_1, window_bounds = array<i64: 256, 128>}]} {
    %get3A = arith.constant 0 : index
    %get3A_0 = arith.constant 0 : index
    %get3A_1 = arith.constant 0 : index
    %get3A_2 = vector.load %arg2[%get3A, %get3A_0, %get3A_1] : memref<1x128x256xf32, #tpu.memory_space<vmem>>, vector<1x128x256xf32>
    %get3A_3 = vector.shape_cast %get3A_2 : vector<1x128x256xf32> to vector<128x256xf32>
    %transpose3A = tpu.transpose %get3A_3, [1, 0] : vector<128x256xf32> -> vector<256x128xf32>
    %swap3A = arith.constant 0 : index
    %swap3A_4 = arith.constant 0 : index
    %swap3A_5 = vector.load %arg3[%swap3A, %swap3A_4] : memref<256x128xf32, #tpu.memory_space<vmem>>, vector<256x128xf32>
    tpu.vector_store %arg3[%swap3A, %swap3A_4], %transpose3A {strides = array<i32>} : memref<256x128xf32, #tpu.memory_space<vmem>>, vector<256x128xf32>,
    return
  }
  func.func @transform_0(%arg0: i32, %arg1: i32) -> (i32, i32, i32) {
    %c0_i32 = arith.constant 0 : i32
    %c0_i32_0 = arith.constant 0 : i32
    return %arg0, %c0_i32, %arg1 : i32, i32, i32
  }
  func.func @transform_1(%arg0: i32, %arg1: i32) -> (i32, i32) {
    %mul3A = arith.constant 16 : i32
    %mul3A_0 = arith.muli %arg0, %mul3A : i32
    %add3A = arith.addi %mul3A_0, %arg1 : i32
    %c0_i32 = arith.constant 0 : i32
    %c0_i32_1 = arith.constant 0 : i32
    return %add3A, %c0_i32 : i32, i32
  }
}

module attributes {stable_mosaic.version = 14 : i64} {
  func.func @_mlp0_body(%arg0: i32, %arg1: memref<4096x128xf32, #tpu.memory_space<vmem>>, %arg2: memref<4096x16xf32, #tpu.memory_space<vmem>>, %arg3: memref<128x8xf32, #tpu.memory_space<vmem>>, %arg4: memref<128x8xf32, #tpu.memory_space<vmem>>, %arg5: memref<128x8xf32, #tpu.memory_space<vmem>>, %arg6: memref<144x128xbf16, #tpu.memory_space<vmem>>, %arg7: memref<8x128xf32, #tpu.memory_space<vmem>>, %arg8: memref<4096x128xf32, #tpu.memory_space<vmem>>, %arg9: memref<8x128xf32, #tpu.memory_space<vmem>>) attributes {dimension_semantics = [#tpu.dimension_semantics<arbitrary>], iteration_bounds = array<i64: 64>, scalar_prefetch = 0 : i64, scratch_operands = 0 : i64, tpu.core_type = #tpu.core_type<tc>, window_params = [{transform_indices = @transform_0, window_bounds = array<i64: 4096, 128>}, {transform_indices = @transform_1, window_bounds = array<i64: 4096, 16>}, {transform_indices = @transform_2, window_bounds = array<i64: 128, 8>}, {transform_indices = @transform_3, window_bounds = array<i64: 128, 8>}, {transform_indices = @transform_4, window_bounds = array<i64: 128, 8>}, {pipeline_mode = #tpu.pipeline_mode<synchronous>, transform_indices = @transform_5, window_bounds = array<i64: 144, 128>}, {pipeline_mode = #tpu.pipeline_mode<synchronous>, transform_indices = @transform_6, window_bounds = array<i64: 8, 128>}, {transform_indices = @transform_7, window_bounds = array<i64: 4096, 128>}, {pipeline_mode = #tpu.pipeline_mode<synchronous>, transform_indices = @transform_8, window_bounds = array<i64: 8, 128>}]} {
    %jit3A = arith.constant 8 : i32
    %div3A = arith.divsi %arg0, %jit3A : i32
    %sign3A = arith.constant 0 : i32
    %sign3A_0 = arith.cmpi sgt, %arg0, %sign3A : i32
    %sign3A_1 = arith.extui %sign3A_0 : i1 to i32
    %sign3A_2 = arith.constant 0 : i32
    %sign3A_3 = arith.cmpi slt, %arg0, %sign3A_2 : i32
    %sign3A_4 = arith.extui %sign3A_3 : i1 to i32
    %sign3A_5 = arith.subi %sign3A_1, %sign3A_4 : i32
    %sign3A_6 = arith.constant 0 : i32
    %sign3A_7 = arith.cmpi sgt, %jit3A, %sign3A_6 : i32
    %sign3A_8 = arith.extui %sign3A_7 : i1 to i32
    %sign3A_9 = arith.constant 0 : i32
    %sign3A_10 = arith.cmpi slt, %jit3A, %sign3A_9 : i32
    %sign3A_11 = arith.extui %sign3A_10 : i1 to i32
    %sign3A_12 = arith.subi %sign3A_8, %sign3A_11 : i32
    %ne3A = arith.cmpi ne, %sign3A_5, %sign3A_12 : i32
    %rem3A = arith.remsi %arg0, %jit3A : i32
    %ne3A_13 = arith.constant 0 : i32
    %ne3A_14 = arith.cmpi ne, %rem3A, %ne3A_13 : i32
    %and3A = arith.andi %ne3A, %ne3A_14 : i1
    %sub3A = arith.constant 1 : i32
    %sub3A_15 = arith.subi %div3A, %sub3A : i32
    %select_n3A = arith.select %and3A, %sub3A_15, %div3A : i32
    %iota3A = tpu.iota {dimensions = array<i32: 1>} : vector<128x8xi32>
    %broadcast_in_dim3A = arith.constant 0.000000e+00 : f32
    %broadcast_in_dim3A_16 = vector.broadcast %broadcast_in_dim3A : f32 to vector<128x8xf32>
    %get3A = arith.constant 0 : index
    %get3A_17 = arith.constant 0 : index
    %get3A_18 = vector.load %arg2[%get3A, %get3A_17] : memref<4096x16xf32, #tpu.memory_space<vmem>>, vector<4096x16xf32>
    %slice3A = vector.extract_strided_slice %get3A_18 {offsets = [0, 0], sizes = [4096, 3], strides = [1, 1]} : vector<4096x16xf32> to vector<4096x3xf32>
    %get3A_19 = arith.constant 0 : index
    %get3A_20 = arith.constant 0 : index
    %get3A_21 = vector.load %arg1[%get3A_19, %get3A_20] : memref<4096x128xf32, #tpu.memory_space<vmem>>, vector<4096x128xf32>
    %broadcast_in_dim3A_22 = arith.constant 0.000000e+00 : f32
    %broadcast_in_dim3A_23 = vector.broadcast %broadcast_in_dim3A_22 : f32 to vector<4096x13xf32>
    %concatenate3A = tpu.concatenate %slice3A, %get3A_21, %broadcast_in_dim3A_23 in 1 : vector<4096x3xf32>, vector<4096x128xf32>, vector<4096x13xf32> -> vector<4096x144xf32>
    %eq3A = vector.broadcast %select_n3A : i32 to vector<128x8xi32>
    %eq3A_24 = arith.cmpi eq, %iota3A, %eq3A : vector<128x8xi32>
    %get3A_25 = arith.constant 0 : index
    %get3A_26 = arith.constant 0 : index
    %get3A_27 = vector.load %arg3[%get3A_25, %get3A_26] : memref<128x8xf32, #tpu.memory_space<vmem>>, vector<128x8xf32>
    %select_n3A_28 = arith.select %eq3A_24, %get3A_27, %broadcast_in_dim3A_16 : vector<128x8xi1>, vector<128x8xf32>
    %reduce_sum3A = arith.constant dense<0.000000e+00> : vector<128xf32>
    %reduce_sum3A_29 = vector.multi_reduction <add>, %select_n3A_28, %reduce_sum3A [1] : vector<128x8xf32> to vector<128xf32>
    %broadcast_in_dim3A_30 = vector.shape_cast %reduce_sum3A_29 : vector<128xf32> to vector<128x1xf32>
    %eq3A_31 = vector.broadcast %select_n3A : i32 to vector<128x8xi32>
    %eq3A_32 = arith.cmpi eq, %iota3A, %eq3A_31 : vector<128x8xi32>
    %get3A_33 = arith.constant 0 : index
    %get3A_34 = arith.constant 0 : index
    %get3A_35 = vector.load %arg4[%get3A_33, %get3A_34] : memref<128x8xf32, #tpu.memory_space<vmem>>, vector<128x8xf32>
    %select_n3A_36 = arith.select %eq3A_32, %get3A_35, %broadcast_in_dim3A_16 : vector<128x8xi1>, vector<128x8xf32>
    %reduce_sum3A_37 = arith.constant dense<0.000000e+00> : vector<128xf32>
    %reduce_sum3A_38 = vector.multi_reduction <add>, %select_n3A_36, %reduce_sum3A_37 [1] : vector<128x8xf32> to vector<128xf32>
    %broadcast_in_dim3A_39 = vector.shape_cast %reduce_sum3A_38 : vector<128xf32> to vector<128x1xf32>
    %eq3A_40 = vector.broadcast %select_n3A : i32 to vector<128x8xi32>
    %eq3A_41 = arith.cmpi eq, %iota3A, %eq3A_40 : vector<128x8xi32>
    %get3A_42 = arith.constant 0 : index
    %get3A_43 = arith.constant 0 : index
    %get3A_44 = vector.load %arg5[%get3A_42, %get3A_43] : memref<128x8xf32, #tpu.memory_space<vmem>>, vector<128x8xf32>
    %select_n3A_45 = arith.select %eq3A_41, %get3A_44, %broadcast_in_dim3A_16 : vector<128x8xi1>, vector<128x8xf32>
    %reduce_sum3A_46 = arith.constant dense<0.000000e+00> : vector<128xf32>
    %reduce_sum3A_47 = vector.multi_reduction <add>, %select_n3A_45, %reduce_sum3A_46 [1] : vector<128x8xf32> to vector<128xf32>
    %broadcast_in_dim3A_48 = vector.shape_cast %reduce_sum3A_47 : vector<128xf32> to vector<128x1xf32>
    %broadcast_in_dim3A_49 = arith.constant 0.000000e+00 : f32
    %broadcast_in_dim3A_50 = vector.broadcast %broadcast_in_dim3A_49 : f32 to vector<128x141xf32>
    %concatenate3A_51 = tpu.concatenate %broadcast_in_dim3A_30, %broadcast_in_dim3A_39, %broadcast_in_dim3A_48, %broadcast_in_dim3A_50 in 1 : vector<128x1xf32>, vector<128x1xf32>, vector<128x1xf32>, vector<128x141xf32> -> vector<128x144xf32>
    %reshape3A = vector.shape_cast %concatenate3A : vector<4096x144xf32> to vector<128x32x144xf32>
    %broadcast_in_dim3A_52 = vector.shape_cast %concatenate3A_51 : vector<128x144xf32> to vector<128x1x144xf32>
    %sub3A_53 = vector.broadcast %broadcast_in_dim3A_52 : vector<128x1x144xf32> to vector<128x32x144xf32>
    %sub3A_54 = arith.subf %reshape3A, %sub3A_53 : vector<128x32x144xf32>
    %reshape3A_55 = vector.shape_cast %sub3A_54 : vector<128x32x144xf32> to vector<4096x144xf32>
    %get3A_56 = arith.constant 0 : index
    %get3A_57 = arith.constant 0 : index
    %get3A_58 = vector.load %arg6[%get3A_56, %get3A_57] : memref<144x128xbf16, #tpu.memory_space<vmem>>, vector<144x128xbf16>
    %convert_element_type3A = arith.truncf %reshape3A_55 : vector<4096x144xf32> to vector<4096x144xbf16>
    %dot_general3A = arith.constant dense<0.000000e+00> : vector<4096x128xf32>
    %dot_general3A_59 = tpu.matmul %convert_element_type3A, %get3A_58, %dot_general3A {dimension_numbers = #tpu.dot_dimension_numbers<[1], [0], [0], [1], [0, 0, 1, 1], [], []>, transpose_lhs_hint = false} : vector<4096x144xbf16>, vector<144x128xbf16>, vector<4096x128xf32> -> vector<4096x128xf32>
    %get3A_60 = arith.constant 0 : index
    %get3A_61 = arith.constant 0 : index
    %get3A_62 = vector.load %arg7[%get3A_60, %get3A_61] : memref<8x128xf32, #tpu.memory_space<vmem>>, vector<8x128xf32>
    %slice3A_63 = vector.extract_strided_slice %get3A_62 {offsets = [0, 0], sizes = [1, 128], strides = [1, 1]} : vector<8x128xf32> to vector<1x128xf32>
    %add3A = vector.broadcast %slice3A_63 : vector<1x128xf32> to vector<4096x128xf32>
    %add3A_64 = arith.addf %dot_general3A_59, %add3A : vector<4096x128xf32>
    %swap3A = arith.constant 0 : index
    %swap3A_65 = arith.constant 0 : index
    %swap3A_66 = vector.load %arg8[%swap3A, %swap3A_65] : memref<4096x128xf32, #tpu.memory_space<vmem>>, vector<4096x128xf32>
    tpu.vector_store %arg8[%swap3A, %swap3A_65], %add3A_64 {strides = array<i32>} : memref<4096x128xf32, #tpu.memory_space<vmem>>, vector<4096x128xf32>,
    %eq3A_67 = arith.constant 0 : i32
    %eq3A_68 = arith.cmpi eq, %arg0, %eq3A_67 : i32
    %convert_element_type3A_69 = arith.extui %eq3A_68 : i1 to i32
    %cond3A = arith.constant 0 : i32
    %cond3A_70 = arith.cmpi ne, %convert_element_type3A_69, %cond3A : i32
    scf.if %cond3A_70 {
      %broadcast_in_dim3A_87 = arith.constant 0.000000e+00 : f32
      %broadcast_in_dim3A_88 = vector.broadcast %broadcast_in_dim3A_87 : f32 to vector<8x128xf32>
      %swap3A_89 = arith.constant 0 : index
      %swap3A_90 = arith.constant 0 : index
      %swap3A_91 = vector.load %arg9[%swap3A_89, %swap3A_90] : memref<8x128xf32, #tpu.memory_space<vmem>>, vector<8x128xf32>
      tpu.vector_store %arg9[%swap3A_89, %swap3A_90], %broadcast_in_dim3A_88 {strides = array<i32>} : memref<8x128xf32, #tpu.memory_space<vmem>>, vector<8x128xf32>,
    } else {
    }
    %reduce_sum3A_71 = arith.constant dense<0.000000e+00> : vector<128xf32>
    %reduce_sum3A_72 = vector.multi_reduction <add>, %add3A_64, %reduce_sum3A_71 [0] : vector<4096x128xf32> to vector<128xf32>
    %reshape3A_73 = vector.shape_cast %reduce_sum3A_72 : vector<128xf32> to vector<1x128xf32>
    %mul3A = arith.mulf %add3A_64, %add3A_64 : vector<4096x128xf32>
    %reduce_sum3A_74 = arith.constant dense<0.000000e+00> : vector<128xf32>
    %reduce_sum3A_75 = vector.multi_reduction <add>, %mul3A, %reduce_sum3A_74 [0] : vector<4096x128xf32> to vector<128xf32>
    %reshape3A_76 = vector.shape_cast %reduce_sum3A_75 : vector<128xf32> to vector<1x128xf32>
    %broadcast_in_dim3A_77 = arith.constant 0.000000e+00 : f32
    %broadcast_in_dim3A_78 = vector.broadcast %broadcast_in_dim3A_77 : f32 to vector<6x128xf32>
    %get3A_79 = arith.constant 0 : index
    %get3A_80 = arith.constant 0 : index
    %get3A_81 = vector.load %arg9[%get3A_79, %get3A_80] : memref<8x128xf32, #tpu.memory_space<vmem>>, vector<8x128xf32>
    %concatenate3A_82 = tpu.concatenate %reshape3A_73, %reshape3A_76, %broadcast_in_dim3A_78 in 0 : vector<1x128xf32>, vector<1x128xf32>, vector<6x128xf32> -> vector<8x128xf32>
    %add3A_83 = arith.addf %get3A_81, %concatenate3A_82 : vector<8x128xf32>
    %swap3A_84 = arith.constant 0 : index
    %swap3A_85 = arith.constant 0 : index
    %swap3A_86 = vector.load %arg9[%swap3A_84, %swap3A_85] : memref<8x128xf32, #tpu.memory_space<vmem>>, vector<8x128xf32>
    tpu.vector_store %arg9[%swap3A_84, %swap3A_85], %add3A_83 {strides = array<i32>} : memref<8x128xf32, #tpu.memory_space<vmem>>, vector<8x128xf32>,
    return
  }
  func.func @transform_0(%arg0: i32) -> (i32, i32) {
    %c0_i32 = arith.constant 0 : i32
    %c0_i32_0 = arith.constant 0 : i32
    return %arg0, %c0_i32 : i32, i32
  }
  func.func @transform_1(%arg0: i32) -> (i32, i32) {
    %c0_i32 = arith.constant 0 : i32
    %c0_i32_0 = arith.constant 0 : i32
    return %arg0, %c0_i32 : i32, i32
  }
  func.func @transform_2(%arg0: i32) -> (i32, i32) {
    %jit3A = arith.constant 8 : i32
    %eq3A = arith.constant 0 : i32
    %eq3A_0 = arith.cmpi eq, %jit3A, %eq3A : i32
    %jit3A_1 = arith.constant 1 : i32
    %select_n3A = arith.select %eq3A_0, %jit3A_1, %jit3A : i32
    %rem3A = arith.remsi %arg0, %select_n3A : i32
    %ne3A = arith.constant 0 : i32
    %ne3A_2 = arith.cmpi ne, %rem3A, %ne3A : i32
    %lt3A = arith.constant 0 : i32
    %lt3A_3 = arith.cmpi slt, %rem3A, %lt3A : i32
    %lt3A_4 = arith.constant 0 : i32
    %lt3A_5 = arith.cmpi slt, %select_n3A, %lt3A_4 : i32
    %ne3A_6 = arith.xori %lt3A_3, %lt3A_5 : i1
    %and3A = arith.andi %ne3A_6, %ne3A_2 : i1
    %add3A = arith.addi %rem3A, %select_n3A : i32
    %select_n3A_7 = arith.select %and3A, %add3A, %rem3A : i32
    %c0_i32 = arith.constant 0 : i32
    %c0_i32_8 = arith.constant 0 : i32
    return %select_n3A_7, %c0_i32 : i32, i32
  }
  func.func @transform_3(%arg0: i32) -> (i32, i32) {
    %jit3A = arith.constant 8 : i32
    %eq3A = arith.constant 0 : i32
    %eq3A_0 = arith.cmpi eq, %jit3A, %eq3A : i32
    %jit3A_1 = arith.constant 1 : i32
    %select_n3A = arith.select %eq3A_0, %jit3A_1, %jit3A : i32
    %rem3A = arith.remsi %arg0, %select_n3A : i32
    %ne3A = arith.constant 0 : i32
    %ne3A_2 = arith.cmpi ne, %rem3A, %ne3A : i32
    %lt3A = arith.constant 0 : i32
    %lt3A_3 = arith.cmpi slt, %rem3A, %lt3A : i32
    %lt3A_4 = arith.constant 0 : i32
    %lt3A_5 = arith.cmpi slt, %select_n3A, %lt3A_4 : i32
    %ne3A_6 = arith.xori %lt3A_3, %lt3A_5 : i1
    %and3A = arith.andi %ne3A_6, %ne3A_2 : i1
    %add3A = arith.addi %rem3A, %select_n3A : i32
    %select_n3A_7 = arith.select %and3A, %add3A, %rem3A : i32
    %c0_i32 = arith.constant 0 : i32
    %c0_i32_8 = arith.constant 0 : i32
    return %select_n3A_7, %c0_i32 : i32, i32
  }
  func.func @transform_4(%arg0: i32) -> (i32, i32) {
    %jit3A = arith.constant 8 : i32
    %eq3A = arith.constant 0 : i32
    %eq3A_0 = arith.cmpi eq, %jit3A, %eq3A : i32
    %jit3A_1 = arith.constant 1 : i32
    %select_n3A = arith.select %eq3A_0, %jit3A_1, %jit3A : i32
    %rem3A = arith.remsi %arg0, %select_n3A : i32
    %ne3A = arith.constant 0 : i32
    %ne3A_2 = arith.cmpi ne, %rem3A, %ne3A : i32
    %lt3A = arith.constant 0 : i32
    %lt3A_3 = arith.cmpi slt, %rem3A, %lt3A : i32
    %lt3A_4 = arith.constant 0 : i32
    %lt3A_5 = arith.cmpi slt, %select_n3A, %lt3A_4 : i32
    %ne3A_6 = arith.xori %lt3A_3, %lt3A_5 : i1
    %and3A = arith.andi %ne3A_6, %ne3A_2 : i1
    %add3A = arith.addi %rem3A, %select_n3A : i32
    %select_n3A_7 = arith.select %and3A, %add3A, %rem3A : i32
    %c0_i32 = arith.constant 0 : i32
    %c0_i32_8 = arith.constant 0 : i32
    return %select_n3A_7, %c0_i32 : i32, i32
  }
  func.func @transform_5(%arg0: i32) -> (i32, i32) {
    %c0_i32 = arith.constant 0 : i32
    %c0_i32_0 = arith.constant 0 : i32
    %c0_i32_1 = arith.constant 0 : i32
    return %c0_i32, %c0_i32_0 : i32, i32
  }
  func.func @transform_6(%arg0: i32) -> (i32, i32) {
    %c0_i32 = arith.constant 0 : i32
    %c0_i32_0 = arith.constant 0 : i32
    %c0_i32_1 = arith.constant 0 : i32
    return %c0_i32, %c0_i32_0 : i32, i32
  }
  func.func @transform_7(%arg0: i32) -> (i32, i32) {
    %c0_i32 = arith.constant 0 : i32
    %c0_i32_0 = arith.constant 0 : i32
    return %arg0, %c0_i32 : i32, i32
  }
  func.func @transform_8(%arg0: i32) -> (i32, i32) {
    %c0_i32 = arith.constant 0 : i32
    %c0_i32_0 = arith.constant 0 : i32
    %c0_i32_1 = arith.constant 0 : i32
    return %c0_i32, %c0_i32_0 : i32, i32
  }
}

module attributes {stable_mosaic.version = 14 : i64} {
  func.func @_mlp_body(%arg0: i32, %arg1: memref<4096x128xf32, #tpu.memory_space<vmem>>, %arg2: memref<8x128xf32, #tpu.memory_space<vmem>>, %arg3: memref<8x128xf32, #tpu.memory_space<vmem>>, %arg4: memref<8x128xf32, #tpu.memory_space<vmem>>, %arg5: memref<128x128xbf16, #tpu.memory_space<vmem>>, %arg6: memref<8x128xf32, #tpu.memory_space<vmem>>, %arg7: memref<4096x128xf32, #tpu.memory_space<vmem>>, %arg8: memref<8x128xf32, #tpu.memory_space<vmem>>) attributes {dimension_semantics = [#tpu.dimension_semantics<arbitrary>], iteration_bounds = array<i64: 64>, scalar_prefetch = 0 : i64, scratch_operands = 0 : i64, tpu.core_type = #tpu.core_type<tc>, window_params = [{transform_indices = @transform_0, window_bounds = array<i64: 4096, 128>}, {pipeline_mode = #tpu.pipeline_mode<synchronous>, transform_indices = @transform_1, window_bounds = array<i64: 8, 128>}, {pipeline_mode = #tpu.pipeline_mode<synchronous>, transform_indices = @transform_2, window_bounds = array<i64: 8, 128>}, {pipeline_mode = #tpu.pipeline_mode<synchronous>, transform_indices = @transform_3, window_bounds = array<i64: 8, 128>}, {pipeline_mode = #tpu.pipeline_mode<synchronous>, transform_indices = @transform_4, window_bounds = array<i64: 128, 128>}, {pipeline_mode = #tpu.pipeline_mode<synchronous>, transform_indices = @transform_5, window_bounds = array<i64: 8, 128>}, {transform_indices = @transform_6, window_bounds = array<i64: 4096, 128>}, {pipeline_mode = #tpu.pipeline_mode<synchronous>, transform_indices = @transform_7, window_bounds = array<i64: 8, 128>}]} {
    %get3A = arith.constant 0 : index
    %get3A_0 = arith.constant 0 : index
    %get3A_1 = vector.load %arg1[%get3A, %get3A_0] : memref<4096x128xf32, #tpu.memory_space<vmem>>, vector<4096x128xf32>
    %get3A_2 = arith.constant 0 : index
    %get3A_3 = arith.constant 0 : index
    %get3A_4 = vector.load %arg2[%get3A_2, %get3A_3] : memref<8x128xf32, #tpu.memory_space<vmem>>, vector<8x128xf32>
    %slice3A = vector.extract_strided_slice %get3A_4 {offsets = [0, 0], sizes = [1, 128], strides = [1, 1]} : vector<8x128xf32> to vector<1x128xf32>
    %mul3A = arith.constant 3.81469727E-6 : f32
    %mul3A_5 = vector.broadcast %mul3A : f32 to vector<1x128xf32>
    %mul3A_6 = arith.mulf %slice3A, %mul3A_5 : vector<1x128xf32>
    %slice3A_7 = vector.extract_strided_slice %get3A_4 {offsets = [1, 0], sizes = [1, 128], strides = [1, 1]} : vector<8x128xf32> to vector<1x128xf32>
    %mul3A_8 = arith.constant 3.81469727E-6 : f32
    %mul3A_9 = vector.broadcast %mul3A_8 : f32 to vector<1x128xf32>
    %mul3A_10 = arith.mulf %slice3A_7, %mul3A_9 : vector<1x128xf32>
    %mul3A_11 = arith.mulf %mul3A_6, %mul3A_6 : vector<1x128xf32>
    %sub3A = arith.subf %mul3A_10, %mul3A_11 : vector<1x128xf32>
    %add3A = arith.constant 9.99999974E-6 : f32
    %add3A_12 = vector.broadcast %add3A : f32 to vector<1x128xf32>
    %add3A_13 = arith.addf %sub3A, %add3A_12 : vector<1x128xf32>
    %sqrt3A = math.sqrt %add3A_13 : vector<1x128xf32>
    %sub3A_14 = vector.broadcast %mul3A_6 : vector<1x128xf32> to vector<4096x128xf32>
    %sub3A_15 = arith.subf %get3A_1, %sub3A_14 : vector<4096x128xf32>
    %div3A = vector.broadcast %sqrt3A : vector<1x128xf32> to vector<4096x128xf32>
    %div3A_16 = arith.divf %sub3A_15, %div3A : vector<4096x128xf32>
    %get3A_17 = arith.constant 0 : index
    %get3A_18 = arith.constant 0 : index
    %get3A_19 = vector.load %arg3[%get3A_17, %get3A_18] : memref<8x128xf32, #tpu.memory_space<vmem>>, vector<8x128xf32>
    %slice3A_20 = vector.extract_strided_slice %get3A_19 {offsets = [0, 0], sizes = [1, 128], strides = [1, 1]} : vector<8x128xf32> to vector<1x128xf32>
    %mul3A_21 = vector.broadcast %slice3A_20 : vector<1x128xf32> to vector<4096x128xf32>
    %mul3A_22 = arith.mulf %div3A_16, %mul3A_21 : vector<4096x128xf32>
    %get3A_23 = arith.constant 0 : index
    %get3A_24 = arith.constant 0 : index
    %get3A_25 = vector.load %arg4[%get3A_23, %get3A_24] : memref<8x128xf32, #tpu.memory_space<vmem>>, vector<8x128xf32>
    %slice3A_26 = vector.extract_strided_slice %get3A_25 {offsets = [0, 0], sizes = [1, 128], strides = [1, 1]} : vector<8x128xf32> to vector<1x128xf32>
    %add3A_27 = vector.broadcast %slice3A_26 : vector<1x128xf32> to vector<4096x128xf32>
    %add3A_28 = arith.addf %mul3A_22, %add3A_27 : vector<4096x128xf32>
    %max3A = arith.constant 0.000000e+00 : f32
    %max3A_29 = vector.broadcast %max3A : f32 to vector<4096x128xf32>
    %max3A_30 = arith.maximumf %add3A_28, %max3A_29 : vector<4096x128xf32>
    %get3A_31 = arith.constant 0 : index
    %get3A_32 = arith.constant 0 : index
    %get3A_33 = vector.load %arg5[%get3A_31, %get3A_32] : memref<128x128xbf16, #tpu.memory_space<vmem>>, vector<128x128xbf16>
    %convert_element_type3A = arith.truncf %max3A_30 : vector<4096x128xf32> to vector<4096x128xbf16>
    %dot_general3A = arith.constant dense<0.000000e+00> : vector<4096x128xf32>
    %dot_general3A_34 = tpu.matmul %convert_element_type3A, %get3A_33, %dot_general3A {dimension_numbers = #tpu.dot_dimension_numbers<[1], [0], [0], [1], [0, 0, 1, 1], [], []>, transpose_lhs_hint = false} : vector<4096x128xbf16>, vector<128x128xbf16>, vector<4096x128xf32> -> vector<4096x128xf32>
    %get3A_35 = arith.constant 0 : index
    %get3A_36 = arith.constant 0 : index
    %get3A_37 = vector.load %arg6[%get3A_35, %get3A_36] : memref<8x128xf32, #tpu.memory_space<vmem>>, vector<8x128xf32>
    %slice3A_38 = vector.extract_strided_slice %get3A_37 {offsets = [0, 0], sizes = [1, 128], strides = [1, 1]} : vector<8x128xf32> to vector<1x128xf32>
    %add3A_39 = vector.broadcast %slice3A_38 : vector<1x128xf32> to vector<4096x128xf32>
    %add3A_40 = arith.addf %dot_general3A_34, %add3A_39 : vector<4096x128xf32>
    %swap3A = arith.constant 0 : index
    %swap3A_41 = arith.constant 0 : index
    %swap3A_42 = vector.load %arg7[%swap3A, %swap3A_41] : memref<4096x128xf32, #tpu.memory_space<vmem>>, vector<4096x128xf32>
    tpu.vector_store %arg7[%swap3A, %swap3A_41], %add3A_40 {strides = array<i32>} : memref<4096x128xf32, #tpu.memory_space<vmem>>, vector<4096x128xf32>,
    %eq3A = arith.constant 0 : i32
    %eq3A_43 = arith.cmpi eq, %arg0, %eq3A : i32
    %convert_element_type3A_44 = arith.extui %eq3A_43 : i1 to i32
    %cond3A = arith.constant 0 : i32
    %cond3A_45 = arith.cmpi ne, %convert_element_type3A_44, %cond3A : i32
    scf.if %cond3A_45 {
      %broadcast_in_dim3A_59 = arith.constant 0.000000e+00 : f32
      %broadcast_in_dim3A_60 = vector.broadcast %broadcast_in_dim3A_59 : f32 to vector<8x128xf32>
      %swap3A_61 = arith.constant 0 : index
      %swap3A_62 = arith.constant 0 : index
      %swap3A_63 = vector.load %arg8[%swap3A_61, %swap3A_62] : memref<8x128xf32, #tpu.memory_space<vmem>>, vector<8x128xf32>
      tpu.vector_store %arg8[%swap3A_61, %swap3A_62], %broadcast_in_dim3A_60 {strides = array<i32>} : memref<8x128xf32, #tpu.memory_space<vmem>>, vector<8x128xf32>,
    } else {
    }
    %reduce_sum3A = arith.constant dense<0.000000e+00> : vector<128xf32>
    %reduce_sum3A_46 = vector.multi_reduction <add>, %add3A_40, %reduce_sum3A [0] : vector<4096x128xf32> to vector<128xf32>
    %reshape3A = vector.shape_cast %reduce_sum3A_46 : vector<128xf32> to vector<1x128xf32>
    %mul3A_47 = arith.mulf %add3A_40, %add3A_40 : vector<4096x128xf32>
    %reduce_sum3A_48 = arith.constant dense<0.000000e+00> : vector<128xf32>
    %reduce_sum3A_49 = vector.multi_reduction <add>, %mul3A_47, %reduce_sum3A_48 [0] : vector<4096x128xf32> to vector<128xf32>
    %reshape3A_50 = vector.shape_cast %reduce_sum3A_49 : vector<128xf32> to vector<1x128xf32>
    %broadcast_in_dim3A = arith.constant 0.000000e+00 : f32
    %broadcast_in_dim3A_51 = vector.broadcast %broadcast_in_dim3A : f32 to vector<6x128xf32>
    %get3A_52 = arith.constant 0 : index
    %get3A_53 = arith.constant 0 : index
    %get3A_54 = vector.load %arg8[%get3A_52, %get3A_53] : memref<8x128xf32, #tpu.memory_space<vmem>>, vector<8x128xf32>
    %concatenate3A = tpu.concatenate %reshape3A, %reshape3A_50, %broadcast_in_dim3A_51 in 0 : vector<1x128xf32>, vector<1x128xf32>, vector<6x128xf32> -> vector<8x128xf32>
    %add3A_55 = arith.addf %get3A_54, %concatenate3A : vector<8x128xf32>
    %swap3A_56 = arith.constant 0 : index
    %swap3A_57 = arith.constant 0 : index
    %swap3A_58 = vector.load %arg8[%swap3A_56, %swap3A_57] : memref<8x128xf32, #tpu.memory_space<vmem>>, vector<8x128xf32>
    tpu.vector_store %arg8[%swap3A_56, %swap3A_57], %add3A_55 {strides = array<i32>} : memref<8x128xf32, #tpu.memory_space<vmem>>, vector<8x128xf32>,
    return
  }
  func.func @transform_0(%arg0: i32) -> (i32, i32) {
    %c0_i32 = arith.constant 0 : i32
    %c0_i32_0 = arith.constant 0 : i32
    return %arg0, %c0_i32 : i32, i32
  }
  func.func @transform_1(%arg0: i32) -> (i32, i32) {
    %c0_i32 = arith.constant 0 : i32
    %c0_i32_0 = arith.constant 0 : i32
    %c0_i32_1 = arith.constant 0 : i32
    return %c0_i32, %c0_i32_0 : i32, i32
  }
  func.func @transform_2(%arg0: i32) -> (i32, i32) {
    %c0_i32 = arith.constant 0 : i32
    %c0_i32_0 = arith.constant 0 : i32
    %c0_i32_1 = arith.constant 0 : i32
    return %c0_i32, %c0_i32_0 : i32, i32
  }
  func.func @transform_3(%arg0: i32) -> (i32, i32) {
    %c0_i32 = arith.constant 0 : i32
    %c0_i32_0 = arith.constant 0 : i32
    %c0_i32_1 = arith.constant 0 : i32
    return %c0_i32, %c0_i32_0 : i32, i32
  }
  func.func @transform_4(%arg0: i32) -> (i32, i32) {
    %c0_i32 = arith.constant 0 : i32
    %c0_i32_0 = arith.constant 0 : i32
    %c0_i32_1 = arith.constant 0 : i32
    return %c0_i32, %c0_i32_0 : i32, i32
  }
  func.func @transform_5(%arg0: i32) -> (i32, i32) {
    %c0_i32 = arith.constant 0 : i32
    %c0_i32_0 = arith.constant 0 : i32
    %c0_i32_1 = arith.constant 0 : i32
    return %c0_i32, %c0_i32_0 : i32, i32
  }
  func.func @transform_6(%arg0: i32) -> (i32, i32) {
    %c0_i32 = arith.constant 0 : i32
    %c0_i32_0 = arith.constant 0 : i32
    return %arg0, %c0_i32 : i32, i32
  }
  func.func @transform_7(%arg0: i32) -> (i32, i32) {
    %c0_i32 = arith.constant 0 : i32
    %c0_i32_0 = arith.constant 0 : i32
    %c0_i32_1 = arith.constant 0 : i32
    return %c0_i32, %c0_i32_0 : i32, i32
  }
}

module attributes {stable_mosaic.version = 14 : i64} {
  func.func @_mlp_body(%arg0: i32, %arg1: memref<4096x128xf32, #tpu.memory_space<vmem>>, %arg2: memref<8x128xf32, #tpu.memory_space<vmem>>, %arg3: memref<8x128xf32, #tpu.memory_space<vmem>>, %arg4: memref<8x128xf32, #tpu.memory_space<vmem>>, %arg5: memref<128x256xbf16, #tpu.memory_space<vmem>>, %arg6: memref<8x256xf32, #tpu.memory_space<vmem>>, %arg7: memref<4096x256xf32, #tpu.memory_space<vmem>>, %arg8: memref<8x256xf32, #tpu.memory_space<vmem>>) attributes {dimension_semantics = [#tpu.dimension_semantics<arbitrary>], iteration_bounds = array<i64: 64>, scalar_prefetch = 0 : i64, scratch_operands = 0 : i64, tpu.core_type = #tpu.core_type<tc>, window_params = [{transform_indices = @transform_0, window_bounds = array<i64: 4096, 128>}, {pipeline_mode = #tpu.pipeline_mode<synchronous>, transform_indices = @transform_1, window_bounds = array<i64: 8, 128>}, {pipeline_mode = #tpu.pipeline_mode<synchronous>, transform_indices = @transform_2, window_bounds = array<i64: 8, 128>}, {pipeline_mode = #tpu.pipeline_mode<synchronous>, transform_indices = @transform_3, window_bounds = array<i64: 8, 128>}, {pipeline_mode = #tpu.pipeline_mode<synchronous>, transform_indices = @transform_4, window_bounds = array<i64: 128, 256>}, {pipeline_mode = #tpu.pipeline_mode<synchronous>, transform_indices = @transform_5, window_bounds = array<i64: 8, 256>}, {transform_indices = @transform_6, window_bounds = array<i64: 4096, 256>}, {pipeline_mode = #tpu.pipeline_mode<synchronous>, transform_indices = @transform_7, window_bounds = array<i64: 8, 256>}]} {
    %get3A = arith.constant 0 : index
    %get3A_0 = arith.constant 0 : index
    %get3A_1 = vector.load %arg1[%get3A, %get3A_0] : memref<4096x128xf32, #tpu.memory_space<vmem>>, vector<4096x128xf32>
    %get3A_2 = arith.constant 0 : index
    %get3A_3 = arith.constant 0 : index
    %get3A_4 = vector.load %arg2[%get3A_2, %get3A_3] : memref<8x128xf32, #tpu.memory_space<vmem>>, vector<8x128xf32>
    %slice3A = vector.extract_strided_slice %get3A_4 {offsets = [0, 0], sizes = [1, 128], strides = [1, 1]} : vector<8x128xf32> to vector<1x128xf32>
    %mul3A = arith.constant 3.81469727E-6 : f32
    %mul3A_5 = vector.broadcast %mul3A : f32 to vector<1x128xf32>
    %mul3A_6 = arith.mulf %slice3A, %mul3A_5 : vector<1x128xf32>
    %slice3A_7 = vector.extract_strided_slice %get3A_4 {offsets = [1, 0], sizes = [1, 128], strides = [1, 1]} : vector<8x128xf32> to vector<1x128xf32>
    %mul3A_8 = arith.constant 3.81469727E-6 : f32
    %mul3A_9 = vector.broadcast %mul3A_8 : f32 to vector<1x128xf32>
    %mul3A_10 = arith.mulf %slice3A_7, %mul3A_9 : vector<1x128xf32>
    %mul3A_11 = arith.mulf %mul3A_6, %mul3A_6 : vector<1x128xf32>
    %sub3A = arith.subf %mul3A_10, %mul3A_11 : vector<1x128xf32>
    %add3A = arith.constant 9.99999974E-6 : f32
    %add3A_12 = vector.broadcast %add3A : f32 to vector<1x128xf32>
    %add3A_13 = arith.addf %sub3A, %add3A_12 : vector<1x128xf32>
    %sqrt3A = math.sqrt %add3A_13 : vector<1x128xf32>
    %sub3A_14 = vector.broadcast %mul3A_6 : vector<1x128xf32> to vector<4096x128xf32>
    %sub3A_15 = arith.subf %get3A_1, %sub3A_14 : vector<4096x128xf32>
    %div3A = vector.broadcast %sqrt3A : vector<1x128xf32> to vector<4096x128xf32>
    %div3A_16 = arith.divf %sub3A_15, %div3A : vector<4096x128xf32>
    %get3A_17 = arith.constant 0 : index
    %get3A_18 = arith.constant 0 : index
    %get3A_19 = vector.load %arg3[%get3A_17, %get3A_18] : memref<8x128xf32, #tpu.memory_space<vmem>>, vector<8x128xf32>
    %slice3A_20 = vector.extract_strided_slice %get3A_19 {offsets = [0, 0], sizes = [1, 128], strides = [1, 1]} : vector<8x128xf32> to vector<1x128xf32>
    %mul3A_21 = vector.broadcast %slice3A_20 : vector<1x128xf32> to vector<4096x128xf32>
    %mul3A_22 = arith.mulf %div3A_16, %mul3A_21 : vector<4096x128xf32>
    %get3A_23 = arith.constant 0 : index
    %get3A_24 = arith.constant 0 : index
    %get3A_25 = vector.load %arg4[%get3A_23, %get3A_24] : memref<8x128xf32, #tpu.memory_space<vmem>>, vector<8x128xf32>
    %slice3A_26 = vector.extract_strided_slice %get3A_25 {offsets = [0, 0], sizes = [1, 128], strides = [1, 1]} : vector<8x128xf32> to vector<1x128xf32>
    %add3A_27 = vector.broadcast %slice3A_26 : vector<1x128xf32> to vector<4096x128xf32>
    %add3A_28 = arith.addf %mul3A_22, %add3A_27 : vector<4096x128xf32>
    %max3A = arith.constant 0.000000e+00 : f32
    %max3A_29 = vector.broadcast %max3A : f32 to vector<4096x128xf32>
    %max3A_30 = arith.maximumf %add3A_28, %max3A_29 : vector<4096x128xf32>
    %get3A_31 = arith.constant 0 : index
    %get3A_32 = arith.constant 0 : index
    %get3A_33 = vector.load %arg5[%get3A_31, %get3A_32] : memref<128x256xbf16, #tpu.memory_space<vmem>>, vector<128x256xbf16>
    %convert_element_type3A = arith.truncf %max3A_30 : vector<4096x128xf32> to vector<4096x128xbf16>
    %dot_general3A = arith.constant dense<0.000000e+00> : vector<4096x256xf32>
    %dot_general3A_34 = tpu.matmul %convert_element_type3A, %get3A_33, %dot_general3A {dimension_numbers = #tpu.dot_dimension_numbers<[1], [0], [0], [1], [0, 0, 1, 1], [], []>, transpose_lhs_hint = false} : vector<4096x128xbf16>, vector<128x256xbf16>, vector<4096x256xf32> -> vector<4096x256xf32>
    %get3A_35 = arith.constant 0 : index
    %get3A_36 = arith.constant 0 : index
    %get3A_37 = vector.load %arg6[%get3A_35, %get3A_36] : memref<8x256xf32, #tpu.memory_space<vmem>>, vector<8x256xf32>
    %slice3A_38 = vector.extract_strided_slice %get3A_37 {offsets = [0, 0], sizes = [1, 256], strides = [1, 1]} : vector<8x256xf32> to vector<1x256xf32>
    %add3A_39 = vector.broadcast %slice3A_38 : vector<1x256xf32> to vector<4096x256xf32>
    %add3A_40 = arith.addf %dot_general3A_34, %add3A_39 : vector<4096x256xf32>
    %swap3A = arith.constant 0 : index
    %swap3A_41 = arith.constant 0 : index
    %swap3A_42 = vector.load %arg7[%swap3A, %swap3A_41] : memref<4096x256xf32, #tpu.memory_space<vmem>>, vector<4096x256xf32>
    tpu.vector_store %arg7[%swap3A, %swap3A_41], %add3A_40 {strides = array<i32>} : memref<4096x256xf32, #tpu.memory_space<vmem>>, vector<4096x256xf32>,
    %eq3A = arith.constant 0 : i32
    %eq3A_43 = arith.cmpi eq, %arg0, %eq3A : i32
    %convert_element_type3A_44 = arith.extui %eq3A_43 : i1 to i32
    %cond3A = arith.constant 0 : i32
    %cond3A_45 = arith.cmpi ne, %convert_element_type3A_44, %cond3A : i32
    scf.if %cond3A_45 {
      %broadcast_in_dim3A_59 = arith.constant 0.000000e+00 : f32
      %broadcast_in_dim3A_60 = vector.broadcast %broadcast_in_dim3A_59 : f32 to vector<8x256xf32>
      %swap3A_61 = arith.constant 0 : index
      %swap3A_62 = arith.constant 0 : index
      %swap3A_63 = vector.load %arg8[%swap3A_61, %swap3A_62] : memref<8x256xf32, #tpu.memory_space<vmem>>, vector<8x256xf32>
      tpu.vector_store %arg8[%swap3A_61, %swap3A_62], %broadcast_in_dim3A_60 {strides = array<i32>} : memref<8x256xf32, #tpu.memory_space<vmem>>, vector<8x256xf32>,
    } else {
    }
    %reduce_sum3A = arith.constant dense<0.000000e+00> : vector<256xf32>
    %reduce_sum3A_46 = vector.multi_reduction <add>, %add3A_40, %reduce_sum3A [0] : vector<4096x256xf32> to vector<256xf32>
    %reshape3A = vector.shape_cast %reduce_sum3A_46 : vector<256xf32> to vector<1x256xf32>
    %mul3A_47 = arith.mulf %add3A_40, %add3A_40 : vector<4096x256xf32>
    %reduce_sum3A_48 = arith.constant dense<0.000000e+00> : vector<256xf32>
    %reduce_sum3A_49 = vector.multi_reduction <add>, %mul3A_47, %reduce_sum3A_48 [0] : vector<4096x256xf32> to vector<256xf32>
    %reshape3A_50 = vector.shape_cast %reduce_sum3A_49 : vector<256xf32> to vector<1x256xf32>
    %broadcast_in_dim3A = arith.constant 0.000000e+00 : f32
    %broadcast_in_dim3A_51 = vector.broadcast %broadcast_in_dim3A : f32 to vector<6x256xf32>
    %get3A_52 = arith.constant 0 : index
    %get3A_53 = arith.constant 0 : index
    %get3A_54 = vector.load %arg8[%get3A_52, %get3A_53] : memref<8x256xf32, #tpu.memory_space<vmem>>, vector<8x256xf32>
    %concatenate3A = tpu.concatenate %reshape3A, %reshape3A_50, %broadcast_in_dim3A_51 in 0 : vector<1x256xf32>, vector<1x256xf32>, vector<6x256xf32> -> vector<8x256xf32>
    %add3A_55 = arith.addf %get3A_54, %concatenate3A : vector<8x256xf32>
    %swap3A_56 = arith.constant 0 : index
    %swap3A_57 = arith.constant 0 : index
    %swap3A_58 = vector.load %arg8[%swap3A_56, %swap3A_57] : memref<8x256xf32, #tpu.memory_space<vmem>>, vector<8x256xf32>
    tpu.vector_store %arg8[%swap3A_56, %swap3A_57], %add3A_55 {strides = array<i32>} : memref<8x256xf32, #tpu.memory_space<vmem>>, vector<8x256xf32>,
    return
  }
  func.func @transform_0(%arg0: i32) -> (i32, i32) {
    %c0_i32 = arith.constant 0 : i32
    %c0_i32_0 = arith.constant 0 : i32
    return %arg0, %c0_i32 : i32, i32
  }
  func.func @transform_1(%arg0: i32) -> (i32, i32) {
    %c0_i32 = arith.constant 0 : i32
    %c0_i32_0 = arith.constant 0 : i32
    %c0_i32_1 = arith.constant 0 : i32
    return %c0_i32, %c0_i32_0 : i32, i32
  }
  func.func @transform_2(%arg0: i32) -> (i32, i32) {
    %c0_i32 = arith.constant 0 : i32
    %c0_i32_0 = arith.constant 0 : i32
    %c0_i32_1 = arith.constant 0 : i32
    return %c0_i32, %c0_i32_0 : i32, i32
  }
  func.func @transform_3(%arg0: i32) -> (i32, i32) {
    %c0_i32 = arith.constant 0 : i32
    %c0_i32_0 = arith.constant 0 : i32
    %c0_i32_1 = arith.constant 0 : i32
    return %c0_i32, %c0_i32_0 : i32, i32
  }
  func.func @transform_4(%arg0: i32) -> (i32, i32) {
    %c0_i32 = arith.constant 0 : i32
    %c0_i32_0 = arith.constant 0 : i32
    %c0_i32_1 = arith.constant 0 : i32
    return %c0_i32, %c0_i32_0 : i32, i32
  }
  func.func @transform_5(%arg0: i32) -> (i32, i32) {
    %c0_i32 = arith.constant 0 : i32
    %c0_i32_0 = arith.constant 0 : i32
    %c0_i32_1 = arith.constant 0 : i32
    return %c0_i32, %c0_i32_0 : i32, i32
  }
  func.func @transform_6(%arg0: i32) -> (i32, i32) {
    %c0_i32 = arith.constant 0 : i32
    %c0_i32_0 = arith.constant 0 : i32
    return %arg0, %c0_i32 : i32, i32
  }
  func.func @transform_7(%arg0: i32) -> (i32, i32) {
    %c0_i32 = arith.constant 0 : i32
    %c0_i32_0 = arith.constant 0 : i32
    %c0_i32_1 = arith.constant 0 : i32
    return %c0_i32, %c0_i32_0 : i32, i32
  }
}

module attributes {stable_mosaic.version = 14 : i64} {
  func.func @_final_body(%arg0: i32, %arg1: memref<4096x256xf32, #tpu.memory_space<vmem>>, %arg2: memref<8x256xf32, #tpu.memory_space<vmem>>, %arg3: memref<8x256xf32, #tpu.memory_space<vmem>>, %arg4: memref<8x256xf32, #tpu.memory_space<vmem>>, %arg5: memref<1x256x128xf32, #tpu.memory_space<vmem>>) attributes {dimension_semantics = [#tpu.dimension_semantics<arbitrary>], iteration_bounds = array<i64: 64>, scalar_prefetch = 0 : i64, scratch_operands = 0 : i64, tpu.core_type = #tpu.core_type<tc>, window_params = [{transform_indices = @transform_0, window_bounds = array<i64: 4096, 256>}, {pipeline_mode = #tpu.pipeline_mode<synchronous>, transform_indices = @transform_1, window_bounds = array<i64: 8, 256>}, {pipeline_mode = #tpu.pipeline_mode<synchronous>, transform_indices = @transform_2, window_bounds = array<i64: 8, 256>}, {pipeline_mode = #tpu.pipeline_mode<synchronous>, transform_indices = @transform_3, window_bounds = array<i64: 8, 256>}, {transform_indices = @transform_4, window_bounds = array<i64: 1, 256, 128>}]} {
    %get3A = arith.constant 0 : index
    %get3A_0 = arith.constant 0 : index
    %get3A_1 = vector.load %arg1[%get3A, %get3A_0] : memref<4096x256xf32, #tpu.memory_space<vmem>>, vector<4096x256xf32>
    %get3A_2 = arith.constant 0 : index
    %get3A_3 = arith.constant 0 : index
    %get3A_4 = vector.load %arg2[%get3A_2, %get3A_3] : memref<8x256xf32, #tpu.memory_space<vmem>>, vector<8x256xf32>
    %slice3A = vector.extract_strided_slice %get3A_4 {offsets = [0, 0], sizes = [1, 256], strides = [1, 1]} : vector<8x256xf32> to vector<1x256xf32>
    %mul3A = arith.constant 3.81469727E-6 : f32
    %mul3A_5 = vector.broadcast %mul3A : f32 to vector<1x256xf32>
    %mul3A_6 = arith.mulf %slice3A, %mul3A_5 : vector<1x256xf32>
    %slice3A_7 = vector.extract_strided_slice %get3A_4 {offsets = [1, 0], sizes = [1, 256], strides = [1, 1]} : vector<8x256xf32> to vector<1x256xf32>
    %mul3A_8 = arith.constant 3.81469727E-6 : f32
    %mul3A_9 = vector.broadcast %mul3A_8 : f32 to vector<1x256xf32>
    %mul3A_10 = arith.mulf %slice3A_7, %mul3A_9 : vector<1x256xf32>
    %mul3A_11 = arith.mulf %mul3A_6, %mul3A_6 : vector<1x256xf32>
    %sub3A = arith.subf %mul3A_10, %mul3A_11 : vector<1x256xf32>
    %add3A = arith.constant 9.99999974E-6 : f32
    %add3A_12 = vector.broadcast %add3A : f32 to vector<1x256xf32>
    %add3A_13 = arith.addf %sub3A, %add3A_12 : vector<1x256xf32>
    %sqrt3A = math.sqrt %add3A_13 : vector<1x256xf32>
    %sub3A_14 = vector.broadcast %mul3A_6 : vector<1x256xf32> to vector<4096x256xf32>
    %sub3A_15 = arith.subf %get3A_1, %sub3A_14 : vector<4096x256xf32>
    %div3A = vector.broadcast %sqrt3A : vector<1x256xf32> to vector<4096x256xf32>
    %div3A_16 = arith.divf %sub3A_15, %div3A : vector<4096x256xf32>
    %get3A_17 = arith.constant 0 : index
    %get3A_18 = arith.constant 0 : index
    %get3A_19 = vector.load %arg3[%get3A_17, %get3A_18] : memref<8x256xf32, #tpu.memory_space<vmem>>, vector<8x256xf32>
    %slice3A_20 = vector.extract_strided_slice %get3A_19 {offsets = [0, 0], sizes = [1, 256], strides = [1, 1]} : vector<8x256xf32> to vector<1x256xf32>
    %mul3A_21 = vector.broadcast %slice3A_20 : vector<1x256xf32> to vector<4096x256xf32>
    %mul3A_22 = arith.mulf %div3A_16, %mul3A_21 : vector<4096x256xf32>
    %get3A_23 = arith.constant 0 : index
    %get3A_24 = arith.constant 0 : index
    %get3A_25 = vector.load %arg4[%get3A_23, %get3A_24] : memref<8x256xf32, #tpu.memory_space<vmem>>, vector<8x256xf32>
    %slice3A_26 = vector.extract_strided_slice %get3A_25 {offsets = [0, 0], sizes = [1, 256], strides = [1, 1]} : vector<8x256xf32> to vector<1x256xf32>
    %add3A_27 = vector.broadcast %slice3A_26 : vector<1x256xf32> to vector<4096x256xf32>
    %add3A_28 = arith.addf %mul3A_22, %add3A_27 : vector<4096x256xf32>
    %max3A = arith.constant 0.000000e+00 : f32
    %max3A_29 = vector.broadcast %max3A : f32 to vector<4096x256xf32>
    %max3A_30 = arith.maximumf %add3A_28, %max3A_29 : vector<4096x256xf32>
    %reshape3A = vector.shape_cast %max3A_30 : vector<4096x256xf32> to vector<128x32x256xf32>
    %reduce_max3A = arith.constant dense<0xFF800000> : vector<128x256xf32>
    %reduce_max3A_31 = vector.multi_reduction <maximumf>, %reshape3A, %reduce_max3A [1] : vector<128x32x256xf32> to vector<128x256xf32>
    %transpose3A = tpu.transpose %reduce_max3A_31, [1, 0] : vector<128x256xf32> -> vector<256x128xf32>
    %broadcast_in_dim3A = vector.shape_cast %transpose3A : vector<256x128xf32> to vector<1x256x128xf32>
    %swap3A = arith.constant 0 : index
    %swap3A_32 = arith.constant 0 : index
    %swap3A_33 = arith.constant 0 : index
    %swap3A_34 = vector.load %arg5[%swap3A, %swap3A_32, %swap3A_33] : memref<1x256x128xf32, #tpu.memory_space<vmem>>, vector<1x256x128xf32>
    tpu.vector_store %arg5[%swap3A, %swap3A_32, %swap3A_33], %broadcast_in_dim3A {strides = array<i32>} : memref<1x256x128xf32, #tpu.memory_space<vmem>>, vector<1x256x128xf32>,
    return
  }
  func.func @transform_0(%arg0: i32) -> (i32, i32) {
    %c0_i32 = arith.constant 0 : i32
    %c0_i32_0 = arith.constant 0 : i32
    return %arg0, %c0_i32 : i32, i32
  }
  func.func @transform_1(%arg0: i32) -> (i32, i32) {
    %c0_i32 = arith.constant 0 : i32
    %c0_i32_0 = arith.constant 0 : i32
    %c0_i32_1 = arith.constant 0 : i32
    return %c0_i32, %c0_i32_0 : i32, i32
  }
  func.func @transform_2(%arg0: i32) -> (i32, i32) {
    %c0_i32 = arith.constant 0 : i32
    %c0_i32_0 = arith.constant 0 : i32
    %c0_i32_1 = arith.constant 0 : i32
    return %c0_i32, %c0_i32_0 : i32, i32
  }
  func.func @transform_3(%arg0: i32) -> (i32, i32) {
    %c0_i32 = arith.constant 0 : i32
    %c0_i32_0 = arith.constant 0 : i32
    %c0_i32_1 = arith.constant 0 : i32
    return %c0_i32, %c0_i32_0 : i32, i32
  }
  func.func @transform_4(%arg0: i32) -> (i32, i32, i32) {
    %jit3A = arith.constant 8 : i32
    %div3A = arith.divsi %arg0, %jit3A : i32
    %sign3A = arith.constant 0 : i32
    %sign3A_0 = arith.cmpi sgt, %arg0, %sign3A : i32
    %sign3A_1 = arith.extui %sign3A_0 : i1 to i32
    %sign3A_2 = arith.constant 0 : i32
    %sign3A_3 = arith.cmpi slt, %arg0, %sign3A_2 : i32
    %sign3A_4 = arith.extui %sign3A_3 : i1 to i32
    %sign3A_5 = arith.subi %sign3A_1, %sign3A_4 : i32
    %sign3A_6 = arith.constant 0 : i32
    %sign3A_7 = arith.cmpi sgt, %jit3A, %sign3A_6 : i32
    %sign3A_8 = arith.extui %sign3A_7 : i1 to i32
    %sign3A_9 = arith.constant 0 : i32
    %sign3A_10 = arith.cmpi slt, %jit3A, %sign3A_9 : i32
    %sign3A_11 = arith.extui %sign3A_10 : i1 to i32
    %sign3A_12 = arith.subi %sign3A_8, %sign3A_11 : i32
    %ne3A = arith.cmpi ne, %sign3A_5, %sign3A_12 : i32
    %rem3A = arith.remsi %arg0, %jit3A : i32
    %ne3A_13 = arith.constant 0 : i32
    %ne3A_14 = arith.cmpi ne, %rem3A, %ne3A_13 : i32
    %and3A = arith.andi %ne3A, %ne3A_14 : i1
    %sub3A = arith.constant 1 : i32
    %sub3A_15 = arith.subi %div3A, %sub3A : i32
    %select_n3A = arith.select %and3A, %sub3A_15, %div3A : i32
    %jit3A_16 = arith.constant 8 : i32
    %eq3A = arith.constant 0 : i32
    %eq3A_17 = arith.cmpi eq, %jit3A_16, %eq3A : i32
    %jit3A_18 = arith.constant 1 : i32
    %select_n3A_19 = arith.select %eq3A_17, %jit3A_18, %jit3A_16 : i32
    %rem3A_20 = arith.remsi %arg0, %select_n3A_19 : i32
    %ne3A_21 = arith.constant 0 : i32
    %ne3A_22 = arith.cmpi ne, %rem3A_20, %ne3A_21 : i32
    %lt3A = arith.constant 0 : i32
    %lt3A_23 = arith.cmpi slt, %rem3A_20, %lt3A : i32
    %lt3A_24 = arith.constant 0 : i32
    %lt3A_25 = arith.cmpi slt, %select_n3A_19, %lt3A_24 : i32
    %ne3A_26 = arith.xori %lt3A_23, %lt3A_25 : i1
    %and3A_27 = arith.andi %ne3A_26, %ne3A_22 : i1
    %add3A = arith.addi %rem3A_20, %select_n3A_19 : i32
    %select_n3A_28 = arith.select %and3A_27, %add3A, %rem3A_20 : i32
    %c0_i32 = arith.constant 0 : i32
    %c0_i32_29 = arith.constant 0 : i32
    return %select_n3A, %c0_i32, %select_n3A_28 : i32, i32, i32
  }
}

</mosaic_0001>

<sc_bundles>
// kernel: kernel.9.cloned.1.call-start
scs
__scs_entry_jumppad:
0x0: {  	(pc) =	sbr.rel $0x88, $3  }
0x1: {  	(tag) =	ssettag $0x0;
	lr =	simm.s32 $0x1  }
0x2: {  	[smem:$0x3F93] =	sst lr;
	_ =	strace $0xD0000000  }
0x3: {  	_ = 	snop  }
0x4: {  	_ = 	snop  }
0x5: {  	_ = 	snop  }
0x6: {  	_ = 	snop  }
0x7: {  	_ = 	snop  }
__scs_overlays_trampoline_lowered:
0x8: {  	[smem:$0x3FA2] =	sst s0  }
0x9: {  	[smem:$0x3FA3] =	sst s1  }
0xa: {  	[smem:$0x3FA4] =	sst s2  }
0xb: {  	[smem:$0x3FA5] =	sst s3  }
0xc: {  	[smem:$0x3FA6] =	sst s4  }
0xd: {  	[smem:$0x3FA7] =	sst s5  }
0xe: {  	[smem:$0x3FA8] =	sst s6  }
0xf: {  	[smem:$0x3FA9] =	sst s7  }
0x10: {  	[smem:$0x3FAA] =	sst s8  }
0x11: {  	[smem:$0x3FAB] =	sst s9;
	s0 =	simm.s32 @!p0 $0x0  }
0x12: {  	s1 =	sld [smem:$0x3F91];
	s0 =	simm.s32 @p0 $0x1  }
0x13: {  	[smem:$0x3FAC] =	sst s0;
	s0 =	simm.s32 @!p1 $0x0  }
0x14: {  	s2 =	sld [smem:$0x3F90];
	s0 =	simm.s32 @p1 $0x1  }
0x15: {  	[smem:$0x3FAD] =	sst s0;
	s0 =	simm.s32 @!p2 $0x0  }
0x16: {  	s3 =	sld [smem:$0x3FDB];
	s0 =	simm.s32 @p2 $0x1  }
0x17: {  	s4 =	simm.s32 $0x1BF5;
	[smem:$0x3FAF] =	sst s0  }
0x18: {  	s0 =	sld [smem:$0x3F92];
	_ =	swait.ge [sflag:s4], $0x0  }
0x19: {  	s7 =	sld [smem:$0x3F93]  }
0x1a: {  	s8 =	sadd.s32 $0xFFFFE003, lr  }
0x1b: {  	s9 =	sadd.s32 $0xFFFFFEF7, lr;
	s5 =	simm.s32 $0xFFFFFFFF;
	p2 =	slt.u32 s8, $0xFFFFF086  }
0x1c: {  	p1 =	slt.u32 s9, $0xF7A;
	s5 =	simm.s32 @!p2 $0x0  }
0x1d: {  	s5 =	simm.s32 @p1 $0x1;
	p0 =	seq.s32 s7, s2  }
0x1e: {  	s7 =	smul.u32 @!p0 $0xF7A, s2;
	p2 =	seq.s32 @!p0 s5, $0x0  }
0x1f: {  	s9 =	smul.u32 $0xF7A, s1;
	s8 =	simm.s32 @!p0 $0x1BF5;
	p2 =	por !p2, p0  }
0x20: {  	[sflag:s8] =	ssyncset.s32 @!p0 $0xFFFFF086;
	s6 =	sadd.s32 @!p0 s3, s7;
	s7 =	simm.s32 @!p0 $0x108  }
0x21: {  	s3 =	sadd.s32 s3, s9;
	s6 =	sadd.s32 @!p0 $0x88, s6;
	s7 =	simm.s32 @p2 $0x1082  }
0x22: {  	[simem:s7], [sflag:s8] =	dma.local @!p0 [hbm:s6], $0xF7A  }
0x23: {  	s9 =	sor.u32 $0xD0000000, s2;
	s6 =	simm.s32 $0x108;
	_ =	swait.ge @!p0 [sflag:s8], $0x0  }
0x24: {  	s3 =	sadd.s32 $0x88, s3;
	s6 =	simm.s32 @!p1 $0x1082;
	[sflag:s4] =	ssyncset.s32 $0xFFFFF086  }
0x25: {  	[simem:s6], [sflag:s4] =	dma.local [hbm:s3], $0xF7A  }
0x26: {  	[smem:$0x3F93] =	sst s1;
	(tag) =	ssettag s2;
	_ =	strace s9  }
0x27: {  	s1 =	sld [smem:$0x3FA3]  }
0x28: {  	s2 =	sld [smem:$0x3FA4]  }
0x29: {  	s4 =	sld [smem:$0x3FA6]  }
0x2a: {  	p0 =	seq.s32 s5, $0x0;
	s5 =	sld [smem:$0x3FA7]  }
0x2b: {  	s6 =	sld [smem:$0x3FA8]  }
0x2c: {  	s7 =	sld [smem:$0x3FA9]  }
0x2d: {  	s3 =	simm.s32 $0x108;
	s8 =	sld [smem:$0x3FAA]  }
0x2e: {  	s3 =	simm.s32 @!p0 $0x1082;
	s9 =	sld [smem:$0x3FAB]  }
0x2f: {  	lr =	sadd.s32 s0, s3;
	s0 =	sld [smem:$0x3FA2]  }
0x30: {  	s3 =	sld [smem:$0x3FA5]  }
0x31: {  	[smem:$0x3FAE] =	sst s10  }
0x32: {  	s10 =	sld [smem:$0x3FAC];
	_ =	sdelay $0x3  }
0x33: {  	p0 =	seq.s32 s10, $0x1;
	s10 =	sld [smem:$0x3FAE];
	_ =	sdelay $0x3  }
0x34: {  	[smem:$0x3FAE] =	sst s10  }
0x35: {  	s10 =	sld [smem:$0x3FAD];
	_ =	sdelay $0x3  }
0x36: {  	p1 =	seq.s32 s10, $0x1;
	s10 =	sld [smem:$0x3FAE];
	_ =	sdelay $0x3  }
0x37: {  	[smem:$0x3FAE] =	sst s10  }
0x38: {  	s10 =	sld [smem:$0x3FAF]  }
0x39: {  	_ = 	snop;
	(pc) =	sbr.ind lr, $3  }
0x3a: {  	_ = 	snop  }
0x3b: {  	_ = 	snop  }
0x3c: {  	p2 =	seq.s32 s10, $0x1;
	s10 =	sld [smem:$0x3FAE]  }
0x3d: {  	_ =	shalt  }
0x3e: {  	_ =	shalt  }
0x3f: {  	_ =	shalt  }
0x40: {  	_ =	shalt  }
0x41: {  	_ =	shalt  }
0x42: {  	_ =	shalt  }
0x43: {  	_ =	shalt  }
0x44: {  	_ =	shalt  }
0x45: {  	_ =	shalt  }
0x46: {  	_ =	shalt  }
0x47: {  	_ =	shalt  }
0x48: {  	_ =	shalt  }
0x49: {  	_ =	shalt  }
0x4a: {  	_ =	shalt  }
0x4b: {  	_ =	shalt  }
0x4c: {  	_ =	shalt  }
0x4d: {  	_ =	shalt  }
0x4e: {  	_ =	shalt  }
0x4f: {  	_ =	shalt  }
0x50: {  	_ =	shalt  }
0x51: {  	_ =	shalt  }
0x52: {  	_ =	shalt  }
0x53: {  	_ =	shalt  }
0x54: {  	_ =	shalt  }
0x55: {  	_ =	shalt  }
0x56: {  	_ =	shalt  }
0x57: {  	_ =	shalt  }
0x58: {  	_ =	shalt  }
0x59: {  	_ =	shalt  }
0x5a: {  	_ =	shalt  }
0x5b: {  	_ =	shalt  }
0x5c: {  	_ =	shalt  }
0x5d: {  	_ =	shalt  }
0x5e: {  	_ =	shalt  }
0x5f: {  	_ =	shalt  }
0x60: {  	_ =	shalt  }
0x61: {  	_ =	shalt  }
0x62: {  	_ =	shalt  }
0x63: {  	_ =	shalt  }
0x64: {  	_ =	shalt  }
0x65: {  	_ =	shalt  }
0x66: {  	_ =	shalt  }
0x67: {  	_ =	shalt  }
0x68: {  	_ =	shalt  }
0x69: {  	_ =	shalt  }
0x6a: {  	_ =	shalt  }
0x6b: {  	_ =	shalt  }
0x6c: {  	_ =	shalt  }
0x6d: {  	_ =	shalt  }
0x6e: {  	_ =	shalt  }
0x6f: {  	_ =	shalt  }
0x70: {  	_ =	shalt  }
0x71: {  	_ =	shalt  }
0x72: {  	_ =	shalt  }
0x73: {  	_ =	shalt  }
0x74: {  	_ =	shalt  }
0x75: {  	_ =	shalt  }
0x76: {  	_ =	shalt  }
0x77: {  	_ =	shalt  }
0x78: {  	_ =	shalt  }
0x79: {  	_ =	shalt  }
0x7a: {  	_ =	shalt  }
0x7b: {  	_ =	shalt  }
0x7c: {  	_ =	shalt  }
0x7d: {  	_ =	shalt  }
0x7e: {  	_ =	shalt  }
0x7f: {  	_ =	shalt  }
0x80: {  	_ =	shalt  }
0x81: {  	_ =	shalt  }
0x82: {  	_ =	shalt  }
0x83: {  	_ =	shalt  }
0x84: {  	_ =	shalt  }
0x85: {  	_ =	shalt  }
0x86: {  	_ =	shalt  }
0x87: {  	_ =	shalt  }
.Lfunc_end0:
.L_simem_size_0:
called_computation_lowered:
.L_overlay_start_0:
0x88: {  	s2 =	sld [smem:$0x3FD9]  }
0x89: {  	s3 =	sld [smem:$0x3FFE];
	_ =	sdelay $0x1  }
0x8a: {  	s1 =	srdreg.scid  }
0x8b: {  	s0 =	sand.u32 $0x1, s1  }
0x8c: {  	s14 =	sshll.u32 s0, $0xA;
	s2 =	sadd.s32 s3, s2  }
0x8d: {  	s2 =	sadd.s32 s2, s14  }
0x8e: {  	[smem:$0x3FBA] =	sst s2  }
0x8f: {  	_ = 	snop  }
0x90: {  	s2 =	sld [smem:$0x3FD0];
	_ =	sdelay $0x2  }
0x91: {  	s15 =	simm.s32 $0xA;
	s4 =	simm.s32 $0x10  }
0x92: {  	[smem:s4], [sflag:s15] =	dma.local [hbm:s2], $0x1  }
0x93: {  	_ =	swait.eq [sflag:s15], $0x1  }
0x94: {  	[sflag:s15] =	ssyncset.done $0x0  }
0x95: {  	[sflag:s15] =	ssyncadd.s32 $0xFFFFFFFF  }
0x96: {  	s16 =	sld [smem:$0x11];
	(tm) =	ssettm $0x1  }
0x97: {  	s17 =	sld [smem:$0x3FFB];
	_ =	sdelay $0x3  }
0x98: {  	_ =	strace s17  }
0x99: {  	s3 =	sld [smem:$0x3FFC];
	_ =	sdelay $0x3  }
0x9a: {  	_ =	strace s3  }
0x9b: {  	s3 =	sld [smem:$0x3FFD];
	_ =	sdelay $0x3  }
0x9c: {  	_ =	strace s3  }
0x9d: {  	_ =	strace $0x8FFFFFFF  }
0x9e: {  	s18 =	sld [smem:$0x3FDB];
	_ =	sdelay $0x1  }
0x9f: {  	s19 =	simm.s32 $_scs_section_size  }
0xa0: {  	s5 =	simm.s32 $_size__tile_overlayer_lowered;
	s6 =	simm.s32 $_tile_overlayer_lowered  }
0xa1: {  	s22 =	simm.s32 $0x1BFF;
	s21 =	sshll.u32 s6, $0x1;
	s3 =	sadd.s32 s19, s18  }
0xa2: {  	s7 =	simm.s32 $0x0;
	s20 =	sshll.u32 s5, $0x1;
	s5 =	sadd.s32 s21, s3  }
0xa3: {  	[timem:s7], [sflag:s22] =	dma.local [hbm:s5], s20  }
0xa4: {  	_ =	swait.ge [sflag:s22], s20  }
0xa5: {  	s4 =	ssub.s32 $0x0, s20;
	[sflag:s22] =	ssyncset.done $0x0  }
0xa6: {  	[sflag:s22] =	ssyncadd.s32 s4;
	_ =	sdelay $0x1  }
0xa7: {  	s23 =	simm.s32 $0x1B8B  }
0xa8: {  	_ =	swait.ge [sflag:s23], $0x1  }
0xa9: {  	[sflag:s23] =	ssyncset.done $0x0  }
0xaa: {  	s25 =	simm.s32 $0x1B8E;
	s24 =	sld [smem:$0x3FFE];
	[sflag:s23] =	ssyncadd.s32 $0xFFFFFFFF  }
0xab: {  	s26 =	simm.s32 $execute0_lowered;
	[smem:$0x3FD2] =	sst s25  }
0xac: {  	s5 =	sshll.u32 s26, $0x1;
	_ =	strace $0x80000046;
	[dreg:$0x1] =	wrdreg $0xFFFFFFFF  }
0xad: {  	s28 =	simm.s32 $_size_execute0_lowered;
	s3 =	sadd.s32 s3, s5;
	[dreg:$0x0] =	wrdreg $0x0  }
0xae: {  	s5 =	sshll.u32 s28, $0x1;
	[dreg:$0x2] =	wrdreg s3  }
0xaf: {  	[dreg:$0x3] =	wrdreg s5  }
0xb0: {  	[dreg:$0x4] =	wrdreg $0xC0  }
0xb1: {  	_ =	task [dreg:s7], $0x5FFFF  }
0xb2: {  	[dreg:$0x1] =	wrdreg $0xFFFFFFFF  }
0xb3: {  	[dreg:$0x0] =	wrdreg $0x60  }
0xb4: {  	[dreg:$0x2] =	wrdreg s16  }
0xb5: {  	[dreg:$0x3] =	wrdreg s24  }
0xb6: {  	[dreg:$0x4] =	wrdreg $0x9  }
0xb7: {  	_ =	task.clear_ibuf [dreg:s7], $0x5FFFF;
	_ =	strace $0x90000046  }
0xb8: {  	s29 =	simm.s32 $0x9;
	_ =	strace $0x80000048  }
0xb9: {  	_ =	swait.ge [sflag:s29], $0x1  }
0xba: {  	[sflag:s29] =	ssyncadd.s32 $0xFFFFFFFF  }
0xbb: {  	_ =	strace $0x90000048  }
0xbc: {  	_ =	sfence  }
0xbd: {  	s30 =	sld [smem:$0x0];
	_ =	sdelay $0x2  }
0xbe: {  	s31 =	sshll.u32 s1, $0xD;
	s1 =	sshrl.u32 s1, $0x2  }
0xbf: {  	s3 =	sand.u32 $0x4000, s31;
	s1 =	sadd.s32 s1, s30  }
0xc0: {  	s0 =	sor.u32 s3, s0;
	s1 =	sshll.u32 s1, $0x11  }
0xc1: {  	s0 =	sor.u32 s1, s0  }
0xc2: {  	s0 =	sadd.s32 $0x8F2B, s0  }
0xc3: {  	[sflag:s0] =	ssyncadd.remote.s32 $0x1  }
0xc4: {  	_ =	sfence.sel $0xFFFF  }
0xc5: {  	[dreg:$0x0] =	wrdreg $0xFFFFFFFF;
	(pc) =	sbr.abs _section_cstart, $3  }
0xc6: {  	[dreg:$0x1] =	wrdreg $0xFFFFFFFF  }
0xc7: {  	_ =	task.clear_ibuf [dreg:s7], $0x2FFFF;
	_ =	strace $0x9FFFFFFF  }
0xc8: {  	(tm) =	ssettm $0x7FFFFFFF  }
0xc9: {  	_ =	shalt  }
tec
execute0_lowered:
.L_overlay_start_1:
0x0: {  	(tag) =	ssettag $0x1  }
0x1: {  	s5 =	rddreg [dreg:$0x0]  }
0x2: {  	s4 =	stileid.u32;
	s0 =	srdreg.scid  }
0x3: {  	s1 =	rddreg [dreg:$0x1];
	s2 =	simm.s32 $0x0;
	s0 =	sand.u32 $0x1, s0  }
0x4: {  	s3 =	sshll.u32 s4, $0x1;
	[smem:$0x7FF] =	sst s2;
	s7 =	sshrl.u32 s4, $0x1  }
0x5: {  	s6 =	sor.u32 s0, s3;
	s8 =	sshll.u32 s7, $0x9;
	_ =	strace $0x80000047  }
0x6: {  	s11 =	ssub.s32 $0x2, s0;
	s9 =	sadd.s32 s8, s1;
	s5 =	sadd.s32 s5, s8  }
0x7: {  	s17 =	sshll.u32 s6, $0x11;
	[dreg:$0x3] =	wrdreg s5;
	s18 =	sadd.s32 $0x3200, s9  }
0x8: {  	s0 =	sadd.s32 s17, s1;
	s19 =	sadd.s32 $0x4200, s9;
	[dreg:$0x4] =	wrdreg s18  }
0x9: {  	[dreg:$0x5] =	wrdreg s19;
	s24 =	sadd.s32 $0x85A00, s0  }
0xa: {  	s25 =	sadd.s32 $0x86200, s0;
	[dreg:$0x9] =	wrdreg s24  }
0xb: {  	s3 =	sshll.u32 s6, $0x5;
	s26 =	sadd.s32 $0x86A00, s0;
	[dreg:$0xa] =	wrdreg s25  }
0xc: {  	s22 =	sshll.u32 s6, $0x14;
	s6 =	sadd.s32 $0x87200, s0;
	[dreg:$0xb] =	wrdreg s26  }
0xd: {  	s8 =	sadd.s32 $0x87A00, s0;
	[dreg:$0xc] =	wrdreg s6  }
0xe: {  	s9 =	sadd.s32 $0x88200, s0;
	[dreg:$0xd] =	wrdreg s8  }
0xf: {  	s4 =	sshll.u32 s7, $0x7;
	s13 =	sadd.s32 $0x89A00, s0;
	[dreg:$0xe] =	wrdreg s9  }
0x10: {  	s12 =	sshrl.u32 s11, $0x1;
	s14 =	sadd.s32 $0x8A200, s0;
	[dreg:$0x11] =	wrdreg s13  }
0x11: {  	s3 =	sand.u32 $0x60, s3;
	s15 =	sadd.s32 $0x8AA00, s0;
	[dreg:$0x12] =	wrdreg s14  }
0x12: {  	s3 =	sor.u32 s4, s3;
	s16 =	sadd.s32 $0x8B200, s0;
	[dreg:$0x13] =	wrdreg s15  }
0x13: {  	s4 =	sadd.s32 $0x485A00, s1;
	s17 =	sadd.s32 $0x8BA00, s0;
	[dreg:$0x14] =	wrdreg s16  }
0x14: {  	s18 =	sadd.s32 $0x8C200, s0;
	s19 =	sadd.s32 $0x8CA00, s0;
	[dreg:$0x15] =	wrdreg s17  }
0x15: {  	s10 =	sadd.s32 s3, s1;
	s3 =	sadd.s32 $0x5200, s1;
	[dreg:$0x16] =	wrdreg s18  }
0x16: {  	s1 =	ssub.s32 s11, s12;
	s12 =	sadd.s32 $0x89200, s0;
	[dreg:$0x17] =	wrdreg s19  }
0x17: {  	s11 =	sadd.s32 $0xFFFF9000, s22;
	s22 =	sadd.s32 $0x8E200, s0;
	[dreg:$0x10] =	wrdreg s12  }
0x18: {  	s24 =	sadd.s32 $0x8F200, s0;
	[dreg:$0x1a] =	wrdreg s22  }
0x19: {  	s25 =	sadd.s32 $0x8FA00, s0;
	[dreg:$0x1c] =	wrdreg s24  }
0x1a: {  	s26 =	sadd.s32 $0x90200, s0;
	[dreg:$0x1d] =	wrdreg s25  }
0x1b: {  	s6 =	sadd.s32 $0x90A00, s0;
	[dreg:$0x1e] =	wrdreg s26  }
0x1c: {  	s8 =	sadd.s32 $0x91200, s0;
	[dreg:$0x1f] =	wrdreg s6  }
0x1d: {  	s9 =	sadd.s32 $0x91A00, s0;
	[smem:$0x7D9] =	sst s8  }
0x1e: {  	s13 =	sadd.s32 $0x93200, s0;
	[smem:$0x7DA] =	sst s9  }
0x1f: {  	s14 =	sadd.s32 $0x93A00, s0;
	[smem:$0x7DD] =	sst s13  }
0x20: {  	s15 =	sadd.s32 $0x94200, s0;
	[smem:$0x7DE] =	sst s14  }
0x21: {  	s16 =	sadd.s32 $0x94A00, s0;
	[smem:$0x7DF] =	sst s15  }
0x22: {  	s17 =	sadd.s32 $0x95200, s0;
	[smem:$0x7E0] =	sst s16  }
0x23: {  	s18 =	sadd.s32 $0x95A00, s0;
	[smem:$0x7E1] =	sst s17  }
0x24: {  	s19 =	sadd.s32 $0x96200, s0;
	[smem:$0x7E2] =	sst s18  }
0x25: {  	s20 =	sadd.s32 $0x2E00, s10;
	[smem:$0x7E3] =	sst s19  }
0x26: {  	s21 =	sadd.s32 $0x85600, s10;
	[dreg:$0x6] =	wrdreg s20  }
0x27: {  	s23 =	sadd.s32 $0x85200, s10;
	[dreg:$0x7] =	wrdreg s21  }
0x28: {  	s10 =	sadd.s32 $0x88A00, s0;
	[dreg:$0x8] =	wrdreg s23  }
0x29: {  	s12 =	sadd.s32 $0x92A00, s0;
	[dreg:$0xf] =	wrdreg s10  }
0x2a: {  	s22 =	sadd.s32 $0x97A00, s0;
	[smem:$0x7DC] =	sst s12  }
0x2b: {  	s24 =	sadd.s32 $0x98A00, s0;
	[smem:$0x7E6] =	sst s22  }
0x2c: {  	s25 =	sadd.s32 $0x99200, s0;
	[smem:$0x7E8] =	sst s24  }
0x2d: {  	s26 =	sadd.s32 $0x99A00, s0;
	[smem:$0x7E9] =	sst s25  }
0x2e: {  	s6 =	sadd.s32 $0x9A200, s0;
	[smem:$0x7EA] =	sst s26  }
0x2f: {  	s8 =	sadd.s32 $0x9AA00, s0;
	[smem:$0x7EB] =	sst s6  }
0x30: {  	s9 =	sadd.s32 $0x9B200, s0;
	[smem:$0x7EC] =	sst s8  }
0x31: {  	s13 =	sadd.s32 $0x9CA00, s0;
	[smem:$0x7ED] =	sst s9  }
0x32: {  	s14 =	sadd.s32 $0x9D200, s0;
	[smem:$0x7F0] =	sst s13  }
0x33: {  	s15 =	sadd.s32 $0x9DA00, s0;
	[smem:$0x7F1] =	sst s14  }
0x34: {  	s16 =	sadd.s32 $0x9E200, s0;
	[smem:$0x7F2] =	sst s15  }
0x35: {  	s17 =	sadd.s32 $0x9EA00, s0;
	[smem:$0x7F3] =	sst s16  }
0x36: {  	s18 =	sadd.s32 $0x9F200, s0;
	[smem:$0x7F4] =	sst s17  }
0x37: {  	s19 =	sadd.s32 $0x9FA00, s0;
	[smem:$0x7F5] =	sst s18  }
0x38: {  	s20 =	sadd.s32 $0x8D200, s0;
	[smem:$0x7F6] =	sst s19  }
0x39: {  	s21 =	sadd.s32 $0x8DA00, s0;
	[dreg:$0x18] =	wrdreg s20  }
0x3a: {  	s28 =	simm.s32 $0x9380;
	s23 =	sadd.s32 $0x8EA00, s0;
	[dreg:$0x19] =	wrdreg s21  }
0x3b: {  	s29 =	simm.s32 $0x80;
	s10 =	sadd.s32 $0x92200, s0;
	[dreg:$0x1b] =	wrdreg s23  }
0x3c: {  	s30 =	simm.s32 $0x11380;
	s12 =	sadd.s32 $0x9C200, s0;
	[smem:$0x7DB] =	sst s10  }
0x3d: {  	s31 =	simm.s32 $0x15380;
	s22 =	sadd.s32 $0xA1200, s0;
	[smem:$0x7EF] =	sst s12  }
0x3e: {  	s7 =	sshll.u32 s7, $0xC;
	s24 =	sadd.s32 $0xA2200, s0;
	[smem:$0x7F9] =	sst s22  }
0x3f: {  	v0 =	vmov s7;
	s7 =	simm.s32 $0x0;
	s25 =	sadd.s32 $0xA2A00, s0;
	[smem:$0x7FB] =	sst s24  }
0x40: {  	s5 =	simm.s32 $0x2;
	s26 =	sadd.s32 $0xA3200, s0;
	[smem:$0x7FC] =	sst s25  }
0x41: {  	s18 =	sadd.s32 $0xA3A00, s0;
	s20 =	sadd.s32 $0x96A00, s0;
	[smem:$0x7FD] =	sst s26  }
0x42: {  	s19 =	sadd.s32 $0xA4200, s0;
	s21 =	sadd.s32 $0x97200, s0;
	[smem:$0x7E4] =	sst s20  }
0x43: {  	s6 =	simm.s32 $0x4;
	s23 =	sadd.s32 $0x98200, s0;
	[smem:$0x7E5] =	sst s21  }
0x44: {  	s10 =	sadd.s32 $0x9BA00, s0;
	s22 =	smax.u32 s1, $0x1;
	[smem:$0x7E7] =	sst s23  }
0x45: {  	s24 =	simm.s32 $0x1000;
	[smem:$0x7EE] =	sst s10;
	s20 =	sadd.s32 $0xA0200, s0  }
0x46: {  	s25 =	simm.s32 $0x2000;
	s21 =	sadd.s32 $0xA0A00, s0;
	[smem:$0x7F7] =	sst s20  }
0x47: {  	s26 =	simm.s32 $0x7300;
	s23 =	sadd.s32 $0xA1A00, s0;
	[smem:$0x7F8] =	sst s21  }
0x48: {  	v1 =	vlaneseq.u32;
	v2 =	vimm.s32 $0x0;
	s1 =	simm.s32 $0x1;
	[smem:$0x7FA] =	sst s23;
	s20 =	sadd.s32 $0xA4A00, s0  }
0x49: {  	vm0 =	vmmov $0x1;
	v3 =	vor.u32 $0x10, v1;
	v4 =	vmul.u32 $0x80, v1;
	s21 =	sadd.s32 $0xA5200, s0;
	s23 =	simm.s32 $0x5;
	s0 =	simm.s32 $0x3  }
.LBB2_1:
0x4a: {  	s8 =	rddreg [dreg:$0x3]  }
0x4b: {  	[tilespmem:s2], [sflag:$0x5] =	stream.linear.gather [hbm4b:s8+s2], $0x1000, $0x38;
	[tilespmem:$0x19380] =	vst v63  }
0x4c: {  	_ =	swait.ge [sflag:s23], $0x1000  }
0x4d: {  	[sflag:s23] =	ssyncset.done $0x0  }
0x4e: {  	s10 =	rddreg [dreg:$0x4];
	[sflag:s23] =	ssyncadd.s32 $0xFFFFF000  }
0x4f: {  	[tilespmem:s24], [sflag:$0x5] =	stream.linear.gather [hbm4b:s10+s2], $0x1000, $0x38;
	[tilespmem:$0x19380] =	vst v63  }
0x50: {  	_ =	swait.ge [sflag:s23], $0x1000  }
0x51: {  	[sflag:s23] =	ssyncset.done $0x0  }
0x52: {  	s12 =	rddreg [dreg:$0x5];
	[sflag:s23] =	ssyncadd.s32 $0xFFFFF000  }
0x53: {  	[tilespmem:s25], [sflag:$0x5] =	stream.linear.gather [hbm4b:s12+s2], $0x1000, $0x38;
	[tilespmem:$0x19380] =	vst v63  }
0x54: {  	_ =	swait.ge [sflag:s23], $0x1000  }
0x55: {  	[sflag:s23] =	ssyncset.done $0x0  }
0x56: {  	s9 =	simm.s32 $0x7000;
	s13 =	rddreg [dreg:$0x6];
	[sflag:s23] =	ssyncadd.s32 $0xFFFFF000  }
0x57: {  	[tilespmem:s9], [sflag:$0x5] =	stream.linear.gather [hbm4b:s13+s2], $0x100, $0x38;
	[tilespmem:$0x19380] =	vst v63  }
0x58: {  	_ =	swait.ge [sflag:s23], $0x100  }
0x59: {  	[sflag:s23] =	ssyncset.done $0x0  }
0x5a: {  	s15 =	simm.s32 $0x7100;
	s14 =	rddreg [dreg:$0x7];
	[sflag:s23] =	ssyncadd.s32 $0xFFFFFF00  }
0x5b: {  	[tilespmem:s15], [sflag:$0x5] =	stream.linear.gather [hbm4b:s14+s2], $0x100, $0x38;
	[tilespmem:$0x19380] =	vst v63  }
0x5c: {  	_ =	swait.ge [sflag:s23], $0x100  }
0x5d: {  	[sflag:s23] =	ssyncset.done $0x0  }
0x5e: {  	s17 =	simm.s32 $0x7200;
	s16 =	rddreg [dreg:$0x8];
	[sflag:s23] =	ssyncadd.s32 $0xFFFFFF00  }
0x5f: {  	[tilespmem:s17], [sflag:$0x5] =	stream.linear.gather [hbm4b:s16+s2], $0x100, $0x38;
	[tilespmem:$0x19380] =	vst v63  }
0x60: {  	_ =	swait.ge [sflag:s23], $0x100  }
0x61: {  	[sflag:s23] =	ssyncset.done $0x0  }
0x62: {  	s9 =	simm.s32 $0x0;
	[sflag:s23] =	ssyncadd.s32 $0xFFFFFF00  }
0x63: {  	v5 =	vld [tilespmem:s9+$0x0]  }
0x64: {  	v6 =	vld [tilespmem:s9+$0x1000]  }
0x65: {  	v9 =	vld [tilespmem:s9+$0x2000];
	_ =	sdelay $0x3  }
0x66: {  	s8 =	simm.s32 $0x10;
	v8 =	vmul.f32 v5, v5;
	v10 =	vmul.f32 v6, v6;
	v11 =	vshrl.u32 v5, $0x10  }
0x67: {  	v7 =	vld [tilespmem:s8+$0x0];
	v12 =	vshrl.u32 v6, $0x10;
	v13 =	vmul.f32 v9, v9;
	v14 =	vshrl.u32 v9, $0x10  }
0x68: {  	v11 =	vand.u32 $0x1, v11;
	v12 =	vand.u32 $0x1, v12;
	v10 =	vadd.f32 v10, v8;
	v8 =	vld [tilespmem:s8+$0x1000]  }
0x69: {  	v11 =	vadd.s32 v11, v5;
	v6 =	vadd.s32 v12, v6;
	v12 =	vand.u32 $0x1, v14  }
0x6a: {  	v5 =	vld [tilespmem:s8+$0x2000];
	v11 =	vadd.s32 $0x7FFF, v11;
	v9 =	vadd.s32 v12, v9  }
0x6b: {  	v6 =	vadd.s32 $0x7FFF, v6;
	v10 =	vadd.f32 v13, v10;
	v11 =	vand.u32 $0xFFFF0000, v11  }
0x6c: {  	v12 =	vshrl.u32 v7, $0x10;
	v9 =	vadd.s32 $0x7FFF, v9;
	v14 =	vand.u32 $0xFFFF0000, v6;
	[tilespmem:s9+$0x3000] =	vst v11  }
0x6d: {  	s10 =	simm.s32 $0x20;
	[tilespmem:s9+$0x6000] =	vst v10;
	v10 =	vmul.f32 v7, v7;
	v11 =	vshrl.u32 v8, $0x10;
	v13 =	vmul.f32 v8, v8  }
0x6e: {  	s12 =	simm.s32 $0xC0;
	v12 =	vand.u32 $0x1, v12;
	v9 =	vand.u32 $0xFFFF0000, v9;
	v6 =	vld [tilespmem:s10+$0x0];
	[tilespmem:s9+$0x4000] =	vst v14;
	v11 =	vand.u32 $0x1, v11  }
.LBB2_2:
0x6f: {  	p0 =	sne.s32 s12, $0x3FC0;
	v14 =	vld [tilespmem:s10+$0x1000];
	v10 =	vadd.f32 v13, v10;
	v13 =	vmul.f32 v5, v5;
	v15 =	vshrl.u32 v5, $0x10;
	[tilespmem:s9+$0x5000] =	vst v9;
	s9 =	smov.u32 s8;
	s8 =	smov.u32 s10  }
0x70: {  	v7 =	vadd.s32 v12, v7;
	v8 =	vadd.s32 v11, v8;
	v9 =	vand.u32 $0x1, v15  }
.Ltmp0:
0x71: {  	v16 =	vadd.s32 $0x7FFF, v7;
	v10 =	vadd.f32 v13, v10;
	v9 =	vadd.s32 v9, v5;
	v5 =	vld [tilespmem:s8+$0x2000];
	(pc) =	sbr.rel @p0 .LBB2_2-.Ltmp0, $4  }
0x72: {  	v11 =	vand.u32 $0xFFFF0000, v16;
	v13 =	vadd.s32 $0x7FFF, v8;
	v17 =	vadd.s32 $0x7FFF, v9  }
0x73: {  	v15 =	vand.u32 $0xFFFF0000, v13;
	v12 =	vshrl.u32 v6, $0x10;
	[tilespmem:s9+$0x6000] =	vst v10;
	v9 =	vand.u32 $0xFFFF0000, v17;
	v7 =	vmovc v6  }
0x74: {  	s10 =	sshra.s32 s12, $0x2;
	v10 =	vmul.f32 v6, v7;
	v13 =	vmul.f32 v14, v14;
	v16 =	vshrl.u32 v14, $0x10;
	[tilespmem:s9+$0x3000] =	vst v11;
	v8 =	vmovc v14  }
0x75: {  	s12 =	sadd.s32 $0x40, s12;
	v12 =	vand.u32 $0x1, v12;
	v6 =	vld [tilespmem:s10+$0x0];
	v11 =	vand.u32 $0x1, v16;
	[tilespmem:s9+$0x4000] =	vst v15  }
0x76: {  	v14 =	vld [tilespmem:s10+$0x1000];
	v10 =	vadd.f32 v13, v10;
	[tilespmem:s9+$0x5000] =	vst v9;
	v54 =	vmul.f32 v5, v5  }
0x77: {  	v55 =	vshrl.u32 v5, $0x10;
	v7 =	vadd.s32 v12, v7;
	v8 =	vadd.s32 v11, v8;
	v56 =	vld [tilespmem:s10+$0x2000]  }
0x78: {  	v57 =	vand.u32 $0x1, v55;
	v7 =	vadd.s32 $0x7FFF, v7;
	v8 =	vadd.s32 $0x7FFF, v8  }
0x79: {  	v9 =	vadd.f32 v54, v10;
	v5 =	vadd.s32 v57, v5;
	v7 =	vand.u32 $0xFFFF0000, v7  }
0x7a: {  	v8 =	vand.u32 $0xFFFF0000, v8;
	v5 =	vadd.s32 $0x7FFF, v5;
	v58 =	vmul.f32 v6, v6  }
0x7b: {  	v60 =	vshrl.u32 v6, $0x10;
	v5 =	vand.u32 $0xFFFF0000, v5;
	v59 =	vmul.f32 v14, v14  }
0x7c: {  	[tilespmem:s8+$0x3000] =	vst v7;
	v61 =	vshrl.u32 v14, $0x10;
	v7 =	vand.u32 $0x1, v60;
	v62 =	vmul.f32 v56, v56  }
0x7d: {  	[tilespmem:s8+$0x6000] =	vst v9;
	v9 =	vand.u32 $0x1, v61;
	v6 =	vadd.s32 v7, v6;
	v10 =	vadd.f32 v59, v58  }
0x7e: {  	[tilespmem:s8+$0x5000] =	vst v5;
	v63 =	vshrl.u32 v56, $0x10;
	v5 =	vadd.s32 v9, v14;
	v6 =	vadd.s32 $0x7FFF, v6  }
0x7f: {  	[tilespmem:s8+$0x4000] =	vst v8;
	v8 =	vand.u32 $0x1, v63;
	v6 =	vand.u32 $0xFFFF0000, v6;
	v7 =	vadd.f32 v62, v10  }
0x80: {  	v8 =	vadd.s32 v8, v56;
	v5 =	vadd.s32 $0x7FFF, v5;
	[tilespmem:s10+$0x3000] =	vst v6  }
0x81: {  	v5 =	vand.u32 $0xFFFF0000, v5;
	[tilespmem:s10+$0x6000] =	vst v7;
	v7 =	vadd.s32 $0x7FFF, v8  }
0x82: {  	[tilespmem:s10+$0x4000] =	vst v5;
	v6 =	vand.u32 $0xFFFF0000, v7  }
0x83: {  	s8 =	simm.s32 $0x0;
	[tilespmem:s10+$0x5000] =	vst v6  }
.LBB2_4:
0x84: {  	s9 =	sand.u32 $0xF0, s8  }
0x85: {  	v5 =	vld [tilespmem:s9+$0x7000]  }
0x86: {  	v6 =	vld [tilespmem:s9+$0x7100]  }
0x87: {  	s10 =	sand.u32 $0xF, s8  }
0x88: {  	v7 =	vmov s10;
	v8 =	vld [tilespmem:s9+$0x7200]  }
0x89: {  	vm1 =	veq.s32 v7, v1  }
0x8a: {  	v5 =	vnsel vm1, $0x0, v5  }
0x8b: {  	(xrf2) =	vadd.scan.msk.f32 $0xffff, v5;
	v5 =	vnsel vm1, $0x0, v6  }
0x8c: {  	(xrf2) =	vadd.scan.msk.f32 $0xffff, v5  }
0x8d: {  	v5 =	vnsel vm1, $0x0, v8  }
0x8e: {  	(xrf2) =	vadd.scan.msk.f32 $0xffff, v5;
	_ =	sdelay $0x6  }
0x8f: {  	v5, _, _ =	vpop (xrf2)  }
0x90: {  	v6, _, _ =	vpop (xrf2)  }
0x91: {  	v7 =	vmul.f32 v5, v5;
	v8 =	vmul.f32 v6, v6  }
0x92: {  	v9, _, _ =	vpop (xrf2)  }
0x93: {  	v5 =	vbroadcast v5, $0xF;
	v7 =	vadd.f32 v8, v7;
	v8 =	vmul.f32 v9, v9  }
0x94: {  	v6 =	vbroadcast v6, $0xF;
	v9 =	vbroadcast v9, $0xF  }
0x95: {  	v7 =	vadd.f32 v8, v7;
	v8 =	vshrl.u32 v5, $0x10  }
0x96: {  	v10 =	vshrl.u32 v6, $0x10;
	v11 =	vshrl.u32 v9, $0x10;
	v8 =	vand.u32 $0x1, v8  }
0x97: {  	v8 =	vadd.s32 v8, v5;
	v5 =	vand.u32 $0x1, v10;
	v10 =	vand.u32 $0x1, v11  }
0x98: {  	s13 =	simm.s32 $0x5000;
	v6 =	vadd.s32 v5, v6;
	v5 =	vbroadcast v7, $0xF;
	v7 =	vadd.s32 v10, v9  }
0x99: {  	s14 =	simm.s32 $0x6000;
	s15 =	simm.s32 $0x0;
	s16 =	simm.s32 $0x0;
	v8 =	vadd.s32 $0x7FFF, v8;
	v9 =	vadd.s32 $0x7FFF, v6;
	v10 =	vadd.s32 $0x7FFF, v7  }
0x9a: {  	s12 =	simm.s32 $0x0;
	s9 =	simm.s32 $0x3000;
	s10 =	simm.s32 $0x4000;
	v6 =	vand.u32 $0xFFFF0000, v8;
	v7 =	vand.u32 $0xFFFF0000, v9;
	v8 =	vand.u32 $0xFFFF0000, v10  }
.LBB2_5:
0x9b: {  	v9 =	vld [tilespmem:s9+$0x0]  }
0x9c: {  	v10 =	vld [tilespmem:s10+$0x0];
	_ =	sdelay $0x1  }
0x9d: {  	v11 =	vld [tilespmem:s13+$0x0];
	_ =	sdelay $0x2  }
0x9e: {  	v9 =	vmul.f32 v6, v9;
	v10 =	vmul.f32 v7, v10;
	_ =	sdelay $0x1  }
0x9f: {  	v9 =	vadd.f32 v10, v9;
	v10 =	vmul.f32 v8, v11;
	_ =	sdelay $0x1  }
0xa0: {  	v9 =	vadd.f32 v10, v9  }
0xa1: {  	v10 =	vld [tilespmem:s14+$0x0]  }
0xa2: {  	v9 =	vadd.f32 v9, v9;
	_ =	sdelay $0x1  }
0xa3: {  	v9 =	vsub.f32 v5, v9;
	_ =	sdelay $0x1  }
0xa4: {  	v9 =	vadd.f32 v9, v10;
	_ =	sdelay $0x1  }
0xa5: {  	vm1 =	vle.f32 v9, $1.599999960e-01  }
0xa6: {  	v9 =	vsel vm1, $0x1, v2  }
0xa7: {  	(xrf0) =	vadd.scan.msk.s32 $0xffff, v9;
	_ =	sdelay $0x5  }
0xa8: {  	v9, _, _ =	vpop (xrf0)  }
0xa9: {  	(v2sf) =	vpush v9, $0xF;
	_ =	sdelay $0xe  }
0xaa: {  	v10 =	vmov s12;
	s17 =	spop (v2sf)  }
0xab: {  	v10 =	vadd.s32 $0xFFFFFFFF, v10;
	s12 =	sadd.s32 s12, s17  }
0xac: {  	v10 =	vbroadcast v10, $0x0;
	p0 =	sgt.s32 s12, $0x1F  }
0xad: {  	p1 =	slt.u32 @!p0 s16, $0xFF  }
0xae: {  	v9 =	vadd.s32 v9, v10;
	p0 =	por p0, !p1  }
.Ltmp1:
0xaf: {  	_ = 	snop;
	(pc) =	sbr.rel @!p0 .LBB2_5-.Ltmp1, $4  }
0xb0: {  	_ = 	snop  }
0xb1: {  	s9 =	sadd.s32 $0x10, s9  }
0xb2: {  	s10 =	sadd.s32 $0x10, s10;
	s13 =	sadd.s32 $0x10, s13;
	v10 =	vor.u32 s15, v1;
	s17 =	sadd.s32 $0x1, s16  }
0xb3: {  	s14 =	sadd.s32 $0x10, s14;
	s15 =	sadd.s32 $0x10, s15;
	[tilespmem:v9+s26+$0x0] =	vst.idx.msk vm1, v10;
	s16 =	smov.u32 s17  }
0xb4: {  	v5 =	vld [tilespmem:$0x7300];
	_ =	sdelay $0x4  }
0xb5: {  	v6 =	vnsel vm0, $0x0, v5  }
0xb6: {  	(xrf0) =	vadd.scan.msk.s32 $0xffff, v6;
	_ =	sdelay $0x5  }
0xb7: {  	v7 =	vld [tilespmem:$0x7310];
	v6, _, _ =	vpop (xrf0)  }
0xb8: {  	v8 =	vmov s12;
	v6 =	vbroadcast v6, $0xF  }
0xb9: {  	vm1 =	vgt.s32 v8, v1  }
0xba: {  	v5 =	vsel vm1, v5, v6  }
0xbb: {  	s9 =	sshll.u32 s8, $0x5;
	s10 =	sand.u32 $0x7, s8;
	vm1 =	vgt.s32 v8, v3  }
0xbc: {  	s9 =	sand.u32 $0x3FFFFFE0, s9;
	s16 =	sshll.u32 s10, $0x5;
	v6 =	vsel vm1, v7, v6;
	v7 =	vadd.s32 v0, v5  }
0xbd: {  	v60 =	vmov s16;
	[tilespmem:s9+$0x7380] =	vst v7;
	v7 =	vadd.s32 v0, v6  }
0xbe: {  	[tilespmem:s9+$0x7390] =	vst v7;
	v7 =	vshll.u32 v60, $0x7  }
0xbf: {  	v7 =	vor.u32 v4, v7;
	v61 =	vld.idx.msk [tilespmem:v5+s2+$0x0], $0xffff;
	_ =	sdelay $0x4  }
0xc0: {  	[tilespmem:v7+s28+$0x0] =	vst.idx.msk $0xffff, v61  }
0xc1: {  	v9 =	vor.u32 $0x1, v7;
	v8 =	vld.idx.msk [tilespmem:v5+s24+$0x0], $0xffff;
	_ =	sdelay $0x4  }
0xc2: {  	[tilespmem:v9+s28+$0x0] =	vst.idx.msk $0xffff, v8  }
0xc3: {  	v7 =	vor.u32 $0x2, v7;
	v5 =	vld.idx.msk [tilespmem:v5+s25+$0x0], $0xffff;
	_ =	sdelay $0x2  }
0xc4: {  	s17 =	sor.u32 $0x10, s16  }
0xc5: {  	v62 =	vmov s17  }
0xc6: {  	[tilespmem:v7+s28+$0x0] =	vst.idx.msk $0xffff, v5;
	v5 =	vshll.u32 v62, $0x7  }
0xc7: {  	v7 =	vld.idx.msk [tilespmem:v6+s2+$0x0], $0xffff;
	v5 =	vor.u32 v4, v5;
	_ =	sdelay $0x4  }
0xc8: {  	[tilespmem:v5+s28+$0x0] =	vst.idx.msk $0xffff, v7  }
0xc9: {  	v63 =	vor.u32 $0x1, v5;
	v7 =	vld.idx.msk [tilespmem:v6+s24+$0x0], $0xffff;
	_ =	sdelay $0x4  }
0xca: {  	[tilespmem:v63+s28+$0x0] =	vst.idx.msk $0xffff, v7  }
0xcb: {  	v5 =	vor.u32 $0x2, v5;
	v6 =	vld.idx.msk [tilespmem:v6+s25+$0x0], $0xffff  }
0xcc: {  	p0 =	sne.s32 s10, $0x7  }
0xcd: {  	s9 =	sshll.u32 @!p0 s8, $0xC  }
0xce: {  	s9 =	sadd.s32 @!p0 s9, s11  }
0xcf: {  	s10 =	simm.s32 @!p0 $0x0;
	s8 =	sadd.s32 $0x1, s8;
	s9 =	sshrl.u32 @!p0 s9, $0x3  }
0xd0: {  	s12 =	simm.s32 @!p0 $0x9380;
	p1 =	sne.s32 s8, $0x100;
	s9 =	sadd.s32 @!p0 s4, s9;
	[tilespmem:v5+s28+$0x0] =	vst.idx.msk $0xffff, v6  }
0xd1: {  	[hbm4b:s9+s10] =	stream.linear.scatter @!p0 [tilespmem:s12], [sflag:$0x5], $0x8000, $0x38;
	[tilespmem:$0x19380] =	vst v63  }
.Ltmp2:
0xd2: {  	_ = 	snop;
	(pc) =	sbr.rel @p1 .LBB2_4-.Ltmp2, $4  }
0xd3: {  	s9 =	simm.s32 @!p0 $0x5  }
0xd4: {  	_ =	swait.ge @!p0 [sflag:s9], $0x8000  }
0xd5: {  	[sflag:s9] =	ssyncset.done @!p0 $0x0  }
0xd6: {  	[sflag:s9] =	ssyncadd.s32 @!p0 $0xFFFF8000  }
0xd7: {  	s8 =	simm.s32 $0x7380  }
0xd8: {  	[tilespmem:s30], [sflag:$0x1] =	stream.indirect.gather [hbm4b:s3+s29], $0x80, s8, s29, $0xb8;
	[tilespmem:$0x19380] =	vst v63  }
0xd9: {  	s15 =	simm.s32 $0x7400  }
0xda: {  	[tilespmem:s31], [sflag:$0x2] =	stream.indirect.gather [hbm4b:s3+s29], $0x80, s15, s29, $0xb8;
	[tilespmem:$0x19380] =	vst v63  }
0xdb: {  	_ =	swait.ge [sflag:s1], $0x4000  }
0xdc: {  	[sflag:s1] =	ssyncset.done $0x0  }
0xdd: {  	s16 =	rddreg [dreg:$0x9];
	[sflag:s1] =	ssyncadd.s32 $0xFFFFC000  }
0xde: {  	[hbm4b:s16+s2] =	stream.linear.scatter [tilespmem:s30], [sflag:$0x3], $0x4000, $0x38;
	[tilespmem:$0x19380] =	vst v63  }
0xdf: {  	_ =	swait.ge [sflag:s0], $0x4000  }
0xe0: {  	[sflag:s0] =	ssyncset.done $0x0  }
0xe1: {  	s17 =	simm.s32 $0x7480;
	[sflag:s0] =	ssyncadd.s32 $0xFFFFC000  }
0xe2: {  	[tilespmem:s30], [sflag:$0x1] =	stream.indirect.gather [hbm4b:s3+s29], $0x80, s17, s29, $0xb8;
	[tilespmem:$0x19380] =	vst v63  }
0xe3: {  	_ =	swait.ge [sflag:s5], $0x4000  }
0xe4: {  	[sflag:s5] =	ssyncset.done $0x0  }
0xe5: {  	s9 =	rddreg [dreg:$0xa];
	[sflag:s5] =	ssyncadd.s32 $0xFFFFC000  }
0xe6: {  	[hbm4b:s9+s2] =	stream.linear.scatter [tilespmem:s31], [sflag:$0x4], $0x4000, $0x38;
	[tilespmem:$0x19380] =	vst v63  }
0xe7: {  	_ =	swait.ge [sflag:s6], $0x4000  }
0xe8: {  	[sflag:s6] =	ssyncset.done $0x0  }
0xe9: {  	s10 =	simm.s32 $0x7500;
	[sflag:s6] =	ssyncadd.s32 $0xFFFFC000  }
0xea: {  	[tilespmem:s31], [sflag:$0x2] =	stream.indirect.gather [hbm4b:s3+s29], $0x80, s10, s29, $0xb8;
	[tilespmem:$0x19380] =	vst v63  }
0xeb: {  	_ =	swait.ge [sflag:s1], $0x4000  }
0xec: {  	[sflag:s1] =	ssyncset.done $0x0  }
0xed: {  	s12 =	rddreg [dreg:$0xb];
	[sflag:s1] =	ssyncadd.s32 $0xFFFFC000  }
0xee: {  	[hbm4b:s12+s2] =	stream.linear.scatter [tilespmem:s30], [sflag:$0x3], $0x4000, $0x38;
	[tilespmem:$0x19380] =	vst v63  }
0xef: {  	_ =	swait.ge [sflag:s0], $0x4000  }
0xf0: {  	[sflag:s0] =	ssyncset.done $0x0  }
0xf1: {  	s13 =	simm.s32 $0x7580;
	[sflag:s0] =	ssyncadd.s32 $0xFFFFC000  }
0xf2: {  	[tilespmem:s30], [sflag:$0x1] =	stream.indirect.gather [hbm4b:s3+s29], $0x80, s13, s29, $0xb8;
	[tilespmem:$0x19380] =	vst v63  }
0xf3: {  	_ =	swait.ge [sflag:s5], $0x4000  }
0xf4: {  	[sflag:s5] =	ssyncset.done $0x0  }
0xf5: {  	s14 =	rddreg [dreg:$0xc];
	[sflag:s5] =	ssyncadd.s32 $0xFFFFC000  }
0xf6: {  	[hbm4b:s14+s2] =	stream.linear.scatter [tilespmem:s31], [sflag:$0x4], $0x4000, $0x38;
	[tilespmem:$0x19380] =	vst v63  }
0xf7: {  	_ =	swait.ge [sflag:s6], $0x4000  }
0xf8: {  	[sflag:s6] =	ssyncset.done $0x0  }
0xf9: {  	s15 =	simm.s32 $0x7600;
	[sflag:s6] =	ssyncadd.s32 $0xFFFFC000  }
0xfa: {  	[tilespmem:s31], [sflag:$0x2] =	stream.indirect.gather [hbm4b:s3+s29], $0x80, s15, s29, $0xb8;
	[tilespmem:$0x19380] =	vst v63  }
0xfb: {  	_ =	swait.ge [sflag:s1], $0x4000  }
0xfc: {  	[sflag:s1] =	ssyncset.done $0x0  }
0xfd: {  	s16 =	rddreg [dreg:$0xd];
	[sflag:s1] =	ssyncadd.s32 $0xFFFFC000  }
0xfe: {  	[hbm4b:s16+s2] =	stream.linear.scatter [tilespmem:s30], [sflag:$0x3], $0x4000, $0x38;
	[tilespmem:$0x19380] =	vst v63  }
0xff: {  	_ =	swait.ge [sflag:s0], $0x4000  }
0x100: {  	[sflag:s0] =	ssyncset.done $0x0  }
0x101: {  	s17 =	simm.s32 $0x7680;
	[sflag:s0] =	ssyncadd.s32 $0xFFFFC000  }
0x102: {  	[tilespmem:s30], [sflag:$0x1] =	stream.indirect.gather [hbm4b:s3+s29], $0x80, s17, s29, $0xb8;
	[tilespmem:$0x19380] =	vst v63  }
0x103: {  	_ =	swait.ge [sflag:s5], $0x4000  }
0x104: {  	[sflag:s5] =	ssyncset.done $0x0  }
0x105: {  	s9 =	rddreg [dreg:$0xe];
	[sflag:s5] =	ssyncadd.s32 $0xFFFFC000  }
0x106: {  	[hbm4b:s9+s2] =	stream.linear.scatter [tilespmem:s31], [sflag:$0x4], $0x4000, $0x38;
	[tilespmem:$0x19380] =	vst v63  }
0x107: {  	_ =	swait.ge [sflag:s6], $0x4000  }
0x108: {  	[sflag:s6] =	ssyncset.done $0x0  }
0x109: {  	s10 =	simm.s32 $0x7700;
	[sflag:s6] =	ssyncadd.s32 $0xFFFFC000  }
0x10a: {  	[tilespmem:s31], [sflag:$0x2] =	stream.indirect.gather [hbm4b:s3+s29], $0x80, s10, s29, $0xb8;
	[tilespmem:$0x19380] =	vst v63  }
0x10b: {  	_ =	swait.ge [sflag:s1], $0x4000  }
0x10c: {  	[sflag:s1] =	ssyncset.done $0x0  }
0x10d: {  	s12 =	rddreg [dreg:$0xf];
	[sflag:s1] =	ssyncadd.s32 $0xFFFFC000  }
0x10e: {  	[hbm4b:s12+s2] =	stream.linear.scatter [tilespmem:s30], [sflag:$0x3], $0x4000, $0x38;
	[tilespmem:$0x19380] =	vst v63  }
0x10f: {  	_ =	swait.ge [sflag:s0], $0x4000  }
0x110: {  	[sflag:s0] =	ssyncset.done $0x0  }
0x111: {  	s13 =	simm.s32 $0x7780;
	[sflag:s0] =	ssyncadd.s32 $0xFFFFC000  }
0x112: {  	[tilespmem:s30], [sflag:$0x1] =	stream.indirect.gather [hbm4b:s3+s29], $0x80, s13, s29, $0xb8;
	[tilespmem:$0x19380] =	vst v63  }
0x113: {  	_ =	swait.ge [sflag:s5], $0x4000  }
0x114: {  	[sflag:s5] =	ssyncset.done $0x0  }
0x115: {  	s14 =	rddreg [dreg:$0x10];
	[sflag:s5] =	ssyncadd.s32 $0xFFFFC000  }
0x116: {  	[hbm4b:s14+s2] =	stream.linear.scatter [tilespmem:s31], [sflag:$0x4], $0x4000, $0x38;
	[tilespmem:$0x19380] =	vst v63  }
0x117: {  	_ =	swait.ge [sflag:s6], $0x4000  }
0x118: {  	[sflag:s6] =	ssyncset.done $0x0  }
0x119: {  	s15 =	simm.s32 $0x7800;
	[sflag:s6] =	ssyncadd.s32 $0xFFFFC000  }
0x11a: {  	[tilespmem:s31], [sflag:$0x2] =	stream.indirect.gather [hbm4b:s3+s29], $0x80, s15, s29, $0xb8;
	[tilespmem:$0x19380] =	vst v63  }
0x11b: {  	_ =	swait.ge [sflag:s1], $0x4000  }
0x11c: {  	[sflag:s1] =	ssyncset.done $0x0  }
0x11d: {  	s16 =	rddreg [dreg:$0x11];
	[sflag:s1] =	ssyncadd.s32 $0xFFFFC000  }
0x11e: {  	[hbm4b:s16+s2] =	stream.linear.scatter [tilespmem:s30], [sflag:$0x3], $0x4000, $0x38;
	[tilespmem:$0x19380] =	vst v63  }
0x11f: {  	_ =	swait.ge [sflag:s0], $0x4000  }
0x120: {  	[sflag:s0] =	ssyncset.done $0x0  }
0x121: {  	s17 =	simm.s32 $0x7880;
	[sflag:s0] =	ssyncadd.s32 $0xFFFFC000  }
0x122: {  	[tilespmem:s30], [sflag:$0x1] =	stream.indirect.gather [hbm4b:s3+s29], $0x80, s17, s29, $0xb8;
	[tilespmem:$0x19380] =	vst v63  }
0x123: {  	_ =	swait.ge [sflag:s5], $0x4000  }
0x124: {  	[sflag:s5] =	ssyncset.done $0x0  }
0x125: {  	s9 =	rddreg [dreg:$0x12];
	[sflag:s5] =	ssyncadd.s32 $0xFFFFC000  }
0x126: {  	[hbm4b:s9+s2] =	stream.linear.scatter [tilespmem:s31], [sflag:$0x4], $0x4000, $0x38;
	[tilespmem:$0x19380] =	vst v63  }
0x127: {  	_ =	swait.ge [sflag:s6], $0x4000  }
0x128: {  	[sflag:s6] =	ssyncset.done $0x0  }
0x129: {  	s10 =	simm.s32 $0x7900;
	[sflag:s6] =	ssyncadd.s32 $0xFFFFC000  }
0x12a: {  	[tilespmem:s31], [sflag:$0x2] =	stream.indirect.gather [hbm4b:s3+s29], $0x80, s10, s29, $0xb8;
	[tilespmem:$0x19380] =	vst v63  }
0x12b: {  	_ =	swait.ge [sflag:s1], $0x4000  }
0x12c: {  	[sflag:s1] =	ssyncset.done $0x0  }
0x12d: {  	s12 =	rddreg [dreg:$0x13];
	[sflag:s1] =	ssyncadd.s32 $0xFFFFC000  }
0x12e: {  	[hbm4b:s12+s2] =	stream.linear.scatter [tilespmem:s30], [sflag:$0x3], $0x4000, $0x38;
	[tilespmem:$0x19380] =	vst v63  }
0x12f: {  	_ =	swait.ge [sflag:s0], $0x4000  }
0x130: {  	[sflag:s0] =	ssyncset.done $0x0  }
0x131: {  	s13 =	simm.s32 $0x7980;
	[sflag:s0] =	ssyncadd.s32 $0xFFFFC000  }
0x132: {  	[tilespmem:s30], [sflag:$0x1] =	stream.indirect.gather [hbm4b:s3+s29], $0x80, s13, s29, $0xb8;
	[tilespmem:$0x19380] =	vst v63  }
0x133: {  	_ =	swait.ge [sflag:s5], $0x4000  }
0x134: {  	[sflag:s5] =	ssyncset.done $0x0  }
0x135: {  	s14 =	rddreg [dreg:$0x14];
	[sflag:s5] =	ssyncadd.s32 $0xFFFFC000  }
0x136: {  	[hbm4b:s14+s2] =	stream.linear.scatter [tilespmem:s31], [sflag:$0x4], $0x4000, $0x38;
	[tilespmem:$0x19380] =	vst v63  }
0x137: {  	_ =	swait.ge [sflag:s6], $0x4000  }
0x138: {  	[sflag:s6] =	ssyncset.done $0x0  }
0x139: {  	s15 =	simm.s32 $0x7A00;
	[sflag:s6] =	ssyncadd.s32 $0xFFFFC000  }
0x13a: {  	[tilespmem:s31], [sflag:$0x2] =	stream.indirect.gather [hbm4b:s3+s29], $0x80, s15, s29, $0xb8;
	[tilespmem:$0x19380] =	vst v63  }
0x13b: {  	_ =	swait.ge [sflag:s1], $0x4000  }
0x13c: {  	[sflag:s1] =	ssyncset.done $0x0  }
0x13d: {  	s16 =	rddreg [dreg:$0x15];
	[sflag:s1] =	ssyncadd.s32 $0xFFFFC000  }
0x13e: {  	[hbm4b:s16+s2] =	stream.linear.scatter [tilespmem:s30], [sflag:$0x3], $0x4000, $0x38;
	[tilespmem:$0x19380] =	vst v63  }
0x13f: {  	_ =	swait.ge [sflag:s0], $0x4000  }
0x140: {  	[sflag:s0] =	ssyncset.done $0x0  }
0x141: {  	s17 =	simm.s32 $0x7A80;
	[sflag:s0] =	ssyncadd.s32 $0xFFFFC000  }
0x142: {  	[tilespmem:s30], [sflag:$0x1] =	stream.indirect.gather [hbm4b:s3+s29], $0x80, s17, s29, $0xb8;
	[tilespmem:$0x19380] =	vst v63  }
0x143: {  	_ =	swait.ge [sflag:s5], $0x4000  }
0x144: {  	[sflag:s5] =	ssyncset.done $0x0  }
0x145: {  	s9 =	rddreg [dreg:$0x16];
	[sflag:s5] =	ssyncadd.s32 $0xFFFFC000  }
0x146: {  	[hbm4b:s9+s2] =	stream.linear.scatter [tilespmem:s31], [sflag:$0x4], $0x4000, $0x38;
	[tilespmem:$0x19380] =	vst v63  }
0x147: {  	_ =	swait.ge [sflag:s6], $0x4000  }
0x148: {  	[sflag:s6] =	ssyncset.done $0x0  }
0x149: {  	s10 =	simm.s32 $0x7B00;
	[sflag:s6] =	ssyncadd.s32 $0xFFFFC000  }
0x14a: {  	[tilespmem:s31], [sflag:$0x2] =	stream.indirect.gather [hbm4b:s3+s29], $0x80, s10, s29, $0xb8;
	[tilespmem:$0x19380] =	vst v63  }
0x14b: {  	_ =	swait.ge [sflag:s1], $0x4000  }
0x14c: {  	[sflag:s1] =	ssyncset.done $0x0  }
0x14d: {  	s12 =	rddreg [dreg:$0x17];
	[sflag:s1] =	ssyncadd.s32 $0xFFFFC000  }
0x14e: {  	[hbm4b:s12+s2] =	stream.linear.scatter [tilespmem:s30], [sflag:$0x3], $0x4000, $0x38;
	[tilespmem:$0x19380] =	vst v63  }
0x14f: {  	_ =	swait.ge [sflag:s0], $0x4000  }
0x150: {  	[sflag:s0] =	ssyncset.done $0x0  }
0x151: {  	s13 =	simm.s32 $0x7B80;
	[sflag:s0] =	ssyncadd.s32 $0xFFFFC000  }
0x152: {  	[tilespmem:s30], [sflag:$0x1] =	stream.indirect.gather [hbm4b:s3+s29], $0x80, s13, s29, $0xb8;
	[tilespmem:$0x19380] =	vst v63  }
0x153: {  	_ =	swait.ge [sflag:s5], $0x4000  }
0x154: {  	[sflag:s5] =	ssyncset.done $0x0  }
0x155: {  	s14 =	rddreg [dreg:$0x18];
	[sflag:s5] =	ssyncadd.s32 $0xFFFFC000  }
0x156: {  	[hbm4b:s14+s2] =	stream.linear.scatter [tilespmem:s31], [sflag:$0x4], $0x4000, $0x38;
	[tilespmem:$0x19380] =	vst v63  }
0x157: {  	_ =	swait.ge [sflag:s6], $0x4000  }
0x158: {  	[sflag:s6] =	ssyncset.done $0x0  }
0x159: {  	s15 =	simm.s32 $0x7C00;
	[sflag:s6] =	ssyncadd.s32 $0xFFFFC000  }
0x15a: {  	[tilespmem:s31], [sflag:$0x2] =	stream.indirect.gather [hbm4b:s3+s29], $0x80, s15, s29, $0xb8;
	[tilespmem:$0x19380] =	vst v63  }
0x15b: {  	_ =	swait.ge [sflag:s1], $0x4000  }
0x15c: {  	[sflag:s1] =	ssyncset.done $0x0  }
0x15d: {  	s16 =	rddreg [dreg:$0x19];
	[sflag:s1] =	ssyncadd.s32 $0xFFFFC000  }
0x15e: {  	[hbm4b:s16+s2] =	stream.linear.scatter [tilespmem:s30], [sflag:$0x3], $0x4000, $0x38;
	[tilespmem:$0x19380] =	vst v63  }
0x15f: {  	_ =	swait.ge [sflag:s0], $0x4000  }
0x160: {  	[sflag:s0] =	ssyncset.done $0x0  }
0x161: {  	s17 =	simm.s32 $0x7C80;
	[sflag:s0] =	ssyncadd.s32 $0xFFFFC000  }
0x162: {  	[tilespmem:s30], [sflag:$0x1] =	stream.indirect.gather [hbm4b:s3+s29], $0x80, s17, s29, $0xb8;
	[tilespmem:$0x19380] =	vst v63  }
0x163: {  	_ =	swait.ge [sflag:s5], $0x4000  }
0x164: {  	[sflag:s5] =	ssyncset.done $0x0  }
0x165: {  	s9 =	rddreg [dreg:$0x1a];
	[sflag:s5] =	ssyncadd.s32 $0xFFFFC000  }
0x166: {  	[hbm4b:s9+s2] =	stream.linear.scatter [tilespmem:s31], [sflag:$0x4], $0x4000, $0x38;
	[tilespmem:$0x19380] =	vst v63  }
0x167: {  	_ =	swait.ge [sflag:s6], $0x4000  }
0x168: {  	[sflag:s6] =	ssyncset.done $0x0  }
0x169: {  	s10 =	simm.s32 $0x7D00;
	[sflag:s6] =	ssyncadd.s32 $0xFFFFC000  }
0x16a: {  	[tilespmem:s31], [sflag:$0x2] =	stream.indirect.gather [hbm4b:s3+s29], $0x80, s10, s29, $0xb8;
	[tilespmem:$0x19380] =	vst v63  }
0x16b: {  	_ =	swait.ge [sflag:s1], $0x4000  }
0x16c: {  	[sflag:s1] =	ssyncset.done $0x0  }
0x16d: {  	s12 =	rddreg [dreg:$0x1b];
	[sflag:s1] =	ssyncadd.s32 $0xFFFFC000  }
0x16e: {  	[hbm4b:s12+s2] =	stream.linear.scatter [tilespmem:s30], [sflag:$0x3], $0x4000, $0x38;
	[tilespmem:$0x19380] =	vst v63  }
0x16f: {  	_ =	swait.ge [sflag:s0], $0x4000  }
0x170: {  	[sflag:s0] =	ssyncset.done $0x0  }
0x171: {  	s13 =	simm.s32 $0x7D80;
	[sflag:s0] =	ssyncadd.s32 $0xFFFFC000  }
0x172: {  	[tilespmem:s30], [sflag:$0x1] =	stream.indirect.gather [hbm4b:s3+s29], $0x80, s13, s29, $0xb8;
	[tilespmem:$0x19380] =	vst v63  }
0x173: {  	_ =	swait.ge [sflag:s5], $0x4000  }
0x174: {  	[sflag:s5] =	ssyncset.done $0x0  }
0x175: {  	s14 =	rddreg [dreg:$0x1c];
	[sflag:s5] =	ssyncadd.s32 $0xFFFFC000  }
0x176: {  	[hbm4b:s14+s2] =	stream.linear.scatter [tilespmem:s31], [sflag:$0x4], $0x4000, $0x38;
	[tilespmem:$0x19380] =	vst v63  }
0x177: {  	_ =	swait.ge [sflag:s6], $0x4000  }
0x178: {  	[sflag:s6] =	ssyncset.done $0x0  }
0x179: {  	s15 =	simm.s32 $0x7E00;
	[sflag:s6] =	ssyncadd.s32 $0xFFFFC000  }
0x17a: {  	[tilespmem:s31], [sflag:$0x2] =	stream.indirect.gather [hbm4b:s3+s29], $0x80, s15, s29, $0xb8;
	[tilespmem:$0x19380] =	vst v63  }
0x17b: {  	_ =	swait.ge [sflag:s1], $0x4000  }
0x17c: {  	[sflag:s1] =	ssyncset.done $0x0  }
0x17d: {  	s16 =	rddreg [dreg:$0x1d];
	[sflag:s1] =	ssyncadd.s32 $0xFFFFC000  }
0x17e: {  	[hbm4b:s16+s2] =	stream.linear.scatter [tilespmem:s30], [sflag:$0x3], $0x4000, $0x38;
	[tilespmem:$0x19380] =	vst v63  }
0x17f: {  	_ =	swait.ge [sflag:s0], $0x4000  }
0x180: {  	[sflag:s0] =	ssyncset.done $0x0  }
0x181: {  	s17 =	simm.s32 $0x7E80;
	[sflag:s0] =	ssyncadd.s32 $0xFFFFC000  }
0x182: {  	[tilespmem:s30], [sflag:$0x1] =	stream.indirect.gather [hbm4b:s3+s29], $0x80, s17, s29, $0xb8;
	[tilespmem:$0x19380] =	vst v63  }
0x183: {  	_ =	swait.ge [sflag:s5], $0x4000  }
0x184: {  	[sflag:s5] =	ssyncset.done $0x0  }
0x185: {  	s9 =	rddreg [dreg:$0x1e];
	[sflag:s5] =	ssyncadd.s32 $0xFFFFC000  }
0x186: {  	[hbm4b:s9+s2] =	stream.linear.scatter [tilespmem:s31], [sflag:$0x4], $0x4000, $0x38;
	[tilespmem:$0x19380] =	vst v63  }
0x187: {  	_ =	swait.ge [sflag:s6], $0x4000  }
0x188: {  	[sflag:s6] =	ssyncset.done $0x0  }
0x189: {  	s10 =	simm.s32 $0x7F00;
	[sflag:s6] =	ssyncadd.s32 $0xFFFFC000  }
0x18a: {  	[tilespmem:s31], [sflag:$0x2] =	stream.indirect.gather [hbm4b:s3+s29], $0x80, s10, s29, $0xb8;
	[tilespmem:$0x19380] =	vst v63  }
0x18b: {  	_ =	swait.ge [sflag:s1], $0x4000  }
0x18c: {  	[sflag:s1] =	ssyncset.done $0x0  }
0x18d: {  	s12 =	rddreg [dreg:$0x1f];
	[sflag:s1] =	ssyncadd.s32 $0xFFFFC000  }
0x18e: {  	[hbm4b:s12+s2] =	stream.linear.scatter [tilespmem:s30], [sflag:$0x3], $0x4000, $0x38;
	[tilespmem:$0x19380] =	vst v63  }
0x18f: {  	_ =	swait.ge [sflag:s0], $0x4000  }
0x190: {  	[sflag:s0] =	ssyncset.done $0x0  }
0x191: {  	s13 =	simm.s32 $0x7F80;
	[sflag:s0] =	ssyncadd.s32 $0xFFFFC000  }
0x192: {  	[tilespmem:s30], [sflag:$0x1] =	stream.indirect.gather [hbm4b:s3+s29], $0x80, s13, s29, $0xb8;
	[tilespmem:$0x19380] =	vst v63  }
0x193: {  	_ =	swait.ge [sflag:s5], $0x4000  }
0x194: {  	s14 =	sld [smem:$0x7D9]  }
0x195: {  	[sflag:s5] =	ssyncset.done $0x0  }
0x196: {  	[sflag:s5] =	ssyncadd.s32 $0xFFFFC000  }
0x197: {  	[hbm4b:s14+s2] =	stream.linear.scatter [tilespmem:s31], [sflag:$0x4], $0x4000, $0x38;
	[tilespmem:$0x19380] =	vst v63  }
0x198: {  	_ =	swait.ge [sflag:s6], $0x4000  }
0x199: {  	[sflag:s6] =	ssyncset.done $0x0  }
0x19a: {  	s15 =	simm.s32 $0x8000;
	[sflag:s6] =	ssyncadd.s32 $0xFFFFC000  }
0x19b: {  	[tilespmem:s31], [sflag:$0x2] =	stream.indirect.gather [hbm4b:s3+s29], $0x80, s15, s29, $0xb8;
	[tilespmem:$0x19380] =	vst v63  }
0x19c: {  	_ =	swait.ge [sflag:s1], $0x4000  }
0x19d: {  	s16 =	sld [smem:$0x7DA]  }
0x19e: {  	[sflag:s1] =	ssyncset.done $0x0  }
0x19f: {  	[sflag:s1] =	ssyncadd.s32 $0xFFFFC000  }
0x1a0: {  	[hbm4b:s16+s2] =	stream.linear.scatter [tilespmem:s30], [sflag:$0x3], $0x4000, $0x38;
	[tilespmem:$0x19380] =	vst v63  }
0x1a1: {  	_ =	swait.ge [sflag:s0], $0x4000  }
0x1a2: {  	[sflag:s0] =	ssyncset.done $0x0  }
0x1a3: {  	s17 =	simm.s32 $0x8080;
	[sflag:s0] =	ssyncadd.s32 $0xFFFFC000  }
0x1a4: {  	[tilespmem:s30], [sflag:$0x1] =	stream.indirect.gather [hbm4b:s3+s29], $0x80, s17, s29, $0xb8;
	[tilespmem:$0x19380] =	vst v63  }
0x1a5: {  	_ =	swait.ge [sflag:s5], $0x4000  }
0x1a6: {  	s9 =	sld [smem:$0x7DB]  }
0x1a7: {  	[sflag:s5] =	ssyncset.done $0x0  }
0x1a8: {  	[sflag:s5] =	ssyncadd.s32 $0xFFFFC000  }
0x1a9: {  	[hbm4b:s9+s2] =	stream.linear.scatter [tilespmem:s31], [sflag:$0x4], $0x4000, $0x38;
	[tilespmem:$0x19380] =	vst v63  }
0x1aa: {  	_ =	swait.ge [sflag:s6], $0x4000  }
0x1ab: {  	[sflag:s6] =	ssyncset.done $0x0  }
0x1ac: {  	s10 =	simm.s32 $0x8100;
	[sflag:s6] =	ssyncadd.s32 $0xFFFFC000  }
0x1ad: {  	[tilespmem:s31], [sflag:$0x2] =	stream.indirect.gather [hbm4b:s3+s29], $0x80, s10, s29, $0xb8;
	[tilespmem:$0x19380] =	vst v63  }
0x1ae: {  	_ =	swait.ge [sflag:s1], $0x4000  }
0x1af: {  	s12 =	sld [smem:$0x7DC]  }
0x1b0: {  	[sflag:s1] =	ssyncset.done $0x0  }
0x1b1: {  	[sflag:s1] =	ssyncadd.s32 $0xFFFFC000  }
0x1b2: {  	[hbm4b:s12+s2] =	stream.linear.scatter [tilespmem:s30], [sflag:$0x3], $0x4000, $0x38;
	[tilespmem:$0x19380] =	vst v63  }
0x1b3: {  	_ =	swait.ge [sflag:s0], $0x4000  }
0x1b4: {  	[sflag:s0] =	ssyncset.done $0x0  }
0x1b5: {  	s13 =	simm.s32 $0x8180;
	[sflag:s0] =	ssyncadd.s32 $0xFFFFC000  }
0x1b6: {  	[tilespmem:s30], [sflag:$0x1] =	stream.indirect.gather [hbm4b:s3+s29], $0x80, s13, s29, $0xb8;
	[tilespmem:$0x19380] =	vst v63  }
0x1b7: {  	_ =	swait.ge [sflag:s5], $0x4000  }
0x1b8: {  	s14 =	sld [smem:$0x7DD]  }
0x1b9: {  	[sflag:s5] =	ssyncset.done $0x0  }
0x1ba: {  	[sflag:s5] =	ssyncadd.s32 $0xFFFFC000  }
0x1bb: {  	[hbm4b:s14+s2] =	stream.linear.scatter [tilespmem:s31], [sflag:$0x4], $0x4000, $0x38;
	[tilespmem:$0x19380] =	vst v63  }
0x1bc: {  	_ =	swait.ge [sflag:s6], $0x4000  }
0x1bd: {  	[sflag:s6] =	ssyncset.done $0x0  }
0x1be: {  	s15 =	simm.s32 $0x8200;
	[sflag:s6] =	ssyncadd.s32 $0xFFFFC000  }
0x1bf: {  	[tilespmem:s31], [sflag:$0x2] =	stream.indirect.gather [hbm4b:s3+s29], $0x80, s15, s29, $0xb8;
	[tilespmem:$0x19380] =	vst v63  }
0x1c0: {  	_ =	swait.ge [sflag:s1], $0x4000  }
0x1c1: {  	s16 =	sld [smem:$0x7DE]  }
0x1c2: {  	[sflag:s1] =	ssyncset.done $0x0  }
0x1c3: {  	[sflag:s1] =	ssyncadd.s32 $0xFFFFC000  }
0x1c4: {  	[hbm4b:s16+s2] =	stream.linear.scatter [tilespmem:s30], [sflag:$0x3], $0x4000, $0x38;
	[tilespmem:$0x19380] =	vst v63  }
0x1c5: {  	_ =	swait.ge [sflag:s0], $0x4000  }
0x1c6: {  	[sflag:s0] =	ssyncset.done $0x0  }
0x1c7: {  	s17 =	simm.s32 $0x8280;
	[sflag:s0] =	ssyncadd.s32 $0xFFFFC000  }
0x1c8: {  	[tilespmem:s30], [sflag:$0x1] =	stream.indirect.gather [hbm4b:s3+s29], $0x80, s17, s29, $0xb8;
	[tilespmem:$0x19380] =	vst v63  }
0x1c9: {  	_ =	swait.ge [sflag:s5], $0x4000  }
0x1ca: {  	s9 =	sld [smem:$0x7DF]  }
0x1cb: {  	[sflag:s5] =	ssyncset.done $0x0  }
0x1cc: {  	[sflag:s5] =	ssyncadd.s32 $0xFFFFC000  }
0x1cd: {  	[hbm4b:s9+s2] =	stream.linear.scatter [tilespmem:s31], [sflag:$0x4], $0x4000, $0x38;
	[tilespmem:$0x19380] =	vst v63  }
0x1ce: {  	_ =	swait.ge [sflag:s6], $0x4000  }
0x1cf: {  	[sflag:s6] =	ssyncset.done $0x0  }
0x1d0: {  	s10 =	simm.s32 $0x8300;
	[sflag:s6] =	ssyncadd.s32 $0xFFFFC000  }
0x1d1: {  	[tilespmem:s31], [sflag:$0x2] =	stream.indirect.gather [hbm4b:s3+s29], $0x80, s10, s29, $0xb8;
	[tilespmem:$0x19380] =	vst v63  }
0x1d2: {  	_ =	swait.ge [sflag:s1], $0x4000  }
0x1d3: {  	s12 =	sld [smem:$0x7E0]  }
0x1d4: {  	[sflag:s1] =	ssyncset.done $0x0  }
0x1d5: {  	[sflag:s1] =	ssyncadd.s32 $0xFFFFC000  }
0x1d6: {  	[hbm4b:s12+s2] =	stream.linear.scatter [tilespmem:s30], [sflag:$0x3], $0x4000, $0x38;
	[tilespmem:$0x19380] =	vst v63  }
0x1d7: {  	_ =	swait.ge [sflag:s0], $0x4000  }
0x1d8: {  	[sflag:s0] =	ssyncset.done $0x0  }
0x1d9: {  	s13 =	simm.s32 $0x8380;
	[sflag:s0] =	ssyncadd.s32 $0xFFFFC000  }
0x1da: {  	[tilespmem:s30], [sflag:$0x1] =	stream.indirect.gather [hbm4b:s3+s29], $0x80, s13, s29, $0xb8;
	[tilespmem:$0x19380] =	vst v63  }
0x1db: {  	_ =	swait.ge [sflag:s5], $0x4000  }
0x1dc: {  	s14 =	sld [smem:$0x7E1]  }
0x1dd: {  	[sflag:s5] =	ssyncset.done $0x0  }
0x1de: {  	[sflag:s5] =	ssyncadd.s32 $0xFFFFC000  }
0x1df: {  	[hbm4b:s14+s2] =	stream.linear.scatter [tilespmem:s31], [sflag:$0x4], $0x4000, $0x38;
	[tilespmem:$0x19380] =	vst v63  }
0x1e0: {  	_ =	swait.ge [sflag:s6], $0x4000  }
0x1e1: {  	[sflag:s6] =	ssyncset.done $0x0  }
0x1e2: {  	s15 =	simm.s32 $0x8400;
	[sflag:s6] =	ssyncadd.s32 $0xFFFFC000  }
0x1e3: {  	[tilespmem:s31], [sflag:$0x2] =	stream.indirect.gather [hbm4b:s3+s29], $0x80, s15, s29, $0xb8;
	[tilespmem:$0x19380] =	vst v63  }
0x1e4: {  	_ =	swait.ge [sflag:s1], $0x4000  }
0x1e5: {  	s16 =	sld [smem:$0x7E2]  }
0x1e6: {  	[sflag:s1] =	ssyncset.done $0x0  }
0x1e7: {  	[sflag:s1] =	ssyncadd.s32 $0xFFFFC000  }
0x1e8: {  	[hbm4b:s16+s2] =	stream.linear.scatter [tilespmem:s30], [sflag:$0x3], $0x4000, $0x38;
	[tilespmem:$0x19380] =	vst v63  }
0x1e9: {  	_ =	swait.ge [sflag:s0], $0x4000  }
0x1ea: {  	[sflag:s0] =	ssyncset.done $0x0  }
0x1eb: {  	s17 =	simm.s32 $0x8480;
	[sflag:s0] =	ssyncadd.s32 $0xFFFFC000  }
0x1ec: {  	[tilespmem:s30], [sflag:$0x1] =	stream.indirect.gather [hbm4b:s3+s29], $0x80, s17, s29, $0xb8;
	[tilespmem:$0x19380] =	vst v63  }
0x1ed: {  	_ =	swait.ge [sflag:s5], $0x4000  }
0x1ee: {  	s9 =	sld [smem:$0x7E3]  }
0x1ef: {  	[sflag:s5] =	ssyncset.done $0x0  }
0x1f0: {  	[sflag:s5] =	ssyncadd.s32 $0xFFFFC000  }
0x1f1: {  	[hbm4b:s9+s2] =	stream.linear.scatter [tilespmem:s31], [sflag:$0x4], $0x4000, $0x38;
	[tilespmem:$0x19380] =	vst v63  }
0x1f2: {  	_ =	swait.ge [sflag:s6], $0x4000  }
0x1f3: {  	[sflag:s6] =	ssyncset.done $0x0  }
0x1f4: {  	s10 =	simm.s32 $0x8500;
	[sflag:s6] =	ssyncadd.s32 $0xFFFFC000  }
0x1f5: {  	[tilespmem:s31], [sflag:$0x2] =	stream.indirect.gather [hbm4b:s3+s29], $0x80, s10, s29, $0xb8;
	[tilespmem:$0x19380] =	vst v63  }
0x1f6: {  	_ =	swait.ge [sflag:s1], $0x4000  }
0x1f7: {  	s12 =	sld [smem:$0x7E4]  }
0x1f8: {  	[sflag:s1] =	ssyncset.done $0x0  }
0x1f9: {  	[sflag:s1] =	ssyncadd.s32 $0xFFFFC000  }
0x1fa: {  	[hbm4b:s12+s2] =	stream.linear.scatter [tilespmem:s30], [sflag:$0x3], $0x4000, $0x38;
	[tilespmem:$0x19380] =	vst v63  }
0x1fb: {  	_ =	swait.ge [sflag:s0], $0x4000  }
0x1fc: {  	[sflag:s0] =	ssyncset.done $0x0  }
0x1fd: {  	s13 =	simm.s32 $0x8580;
	[sflag:s0] =	ssyncadd.s32 $0xFFFFC000  }
0x1fe: {  	[tilespmem:s30], [sflag:$0x1] =	stream.indirect.gather [hbm4b:s3+s29], $0x80, s13, s29, $0xb8;
	[tilespmem:$0x19380] =	vst v63  }
0x1ff: {  	_ =	swait.ge [sflag:s5], $0x4000  }
0x200: {  	s14 =	sld [smem:$0x7E5]  }
0x201: {  	[sflag:s5] =	ssyncset.done $0x0  }
0x202: {  	[sflag:s5] =	ssyncadd.s32 $0xFFFFC000  }
0x203: {  	[hbm4b:s14+s2] =	stream.linear.scatter [tilespmem:s31], [sflag:$0x4], $0x4000, $0x38;
	[tilespmem:$0x19380] =	vst v63  }
0x204: {  	_ =	swait.ge [sflag:s6], $0x4000  }
0x205: {  	[sflag:s6] =	ssyncset.done $0x0  }
0x206: {  	s15 =	simm.s32 $0x8600;
	[sflag:s6] =	ssyncadd.s32 $0xFFFFC000  }
0x207: {  	[tilespmem:s31], [sflag:$0x2] =	stream.indirect.gather [hbm4b:s3+s29], $0x80, s15, s29, $0xb8;
	[tilespmem:$0x19380] =	vst v63  }
0x208: {  	_ =	swait.ge [sflag:s1], $0x4000  }
0x209: {  	s16 =	sld [smem:$0x7E6]  }
0x20a: {  	[sflag:s1] =	ssyncset.done $0x0  }
0x20b: {  	[sflag:s1] =	ssyncadd.s32 $0xFFFFC000  }
0x20c: {  	[hbm4b:s16+s2] =	stream.linear.scatter [tilespmem:s30], [sflag:$0x3], $0x4000, $0x38;
	[tilespmem:$0x19380] =	vst v63  }
0x20d: {  	_ =	swait.ge [sflag:s0], $0x4000  }
0x20e: {  	[sflag:s0] =	ssyncset.done $0x0  }
0x20f: {  	s17 =	simm.s32 $0x8680;
	[sflag:s0] =	ssyncadd.s32 $0xFFFFC000  }
0x210: {  	[tilespmem:s30], [sflag:$0x1] =	stream.indirect.gather [hbm4b:s3+s29], $0x80, s17, s29, $0xb8;
	[tilespmem:$0x19380] =	vst v63  }
0x211: {  	_ =	swait.ge [sflag:s5], $0x4000  }
0x212: {  	s9 =	sld [smem:$0x7E7]  }
0x213: {  	[sflag:s5] =	ssyncset.done $0x0  }
0x214: {  	[sflag:s5] =	ssyncadd.s32 $0xFFFFC000  }
0x215: {  	[hbm4b:s9+s2] =	stream.linear.scatter [tilespmem:s31], [sflag:$0x4], $0x4000, $0x38;
	[tilespmem:$0x19380] =	vst v63  }
0x216: {  	_ =	swait.ge [sflag:s6], $0x4000  }
0x217: {  	[sflag:s6] =	ssyncset.done $0x0  }
0x218: {  	s10 =	simm.s32 $0x8700;
	[sflag:s6] =	ssyncadd.s32 $0xFFFFC000  }
0x219: {  	[tilespmem:s31], [sflag:$0x2] =	stream.indirect.gather [hbm4b:s3+s29], $0x80, s10, s29, $0xb8;
	[tilespmem:$0x19380] =	vst v63  }
0x21a: {  	_ =	swait.ge [sflag:s1], $0x4000  }
0x21b: {  	s12 =	sld [smem:$0x7E8]  }
0x21c: {  	[sflag:s1] =	ssyncset.done $0x0  }
0x21d: {  	[sflag:s1] =	ssyncadd.s32 $0xFFFFC000  }
0x21e: {  	[hbm4b:s12+s2] =	stream.linear.scatter [tilespmem:s30], [sflag:$0x3], $0x4000, $0x38;
	[tilespmem:$0x19380] =	vst v63  }
0x21f: {  	_ =	swait.ge [sflag:s0], $0x4000  }
0x220: {  	[sflag:s0] =	ssyncset.done $0x0  }
0x221: {  	s13 =	simm.s32 $0x8780;
	[sflag:s0] =	ssyncadd.s32 $0xFFFFC000  }
0x222: {  	[tilespmem:s30], [sflag:$0x1] =	stream.indirect.gather [hbm4b:s3+s29], $0x80, s13, s29, $0xb8;
	[tilespmem:$0x19380] =	vst v63  }
0x223: {  	_ =	swait.ge [sflag:s5], $0x4000  }
0x224: {  	s14 =	sld [smem:$0x7E9]  }
0x225: {  	[sflag:s5] =	ssyncset.done $0x0  }
0x226: {  	[sflag:s5] =	ssyncadd.s32 $0xFFFFC000  }
0x227: {  	[hbm4b:s14+s2] =	stream.linear.scatter [tilespmem:s31], [sflag:$0x4], $0x4000, $0x38;
	[tilespmem:$0x19380] =	vst v63  }
0x228: {  	_ =	swait.ge [sflag:s6], $0x4000  }
0x229: {  	[sflag:s6] =	ssyncset.done $0x0  }
0x22a: {  	s15 =	simm.s32 $0x8800;
	[sflag:s6] =	ssyncadd.s32 $0xFFFFC000  }
0x22b: {  	[tilespmem:s31], [sflag:$0x2] =	stream.indirect.gather [hbm4b:s3+s29], $0x80, s15, s29, $0xb8;
	[tilespmem:$0x19380] =	vst v63  }
0x22c: {  	_ =	swait.ge [sflag:s1], $0x4000  }
0x22d: {  	s16 =	sld [smem:$0x7EA]  }
0x22e: {  	[sflag:s1] =	ssyncset.done $0x0  }
0x22f: {  	[sflag:s1] =	ssyncadd.s32 $0xFFFFC000  }
0x230: {  	[hbm4b:s16+s2] =	stream.linear.scatter [tilespmem:s30], [sflag:$0x3], $0x4000, $0x38;
	[tilespmem:$0x19380] =	vst v63  }
0x231: {  	_ =	swait.ge [sflag:s0], $0x4000  }
0x232: {  	[sflag:s0] =	ssyncset.done $0x0  }
0x233: {  	s17 =	simm.s32 $0x8880;
	[sflag:s0] =	ssyncadd.s32 $0xFFFFC000  }
0x234: {  	[tilespmem:s30], [sflag:$0x1] =	stream.indirect.gather [hbm4b:s3+s29], $0x80, s17, s29, $0xb8;
	[tilespmem:$0x19380] =	vst v63  }
0x235: {  	_ =	swait.ge [sflag:s5], $0x4000  }
0x236: {  	s9 =	sld [smem:$0x7EB]  }
0x237: {  	[sflag:s5] =	ssyncset.done $0x0  }
0x238: {  	[sflag:s5] =	ssyncadd.s32 $0xFFFFC000  }
0x239: {  	[hbm4b:s9+s2] =	stream.linear.scatter [tilespmem:s31], [sflag:$0x4], $0x4000, $0x38;
	[tilespmem:$0x19380] =	vst v63  }
0x23a: {  	_ =	swait.ge [sflag:s6], $0x4000  }
0x23b: {  	[sflag:s6] =	ssyncset.done $0x0  }
0x23c: {  	s10 =	simm.s32 $0x8900;
	[sflag:s6] =	ssyncadd.s32 $0xFFFFC000  }
0x23d: {  	[tilespmem:s31], [sflag:$0x2] =	stream.indirect.gather [hbm4b:s3+s29], $0x80, s10, s29, $0xb8;
	[tilespmem:$0x19380] =	vst v63  }
0x23e: {  	_ =	swait.ge [sflag:s1], $0x4000  }
0x23f: {  	s12 =	sld [smem:$0x7EC]  }
0x240: {  	[sflag:s1] =	ssyncset.done $0x0  }
0x241: {  	[sflag:s1] =	ssyncadd.s32 $0xFFFFC000  }
0x242: {  	[hbm4b:s12+s2] =	stream.linear.scatter [tilespmem:s30], [sflag:$0x3], $0x4000, $0x38;
	[tilespmem:$0x19380] =	vst v63  }
0x243: {  	_ =	swait.ge [sflag:s0], $0x4000  }
0x244: {  	[sflag:s0] =	ssyncset.done $0x0  }
0x245: {  	s13 =	simm.s32 $0x8980;
	[sflag:s0] =	ssyncadd.s32 $0xFFFFC000  }
0x246: {  	[tilespmem:s30], [sflag:$0x1] =	stream.indirect.gather [hbm4b:s3+s29], $0x80, s13, s29, $0xb8;
	[tilespmem:$0x19380] =	vst v63  }
0x247: {  	_ =	swait.ge [sflag:s5], $0x4000  }
0x248: {  	s14 =	sld [smem:$0x7ED]  }
0x249: {  	[sflag:s5] =	ssyncset.done $0x0  }
0x24a: {  	[sflag:s5] =	ssyncadd.s32 $0xFFFFC000  }
0x24b: {  	[hbm4b:s14+s2] =	stream.linear.scatter [tilespmem:s31], [sflag:$0x4], $0x4000, $0x38;
	[tilespmem:$0x19380] =	vst v63  }
0x24c: {  	_ =	swait.ge [sflag:s6], $0x4000  }
0x24d: {  	[sflag:s6] =	ssyncset.done $0x0  }
0x24e: {  	s15 =	simm.s32 $0x8A00;
	[sflag:s6] =	ssyncadd.s32 $0xFFFFC000  }
0x24f: {  	[tilespmem:s31], [sflag:$0x2] =	stream.indirect.gather [hbm4b:s3+s29], $0x80, s15, s29, $0xb8;
	[tilespmem:$0x19380] =	vst v63  }
0x250: {  	_ =	swait.ge [sflag:s1], $0x4000  }
0x251: {  	s16 =	sld [smem:$0x7EE]  }
0x252: {  	[sflag:s1] =	ssyncset.done $0x0  }
0x253: {  	[sflag:s1] =	ssyncadd.s32 $0xFFFFC000  }
0x254: {  	[hbm4b:s16+s2] =	stream.linear.scatter [tilespmem:s30], [sflag:$0x3], $0x4000, $0x38;
	[tilespmem:$0x19380] =	vst v63  }
0x255: {  	_ =	swait.ge [sflag:s0], $0x4000  }
0x256: {  	[sflag:s0] =	ssyncset.done $0x0  }
0x257: {  	s17 =	simm.s32 $0x8A80;
	[sflag:s0] =	ssyncadd.s32 $0xFFFFC000  }
0x258: {  	[tilespmem:s30], [sflag:$0x1] =	stream.indirect.gather [hbm4b:s3+s29], $0x80, s17, s29, $0xb8;
	[tilespmem:$0x19380] =	vst v63  }
0x259: {  	_ =	swait.ge [sflag:s5], $0x4000  }
0x25a: {  	s9 =	sld [smem:$0x7EF]  }
0x25b: {  	[sflag:s5] =	ssyncset.done $0x0  }
0x25c: {  	[sflag:s5] =	ssyncadd.s32 $0xFFFFC000  }
0x25d: {  	[hbm4b:s9+s2] =	stream.linear.scatter [tilespmem:s31], [sflag:$0x4], $0x4000, $0x38;
	[tilespmem:$0x19380] =	vst v63  }
0x25e: {  	_ =	swait.ge [sflag:s6], $0x4000  }
0x25f: {  	[sflag:s6] =	ssyncset.done $0x0  }
0x260: {  	s10 =	simm.s32 $0x8B00;
	[sflag:s6] =	ssyncadd.s32 $0xFFFFC000  }
0x261: {  	[tilespmem:s31], [sflag:$0x2] =	stream.indirect.gather [hbm4b:s3+s29], $0x80, s10, s29, $0xb8;
	[tilespmem:$0x19380] =	vst v63  }
0x262: {  	_ =	swait.ge [sflag:s1], $0x4000  }
0x263: {  	s12 =	sld [smem:$0x7F0]  }
0x264: {  	[sflag:s1] =	ssyncset.done $0x0  }
0x265: {  	[sflag:s1] =	ssyncadd.s32 $0xFFFFC000  }
0x266: {  	[hbm4b:s12+s2] =	stream.linear.scatter [tilespmem:s30], [sflag:$0x3], $0x4000, $0x38;
	[tilespmem:$0x19380] =	vst v63  }
0x267: {  	_ =	swait.ge [sflag:s0], $0x4000  }
0x268: {  	[sflag:s0] =	ssyncset.done $0x0  }
0x269: {  	s13 =	simm.s32 $0x8B80;
	[sflag:s0] =	ssyncadd.s32 $0xFFFFC000  }
0x26a: {  	[tilespmem:s30], [sflag:$0x1] =	stream.indirect.gather [hbm4b:s3+s29], $0x80, s13, s29, $0xb8;
	[tilespmem:$0x19380] =	vst v63  }
0x26b: {  	_ =	swait.ge [sflag:s5], $0x4000  }
0x26c: {  	s14 =	sld [smem:$0x7F1]  }
0x26d: {  	[sflag:s5] =	ssyncset.done $0x0  }
0x26e: {  	[sflag:s5] =	ssyncadd.s32 $0xFFFFC000  }
0x26f: {  	[hbm4b:s14+s2] =	stream.linear.scatter [tilespmem:s31], [sflag:$0x4], $0x4000, $0x38;
	[tilespmem:$0x19380] =	vst v63  }
0x270: {  	_ =	swait.ge [sflag:s6], $0x4000  }
0x271: {  	[sflag:s6] =	ssyncset.done $0x0  }
0x272: {  	s15 =	simm.s32 $0x8C00;
	[sflag:s6] =	ssyncadd.s32 $0xFFFFC000  }
0x273: {  	[tilespmem:s31], [sflag:$0x2] =	stream.indirect.gather [hbm4b:s3+s29], $0x80, s15, s29, $0xb8;
	[tilespmem:$0x19380] =	vst v63  }
0x274: {  	_ =	swait.ge [sflag:s1], $0x4000  }
0x275: {  	s16 =	sld [smem:$0x7F2]  }
0x276: {  	[sflag:s1] =	ssyncset.done $0x0  }
0x277: {  	[sflag:s1] =	ssyncadd.s32 $0xFFFFC000  }
0x278: {  	[hbm4b:s16+s2] =	stream.linear.scatter [tilespmem:s30], [sflag:$0x3], $0x4000, $0x38;
	[tilespmem:$0x19380] =	vst v63  }
0x279: {  	_ =	swait.ge [sflag:s0], $0x4000  }
0x27a: {  	[sflag:s0] =	ssyncset.done $0x0  }
0x27b: {  	s17 =	simm.s32 $0x8C80;
	[sflag:s0] =	ssyncadd.s32 $0xFFFFC000  }
0x27c: {  	[tilespmem:s30], [sflag:$0x1] =	stream.indirect.gather [hbm4b:s3+s29], $0x80, s17, s29, $0xb8;
	[tilespmem:$0x19380] =	vst v63  }
0x27d: {  	_ =	swait.ge [sflag:s5], $0x4000  }
0x27e: {  	s9 =	sld [smem:$0x7F3]  }
0x27f: {  	[sflag:s5] =	ssyncset.done $0x0  }
0x280: {  	[sflag:s5] =	ssyncadd.s32 $0xFFFFC000  }
0x281: {  	[hbm4b:s9+s2] =	stream.linear.scatter [tilespmem:s31], [sflag:$0x4], $0x4000, $0x38;
	[tilespmem:$0x19380] =	vst v63  }
0x282: {  	_ =	swait.ge [sflag:s6], $0x4000  }
0x283: {  	[sflag:s6] =	ssyncset.done $0x0  }
0x284: {  	s10 =	simm.s32 $0x8D00;
	[sflag:s6] =	ssyncadd.s32 $0xFFFFC000  }
0x285: {  	[tilespmem:s31], [sflag:$0x2] =	stream.indirect.gather [hbm4b:s3+s29], $0x80, s10, s29, $0xb8;
	[tilespmem:$0x19380] =	vst v63  }
0x286: {  	_ =	swait.ge [sflag:s1], $0x4000  }
0x287: {  	s12 =	sld [smem:$0x7F4]  }
0x288: {  	[sflag:s1] =	ssyncset.done $0x0  }
0x289: {  	[sflag:s1] =	ssyncadd.s32 $0xFFFFC000  }
0x28a: {  	[hbm4b:s12+s2] =	stream.linear.scatter [tilespmem:s30], [sflag:$0x3], $0x4000, $0x38;
	[tilespmem:$0x19380] =	vst v63  }
0x28b: {  	_ =	swait.ge [sflag:s0], $0x4000  }
0x28c: {  	[sflag:s0] =	ssyncset.done $0x0  }
0x28d: {  	s13 =	simm.s32 $0x8D80;
	[sflag:s0] =	ssyncadd.s32 $0xFFFFC000  }
0x28e: {  	[tilespmem:s30], [sflag:$0x1] =	stream.indirect.gather [hbm4b:s3+s29], $0x80, s13, s29, $0xb8;
	[tilespmem:$0x19380] =	vst v63  }
0x28f: {  	_ =	swait.ge [sflag:s5], $0x4000  }
0x290: {  	s14 =	sld [smem:$0x7F5]  }
0x291: {  	[sflag:s5] =	ssyncset.done $0x0  }
0x292: {  	[sflag:s5] =	ssyncadd.s32 $0xFFFFC000  }
0x293: {  	[hbm4b:s14+s2] =	stream.linear.scatter [tilespmem:s31], [sflag:$0x4], $0x4000, $0x38;
	[tilespmem:$0x19380] =	vst v63  }
0x294: {  	_ =	swait.ge [sflag:s6], $0x4000  }
0x295: {  	[sflag:s6] =	ssyncset.done $0x0  }
0x296: {  	s15 =	simm.s32 $0x8E00;
	[sflag:s6] =	ssyncadd.s32 $0xFFFFC000  }
0x297: {  	[tilespmem:s31], [sflag:$0x2] =	stream.indirect.gather [hbm4b:s3+s29], $0x80, s15, s29, $0xb8;
	[tilespmem:$0x19380] =	vst v63  }
0x298: {  	_ =	swait.ge [sflag:s1], $0x4000  }
0x299: {  	s16 =	sld [smem:$0x7F6]  }
0x29a: {  	[sflag:s1] =	ssyncset.done $0x0  }
0x29b: {  	[sflag:s1] =	ssyncadd.s32 $0xFFFFC000  }
0x29c: {  	[hbm4b:s16+s2] =	stream.linear.scatter [tilespmem:s30], [sflag:$0x3], $0x4000, $0x38;
	[tilespmem:$0x19380] =	vst v63  }
0x29d: {  	_ =	swait.ge [sflag:s0], $0x4000  }
0x29e: {  	[sflag:s0] =	ssyncset.done $0x0  }
0x29f: {  	s17 =	simm.s32 $0x8E80;
	[sflag:s0] =	ssyncadd.s32 $0xFFFFC000  }
0x2a0: {  	[tilespmem:s30], [sflag:$0x1] =	stream.indirect.gather [hbm4b:s3+s29], $0x80, s17, s29, $0xb8;
	[tilespmem:$0x19380] =	vst v63  }
0x2a1: {  	_ =	swait.ge [sflag:s5], $0x4000  }
0x2a2: {  	s9 =	sld [smem:$0x7F7]  }
0x2a3: {  	[sflag:s5] =	ssyncset.done $0x0  }
0x2a4: {  	[sflag:s5] =	ssyncadd.s32 $0xFFFFC000  }
0x2a5: {  	[hbm4b:s9+s2] =	stream.linear.scatter [tilespmem:s31], [sflag:$0x4], $0x4000, $0x38;
	[tilespmem:$0x19380] =	vst v63  }
0x2a6: {  	_ =	swait.ge [sflag:s6], $0x4000  }
0x2a7: {  	[sflag:s6] =	ssyncset.done $0x0  }
0x2a8: {  	s10 =	simm.s32 $0x8F00;
	[sflag:s6] =	ssyncadd.s32 $0xFFFFC000  }
0x2a9: {  	[tilespmem:s31], [sflag:$0x2] =	stream.indirect.gather [hbm4b:s3+s29], $0x80, s10, s29, $0xb8;
	[tilespmem:$0x19380] =	vst v63  }
0x2aa: {  	_ =	swait.ge [sflag:s1], $0x4000  }
0x2ab: {  	s12 =	sld [smem:$0x7F8]  }
0x2ac: {  	[sflag:s1] =	ssyncset.done $0x0  }
0x2ad: {  	[sflag:s1] =	ssyncadd.s32 $0xFFFFC000  }
0x2ae: {  	[hbm4b:s12+s2] =	stream.linear.scatter [tilespmem:s30], [sflag:$0x3], $0x4000, $0x38;
	[tilespmem:$0x19380] =	vst v63  }
0x2af: {  	_ =	swait.ge [sflag:s0], $0x4000  }
0x2b0: {  	[sflag:s0] =	ssyncset.done $0x0  }
0x2b1: {  	s13 =	simm.s32 $0x8F80;
	[sflag:s0] =	ssyncadd.s32 $0xFFFFC000  }
0x2b2: {  	[tilespmem:s30], [sflag:$0x1] =	stream.indirect.gather [hbm4b:s3+s29], $0x80, s13, s29, $0xb8;
	[tilespmem:$0x19380] =	vst v63  }
0x2b3: {  	_ =	swait.ge [sflag:s5], $0x4000  }
0x2b4: {  	s14 =	sld [smem:$0x7F9]  }
0x2b5: {  	[sflag:s5] =	ssyncset.done $0x0  }
0x2b6: {  	[sflag:s5] =	ssyncadd.s32 $0xFFFFC000  }
0x2b7: {  	[hbm4b:s14+s2] =	stream.linear.scatter [tilespmem:s31], [sflag:$0x4], $0x4000, $0x38;
	[tilespmem:$0x19380] =	vst v63  }
0x2b8: {  	_ =	swait.ge [sflag:s6], $0x4000  }
0x2b9: {  	[sflag:s6] =	ssyncset.done $0x0  }
0x2ba: {  	s15 =	simm.s32 $0x9000;
	[sflag:s6] =	ssyncadd.s32 $0xFFFFC000  }
0x2bb: {  	[tilespmem:s31], [sflag:$0x2] =	stream.indirect.gather [hbm4b:s3+s29], $0x80, s15, s29, $0xb8;
	[tilespmem:$0x19380] =	vst v63  }
0x2bc: {  	_ =	swait.ge [sflag:s1], $0x4000  }
0x2bd: {  	s16 =	sld [smem:$0x7FA]  }
0x2be: {  	[sflag:s1] =	ssyncset.done $0x0  }
0x2bf: {  	[sflag:s1] =	ssyncadd.s32 $0xFFFFC000  }
0x2c0: {  	[hbm4b:s16+s2] =	stream.linear.scatter [tilespmem:s30], [sflag:$0x3], $0x4000, $0x38;
	[tilespmem:$0x19380] =	vst v63  }
0x2c1: {  	_ =	swait.ge [sflag:s0], $0x4000  }
0x2c2: {  	[sflag:s0] =	ssyncset.done $0x0  }
0x2c3: {  	s17 =	simm.s32 $0x9080;
	[sflag:s0] =	ssyncadd.s32 $0xFFFFC000  }
0x2c4: {  	[tilespmem:s30], [sflag:$0x1] =	stream.indirect.gather [hbm4b:s3+s29], $0x80, s17, s29, $0xb8;
	[tilespmem:$0x19380] =	vst v63  }
0x2c5: {  	_ =	swait.ge [sflag:s5], $0x4000  }
0x2c6: {  	s9 =	sld [smem:$0x7FB]  }
0x2c7: {  	[sflag:s5] =	ssyncset.done $0x0  }
0x2c8: {  	[sflag:s5] =	ssyncadd.s32 $0xFFFFC000  }
0x2c9: {  	[hbm4b:s9+s2] =	stream.linear.scatter [tilespmem:s31], [sflag:$0x4], $0x4000, $0x38;
	[tilespmem:$0x19380] =	vst v63  }
0x2ca: {  	_ =	swait.ge [sflag:s6], $0x4000  }
0x2cb: {  	[sflag:s6] =	ssyncset.done $0x0  }
0x2cc: {  	s10 =	simm.s32 $0x9100;
	[sflag:s6] =	ssyncadd.s32 $0xFFFFC000  }
0x2cd: {  	[tilespmem:s31], [sflag:$0x2] =	stream.indirect.gather [hbm4b:s3+s29], $0x80, s10, s29, $0xb8;
	[tilespmem:$0x19380] =	vst v63  }
0x2ce: {  	_ =	swait.ge [sflag:s1], $0x4000  }
0x2cf: {  	s12 =	sld [smem:$0x7FC]  }
0x2d0: {  	[sflag:s1] =	ssyncset.done $0x0  }
0x2d1: {  	[sflag:s1] =	ssyncadd.s32 $0xFFFFC000  }
0x2d2: {  	[hbm4b:s12+s2] =	stream.linear.scatter [tilespmem:s30], [sflag:$0x3], $0x4000, $0x38;
	[tilespmem:$0x19380] =	vst v63  }
0x2d3: {  	_ =	swait.ge [sflag:s0], $0x4000  }
0x2d4: {  	[sflag:s0] =	ssyncset.done $0x0  }
0x2d5: {  	s13 =	simm.s32 $0x9180;
	[sflag:s0] =	ssyncadd.s32 $0xFFFFC000  }
0x2d6: {  	[tilespmem:s30], [sflag:$0x1] =	stream.indirect.gather [hbm4b:s3+s29], $0x80, s13, s29, $0xb8;
	[tilespmem:$0x19380] =	vst v63  }
0x2d7: {  	_ =	swait.ge [sflag:s5], $0x4000  }
0x2d8: {  	s14 =	sld [smem:$0x7FD]  }
0x2d9: {  	[sflag:s5] =	ssyncset.done $0x0  }
0x2da: {  	[sflag:s5] =	ssyncadd.s32 $0xFFFFC000  }
0x2db: {  	[hbm4b:s14+s2] =	stream.linear.scatter [tilespmem:s31], [sflag:$0x4], $0x4000, $0x38;
	[tilespmem:$0x19380] =	vst v63  }
0x2dc: {  	_ =	swait.ge [sflag:s6], $0x4000  }
0x2dd: {  	[sflag:s6] =	ssyncset.done $0x0  }
0x2de: {  	s15 =	simm.s32 $0x9200;
	[sflag:s6] =	ssyncadd.s32 $0xFFFFC000  }
0x2df: {  	[tilespmem:s31], [sflag:$0x2] =	stream.indirect.gather [hbm4b:s3+s29], $0x80, s15, s29, $0xb8;
	[tilespmem:$0x19380] =	vst v63  }
0x2e0: {  	_ =	swait.ge [sflag:s1], $0x4000  }
0x2e1: {  	[sflag:s1] =	ssyncset.done $0x0  }
0x2e2: {  	[sflag:s1] =	ssyncadd.s32 $0xFFFFC000  }
0x2e3: {  	[hbm4b:s18+s2] =	stream.linear.scatter [tilespmem:s30], [sflag:$0x3], $0x4000, $0x38;
	[tilespmem:$0x19380] =	vst v63  }
0x2e4: {  	_ =	swait.ge [sflag:s0], $0x4000  }
0x2e5: {  	[sflag:s0] =	ssyncset.done $0x0  }
0x2e6: {  	s16 =	simm.s32 $0x9280;
	[sflag:s0] =	ssyncadd.s32 $0xFFFFC000  }
0x2e7: {  	[tilespmem:s30], [sflag:$0x1] =	stream.indirect.gather [hbm4b:s3+s29], $0x80, s16, s29, $0xb8;
	[tilespmem:$0x19380] =	vst v63  }
0x2e8: {  	_ =	swait.ge [sflag:s5], $0x4000  }
0x2e9: {  	[sflag:s5] =	ssyncset.done $0x0  }
0x2ea: {  	[sflag:s5] =	ssyncadd.s32 $0xFFFFC000  }
0x2eb: {  	[hbm4b:s19+s2] =	stream.linear.scatter [tilespmem:s31], [sflag:$0x4], $0x4000, $0x38;
	[tilespmem:$0x19380] =	vst v63  }
0x2ec: {  	_ =	swait.ge [sflag:s6], $0x4000  }
0x2ed: {  	[sflag:s6] =	ssyncset.done $0x0  }
0x2ee: {  	s17 =	simm.s32 $0x9300;
	[sflag:s6] =	ssyncadd.s32 $0xFFFFC000  }
0x2ef: {  	[tilespmem:s31], [sflag:$0x2] =	stream.indirect.gather [hbm4b:s3+s29], $0x80, s17, s29, $0xb8;
	[tilespmem:$0x19380] =	vst v63  }
0x2f0: {  	_ =	swait.ge [sflag:s1], $0x4000  }
0x2f1: {  	[sflag:s1] =	ssyncset.done $0x0  }
0x2f2: {  	[sflag:s1] =	ssyncadd.s32 $0xFFFFC000  }
0x2f3: {  	[hbm4b:s20+s2] =	stream.linear.scatter [tilespmem:s30], [sflag:$0x3], $0x4000, $0x38;
	[tilespmem:$0x19380] =	vst v63  }
0x2f4: {  	_ =	swait.ge [sflag:s5], $0x4000  }
0x2f5: {  	[sflag:s5] =	ssyncset.done $0x0  }
0x2f6: {  	s7 =	sadd.s32 $0x1, s7;
	[sflag:s5] =	ssyncadd.s32 $0xFFFFC000  }
0x2f7: {  	[hbm4b:s21+s2] =	stream.linear.scatter [tilespmem:s31], [sflag:$0x4], $0x4000, $0x38;
	[tilespmem:$0x19380] =	vst v63  }
0x2f8: {  	p0 =	sne.s32 s7, s22;
	_ =	swait.ge [sflag:s0], $0x4000  }
.Ltmp3:
0x2f9: {  	[sflag:s0] =	ssyncset.done $0x0;
	(pc) =	sbr.rel @p0 .LBB2_1-.Ltmp3, $4  }
0x2fa: {  	[sflag:s0] =	ssyncadd.s32 $0xFFFFC000  }
0x2fb: {  	_ =	swait.ge [sflag:s6], $0x4000  }
0x2fc: {  	[sflag:s6] =	ssyncset.done $0x0  }
0x2fd: {  	[sflag:s6] =	ssyncadd.s32 $0xFFFFC000  }
0x2fe: {  	_ =	sfence.sel $0x180000  }
0x2ff: {  	[bflag:$0x0] =	sbarrier.arrive $0xFFFF  }
0x300: {  	_ =	strace $0x90000047  }
0x301: {  	s0 =	stileid.u32;
	[bflag:$0x2] =	sbarrier.arrive $0xFFFF  }
0x302: {  	p0 =	sne.s32 s0, $0x0;
	s0 =	rddreg [dreg:$0x2]  }
0x303: {  	s0 =	sadd.s32 @!p0 $0x100000, s0  }
0x304: {  	[sflag:s0] =	ssyncadd.tile.s32 @!p0 $0x1;
	_ =	shalt  }
.Lfunc_end2:
_tile_overlayer_lowered:
.L_overlay_start_2:
0x305: {  	(tag) =	ssettag $0x2  }
0x306: {  	s0 =	rddreg [dreg:$0x0];
	s2 =	stileid.u32  }
0x307: {  	s1 =	rddreg [dreg:$0x1];
	p0 =	sne.s32 s2, $0x0  }
0x308: {  	s3 =	rddreg [dreg:$0x2];
	[bflag:$0x3] =	sbarrier.arrive $0xFFFF;
	s2 =	simm.s32 @!p0 $0x1C05  }
0x309: {  	[timem:s3], [sflag:s2] =	dma.local @!p0 [hbm:s0], s1  }
0x30a: {  	s0 =	simm.s32 @!p0 $0x5  }
0x30b: {  	_ =	swait.ge @!p0 [sflag:s0], s1  }
0x30c: {  	s1 =	ssub.s32 @!p0 $0x0, s1;
	[sflag:s0] =	ssyncset.done @!p0 $0x0  }
0x30d: {  	[sflag:s0] =	ssyncadd.s32 @!p0 s1  }
0x30e: {  	[bflag:$0x3] =	sbarrier.arrive $0xFFFF  }
0x30f: {  	_ =	shalt  }

</sc_bundles>
